<compile_context>
chip_gen: v7x
topology: tpu7x:2x2x1
jax: 0.10.2.dev20260603
libtpu: 0.0.44.dev20260713+nightly
codegen_flags: <defaults>
</compile_context>

<pallas_src>
import functools

import jax
import jax.numpy as jnp
from jax import lax
from jax.experimental import pallas as pl
from jax.experimental.pallas import tpu as pltpu
from jax.experimental.pallas import tpu_sc as plsc

N = 10000
E = 320000
H = 128
G = 64
L = 3

NP_ = 10240
NCORE = 2
NSUB = 16
C = 40
PER_CORE = E // NCORE
PER_SUB = PER_CORE // NSUB
KCH = PER_SUB // C
SUB_ROWS = NP_ // NSUB
ZB = 40

_f32 = jnp.float32

def _sc_edge_body(a_hbm, b_hbm, src_hbm, dst_hbm, *rest):
    (s_out, sidx0, didx0, sidx1, didx1, arow0, brow0, arow1, brow1,
     s_sh, si0, di0, si1, di1, sa0, sb0, sa1, sb1) = rest

    c = lax.axis_index("c")
    s = lax.axis_index("s")

    def _zrow(r, carry):
        for q in range(H // 16):
            arow0[r, pl.ds(q * 16, 16)] = jnp.zeros((16,), _f32)
        return carry
    lax.fori_loop(0, C, _zrow, 0)

    def _zs(k, carry):
        pltpu.sync_copy(arow0.at[pl.ds(0, ZB)],
                        s_sh.at[pl.ds(s * SUB_ROWS + k * ZB, ZB)])
        return carry
    lax.fori_loop(0, SUB_ROWS // ZB, _zs, 0)

    plsc.subcore_barrier()

    base0 = c * PER_CORE + s * PER_SUB

    def _issue_idx(k, sx, dx, ss, ds_):
        pltpu.async_copy(src_hbm.at[pl.ds(base0 + k * C, C)], sx, ss)
        pltpu.async_copy(dst_hbm.at[pl.ds(base0 + k * C, C)], dx, ds_)

    def _wait_idx(k, sx, dx, ss, ds_):
        pltpu.make_async_copy(src_hbm.at[pl.ds(base0 + k * C, C)], sx, ss).wait()
        pltpu.make_async_copy(dst_hbm.at[pl.ds(base0 + k * C, C)], dx, ds_).wait()

    def _issue_gather(sx, dx, ar, br, sa, sb):
        pltpu.async_copy(a_hbm.at[dx], ar, sa)
        pltpu.async_copy(b_hbm.at[sx], br, sb)

    def _consume(sx, dx, ar, br, sa, sb):
        pltpu.make_async_copy(a_hbm.at[dx], ar, sa).wait()
        pltpu.make_async_copy(b_hbm.at[sx], br, sb).wait()

        @plsc.parallel_loop(0, C)
        def _row(r):
            for q in range(H // 16):
                sl = pl.ds(q * 16, 16)
                ar[r, sl] = jnp.maximum(ar[r, sl] + br[r, sl], 0.0)

        pltpu.sync_copy(ar, s_sh.at[dx], add=True)

    _issue_idx(0, sidx0, didx0, si0, di0)
    _wait_idx(0, sidx0, didx0, si0, di0)
    _issue_gather(sidx0, didx0, arow0, brow0, sa0, sb0)
    _issue_idx(1, sidx1, didx1, si1, di1)

    def _pair(t, carry):
        k0 = 2 * t
        _wait_idx(k0 + 1, sidx1, didx1, si1, di1)
        _issue_gather(sidx1, didx1, arow1, brow1, sa1, sb1)
        _consume(sidx0, didx0, arow0, brow0, sa0, sb0)

        @pl.when(k0 + 2 < KCH)
        def _():
            _issue_idx(k0 + 2, sidx0, didx0, si0, di0)
            _wait_idx(k0 + 2, sidx0, didx0, si0, di0)
            _issue_gather(sidx0, didx0, arow0, brow0, sa0, sb0)

        _consume(sidx1, didx1, arow1, brow1, sa1, sb1)

        @pl.when(k0 + 3 < KCH)
        def _():
            _issue_idx(k0 + 3, sidx1, didx1, si1, di1)

        return carry
    lax.fori_loop(0, KCH // 2, _pair, 0)

    plsc.subcore_barrier()

    pltpu.sync_copy(s_sh.at[pl.ds(s * SUB_ROWS, SUB_ROWS)],
                    s_out.at[c, pl.ds(s * SUB_ROWS, SUB_ROWS)])


def _make_sc_edge():
    mesh = plsc.VectorSubcoreMesh(core_axis_name="c", subcore_axis_name="s")
    scratch = [
        pltpu.VMEM((C,), jnp.int32),
        pltpu.VMEM((C,), jnp.int32),
        pltpu.VMEM((C,), jnp.int32),
        pltpu.VMEM((C,), jnp.int32),
        pltpu.VMEM((C, H), _f32),
        pltpu.VMEM((C, H), _f32),
        pltpu.VMEM((C, H), _f32),
        pltpu.VMEM((C, H), _f32),
        pltpu.VMEM_SHARED((NP_, H), _f32),
        pltpu.SemaphoreType.DMA, pltpu.SemaphoreType.DMA,
        pltpu.SemaphoreType.DMA, pltpu.SemaphoreType.DMA,
        pltpu.SemaphoreType.DMA, pltpu.SemaphoreType.DMA,
        pltpu.SemaphoreType.DMA, pltpu.SemaphoreType.DMA,
    ]
    return pl.kernel(
        _sc_edge_body,
        out_type=(jax.ShapeDtypeStruct((NCORE, NP_, H), _f32),),
        mesh=mesh,
        scratch_types=tuple(scratch),
    )


def _sc_cnt_body(dst2d_hbm, c_out, didx, ones, zb16, c_sh):
    c = lax.axis_index("c")
    s = lax.axis_index("s")

    def _fill(r, carry):
        ones[r] = jnp.ones((16,), _f32)
        zb16[r] = jnp.zeros((16,), _f32)
        return carry
    lax.fori_loop(0, C, _fill, 0)

    def _zc(k, carry):
        pltpu.sync_copy(zb16.at[pl.ds(0, ZB)],
                        c_sh.at[pl.ds(s * SUB_ROWS + k * ZB, ZB)])
        return carry
    lax.fori_loop(0, SUB_ROWS // ZB, _zc, 0)

    plsc.subcore_barrier()

    w = c * NSUB + s
    pltpu.sync_copy(dst2d_hbm.at[w], didx)

    def _chunk(k, carry):
        pltpu.sync_copy(ones, c_sh.at[didx.at[k]], add=True)
        return carry
    lax.fori_loop(0, KCH, _chunk, 0)

    plsc.subcore_barrier()
    pltpu.sync_copy(c_sh.at[pl.ds(s * SUB_ROWS, SUB_ROWS)],
                    c_out.at[c, pl.ds(s * SUB_ROWS, SUB_ROWS)])


def _make_sc_cnt():
    mesh = plsc.VectorSubcoreMesh(core_axis_name="c", subcore_axis_name="s")
    scratch = [
        pltpu.VMEM((KCH, C), jnp.int32),
        pltpu.VMEM((C, 16), _f32),
        pltpu.VMEM((C, 16), _f32),
        pltpu.VMEM_SHARED((NP_, 16), _f32),
    ]
    return pl.kernel(
        _sc_cnt_body,
        out_type=(jax.ShapeDtypeStruct((NCORE, NP_, 16), _f32),),
        mesh=mesh,
        scratch_types=tuple(scratch),
    )


BLK = 512
_DOT = functools.partial(jnp.dot, preferred_element_type=_f32)


def _tc_pre_body(x_ref, posp_ref, nw0, nb0, nw1, nb1, w0a, w0b, w0p, b0,
                 a_out, b_out):
    h = _DOT(jnp.maximum(_DOT(x_ref[...], nw0[...]) + nb0[...], 0.0),
             nw1[...]) + nb1[...]
    a_out[...] = _DOT(h, w0a[...])
    b_out[...] = _DOT(h, w0b[...]) + _DOT(posp_ref[...], w0p[...]) + b0[...]


def _tc_mid_body(s0, s1, c0, c1, w1, b1, gw0, gb0, gw1, gb1,
                 w0a, w0b, w0p, b0, posp_ref, a_out, b_out):
    agg = _DOT(s0[...] + s1[...], w1[...]) + (c0[...] + c1[...]) * b1[...]
    t = jnp.maximum(_DOT(agg, gw0[...]) + gb0[...], 0.0)
    h = jnp.maximum(_DOT(t, gw1[...]) + gb1[...], 0.0)
    a_out[...] = _DOT(h, w0a[...])
    b_out[...] = _DOT(h, w0b[...]) + _DOT(posp_ref[...], w0p[...]) + b0[...]


def _tc_last_body(s0, s1, c0, c1, w1, b1, gw0, gb0, gw1, gb1,
                  l1w, l1b, l2w, l2b, batch_ref, out_ref):
    agg = _DOT(s0[...] + s1[...], w1[...]) + (c0[...] + c1[...]) * b1[...]
    t = jnp.maximum(_DOT(agg, gw0[...]) + gb0[...], 0.0)
    h = jnp.maximum(_DOT(t, gw1[...]) + gb1[...], 0.0)
    f = _DOT(jnp.maximum(_DOT(h, l1w[...]) + l1b[...], 0.0), l2w[...]) + l2b[...]
    gids = lax.broadcasted_iota(jnp.int32, (BLK, G), 1)
    onehot = (batch_ref[...] == gids).astype(_f32)
    contrib = lax.dot_general(onehot, f, (((0,), (0,)), ((), ())),
                              preferred_element_type=_f32)

    @pl.when(pl.program_id(0) == 0)
    def _():
        out_ref[...] = jnp.zeros_like(out_ref)

    out_ref[...] += contrib


def _row_spec(width):
    return pl.BlockSpec((BLK, width), lambda i: (i, 0))


def _full_spec(shape):
    nd = len(shape)
    return pl.BlockSpec(shape, lambda i: (0,) * nd)


def _tc_pre(xp, posp, nw0, nb0, nw1, nb1, w0a, w0b, w0p, b0):
    grid = (NP_ // BLK,)
    return pl.pallas_call(
        _tc_pre_body,
        grid=grid,
        in_specs=[_row_spec(H), _row_spec(H)] + [
            _full_spec(a.shape) for a in (nw0, nb0, nw1, nb1, w0a, w0b, w0p, b0)],
        out_specs=[_row_spec(H), _row_spec(H)],
        out_shape=[jax.ShapeDtypeStruct((NP_, H), _f32)] * 2,
    )(xp, posp, nw0, nb0, nw1, nb1, w0a, w0b, w0p, b0)


def _tc_mid(s0, s1, c0, c1, w1, b1, gw0, gb0, gw1, gb1,
            w0a, w0b, w0p, b0, posp):
    grid = (NP_ // BLK,)
    return pl.pallas_call(
        _tc_mid_body,
        grid=grid,
        in_specs=[_row_spec(H), _row_spec(H), _row_spec(1), _row_spec(1)] + [
            _full_spec(a.shape)
            for a in (w1, b1, gw0, gb0, gw1, gb1, w0a, w0b, w0p, b0)] + [
            _row_spec(H)],
        out_specs=[_row_spec(H), _row_spec(H)],
        out_shape=[jax.ShapeDtypeStruct((NP_, H), _f32)] * 2,
    )(s0, s1, c0, c1, w1, b1, gw0, gb0, gw1, gb1, w0a, w0b, w0p, b0, posp)


def _tc_last(s0, s1, c0, c1, w1, b1, gw0, gb0, gw1, gb1,
             l1w, l1b, l2w, l2b, batch_p):
    grid = (NP_ // BLK,)
    return pl.pallas_call(
        _tc_last_body,
        grid=grid,
        in_specs=[_row_spec(H), _row_spec(H), _row_spec(1), _row_spec(1)] + [
            _full_spec(a.shape)
            for a in (w1, b1, gw0, gb0, gw1, gb1, l1w, l1b, l2w, l2b)] + [
            _row_spec(1)],
        out_specs=pl.BlockSpec((G, H), lambda i: (0, 0)),
        out_shape=jax.ShapeDtypeStruct((G, H), _f32),
    )(s0, s1, c0, c1, w1, b1, gw0, gb0, gw1, gb1, l1w, l1b, l2w, l2b, batch_p)


def kernel(x, pos, edge_index, batch,
           node_w0, node_b0, node_w1, node_b1,
           loc_w0, loc_b0, loc_w1, loc_b1,
           glob_w0, glob_b0, glob_w1, glob_b1,
           lin1_w, lin1_b, lin2_w, lin2_b):
    pad = NP_ - N
    src = edge_index[0]
    dst = edge_index[1]
    dst3d = dst.reshape(NCORE * NSUB, KCH, C)
    xp = jnp.pad(x, ((0, pad), (0, 0)))
    posp = jnp.pad(pos, ((0, pad), (0, H - 3)))
    batch_p = jnp.pad(batch, (0, pad), constant_values=G).reshape(NP_, 1)

    w0a = loc_w0[:, :H, :]
    w0b = loc_w0[:, H:2 * H, :]
    w0p = jnp.pad(loc_w0[:, 2 * H:, :], ((0, 0), (0, H - 3), (0, 0)))
    b0 = loc_b0.reshape(L, 1, H)
    b1 = loc_b1.reshape(L, 1, H)
    gb0 = glob_b0.reshape(L, 1, H)
    gb1 = glob_b1.reshape(L, 1, H)
    nb0 = node_b0.reshape(1, H)
    nb1 = node_b1.reshape(1, H)
    l1b = lin1_b.reshape(1, H // 2)
    l2b = lin2_b.reshape(1, H)

    sc_edge = _make_sc_edge()
    sc_cnt = _make_sc_cnt()

    (c_parts,) = sc_cnt(dst3d)
    cnt0 = c_parts[0, :, 0:1]
    cnt1 = c_parts[1, :, 0:1]

    a0, b0t = _tc_pre(xp, posp, node_w0, nb0, node_w1, nb1,
                      w0a[0], w0b[0], w0p[0], b0[0])
    (s_parts,) = sc_edge(a0, b0t, src, dst)

    a1, b1t = _tc_mid(s_parts[0], s_parts[1], cnt0, cnt1,
                      loc_w1[0], b1[0], glob_w0[0], gb0[0], glob_w1[0], gb1[0],
                      w0a[1], w0b[1], w0p[1], b0[1], posp)
    (s_parts1,) = sc_edge(a1, b1t, src, dst)

    a2, b2t = _tc_mid(s_parts1[0], s_parts1[1], cnt0, cnt1,
                      loc_w1[1], b1[1], glob_w0[1], gb0[1], glob_w1[1], gb1[1],
                      w0a[2], w0b[2], w0p[2], b0[2], posp)
    (s_parts2,) = sc_edge(a2, b2t, src, dst)

    out = _tc_last(s_parts2[0], s_parts2[1], cnt0, cnt1,
                   loc_w1[2], b1[2], glob_w0[2], gb0[2], glob_w1[2], gb1[2],
                   lin1_w, l1b, lin2_w, l2b, batch_p)
    return out

# --- scband reference (transcript-rebuilt; emitter-appended) ---
"""Pipeline reference for scband-point-net-34995393528525 (READ-ONLY COPY).

The authoritative reference and input builder live on the scoring server;
editing this copy changes nothing except your own understanding.
"""

import jax, jax.numpy as jnp
import numpy as np

N = 10000
E = 320000
H = 128
IN = 128
OUT = 128
L = 3
G = 64


def setup_inputs(seed: int = 0) -> dict:
    key = jax.random.key(seed)
    ks = jax.random.split(key, 16)

    def w(k, shape):
        fan_in = shape[-2]
        fan_out = shape[-1]
        bound = np.sqrt(6.0 / (fan_in + fan_out))
        return jax.random.uniform(k, shape, jnp.float32, -bound, bound)

    inp = {
        "x": jax.random.normal(ks[0], (N, IN), jnp.float32),
        "pos": jax.random.normal(ks[1], (N, 3), jnp.float32),
        "edge_index": jax.random.randint(ks[2], (2, E), 0, N, jnp.int32),
        "batch": jnp.sort(jax.random.randint(ks[3], (N,), 0, G, jnp.int32)),
        "node_w0": w(ks[4], (IN, H)), "node_b0": jnp.zeros((H,), jnp.float32),
        "node_w1": w(ks[5], (H, H)), "node_b1": jnp.zeros((H,), jnp.float32),
        "loc_w0": w(ks[6], (L, 2 * H + 3, H)), "loc_b0": jnp.zeros((L, H), jnp.float32),
        "loc_w1": w(ks[7], (L, H, H)), "loc_b1": jnp.zeros((L, H), jnp.float32),
        "glob_w0": w(ks[8], (L, H, H)), "glob_b0": jnp.zeros((L, H), jnp.float32),
        "glob_w1": w(ks[9], (L, H, H)), "glob_b1": jnp.zeros((L, H), jnp.float32),
        "lin1_w": w(ks[10], (H, H // 2)), "lin1_b": jnp.zeros((H // 2,), jnp.float32),
        "lin2_w": w(ks[11], (H // 2, OUT)), "lin2_b": jnp.zeros((OUT,), jnp.float32),
    }
    return inp


def _mlp(x, w0, b0, w1, b1):
    return jax.nn.relu(x @ w0 + b0) @ w1 + b1


def reference(x, pos, edge_index, batch,
              node_w0, node_b0, node_w1, node_b1,
              loc_w0, loc_b0, loc_w1, loc_b1,
              glob_w0, glob_b0, glob_w1, glob_b1,
              lin1_w, lin1_b, lin2_w, lin2_b):
    src = edge_index[0]  # j (source)
    dst = edge_index[1]  # i (target / aggregation index)
    # node_lin: Linear -> ReLU -> Linear
    h = _mlp(x, node_w0, node_b0, node_w1, node_b1)
    for i in range(L):
        # message: cat([x_i, x_j, pos_j]) -> local_nn
        temp = jnp.concatenate([h[dst], h[src], pos[src]], axis=-1)
        msg = _mlp(temp, loc_w0[i], loc_b0[i], loc_w1[i], loc_b1[i])
        # aggregate 'add' at destination nodes
        agg = jax.ops.segment_sum(msg, dst, num_segments=N)
        # global_nn then relu (from PointNet forward)
        h = jax.nn.relu(_mlp(agg, glob_w0[i], glob_b0[i], glob_w1[i], glob_b1[i]))
    h = jax.nn.relu(h @ lin1_w + lin1_b)
    h = h @ lin2_w + lin2_b
    # scatter readout over batch (reduce='add')
    out = jax.ops.segment_sum(h, batch, num_segments=G)
    return out

if __name__ == "__main__":
    import jax
    _d = setup_inputs()
    print(jax.jit(kernel)(*tuple(_d.values())))

</pallas_src>

<mosaic_0001>
#map = affine_map<(d0, d1) -> (0, 0, 0)>
module attributes {stable_mosaic.version = 14 : i64} {
  func.func @_sc_cnt_body(%arg0: i32, %arg1: i32, %arg2: memref<32x250x40xi32, #tpu.memory_space<hbm>>, %arg3: memref<2x10240x16xf32, #tpu.memory_space<hbm>>, %arg4: memref<250x40xi32, #tpu.memory_space<vmem>>, %arg5: memref<40x16xf32, #tpu.memory_space<vmem>>, %arg6: memref<40x16xf32, #tpu.memory_space<vmem>>, %arg7: memref<10240x16xf32, #tpu.memory_space<vmem_shared>>) attributes {dimension_semantics = [#tpu.dimension_semantics<core_parallel>, #tpu.dimension_semantics<subcore_parallel>], iteration_bounds = array<i64: 2, 16>, scalar_prefetch = 0 : i64, scratch_operands = 4 : i64, tpu.core_type = #tpu.core_type<sc_vector_subcore>, window_params = [{transform_indices = #map}, {transform_indices = #map}]} {
    %scan3A = arith.constant 0 : i32
    %scan3A_0 = arith.constant 0 : i32
    %scan3A_1 = arith.constant 40 : i32
    %scan3A_2 = arith.addi %scan3A_0, %scan3A_1 : i32
    %scan3A_3 = arith.constant 1 : i32
    scf.for %scan3A_23 = %scan3A_0 to %scan3A_2 step %scan3A_3  : i32 {
      %broadcast_in_dim3A = arith.constant 1.000000e+00 : f32
      %broadcast_in_dim3A_24 = vector.broadcast %broadcast_in_dim3A : f32 to vector<16xf32>
      %swap3A = arith.index_cast %scan3A_23 : i32 to index
      %swap3A_25 = arith.constant 0 : index
      %swap3A_26 = tpu.vector_load %arg5[%swap3A, %swap3A_25] {strides = array<i32>} : memref<40x16xf32, #tpu.memory_space<vmem>>, vector<1x16xf32>,
      %swap3A_27 = vector.shape_cast %swap3A_26 : vector<1x16xf32> to vector<16xf32>
      %swap3A_28 = vector.shape_cast %broadcast_in_dim3A_24 : vector<16xf32> to vector<1x16xf32>
      tpu.vector_store %arg5[%swap3A, %swap3A_25], %swap3A_28 {strides = array<i32>} : memref<40x16xf32, #tpu.memory_space<vmem>>, vector<1x16xf32>,
      %broadcast_in_dim3A_29 = arith.constant 0.000000e+00 : f32
      %broadcast_in_dim3A_30 = vector.broadcast %broadcast_in_dim3A_29 : f32 to vector<16xf32>
      %swap3A_31 = arith.index_cast %scan3A_23 : i32 to index
      %swap3A_32 = arith.constant 0 : index
      %swap3A_33 = tpu.vector_load %arg6[%swap3A_31, %swap3A_32] {strides = array<i32>} : memref<40x16xf32, #tpu.memory_space<vmem>>, vector<1x16xf32>,
      %swap3A_34 = vector.shape_cast %swap3A_33 : vector<1x16xf32> to vector<16xf32>
      %swap3A_35 = vector.shape_cast %broadcast_in_dim3A_30 : vector<16xf32> to vector<1x16xf32>
      tpu.vector_store %arg6[%swap3A_31, %swap3A_32], %swap3A_35 {strides = array<i32>} : memref<40x16xf32, #tpu.memory_space<vmem>>, vector<1x16xf32>,
    }
    %scan3A_4 = arith.constant 40 : i32
    %scan3A_5 = arith.constant 0 : i32
    %scan3A_6 = arith.constant 0 : i32
    %scan3A_7 = arith.constant 16 : i32
    %scan3A_8 = arith.addi %scan3A_6, %scan3A_7 : i32
    %scan3A_9 = arith.constant 1 : i32
    scf.for %scan3A_23 = %scan3A_6 to %scan3A_8 step %scan3A_9  : i32 {
      %mul3A_24 = arith.constant 640 : i32
      %mul3A_25 = arith.muli %arg1, %mul3A_24 : i32
      %mul3A_26 = arith.constant 40 : i32
      %mul3A_27 = arith.muli %scan3A_23, %mul3A_26 : i32
      %add3A_28 = arith.addi %mul3A_25, %mul3A_27 : i32
      "tpu.region"() ({
        %run_scoped3A = tpu.sem_alloc : memref<!tpu.dma_semaphore, #tpu.memory_space<semaphore_mem>>
        %dma_start3A = arith.constant 0 : i32
        %dma_start3A_29 = arith.constant 0 : i32
        %dma_start3A_30 = tpu.memref_slice %arg6[%dma_start3A, %dma_start3A_29] : memref<40x16xf32, #tpu.memory_space<vmem>> -> memref<40x16xf32, #tpu.memory_space<vmem>>
        %dma_start3A_31 = arith.constant 0 : i32
        %dma_start3A_32 = tpu.memref_slice %arg7[%add3A_28, %dma_start3A_31] : memref<10240x16xf32, #tpu.memory_space<vmem_shared>> -> memref<40x16xf32, #tpu.memory_space<vmem_shared>>
        %dma_start3A_33 = arith.constant 0 : i32
        %dma_start3A_34 = tpu.memref_slice %arg7[%add3A_28, %dma_start3A_33] : memref<10240x16xf32, #tpu.memory_space<vmem_shared>> -> memref<40x16xf32, #tpu.memory_space<vmem_shared>>
        %dma_start3A_35 = arith.constant 0 : i32
        %dma_start3A_36 = arith.constant 0 : i32
        %dma_start3A_37 = tpu.memref_slice %arg6[%dma_start3A_35, %dma_start3A_36] : memref<40x16xf32, #tpu.memory_space<vmem>> -> memref<40x16xf32, #tpu.memory_space<vmem>>
        tpu.enqueue_dma source(%dma_start3A_37 : memref<40x16xf32, #tpu.memory_space<vmem>>) target(%dma_start3A_34 : memref<40x16xf32, #tpu.memory_space<vmem_shared>>) target_semaphore(%run_scoped3A : memref<!tpu.dma_semaphore, #tpu.memory_space<semaphore_mem>>)
        %dma_wait3A = arith.constant 0 : i32
        %dma_wait3A_38 = arith.constant 0 : i32
        %dma_wait3A_39 = tpu.memref_slice %arg6[%dma_wait3A, %dma_wait3A_38] : memref<40x16xf32, #tpu.memory_space<vmem>> -> memref<40x16xf32, #tpu.memory_space<vmem>>
        %dma_wait3A_40 = arith.constant 0 : i32
        %dma_wait3A_41 = tpu.memref_slice %arg7[%add3A_28, %dma_wait3A_40] : memref<10240x16xf32, #tpu.memory_space<vmem_shared>> -> memref<40x16xf32, #tpu.memory_space<vmem_shared>>
        %dma_wait3A_42 = arith.constant 0 : i32
        %dma_wait3A_43 = tpu.memref_slice %arg7[%add3A_28, %dma_wait3A_42] : memref<10240x16xf32, #tpu.memory_space<vmem_shared>> -> memref<40x16xf32, #tpu.memory_space<vmem_shared>>
        %dma_wait3A_44 = arith.constant 0 : i32
        %dma_wait3A_45 = arith.constant 0 : i32
        %dma_wait3A_46 = tpu.memref_slice %arg6[%dma_wait3A_44, %dma_wait3A_45] : memref<40x16xf32, #tpu.memory_space<vmem>> -> memref<40x16xf32, #tpu.memory_space<vmem>>
        tpu.wait_dma2 semaphore(%run_scoped3A : memref<!tpu.dma_semaphore, #tpu.memory_space<semaphore_mem>>) src(%dma_wait3A_46 : memref<40x16xf32, #tpu.memory_space<vmem>>) dst(%dma_wait3A_43 : memref<40x16xf32, #tpu.memory_space<vmem_shared>>)
        tpu.yield
      }) : () -> ()
    }
    %scan3A_10 = arith.constant 16 : i32
    %barrier3A = arith.constant 0 : index
    tpu.barrier barrier_id(%barrier3A)
    %mul3A = arith.constant 16 : i32
    %mul3A_11 = arith.muli %arg0, %mul3A : i32
    %add3A = arith.addi %mul3A_11, %arg1 : i32
    "tpu.region"() ({
      %run_scoped3A = tpu.sem_alloc : memref<!tpu.dma_semaphore, #tpu.memory_space<semaphore_mem>>
      %dma_start3A = arith.constant 0 : i32
      %dma_start3A_23 = arith.constant 0 : i32
      %dma_start3A_24 = tpu.memref_slice %arg2[%add3A, %dma_start3A, %dma_start3A_23] : memref<32x250x40xi32, #tpu.memory_space<hbm>> -> memref<1x250x40xi32, #tpu.memory_space<hbm>>
      %dma_start3A_25 = tpu.memref_squeeze %dma_start3A_24 : memref<1x250x40xi32, #tpu.memory_space<hbm>> -> memref<250x40xi32, #tpu.memory_space<hbm>>
      %dma_start3A_26 = arith.constant 0 : i32
      %dma_start3A_27 = arith.constant 0 : i32
      %dma_start3A_28 = tpu.memref_slice %arg2[%add3A, %dma_start3A_26, %dma_start3A_27] : memref<32x250x40xi32, #tpu.memory_space<hbm>> -> memref<1x250x40xi32, #tpu.memory_space<hbm>>
      %dma_start3A_29 = tpu.memref_squeeze %dma_start3A_28 : memref<1x250x40xi32, #tpu.memory_space<hbm>> -> memref<250x40xi32, #tpu.memory_space<hbm>>
      tpu.enqueue_dma source(%dma_start3A_29 : memref<250x40xi32, #tpu.memory_space<hbm>>) target(%arg4 : memref<250x40xi32, #tpu.memory_space<vmem>>) target_semaphore(%run_scoped3A : memref<!tpu.dma_semaphore, #tpu.memory_space<semaphore_mem>>)
      %dma_wait3A = arith.constant 0 : i32
      %dma_wait3A_30 = arith.constant 0 : i32
      %dma_wait3A_31 = tpu.memref_slice %arg2[%add3A, %dma_wait3A, %dma_wait3A_30] : memref<32x250x40xi32, #tpu.memory_space<hbm>> -> memref<1x250x40xi32, #tpu.memory_space<hbm>>
      %dma_wait3A_32 = tpu.memref_squeeze %dma_wait3A_31 : memref<1x250x40xi32, #tpu.memory_space<hbm>> -> memref<250x40xi32, #tpu.memory_space<hbm>>
      %dma_wait3A_33 = arith.constant 0 : i32
      %dma_wait3A_34 = arith.constant 0 : i32
      %dma_wait3A_35 = tpu.memref_slice %arg2[%add3A, %dma_wait3A_33, %dma_wait3A_34] : memref<32x250x40xi32, #tpu.memory_space<hbm>> -> memref<1x250x40xi32, #tpu.memory_space<hbm>>
      %dma_wait3A_36 = tpu.memref_squeeze %dma_wait3A_35 : memref<1x250x40xi32, #tpu.memory_space<hbm>> -> memref<250x40xi32, #tpu.memory_space<hbm>>
      tpu.wait_dma2 semaphore(%run_scoped3A : memref<!tpu.dma_semaphore, #tpu.memory_space<semaphore_mem>>) src(%dma_wait3A_36 : memref<250x40xi32, #tpu.memory_space<hbm>>) dst(%arg4 : memref<250x40xi32, #tpu.memory_space<vmem>>)
      tpu.yield
    }) : () -> ()
    %scan3A_12 = arith.constant 0 : i32
    %scan3A_13 = arith.constant 0 : i32
    %scan3A_14 = arith.constant 250 : i32
    %scan3A_15 = arith.addi %scan3A_13, %scan3A_14 : i32
    %scan3A_16 = arith.constant 1 : i32
    scf.for %scan3A_23 = %scan3A_13 to %scan3A_15 step %scan3A_16  : i32 {
      "tpu.region"() ({
        %run_scoped3A = tpu.sem_alloc : memref<!tpu.dma_semaphore, #tpu.memory_space<semaphore_mem>>
        %dma_start3A = arith.constant 0 : i32
        %dma_start3A_24 = tpu.memref_slice %arg4[%scan3A_23, %dma_start3A] : memref<250x40xi32, #tpu.memory_space<vmem>> -> memref<1x40xi32, #tpu.memory_space<vmem>>
        %dma_start3A_25 = tpu.memref_squeeze %dma_start3A_24 : memref<1x40xi32, #tpu.memory_space<vmem>> -> memref<40xi32, #tpu.memory_space<vmem>>
        %dma_start3A_26 = arith.constant 0 : i32
        %dma_start3A_27 = arith.constant 0 : i32
        %dma_start3A_28 = tpu.memref_slice %arg7[%dma_start3A_26, %dma_start3A_27] : memref<10240x16xf32, #tpu.memory_space<vmem_shared>> -> memref<10240x16xf32, #tpu.memory_space<vmem_shared>>
        tpu.enqueue_indirect_dma source(%arg5 : memref<40x16xf32, #tpu.memory_space<vmem>>) target(%dma_start3A_28 : memref<10240x16xf32, #tpu.memory_space<vmem_shared>>) offsets(%dma_start3A_25 : memref<40xi32, #tpu.memory_space<vmem>>) semaphore(%run_scoped3A : memref<!tpu.dma_semaphore, #tpu.memory_space<semaphore_mem>>) {add = true}
        %dma_wait3A = arith.constant 0 : i32
        %dma_wait3A_29 = tpu.memref_slice %arg4[%scan3A_23, %dma_wait3A] : memref<250x40xi32, #tpu.memory_space<vmem>> -> memref<1x40xi32, #tpu.memory_space<vmem>>
        %dma_wait3A_30 = tpu.memref_squeeze %dma_wait3A_29 : memref<1x40xi32, #tpu.memory_space<vmem>> -> memref<40xi32, #tpu.memory_space<vmem>>
        %dma_wait3A_31 = arith.constant 0 : i32
        %dma_wait3A_32 = arith.constant 0 : i32
        %dma_wait3A_33 = tpu.memref_slice %arg7[%dma_wait3A_31, %dma_wait3A_32] : memref<10240x16xf32, #tpu.memory_space<vmem_shared>> -> memref<10240x16xf32, #tpu.memory_space<vmem_shared>>
        tpu.wait_indirect_dma semaphore(%run_scoped3A : memref<!tpu.dma_semaphore, #tpu.memory_space<semaphore_mem>>) src(%arg5 : memref<40x16xf32, #tpu.memory_space<vmem>>) dst(%dma_wait3A_33 : memref<10240x16xf32, #tpu.memory_space<vmem_shared>>)
        tpu.yield
      }) : () -> ()
    }
    %scan3A_17 = arith.constant 250 : i32
    %barrier3A_18 = arith.constant 0 : index
    tpu.barrier barrier_id(%barrier3A_18)
    %mul3A_19 = arith.constant 640 : i32
    %mul3A_20 = arith.muli %arg1, %mul3A_19 : i32
    %mul3A_21 = arith.constant 640 : i32
    %mul3A_22 = arith.muli %arg1, %mul3A_21 : i32
    "tpu.region"() ({
      %run_scoped3A = tpu.sem_alloc : memref<!tpu.dma_semaphore, #tpu.memory_space<semaphore_mem>>
      %dma_start3A = arith.constant 0 : i32
      %dma_start3A_23 = tpu.memref_slice %arg3[%arg0, %mul3A_22, %dma_start3A] : memref<2x10240x16xf32, #tpu.memory_space<hbm>> -> memref<1x640x16xf32, #tpu.memory_space<hbm>>
      %dma_start3A_24 = tpu.memref_squeeze %dma_start3A_23 : memref<1x640x16xf32, #tpu.memory_space<hbm>> -> memref<640x16xf32, #tpu.memory_space<hbm>>
      %dma_start3A_25 = arith.constant 0 : i32
      %dma_start3A_26 = tpu.memref_slice %arg7[%mul3A_20, %dma_start3A_25] : memref<10240x16xf32, #tpu.memory_space<vmem_shared>> -> memref<640x16xf32, #tpu.memory_space<vmem_shared>>
      tpu.enqueue_dma source(%dma_start3A_26 : memref<640x16xf32, #tpu.memory_space<vmem_shared>>) target(%dma_start3A_24 : memref<640x16xf32, #tpu.memory_space<hbm>>) target_semaphore(%run_scoped3A : memref<!tpu.dma_semaphore, #tpu.memory_space<semaphore_mem>>)
      %dma_wait3A = arith.constant 0 : i32
      %dma_wait3A_27 = tpu.memref_slice %arg3[%arg0, %mul3A_22, %dma_wait3A] : memref<2x10240x16xf32, #tpu.memory_space<hbm>> -> memref<1x640x16xf32, #tpu.memory_space<hbm>>
      %dma_wait3A_28 = tpu.memref_squeeze %dma_wait3A_27 : memref<1x640x16xf32, #tpu.memory_space<hbm>> -> memref<640x16xf32, #tpu.memory_space<hbm>>
      %dma_wait3A_29 = arith.constant 0 : i32
      %dma_wait3A_30 = tpu.memref_slice %arg7[%mul3A_20, %dma_wait3A_29] : memref<10240x16xf32, #tpu.memory_space<vmem_shared>> -> memref<640x16xf32, #tpu.memory_space<vmem_shared>>
      tpu.wait_dma2 semaphore(%run_scoped3A : memref<!tpu.dma_semaphore, #tpu.memory_space<semaphore_mem>>) src(%dma_wait3A_30 : memref<640x16xf32, #tpu.memory_space<vmem_shared>>) dst(%dma_wait3A_28 : memref<640x16xf32, #tpu.memory_space<hbm>>)
      tpu.yield
    }) : () -> ()
    return
  }
}

#map = affine_map<(d0, d1) -> (0, 0)>
#map1 = affine_map<(d0, d1) -> (0)>
#map2 = affine_map<(d0, d1) -> (0, 0, 0)>
module attributes {stable_mosaic.version = 14 : i64} {
  func.func @_sc_edge_body(%arg0: i32, %arg1: i32, %arg2: memref<10240x128xf32, #tpu.memory_space<hbm>>, %arg3: memref<10240x128xf32, #tpu.memory_space<hbm>>, %arg4: memref<320000xi32, #tpu.memory_space<hbm>>, %arg5: memref<320000xi32, #tpu.memory_space<hbm>>, %arg6: memref<2x10240x128xf32, #tpu.memory_space<hbm>>, %arg7: memref<40xi32, #tpu.memory_space<vmem>>, %arg8: memref<40xi32, #tpu.memory_space<vmem>>, %arg9: memref<40xi32, #tpu.memory_space<vmem>>, %arg10: memref<40xi32, #tpu.memory_space<vmem>>, %arg11: memref<40x128xf32, #tpu.memory_space<vmem>>, %arg12: memref<40x128xf32, #tpu.memory_space<vmem>>, %arg13: memref<40x128xf32, #tpu.memory_space<vmem>>, %arg14: memref<40x128xf32, #tpu.memory_space<vmem>>, %arg15: memref<10240x128xf32, #tpu.memory_space<vmem_shared>>, %arg16: memref<!tpu.dma_semaphore, #tpu.memory_space<semaphore_mem>>, %arg17: memref<!tpu.dma_semaphore, #tpu.memory_space<semaphore_mem>>, %arg18: memref<!tpu.dma_semaphore, #tpu.memory_space<semaphore_mem>>, %arg19: memref<!tpu.dma_semaphore, #tpu.memory_space<semaphore_mem>>, %arg20: memref<!tpu.dma_semaphore, #tpu.memory_space<semaphore_mem>>, %arg21: memref<!tpu.dma_semaphore, #tpu.memory_space<semaphore_mem>>, %arg22: memref<!tpu.dma_semaphore, #tpu.memory_space<semaphore_mem>>, %arg23: memref<!tpu.dma_semaphore, #tpu.memory_space<semaphore_mem>>) attributes {dimension_semantics = [#tpu.dimension_semantics<core_parallel>, #tpu.dimension_semantics<subcore_parallel>], iteration_bounds = array<i64: 2, 16>, scalar_prefetch = 0 : i64, scratch_operands = 17 : i64, tpu.core_type = #tpu.core_type<sc_vector_subcore>, window_params = [{transform_indices = #map}, {transform_indices = #map}, {transform_indices = #map1}, {transform_indices = #map1}, {transform_indices = #map2}]} {
    %scan3A = arith.constant 0 : i32
    %scan3A_0 = arith.constant 0 : i32
    %scan3A_1 = arith.constant 40 : i32
    %scan3A_2 = arith.addi %scan3A_0, %scan3A_1 : i32
    %scan3A_3 = arith.constant 1 : i32
    scf.for %scan3A_53 = %scan3A_0 to %scan3A_2 step %scan3A_3  : i32 {
      %broadcast_in_dim3A = arith.constant 0.000000e+00 : f32
      %broadcast_in_dim3A_54 = vector.broadcast %broadcast_in_dim3A : f32 to vector<16xf32>
      %swap3A = arith.index_cast %scan3A_53 : i32 to index
      %swap3A_55 = arith.constant 0 : index
      %swap3A_56 = tpu.vector_load %arg11[%swap3A, %swap3A_55] {strides = array<i32>} : memref<40x128xf32, #tpu.memory_space<vmem>>, vector<1x16xf32>,
      %swap3A_57 = vector.shape_cast %swap3A_56 : vector<1x16xf32> to vector<16xf32>
      %swap3A_58 = vector.shape_cast %broadcast_in_dim3A_54 : vector<16xf32> to vector<1x16xf32>
      tpu.vector_store %arg11[%swap3A, %swap3A_55], %swap3A_58 {strides = array<i32>} : memref<40x128xf32, #tpu.memory_space<vmem>>, vector<1x16xf32>,
      %broadcast_in_dim3A_59 = arith.constant 0.000000e+00 : f32
      %broadcast_in_dim3A_60 = vector.broadcast %broadcast_in_dim3A_59 : f32 to vector<16xf32>
      %swap3A_61 = arith.index_cast %scan3A_53 : i32 to index
      %swap3A_62 = arith.constant 16 : index
      %swap3A_63 = tpu.vector_load %arg11[%swap3A_61, %swap3A_62] {strides = array<i32>} : memref<40x128xf32, #tpu.memory_space<vmem>>, vector<1x16xf32>,
      %swap3A_64 = vector.shape_cast %swap3A_63 : vector<1x16xf32> to vector<16xf32>
      %swap3A_65 = vector.shape_cast %broadcast_in_dim3A_60 : vector<16xf32> to vector<1x16xf32>
      tpu.vector_store %arg11[%swap3A_61, %swap3A_62], %swap3A_65 {strides = array<i32>} : memref<40x128xf32, #tpu.memory_space<vmem>>, vector<1x16xf32>,
      %broadcast_in_dim3A_66 = arith.constant 0.000000e+00 : f32
      %broadcast_in_dim3A_67 = vector.broadcast %broadcast_in_dim3A_66 : f32 to vector<16xf32>
      %swap3A_68 = arith.index_cast %scan3A_53 : i32 to index
      %swap3A_69 = arith.constant 32 : index
      %swap3A_70 = tpu.vector_load %arg11[%swap3A_68, %swap3A_69] {strides = array<i32>} : memref<40x128xf32, #tpu.memory_space<vmem>>, vector<1x16xf32>,
      %swap3A_71 = vector.shape_cast %swap3A_70 : vector<1x16xf32> to vector<16xf32>
      %swap3A_72 = vector.shape_cast %broadcast_in_dim3A_67 : vector<16xf32> to vector<1x16xf32>
      tpu.vector_store %arg11[%swap3A_68, %swap3A_69], %swap3A_72 {strides = array<i32>} : memref<40x128xf32, #tpu.memory_space<vmem>>, vector<1x16xf32>,
      %broadcast_in_dim3A_73 = arith.constant 0.000000e+00 : f32
      %broadcast_in_dim3A_74 = vector.broadcast %broadcast_in_dim3A_73 : f32 to vector<16xf32>
      %swap3A_75 = arith.index_cast %scan3A_53 : i32 to index
      %swap3A_76 = arith.constant 48 : index
      %swap3A_77 = tpu.vector_load %arg11[%swap3A_75, %swap3A_76] {strides = array<i32>} : memref<40x128xf32, #tpu.memory_space<vmem>>, vector<1x16xf32>,
      %swap3A_78 = vector.shape_cast %swap3A_77 : vector<1x16xf32> to vector<16xf32>
      %swap3A_79 = vector.shape_cast %broadcast_in_dim3A_74 : vector<16xf32> to vector<1x16xf32>
      tpu.vector_store %arg11[%swap3A_75, %swap3A_76], %swap3A_79 {strides = array<i32>} : memref<40x128xf32, #tpu.memory_space<vmem>>, vector<1x16xf32>,
      %broadcast_in_dim3A_80 = arith.constant 0.000000e+00 : f32
      %broadcast_in_dim3A_81 = vector.broadcast %broadcast_in_dim3A_80 : f32 to vector<16xf32>
      %swap3A_82 = arith.index_cast %scan3A_53 : i32 to index
      %swap3A_83 = arith.constant 64 : index
      %swap3A_84 = tpu.vector_load %arg11[%swap3A_82, %swap3A_83] {strides = array<i32>} : memref<40x128xf32, #tpu.memory_space<vmem>>, vector<1x16xf32>,
      %swap3A_85 = vector.shape_cast %swap3A_84 : vector<1x16xf32> to vector<16xf32>
      %swap3A_86 = vector.shape_cast %broadcast_in_dim3A_81 : vector<16xf32> to vector<1x16xf32>
      tpu.vector_store %arg11[%swap3A_82, %swap3A_83], %swap3A_86 {strides = array<i32>} : memref<40x128xf32, #tpu.memory_space<vmem>>, vector<1x16xf32>,
      %broadcast_in_dim3A_87 = arith.constant 0.000000e+00 : f32
      %broadcast_in_dim3A_88 = vector.broadcast %broadcast_in_dim3A_87 : f32 to vector<16xf32>
      %swap3A_89 = arith.index_cast %scan3A_53 : i32 to index
      %swap3A_90 = arith.constant 80 : index
      %swap3A_91 = tpu.vector_load %arg11[%swap3A_89, %swap3A_90] {strides = array<i32>} : memref<40x128xf32, #tpu.memory_space<vmem>>, vector<1x16xf32>,
      %swap3A_92 = vector.shape_cast %swap3A_91 : vector<1x16xf32> to vector<16xf32>
      %swap3A_93 = vector.shape_cast %broadcast_in_dim3A_88 : vector<16xf32> to vector<1x16xf32>
      tpu.vector_store %arg11[%swap3A_89, %swap3A_90], %swap3A_93 {strides = array<i32>} : memref<40x128xf32, #tpu.memory_space<vmem>>, vector<1x16xf32>,
      %broadcast_in_dim3A_94 = arith.constant 0.000000e+00 : f32
      %broadcast_in_dim3A_95 = vector.broadcast %broadcast_in_dim3A_94 : f32 to vector<16xf32>
      %swap3A_96 = arith.index_cast %scan3A_53 : i32 to index
      %swap3A_97 = arith.constant 96 : index
      %swap3A_98 = tpu.vector_load %arg11[%swap3A_96, %swap3A_97] {strides = array<i32>} : memref<40x128xf32, #tpu.memory_space<vmem>>, vector<1x16xf32>,
      %swap3A_99 = vector.shape_cast %swap3A_98 : vector<1x16xf32> to vector<16xf32>
      %swap3A_100 = vector.shape_cast %broadcast_in_dim3A_95 : vector<16xf32> to vector<1x16xf32>
      tpu.vector_store %arg11[%swap3A_96, %swap3A_97], %swap3A_100 {strides = array<i32>} : memref<40x128xf32, #tpu.memory_space<vmem>>, vector<1x16xf32>,
      %broadcast_in_dim3A_101 = arith.constant 0.000000e+00 : f32
      %broadcast_in_dim3A_102 = vector.broadcast %broadcast_in_dim3A_101 : f32 to vector<16xf32>
      %swap3A_103 = arith.index_cast %scan3A_53 : i32 to index
      %swap3A_104 = arith.constant 112 : index
      %swap3A_105 = tpu.vector_load %arg11[%swap3A_103, %swap3A_104] {strides = array<i32>} : memref<40x128xf32, #tpu.memory_space<vmem>>, vector<1x16xf32>,
      %swap3A_106 = vector.shape_cast %swap3A_105 : vector<1x16xf32> to vector<16xf32>
      %swap3A_107 = vector.shape_cast %broadcast_in_dim3A_102 : vector<16xf32> to vector<1x16xf32>
      tpu.vector_store %arg11[%swap3A_103, %swap3A_104], %swap3A_107 {strides = array<i32>} : memref<40x128xf32, #tpu.memory_space<vmem>>, vector<1x16xf32>,
    }
    %scan3A_4 = arith.constant 40 : i32
    %scan3A_5 = arith.constant 0 : i32
    %scan3A_6 = arith.constant 0 : i32
    %scan3A_7 = arith.constant 16 : i32
    %scan3A_8 = arith.addi %scan3A_6, %scan3A_7 : i32
    %scan3A_9 = arith.constant 1 : i32
    scf.for %scan3A_53 = %scan3A_6 to %scan3A_8 step %scan3A_9  : i32 {
      %mul3A_54 = arith.constant 640 : i32
      %mul3A_55 = arith.muli %arg1, %mul3A_54 : i32
      %mul3A_56 = arith.constant 40 : i32
      %mul3A_57 = arith.muli %scan3A_53, %mul3A_56 : i32
      %add3A_58 = arith.addi %mul3A_55, %mul3A_57 : i32
      "tpu.region"() ({
        %run_scoped3A = tpu.sem_alloc : memref<!tpu.dma_semaphore, #tpu.memory_space<semaphore_mem>>
        %dma_start3A_59 = arith.constant 0 : i32
        %dma_start3A_60 = arith.constant 0 : i32
        %dma_start3A_61 = tpu.memref_slice %arg11[%dma_start3A_59, %dma_start3A_60] : memref<40x128xf32, #tpu.memory_space<vmem>> -> memref<40x128xf32, #tpu.memory_space<vmem>>
        %dma_start3A_62 = arith.constant 0 : i32
        %dma_start3A_63 = tpu.memref_slice %arg15[%add3A_58, %dma_start3A_62] : memref<10240x128xf32, #tpu.memory_space<vmem_shared>> -> memref<40x128xf32, #tpu.memory_space<vmem_shared>>
        %dma_start3A_64 = arith.constant 0 : i32
        %dma_start3A_65 = tpu.memref_slice %arg15[%add3A_58, %dma_start3A_64] : memref<10240x128xf32, #tpu.memory_space<vmem_shared>> -> memref<40x128xf32, #tpu.memory_space<vmem_shared>>
        %dma_start3A_66 = arith.constant 0 : i32
        %dma_start3A_67 = arith.constant 0 : i32
        %dma_start3A_68 = tpu.memref_slice %arg11[%dma_start3A_66, %dma_start3A_67] : memref<40x128xf32, #tpu.memory_space<vmem>> -> memref<40x128xf32, #tpu.memory_space<vmem>>
        tpu.enqueue_dma source(%dma_start3A_68 : memref<40x128xf32, #tpu.memory_space<vmem>>) target(%dma_start3A_65 : memref<40x128xf32, #tpu.memory_space<vmem_shared>>) target_semaphore(%run_scoped3A : memref<!tpu.dma_semaphore, #tpu.memory_space<semaphore_mem>>)
        %dma_wait3A_69 = arith.constant 0 : i32
        %dma_wait3A_70 = arith.constant 0 : i32
        %dma_wait3A_71 = tpu.memref_slice %arg11[%dma_wait3A_69, %dma_wait3A_70] : memref<40x128xf32, #tpu.memory_space<vmem>> -> memref<40x128xf32, #tpu.memory_space<vmem>>
        %dma_wait3A_72 = arith.constant 0 : i32
        %dma_wait3A_73 = tpu.memref_slice %arg15[%add3A_58, %dma_wait3A_72] : memref<10240x128xf32, #tpu.memory_space<vmem_shared>> -> memref<40x128xf32, #tpu.memory_space<vmem_shared>>
        %dma_wait3A_74 = arith.constant 0 : i32
        %dma_wait3A_75 = tpu.memref_slice %arg15[%add3A_58, %dma_wait3A_74] : memref<10240x128xf32, #tpu.memory_space<vmem_shared>> -> memref<40x128xf32, #tpu.memory_space<vmem_shared>>
        %dma_wait3A_76 = arith.constant 0 : i32
        %dma_wait3A_77 = arith.constant 0 : i32
        %dma_wait3A_78 = tpu.memref_slice %arg11[%dma_wait3A_76, %dma_wait3A_77] : memref<40x128xf32, #tpu.memory_space<vmem>> -> memref<40x128xf32, #tpu.memory_space<vmem>>
        tpu.wait_dma2 semaphore(%run_scoped3A : memref<!tpu.dma_semaphore, #tpu.memory_space<semaphore_mem>>) src(%dma_wait3A_78 : memref<40x128xf32, #tpu.memory_space<vmem>>) dst(%dma_wait3A_75 : memref<40x128xf32, #tpu.memory_space<vmem_shared>>)
        tpu.yield
      }) : () -> ()
    }
    %scan3A_10 = arith.constant 16 : i32
    %barrier3A = arith.constant 0 : index
    tpu.barrier barrier_id(%barrier3A)
    %mul3A = arith.constant 160000 : i32
    %mul3A_11 = arith.muli %arg0, %mul3A : i32
    %mul3A_12 = arith.constant 10000 : i32
    %mul3A_13 = arith.muli %arg1, %mul3A_12 : i32
    %add3A = arith.addi %mul3A_11, %mul3A_13 : i32
    %add3A_14 = arith.constant 0 : i32
    %add3A_15 = arith.addi %add3A, %add3A_14 : i32
    %dma_start3A = tpu.memref_slice %arg4[%add3A_15] : memref<320000xi32, #tpu.memory_space<hbm>> -> memref<40xi32, #tpu.memory_space<hbm>>
    %dma_start3A_16 = tpu.memref_slice %arg4[%add3A_15] : memref<320000xi32, #tpu.memory_space<hbm>> -> memref<40xi32, #tpu.memory_space<hbm>>
    tpu.enqueue_dma source(%dma_start3A_16 : memref<40xi32, #tpu.memory_space<hbm>>) target(%arg7 : memref<40xi32, #tpu.memory_space<vmem>>) target_semaphore(%arg16 : memref<!tpu.dma_semaphore, #tpu.memory_space<semaphore_mem>>)
    %add3A_17 = arith.constant 0 : i32
    %add3A_18 = arith.addi %add3A, %add3A_17 : i32
    %dma_start3A_19 = tpu.memref_slice %arg5[%add3A_18] : memref<320000xi32, #tpu.memory_space<hbm>> -> memref<40xi32, #tpu.memory_space<hbm>>
    %dma_start3A_20 = tpu.memref_slice %arg5[%add3A_18] : memref<320000xi32, #tpu.memory_space<hbm>> -> memref<40xi32, #tpu.memory_space<hbm>>
    tpu.enqueue_dma source(%dma_start3A_20 : memref<40xi32, #tpu.memory_space<hbm>>) target(%arg8 : memref<40xi32, #tpu.memory_space<vmem>>) target_semaphore(%arg17 : memref<!tpu.dma_semaphore, #tpu.memory_space<semaphore_mem>>)
    %add3A_21 = arith.constant 0 : i32
    %add3A_22 = arith.addi %add3A, %add3A_21 : i32
    %dma_wait3A = tpu.memref_slice %arg4[%add3A_22] : memref<320000xi32, #tpu.memory_space<hbm>> -> memref<40xi32, #tpu.memory_space<hbm>>
    %dma_wait3A_23 = tpu.memref_slice %arg4[%add3A_22] : memref<320000xi32, #tpu.memory_space<hbm>> -> memref<40xi32, #tpu.memory_space<hbm>>
    tpu.wait_dma2 semaphore(%arg16 : memref<!tpu.dma_semaphore, #tpu.memory_space<semaphore_mem>>) src(%dma_wait3A_23 : memref<40xi32, #tpu.memory_space<hbm>>) dst(%arg7 : memref<40xi32, #tpu.memory_space<vmem>>)
    %add3A_24 = arith.constant 0 : i32
    %add3A_25 = arith.addi %add3A, %add3A_24 : i32
    %dma_wait3A_26 = tpu.memref_slice %arg5[%add3A_25] : memref<320000xi32, #tpu.memory_space<hbm>> -> memref<40xi32, #tpu.memory_space<hbm>>
    %dma_wait3A_27 = tpu.memref_slice %arg5[%add3A_25] : memref<320000xi32, #tpu.memory_space<hbm>> -> memref<40xi32, #tpu.memory_space<hbm>>
    tpu.wait_dma2 semaphore(%arg17 : memref<!tpu.dma_semaphore, #tpu.memory_space<semaphore_mem>>) src(%dma_wait3A_27 : memref<40xi32, #tpu.memory_space<hbm>>) dst(%arg8 : memref<40xi32, #tpu.memory_space<vmem>>)
    %dma_start3A_28 = arith.constant 0 : i32
    %dma_start3A_29 = arith.constant 0 : i32
    %dma_start3A_30 = tpu.memref_slice %arg2[%dma_start3A_28, %dma_start3A_29] : memref<10240x128xf32, #tpu.memory_space<hbm>> -> memref<10240x128xf32, #tpu.memory_space<hbm>>
    tpu.enqueue_indirect_dma source(%dma_start3A_30 : memref<10240x128xf32, #tpu.memory_space<hbm>>) target(%arg11 : memref<40x128xf32, #tpu.memory_space<vmem>>) offsets(%arg8 : memref<40xi32, #tpu.memory_space<vmem>>) semaphore(%arg20 : memref<!tpu.dma_semaphore, #tpu.memory_space<semaphore_mem>>)
    %dma_start3A_31 = arith.constant 0 : i32
    %dma_start3A_32 = arith.constant 0 : i32
    %dma_start3A_33 = tpu.memref_slice %arg3[%dma_start3A_31, %dma_start3A_32] : memref<10240x128xf32, #tpu.memory_space<hbm>> -> memref<10240x128xf32, #tpu.memory_space<hbm>>
    tpu.enqueue_indirect_dma source(%dma_start3A_33 : memref<10240x128xf32, #tpu.memory_space<hbm>>) target(%arg12 : memref<40x128xf32, #tpu.memory_space<vmem>>) offsets(%arg7 : memref<40xi32, #tpu.memory_space<vmem>>) semaphore(%arg21 : memref<!tpu.dma_semaphore, #tpu.memory_space<semaphore_mem>>)
    %add3A_34 = arith.constant 40 : i32
    %add3A_35 = arith.addi %add3A, %add3A_34 : i32
    %dma_start3A_36 = tpu.memref_slice %arg4[%add3A_35] : memref<320000xi32, #tpu.memory_space<hbm>> -> memref<40xi32, #tpu.memory_space<hbm>>
    %dma_start3A_37 = tpu.memref_slice %arg4[%add3A_35] : memref<320000xi32, #tpu.memory_space<hbm>> -> memref<40xi32, #tpu.memory_space<hbm>>
    tpu.enqueue_dma source(%dma_start3A_37 : memref<40xi32, #tpu.memory_space<hbm>>) target(%arg9 : memref<40xi32, #tpu.memory_space<vmem>>) target_semaphore(%arg18 : memref<!tpu.dma_semaphore, #tpu.memory_space<semaphore_mem>>)
    %add3A_38 = arith.constant 40 : i32
    %add3A_39 = arith.addi %add3A, %add3A_38 : i32
    %dma_start3A_40 = tpu.memref_slice %arg5[%add3A_39] : memref<320000xi32, #tpu.memory_space<hbm>> -> memref<40xi32, #tpu.memory_space<hbm>>
    %dma_start3A_41 = tpu.memref_slice %arg5[%add3A_39] : memref<320000xi32, #tpu.memory_space<hbm>> -> memref<40xi32, #tpu.memory_space<hbm>>
    tpu.enqueue_dma source(%dma_start3A_41 : memref<40xi32, #tpu.memory_space<hbm>>) target(%arg10 : memref<40xi32, #tpu.memory_space<vmem>>) target_semaphore(%arg19 : memref<!tpu.dma_semaphore, #tpu.memory_space<semaphore_mem>>)
    %scan3A_42 = arith.constant 0 : i32
    %scan3A_43 = arith.constant 0 : i32
    %scan3A_44 = arith.constant 125 : i32
    %scan3A_45 = arith.addi %scan3A_43, %scan3A_44 : i32
    %scan3A_46 = arith.constant 1 : i32
    scf.for %scan3A_53 = %scan3A_43 to %scan3A_45 step %scan3A_46  : i32 {
      %mul3A_54 = arith.constant 2 : i32
      %mul3A_55 = arith.muli %mul3A_54, %scan3A_53 : i32
      %add3A_56 = arith.constant 1 : i32
      %add3A_57 = arith.addi %mul3A_55, %add3A_56 : i32
      %mul3A_58 = arith.constant 40 : i32
      %mul3A_59 = arith.muli %add3A_57, %mul3A_58 : i32
      %add3A_60 = arith.addi %add3A, %mul3A_59 : i32
      %dma_wait3A_61 = tpu.memref_slice %arg4[%add3A_60] : memref<320000xi32, #tpu.memory_space<hbm>> -> memref<40xi32, #tpu.memory_space<hbm>>
      %dma_wait3A_62 = tpu.memref_slice %arg4[%add3A_60] : memref<320000xi32, #tpu.memory_space<hbm>> -> memref<40xi32, #tpu.memory_space<hbm>>
      tpu.wait_dma2 semaphore(%arg18 : memref<!tpu.dma_semaphore, #tpu.memory_space<semaphore_mem>>) src(%dma_wait3A_62 : memref<40xi32, #tpu.memory_space<hbm>>) dst(%arg9 : memref<40xi32, #tpu.memory_space<vmem>>)
      %mul3A_63 = arith.constant 40 : i32
      %mul3A_64 = arith.muli %add3A_57, %mul3A_63 : i32
      %add3A_65 = arith.addi %add3A, %mul3A_64 : i32
      %dma_wait3A_66 = tpu.memref_slice %arg5[%add3A_65] : memref<320000xi32, #tpu.memory_space<hbm>> -> memref<40xi32, #tpu.memory_space<hbm>>
      %dma_wait3A_67 = tpu.memref_slice %arg5[%add3A_65] : memref<320000xi32, #tpu.memory_space<hbm>> -> memref<40xi32, #tpu.memory_space<hbm>>
      tpu.wait_dma2 semaphore(%arg19 : memref<!tpu.dma_semaphore, #tpu.memory_space<semaphore_mem>>) src(%dma_wait3A_67 : memref<40xi32, #tpu.memory_space<hbm>>) dst(%arg10 : memref<40xi32, #tpu.memory_space<vmem>>)
      %dma_start3A_68 = arith.constant 0 : i32
      %dma_start3A_69 = arith.constant 0 : i32
      %dma_start3A_70 = tpu.memref_slice %arg2[%dma_start3A_68, %dma_start3A_69] : memref<10240x128xf32, #tpu.memory_space<hbm>> -> memref<10240x128xf32, #tpu.memory_space<hbm>>
      tpu.enqueue_indirect_dma source(%dma_start3A_70 : memref<10240x128xf32, #tpu.memory_space<hbm>>) target(%arg13 : memref<40x128xf32, #tpu.memory_space<vmem>>) offsets(%arg10 : memref<40xi32, #tpu.memory_space<vmem>>) semaphore(%arg22 : memref<!tpu.dma_semaphore, #tpu.memory_space<semaphore_mem>>)
      %dma_start3A_71 = arith.constant 0 : i32
      %dma_start3A_72 = arith.constant 0 : i32
      %dma_start3A_73 = tpu.memref_slice %arg3[%dma_start3A_71, %dma_start3A_72] : memref<10240x128xf32, #tpu.memory_space<hbm>> -> memref<10240x128xf32, #tpu.memory_space<hbm>>
      tpu.enqueue_indirect_dma source(%dma_start3A_73 : memref<10240x128xf32, #tpu.memory_space<hbm>>) target(%arg14 : memref<40x128xf32, #tpu.memory_space<vmem>>) offsets(%arg9 : memref<40xi32, #tpu.memory_space<vmem>>) semaphore(%arg23 : memref<!tpu.dma_semaphore, #tpu.memory_space<semaphore_mem>>)
      %dma_wait3A_74 = arith.constant 0 : i32
      %dma_wait3A_75 = arith.constant 0 : i32
      %dma_wait3A_76 = tpu.memref_slice %arg2[%dma_wait3A_74, %dma_wait3A_75] : memref<10240x128xf32, #tpu.memory_space<hbm>> -> memref<10240x128xf32, #tpu.memory_space<hbm>>
      tpu.wait_indirect_dma semaphore(%arg20 : memref<!tpu.dma_semaphore, #tpu.memory_space<semaphore_mem>>) src(%dma_wait3A_76 : memref<10240x128xf32, #tpu.memory_space<hbm>>) dst(%arg11 : memref<40x128xf32, #tpu.memory_space<vmem>>)
      %dma_wait3A_77 = arith.constant 0 : i32
      %dma_wait3A_78 = arith.constant 0 : i32
      %dma_wait3A_79 = tpu.memref_slice %arg3[%dma_wait3A_77, %dma_wait3A_78] : memref<10240x128xf32, #tpu.memory_space<hbm>> -> memref<10240x128xf32, #tpu.memory_space<hbm>>
      tpu.wait_indirect_dma semaphore(%arg21 : memref<!tpu.dma_semaphore, #tpu.memory_space<semaphore_mem>>) src(%dma_wait3A_79 : memref<10240x128xf32, #tpu.memory_space<hbm>>) dst(%arg12 : memref<40x128xf32, #tpu.memory_space<vmem>>)
      %parallel_loop3A = arith.constant 0 : i32
      %parallel_loop3A_80 = arith.constant 40 : i32
      %parallel_loop3A_81 = arith.constant 1 : i32
      scf.for %parallel_loop3A_102 = %parallel_loop3A to %parallel_loop3A_80 step %parallel_loop3A_81  : i32 {
        %parallel_loop3A_103 = arith.index_cast %parallel_loop3A_102 : i32 to index
        %parallel_loop3A_104 = arith.constant 0 : index
        %parallel_loop3A_105 = tpu.vector_load %arg11[%parallel_loop3A_103, %parallel_loop3A_104] {strides = array<i32>} : memref<40x128xf32, #tpu.memory_space<vmem>>, vector<1x16xf32>,
        %parallel_loop3A_106 = vector.shape_cast %parallel_loop3A_105 : vector<1x16xf32> to vector<16xf32>
        %parallel_loop3A_107 = arith.index_cast %parallel_loop3A_102 : i32 to index
        %parallel_loop3A_108 = arith.constant 0 : index
        %parallel_loop3A_109 = tpu.vector_load %arg12[%parallel_loop3A_107, %parallel_loop3A_108] {strides = array<i32>} : memref<40x128xf32, #tpu.memory_space<vmem>>, vector<1x16xf32>,
        %parallel_loop3A_110 = vector.shape_cast %parallel_loop3A_109 : vector<1x16xf32> to vector<16xf32>
        %parallel_loop3A_111 = arith.addf %parallel_loop3A_106, %parallel_loop3A_110 : vector<16xf32>
        %parallel_loop3A_112 = arith.constant 0.000000e+00 : f32
        %parallel_loop3A_113 = vector.broadcast %parallel_loop3A_112 : f32 to vector<16xf32>
        %parallel_loop3A_114 = arith.maximumf %parallel_loop3A_111, %parallel_loop3A_113 : vector<16xf32>
        %parallel_loop3A_115 = arith.index_cast %parallel_loop3A_102 : i32 to index
        %parallel_loop3A_116 = arith.constant 0 : index
        %parallel_loop3A_117 = tpu.vector_load %arg11[%parallel_loop3A_115, %parallel_loop3A_116] {strides = array<i32>} : memref<40x128xf32, #tpu.memory_space<vmem>>, vector<1x16xf32>,
        %parallel_loop3A_118 = vector.shape_cast %parallel_loop3A_117 : vector<1x16xf32> to vector<16xf32>
        %parallel_loop3A_119 = vector.shape_cast %parallel_loop3A_114 : vector<16xf32> to vector<1x16xf32>
        tpu.vector_store %arg11[%parallel_loop3A_115, %parallel_loop3A_116], %parallel_loop3A_119 {strides = array<i32>} : memref<40x128xf32, #tpu.memory_space<vmem>>, vector<1x16xf32>,
        %parallel_loop3A_120 = arith.index_cast %parallel_loop3A_102 : i32 to index
        %parallel_loop3A_121 = arith.constant 16 : index
        %parallel_loop3A_122 = tpu.vector_load %arg11[%parallel_loop3A_120, %parallel_loop3A_121] {strides = array<i32>} : memref<40x128xf32, #tpu.memory_space<vmem>>, vector<1x16xf32>,
        %parallel_loop3A_123 = vector.shape_cast %parallel_loop3A_122 : vector<1x16xf32> to vector<16xf32>
        %parallel_loop3A_124 = arith.index_cast %parallel_loop3A_102 : i32 to index
        %parallel_loop3A_125 = arith.constant 16 : index
        %parallel_loop3A_126 = tpu.vector_load %arg12[%parallel_loop3A_124, %parallel_loop3A_125] {strides = array<i32>} : memref<40x128xf32, #tpu.memory_space<vmem>>, vector<1x16xf32>,
        %parallel_loop3A_127 = vector.shape_cast %parallel_loop3A_126 : vector<1x16xf32> to vector<16xf32>
        %parallel_loop3A_128 = arith.addf %parallel_loop3A_123, %parallel_loop3A_127 : vector<16xf32>
        %parallel_loop3A_129 = arith.constant 0.000000e+00 : f32
        %parallel_loop3A_130 = vector.broadcast %parallel_loop3A_129 : f32 to vector<16xf32>
        %parallel_loop3A_131 = arith.maximumf %parallel_loop3A_128, %parallel_loop3A_130 : vector<16xf32>
        %parallel_loop3A_132 = arith.index_cast %parallel_loop3A_102 : i32 to index
        %parallel_loop3A_133 = arith.constant 16 : index
        %parallel_loop3A_134 = tpu.vector_load %arg11[%parallel_loop3A_132, %parallel_loop3A_133] {strides = array<i32>} : memref<40x128xf32, #tpu.memory_space<vmem>>, vector<1x16xf32>,
        %parallel_loop3A_135 = vector.shape_cast %parallel_loop3A_134 : vector<1x16xf32> to vector<16xf32>
        %parallel_loop3A_136 = vector.shape_cast %parallel_loop3A_131 : vector<16xf32> to vector<1x16xf32>
        tpu.vector_store %arg11[%parallel_loop3A_132, %parallel_loop3A_133], %parallel_loop3A_136 {strides = array<i32>} : memref<40x128xf32, #tpu.memory_space<vmem>>, vector<1x16xf32>,
        %parallel_loop3A_137 = arith.index_cast %parallel_loop3A_102 : i32 to index
        %parallel_loop3A_138 = arith.constant 32 : index
        %parallel_loop3A_139 = tpu.vector_load %arg11[%parallel_loop3A_137, %parallel_loop3A_138] {strides = array<i32>} : memref<40x128xf32, #tpu.memory_space<vmem>>, vector<1x16xf32>,
        %parallel_loop3A_140 = vector.shape_cast %parallel_loop3A_139 : vector<1x16xf32> to vector<16xf32>
        %parallel_loop3A_141 = arith.index_cast %parallel_loop3A_102 : i32 to index
        %parallel_loop3A_142 = arith.constant 32 : index
        %parallel_loop3A_143 = tpu.vector_load %arg12[%parallel_loop3A_141, %parallel_loop3A_142] {strides = array<i32>} : memref<40x128xf32, #tpu.memory_space<vmem>>, vector<1x16xf32>,
        %parallel_loop3A_144 = vector.shape_cast %parallel_loop3A_143 : vector<1x16xf32> to vector<16xf32>
        %parallel_loop3A_145 = arith.addf %parallel_loop3A_140, %parallel_loop3A_144 : vector<16xf32>
        %parallel_loop3A_146 = arith.constant 0.000000e+00 : f32
        %parallel_loop3A_147 = vector.broadcast %parallel_loop3A_146 : f32 to vector<16xf32>
        %parallel_loop3A_148 = arith.maximumf %parallel_loop3A_145, %parallel_loop3A_147 : vector<16xf32>
        %parallel_loop3A_149 = arith.index_cast %parallel_loop3A_102 : i32 to index
        %parallel_loop3A_150 = arith.constant 32 : index
        %parallel_loop3A_151 = tpu.vector_load %arg11[%parallel_loop3A_149, %parallel_loop3A_150] {strides = array<i32>} : memref<40x128xf32, #tpu.memory_space<vmem>>, vector<1x16xf32>,
        %parallel_loop3A_152 = vector.shape_cast %parallel_loop3A_151 : vector<1x16xf32> to vector<16xf32>
        %parallel_loop3A_153 = vector.shape_cast %parallel_loop3A_148 : vector<16xf32> to vector<1x16xf32>
        tpu.vector_store %arg11[%parallel_loop3A_149, %parallel_loop3A_150], %parallel_loop3A_153 {strides = array<i32>} : memref<40x128xf32, #tpu.memory_space<vmem>>, vector<1x16xf32>,
        %parallel_loop3A_154 = arith.index_cast %parallel_loop3A_102 : i32 to index
        %parallel_loop3A_155 = arith.constant 48 : index
        %parallel_loop3A_156 = tpu.vector_load %arg11[%parallel_loop3A_154, %parallel_loop3A_155] {strides = array<i32>} : memref<40x128xf32, #tpu.memory_space<vmem>>, vector<1x16xf32>,
        %parallel_loop3A_157 = vector.shape_cast %parallel_loop3A_156 : vector<1x16xf32> to vector<16xf32>
        %parallel_loop3A_158 = arith.index_cast %parallel_loop3A_102 : i32 to index
        %parallel_loop3A_159 = arith.constant 48 : index
        %parallel_loop3A_160 = tpu.vector_load %arg12[%parallel_loop3A_158, %parallel_loop3A_159] {strides = array<i32>} : memref<40x128xf32, #tpu.memory_space<vmem>>, vector<1x16xf32>,
        %parallel_loop3A_161 = vector.shape_cast %parallel_loop3A_160 : vector<1x16xf32> to vector<16xf32>
        %parallel_loop3A_162 = arith.addf %parallel_loop3A_157, %parallel_loop3A_161 : vector<16xf32>
        %parallel_loop3A_163 = arith.constant 0.000000e+00 : f32
        %parallel_loop3A_164 = vector.broadcast %parallel_loop3A_163 : f32 to vector<16xf32>
        %parallel_loop3A_165 = arith.maximumf %parallel_loop3A_162, %parallel_loop3A_164 : vector<16xf32>
        %parallel_loop3A_166 = arith.index_cast %parallel_loop3A_102 : i32 to index
        %parallel_loop3A_167 = arith.constant 48 : index
        %parallel_loop3A_168 = tpu.vector_load %arg11[%parallel_loop3A_166, %parallel_loop3A_167] {strides = array<i32>} : memref<40x128xf32, #tpu.memory_space<vmem>>, vector<1x16xf32>,
        %parallel_loop3A_169 = vector.shape_cast %parallel_loop3A_168 : vector<1x16xf32> to vector<16xf32>
        %parallel_loop3A_170 = vector.shape_cast %parallel_loop3A_165 : vector<16xf32> to vector<1x16xf32>
        tpu.vector_store %arg11[%parallel_loop3A_166, %parallel_loop3A_167], %parallel_loop3A_170 {strides = array<i32>} : memref<40x128xf32, #tpu.memory_space<vmem>>, vector<1x16xf32>,
        %parallel_loop3A_171 = arith.index_cast %parallel_loop3A_102 : i32 to index
        %parallel_loop3A_172 = arith.constant 64 : index
        %parallel_loop3A_173 = tpu.vector_load %arg11[%parallel_loop3A_171, %parallel_loop3A_172] {strides = array<i32>} : memref<40x128xf32, #tpu.memory_space<vmem>>, vector<1x16xf32>,
        %parallel_loop3A_174 = vector.shape_cast %parallel_loop3A_173 : vector<1x16xf32> to vector<16xf32>
        %parallel_loop3A_175 = arith.index_cast %parallel_loop3A_102 : i32 to index
        %parallel_loop3A_176 = arith.constant 64 : index
        %parallel_loop3A_177 = tpu.vector_load %arg12[%parallel_loop3A_175, %parallel_loop3A_176] {strides = array<i32>} : memref<40x128xf32, #tpu.memory_space<vmem>>, vector<1x16xf32>,
        %parallel_loop3A_178 = vector.shape_cast %parallel_loop3A_177 : vector<1x16xf32> to vector<16xf32>
        %parallel_loop3A_179 = arith.addf %parallel_loop3A_174, %parallel_loop3A_178 : vector<16xf32>
        %parallel_loop3A_180 = arith.constant 0.000000e+00 : f32
        %parallel_loop3A_181 = vector.broadcast %parallel_loop3A_180 : f32 to vector<16xf32>
        %parallel_loop3A_182 = arith.maximumf %parallel_loop3A_179, %parallel_loop3A_181 : vector<16xf32>
        %parallel_loop3A_183 = arith.index_cast %parallel_loop3A_102 : i32 to index
        %parallel_loop3A_184 = arith.constant 64 : index
        %parallel_loop3A_185 = tpu.vector_load %arg11[%parallel_loop3A_183, %parallel_loop3A_184] {strides = array<i32>} : memref<40x128xf32, #tpu.memory_space<vmem>>, vector<1x16xf32>,
        %parallel_loop3A_186 = vector.shape_cast %parallel_loop3A_185 : vector<1x16xf32> to vector<16xf32>
        %parallel_loop3A_187 = vector.shape_cast %parallel_loop3A_182 : vector<16xf32> to vector<1x16xf32>
        tpu.vector_store %arg11[%parallel_loop3A_183, %parallel_loop3A_184], %parallel_loop3A_187 {strides = array<i32>} : memref<40x128xf32, #tpu.memory_space<vmem>>, vector<1x16xf32>,
        %parallel_loop3A_188 = arith.index_cast %parallel_loop3A_102 : i32 to index
        %parallel_loop3A_189 = arith.constant 80 : index
        %parallel_loop3A_190 = tpu.vector_load %arg11[%parallel_loop3A_188, %parallel_loop3A_189] {strides = array<i32>} : memref<40x128xf32, #tpu.memory_space<vmem>>, vector<1x16xf32>,
        %parallel_loop3A_191 = vector.shape_cast %parallel_loop3A_190 : vector<1x16xf32> to vector<16xf32>
        %parallel_loop3A_192 = arith.index_cast %parallel_loop3A_102 : i32 to index
        %parallel_loop3A_193 = arith.constant 80 : index
        %parallel_loop3A_194 = tpu.vector_load %arg12[%parallel_loop3A_192, %parallel_loop3A_193] {strides = array<i32>} : memref<40x128xf32, #tpu.memory_space<vmem>>, vector<1x16xf32>,
        %parallel_loop3A_195 = vector.shape_cast %parallel_loop3A_194 : vector<1x16xf32> to vector<16xf32>
        %parallel_loop3A_196 = arith.addf %parallel_loop3A_191, %parallel_loop3A_195 : vector<16xf32>
        %parallel_loop3A_197 = arith.constant 0.000000e+00 : f32
        %parallel_loop3A_198 = vector.broadcast %parallel_loop3A_197 : f32 to vector<16xf32>
        %parallel_loop3A_199 = arith.maximumf %parallel_loop3A_196, %parallel_loop3A_198 : vector<16xf32>
        %parallel_loop3A_200 = arith.index_cast %parallel_loop3A_102 : i32 to index
        %parallel_loop3A_201 = arith.constant 80 : index
        %parallel_loop3A_202 = tpu.vector_load %arg11[%parallel_loop3A_200, %parallel_loop3A_201] {strides = array<i32>} : memref<40x128xf32, #tpu.memory_space<vmem>>, vector<1x16xf32>,
        %parallel_loop3A_203 = vector.shape_cast %parallel_loop3A_202 : vector<1x16xf32> to vector<16xf32>
        %parallel_loop3A_204 = vector.shape_cast %parallel_loop3A_199 : vector<16xf32> to vector<1x16xf32>
        tpu.vector_store %arg11[%parallel_loop3A_200, %parallel_loop3A_201], %parallel_loop3A_204 {strides = array<i32>} : memref<40x128xf32, #tpu.memory_space<vmem>>, vector<1x16xf32>,
        %parallel_loop3A_205 = arith.index_cast %parallel_loop3A_102 : i32 to index
        %parallel_loop3A_206 = arith.constant 96 : index
        %parallel_loop3A_207 = tpu.vector_load %arg11[%parallel_loop3A_205, %parallel_loop3A_206] {strides = array<i32>} : memref<40x128xf32, #tpu.memory_space<vmem>>, vector<1x16xf32>,
        %parallel_loop3A_208 = vector.shape_cast %parallel_loop3A_207 : vector<1x16xf32> to vector<16xf32>
        %parallel_loop3A_209 = arith.index_cast %parallel_loop3A_102 : i32 to index
        %parallel_loop3A_210 = arith.constant 96 : index
        %parallel_loop3A_211 = tpu.vector_load %arg12[%parallel_loop3A_209, %parallel_loop3A_210] {strides = array<i32>} : memref<40x128xf32, #tpu.memory_space<vmem>>, vector<1x16xf32>,
        %parallel_loop3A_212 = vector.shape_cast %parallel_loop3A_211 : vector<1x16xf32> to vector<16xf32>
        %parallel_loop3A_213 = arith.addf %parallel_loop3A_208, %parallel_loop3A_212 : vector<16xf32>
        %parallel_loop3A_214 = arith.constant 0.000000e+00 : f32
        %parallel_loop3A_215 = vector.broadcast %parallel_loop3A_214 : f32 to vector<16xf32>
        %parallel_loop3A_216 = arith.maximumf %parallel_loop3A_213, %parallel_loop3A_215 : vector<16xf32>
        %parallel_loop3A_217 = arith.index_cast %parallel_loop3A_102 : i32 to index
        %parallel_loop3A_218 = arith.constant 96 : index
        %parallel_loop3A_219 = tpu.vector_load %arg11[%parallel_loop3A_217, %parallel_loop3A_218] {strides = array<i32>} : memref<40x128xf32, #tpu.memory_space<vmem>>, vector<1x16xf32>,
        %parallel_loop3A_220 = vector.shape_cast %parallel_loop3A_219 : vector<1x16xf32> to vector<16xf32>
        %parallel_loop3A_221 = vector.shape_cast %parallel_loop3A_216 : vector<16xf32> to vector<1x16xf32>
        tpu.vector_store %arg11[%parallel_loop3A_217, %parallel_loop3A_218], %parallel_loop3A_221 {strides = array<i32>} : memref<40x128xf32, #tpu.memory_space<vmem>>, vector<1x16xf32>,
        %parallel_loop3A_222 = arith.index_cast %parallel_loop3A_102 : i32 to index
        %parallel_loop3A_223 = arith.constant 112 : index
        %parallel_loop3A_224 = tpu.vector_load %arg11[%parallel_loop3A_222, %parallel_loop3A_223] {strides = array<i32>} : memref<40x128xf32, #tpu.memory_space<vmem>>, vector<1x16xf32>,
        %parallel_loop3A_225 = vector.shape_cast %parallel_loop3A_224 : vector<1x16xf32> to vector<16xf32>
        %parallel_loop3A_226 = arith.index_cast %parallel_loop3A_102 : i32 to index
        %parallel_loop3A_227 = arith.constant 112 : index
        %parallel_loop3A_228 = tpu.vector_load %arg12[%parallel_loop3A_226, %parallel_loop3A_227] {strides = array<i32>} : memref<40x128xf32, #tpu.memory_space<vmem>>, vector<1x16xf32>,
        %parallel_loop3A_229 = vector.shape_cast %parallel_loop3A_228 : vector<1x16xf32> to vector<16xf32>
        %parallel_loop3A_230 = arith.addf %parallel_loop3A_225, %parallel_loop3A_229 : vector<16xf32>
        %parallel_loop3A_231 = arith.constant 0.000000e+00 : f32
        %parallel_loop3A_232 = vector.broadcast %parallel_loop3A_231 : f32 to vector<16xf32>
        %parallel_loop3A_233 = arith.maximumf %parallel_loop3A_230, %parallel_loop3A_232 : vector<16xf32>
        %parallel_loop3A_234 = arith.index_cast %parallel_loop3A_102 : i32 to index
        %parallel_loop3A_235 = arith.constant 112 : index
        %parallel_loop3A_236 = tpu.vector_load %arg11[%parallel_loop3A_234, %parallel_loop3A_235] {strides = array<i32>} : memref<40x128xf32, #tpu.memory_space<vmem>>, vector<1x16xf32>,
        %parallel_loop3A_237 = vector.shape_cast %parallel_loop3A_236 : vector<1x16xf32> to vector<16xf32>
        %parallel_loop3A_238 = vector.shape_cast %parallel_loop3A_233 : vector<16xf32> to vector<1x16xf32>
        tpu.vector_store %arg11[%parallel_loop3A_234, %parallel_loop3A_235], %parallel_loop3A_238 {strides = array<i32>} : memref<40x128xf32, #tpu.memory_space<vmem>>, vector<1x16xf32>,
      } {sc.loop_unroll_factor = 1 : i64, sc.parallel_access}
      "tpu.region"() ({
        %run_scoped3A = tpu.sem_alloc : memref<!tpu.dma_semaphore, #tpu.memory_space<semaphore_mem>>
        %dma_start3A_102 = arith.constant 0 : i32
        %dma_start3A_103 = arith.constant 0 : i32
        %dma_start3A_104 = tpu.memref_slice %arg15[%dma_start3A_102, %dma_start3A_103] : memref<10240x128xf32, #tpu.memory_space<vmem_shared>> -> memref<10240x128xf32, #tpu.memory_space<vmem_shared>>
        tpu.enqueue_indirect_dma source(%arg11 : memref<40x128xf32, #tpu.memory_space<vmem>>) target(%dma_start3A_104 : memref<10240x128xf32, #tpu.memory_space<vmem_shared>>) offsets(%arg8 : memref<40xi32, #tpu.memory_space<vmem>>) semaphore(%run_scoped3A : memref<!tpu.dma_semaphore, #tpu.memory_space<semaphore_mem>>) {add = true}
        %dma_wait3A_105 = arith.constant 0 : i32
        %dma_wait3A_106 = arith.constant 0 : i32
        %dma_wait3A_107 = tpu.memref_slice %arg15[%dma_wait3A_105, %dma_wait3A_106] : memref<10240x128xf32, #tpu.memory_space<vmem_shared>> -> memref<10240x128xf32, #tpu.memory_space<vmem_shared>>
        tpu.wait_indirect_dma semaphore(%run_scoped3A : memref<!tpu.dma_semaphore, #tpu.memory_space<semaphore_mem>>) src(%arg11 : memref<40x128xf32, #tpu.memory_space<vmem>>) dst(%dma_wait3A_107 : memref<10240x128xf32, #tpu.memory_space<vmem_shared>>)
        tpu.yield
      }) : () -> ()
      %add3A_82 = arith.constant 2 : i32
      %add3A_83 = arith.addi %mul3A_55, %add3A_82 : i32
      %lt3A = arith.constant 250 : i32
      %lt3A_84 = arith.cmpi slt, %add3A_83, %lt3A : i32
      %convert_element_type3A = arith.extui %lt3A_84 : i1 to i32
      %cond3A = arith.constant 0 : i32
      %cond3A_85 = arith.cmpi ne, %convert_element_type3A, %cond3A : i32
      scf.if %cond3A_85 {
        %add3A_102 = arith.constant 2 : i32
        %add3A_103 = arith.addi %mul3A_55, %add3A_102 : i32
        %mul3A_104 = arith.constant 40 : i32
        %mul3A_105 = arith.muli %add3A_103, %mul3A_104 : i32
        %add3A_106 = arith.addi %add3A, %mul3A_105 : i32
        %dma_start3A_107 = tpu.memref_slice %arg4[%add3A_106] : memref<320000xi32, #tpu.memory_space<hbm>> -> memref<40xi32, #tpu.memory_space<hbm>>
        %dma_start3A_108 = tpu.memref_slice %arg4[%add3A_106] : memref<320000xi32, #tpu.memory_space<hbm>> -> memref<40xi32, #tpu.memory_space<hbm>>
        tpu.enqueue_dma source(%dma_start3A_108 : memref<40xi32, #tpu.memory_space<hbm>>) target(%arg7 : memref<40xi32, #tpu.memory_space<vmem>>) target_semaphore(%arg16 : memref<!tpu.dma_semaphore, #tpu.memory_space<semaphore_mem>>)
        %mul3A_109 = arith.constant 40 : i32
        %mul3A_110 = arith.muli %add3A_103, %mul3A_109 : i32
        %add3A_111 = arith.addi %add3A, %mul3A_110 : i32
        %dma_start3A_112 = tpu.memref_slice %arg5[%add3A_111] : memref<320000xi32, #tpu.memory_space<hbm>> -> memref<40xi32, #tpu.memory_space<hbm>>
        %dma_start3A_113 = tpu.memref_slice %arg5[%add3A_111] : memref<320000xi32, #tpu.memory_space<hbm>> -> memref<40xi32, #tpu.memory_space<hbm>>
        tpu.enqueue_dma source(%dma_start3A_113 : memref<40xi32, #tpu.memory_space<hbm>>) target(%arg8 : memref<40xi32, #tpu.memory_space<vmem>>) target_semaphore(%arg17 : memref<!tpu.dma_semaphore, #tpu.memory_space<semaphore_mem>>)
        %add3A_114 = arith.constant 2 : i32
        %add3A_115 = arith.addi %mul3A_55, %add3A_114 : i32
        %mul3A_116 = arith.constant 40 : i32
        %mul3A_117 = arith.muli %add3A_115, %mul3A_116 : i32
        %add3A_118 = arith.addi %add3A, %mul3A_117 : i32
        %dma_wait3A_119 = tpu.memref_slice %arg4[%add3A_118] : memref<320000xi32, #tpu.memory_space<hbm>> -> memref<40xi32, #tpu.memory_space<hbm>>
        %dma_wait3A_120 = tpu.memref_slice %arg4[%add3A_118] : memref<320000xi32, #tpu.memory_space<hbm>> -> memref<40xi32, #tpu.memory_space<hbm>>
        tpu.wait_dma2 semaphore(%arg16 : memref<!tpu.dma_semaphore, #tpu.memory_space<semaphore_mem>>) src(%dma_wait3A_120 : memref<40xi32, #tpu.memory_space<hbm>>) dst(%arg7 : memref<40xi32, #tpu.memory_space<vmem>>)
        %mul3A_121 = arith.constant 40 : i32
        %mul3A_122 = arith.muli %add3A_115, %mul3A_121 : i32
        %add3A_123 = arith.addi %add3A, %mul3A_122 : i32
        %dma_wait3A_124 = tpu.memref_slice %arg5[%add3A_123] : memref<320000xi32, #tpu.memory_space<hbm>> -> memref<40xi32, #tpu.memory_space<hbm>>
        %dma_wait3A_125 = tpu.memref_slice %arg5[%add3A_123] : memref<320000xi32, #tpu.memory_space<hbm>> -> memref<40xi32, #tpu.memory_space<hbm>>
        tpu.wait_dma2 semaphore(%arg17 : memref<!tpu.dma_semaphore, #tpu.memory_space<semaphore_mem>>) src(%dma_wait3A_125 : memref<40xi32, #tpu.memory_space<hbm>>) dst(%arg8 : memref<40xi32, #tpu.memory_space<vmem>>)
        %dma_start3A_126 = arith.constant 0 : i32
        %dma_start3A_127 = arith.constant 0 : i32
        %dma_start3A_128 = tpu.memref_slice %arg2[%dma_start3A_126, %dma_start3A_127] : memref<10240x128xf32, #tpu.memory_space<hbm>> -> memref<10240x128xf32, #tpu.memory_space<hbm>>
        tpu.enqueue_indirect_dma source(%dma_start3A_128 : memref<10240x128xf32, #tpu.memory_space<hbm>>) target(%arg11 : memref<40x128xf32, #tpu.memory_space<vmem>>) offsets(%arg8 : memref<40xi32, #tpu.memory_space<vmem>>) semaphore(%arg20 : memref<!tpu.dma_semaphore, #tpu.memory_space<semaphore_mem>>)
        %dma_start3A_129 = arith.constant 0 : i32
        %dma_start3A_130 = arith.constant 0 : i32
        %dma_start3A_131 = tpu.memref_slice %arg3[%dma_start3A_129, %dma_start3A_130] : memref<10240x128xf32, #tpu.memory_space<hbm>> -> memref<10240x128xf32, #tpu.memory_space<hbm>>
        tpu.enqueue_indirect_dma source(%dma_start3A_131 : memref<10240x128xf32, #tpu.memory_space<hbm>>) target(%arg12 : memref<40x128xf32, #tpu.memory_space<vmem>>) offsets(%arg7 : memref<40xi32, #tpu.memory_space<vmem>>) semaphore(%arg21 : memref<!tpu.dma_semaphore, #tpu.memory_space<semaphore_mem>>)
      } else {
      }
      %dma_wait3A_86 = arith.constant 0 : i32
      %dma_wait3A_87 = arith.constant 0 : i32
      %dma_wait3A_88 = tpu.memref_slice %arg2[%dma_wait3A_86, %dma_wait3A_87] : memref<10240x128xf32, #tpu.memory_space<hbm>> -> memref<10240x128xf32, #tpu.memory_space<hbm>>
      tpu.wait_indirect_dma semaphore(%arg22 : memref<!tpu.dma_semaphore, #tpu.memory_space<semaphore_mem>>) src(%dma_wait3A_88 : memref<10240x128xf32, #tpu.memory_space<hbm>>) dst(%arg13 : memref<40x128xf32, #tpu.memory_space<vmem>>)
      %dma_wait3A_89 = arith.constant 0 : i32
      %dma_wait3A_90 = arith.constant 0 : i32
      %dma_wait3A_91 = tpu.memref_slice %arg3[%dma_wait3A_89, %dma_wait3A_90] : memref<10240x128xf32, #tpu.memory_space<hbm>> -> memref<10240x128xf32, #tpu.memory_space<hbm>>
      tpu.wait_indirect_dma semaphore(%arg23 : memref<!tpu.dma_semaphore, #tpu.memory_space<semaphore_mem>>) src(%dma_wait3A_91 : memref<10240x128xf32, #tpu.memory_space<hbm>>) dst(%arg14 : memref<40x128xf32, #tpu.memory_space<vmem>>)
      %parallel_loop3A_92 = arith.constant 0 : i32
      %parallel_loop3A_93 = arith.constant 40 : i32
      %parallel_loop3A_94 = arith.constant 1 : i32
      scf.for %parallel_loop3A_102 = %parallel_loop3A_92 to %parallel_loop3A_93 step %parallel_loop3A_94  : i32 {
        %parallel_loop3A_103 = arith.index_cast %parallel_loop3A_102 : i32 to index
        %parallel_loop3A_104 = arith.constant 0 : index
        %parallel_loop3A_105 = tpu.vector_load %arg13[%parallel_loop3A_103, %parallel_loop3A_104] {strides = array<i32>} : memref<40x128xf32, #tpu.memory_space<vmem>>, vector<1x16xf32>,
        %parallel_loop3A_106 = vector.shape_cast %parallel_loop3A_105 : vector<1x16xf32> to vector<16xf32>
        %parallel_loop3A_107 = arith.index_cast %parallel_loop3A_102 : i32 to index
        %parallel_loop3A_108 = arith.constant 0 : index
        %parallel_loop3A_109 = tpu.vector_load %arg14[%parallel_loop3A_107, %parallel_loop3A_108] {strides = array<i32>} : memref<40x128xf32, #tpu.memory_space<vmem>>, vector<1x16xf32>,
        %parallel_loop3A_110 = vector.shape_cast %parallel_loop3A_109 : vector<1x16xf32> to vector<16xf32>
        %parallel_loop3A_111 = arith.addf %parallel_loop3A_106, %parallel_loop3A_110 : vector<16xf32>
        %parallel_loop3A_112 = arith.constant 0.000000e+00 : f32
        %parallel_loop3A_113 = vector.broadcast %parallel_loop3A_112 : f32 to vector<16xf32>
        %parallel_loop3A_114 = arith.maximumf %parallel_loop3A_111, %parallel_loop3A_113 : vector<16xf32>
        %parallel_loop3A_115 = arith.index_cast %parallel_loop3A_102 : i32 to index
        %parallel_loop3A_116 = arith.constant 0 : index
        %parallel_loop3A_117 = tpu.vector_load %arg13[%parallel_loop3A_115, %parallel_loop3A_116] {strides = array<i32>} : memref<40x128xf32, #tpu.memory_space<vmem>>, vector<1x16xf32>,
        %parallel_loop3A_118 = vector.shape_cast %parallel_loop3A_117 : vector<1x16xf32> to vector<16xf32>
        %parallel_loop3A_119 = vector.shape_cast %parallel_loop3A_114 : vector<16xf32> to vector<1x16xf32>
        tpu.vector_store %arg13[%parallel_loop3A_115, %parallel_loop3A_116], %parallel_loop3A_119 {strides = array<i32>} : memref<40x128xf32, #tpu.memory_space<vmem>>, vector<1x16xf32>,
        %parallel_loop3A_120 = arith.index_cast %parallel_loop3A_102 : i32 to index
        %parallel_loop3A_121 = arith.constant 16 : index
        %parallel_loop3A_122 = tpu.vector_load %arg13[%parallel_loop3A_120, %parallel_loop3A_121] {strides = array<i32>} : memref<40x128xf32, #tpu.memory_space<vmem>>, vector<1x16xf32>,
        %parallel_loop3A_123 = vector.shape_cast %parallel_loop3A_122 : vector<1x16xf32> to vector<16xf32>
        %parallel_loop3A_124 = arith.index_cast %parallel_loop3A_102 : i32 to index
        %parallel_loop3A_125 = arith.constant 16 : index
        %parallel_loop3A_126 = tpu.vector_load %arg14[%parallel_loop3A_124, %parallel_loop3A_125] {strides = array<i32>} : memref<40x128xf32, #tpu.memory_space<vmem>>, vector<1x16xf32>,
        %parallel_loop3A_127 = vector.shape_cast %parallel_loop3A_126 : vector<1x16xf32> to vector<16xf32>
        %parallel_loop3A_128 = arith.addf %parallel_loop3A_123, %parallel_loop3A_127 : vector<16xf32>
        %parallel_loop3A_129 = arith.constant 0.000000e+00 : f32
        %parallel_loop3A_130 = vector.broadcast %parallel_loop3A_129 : f32 to vector<16xf32>
        %parallel_loop3A_131 = arith.maximumf %parallel_loop3A_128, %parallel_loop3A_130 : vector<16xf32>
        %parallel_loop3A_132 = arith.index_cast %parallel_loop3A_102 : i32 to index
        %parallel_loop3A_133 = arith.constant 16 : index
        %parallel_loop3A_134 = tpu.vector_load %arg13[%parallel_loop3A_132, %parallel_loop3A_133] {strides = array<i32>} : memref<40x128xf32, #tpu.memory_space<vmem>>, vector<1x16xf32>,
        %parallel_loop3A_135 = vector.shape_cast %parallel_loop3A_134 : vector<1x16xf32> to vector<16xf32>
        %parallel_loop3A_136 = vector.shape_cast %parallel_loop3A_131 : vector<16xf32> to vector<1x16xf32>
        tpu.vector_store %arg13[%parallel_loop3A_132, %parallel_loop3A_133], %parallel_loop3A_136 {strides = array<i32>} : memref<40x128xf32, #tpu.memory_space<vmem>>, vector<1x16xf32>,
        %parallel_loop3A_137 = arith.index_cast %parallel_loop3A_102 : i32 to index
        %parallel_loop3A_138 = arith.constant 32 : index
        %parallel_loop3A_139 = tpu.vector_load %arg13[%parallel_loop3A_137, %parallel_loop3A_138] {strides = array<i32>} : memref<40x128xf32, #tpu.memory_space<vmem>>, vector<1x16xf32>,
        %parallel_loop3A_140 = vector.shape_cast %parallel_loop3A_139 : vector<1x16xf32> to vector<16xf32>
        %parallel_loop3A_141 = arith.index_cast %parallel_loop3A_102 : i32 to index
        %parallel_loop3A_142 = arith.constant 32 : index
        %parallel_loop3A_143 = tpu.vector_load %arg14[%parallel_loop3A_141, %parallel_loop3A_142] {strides = array<i32>} : memref<40x128xf32, #tpu.memory_space<vmem>>, vector<1x16xf32>,
        %parallel_loop3A_144 = vector.shape_cast %parallel_loop3A_143 : vector<1x16xf32> to vector<16xf32>
        %parallel_loop3A_145 = arith.addf %parallel_loop3A_140, %parallel_loop3A_144 : vector<16xf32>
        %parallel_loop3A_146 = arith.constant 0.000000e+00 : f32
        %parallel_loop3A_147 = vector.broadcast %parallel_loop3A_146 : f32 to vector<16xf32>
        %parallel_loop3A_148 = arith.maximumf %parallel_loop3A_145, %parallel_loop3A_147 : vector<16xf32>
        %parallel_loop3A_149 = arith.index_cast %parallel_loop3A_102 : i32 to index
        %parallel_loop3A_150 = arith.constant 32 : index
        %parallel_loop3A_151 = tpu.vector_load %arg13[%parallel_loop3A_149, %parallel_loop3A_150] {strides = array<i32>} : memref<40x128xf32, #tpu.memory_space<vmem>>, vector<1x16xf32>,
        %parallel_loop3A_152 = vector.shape_cast %parallel_loop3A_151 : vector<1x16xf32> to vector<16xf32>
        %parallel_loop3A_153 = vector.shape_cast %parallel_loop3A_148 : vector<16xf32> to vector<1x16xf32>
        tpu.vector_store %arg13[%parallel_loop3A_149, %parallel_loop3A_150], %parallel_loop3A_153 {strides = array<i32>} : memref<40x128xf32, #tpu.memory_space<vmem>>, vector<1x16xf32>,
        %parallel_loop3A_154 = arith.index_cast %parallel_loop3A_102 : i32 to index
        %parallel_loop3A_155 = arith.constant 48 : index
        %parallel_loop3A_156 = tpu.vector_load %arg13[%parallel_loop3A_154, %parallel_loop3A_155] {strides = array<i32>} : memref<40x128xf32, #tpu.memory_space<vmem>>, vector<1x16xf32>,
        %parallel_loop3A_157 = vector.shape_cast %parallel_loop3A_156 : vector<1x16xf32> to vector<16xf32>
        %parallel_loop3A_158 = arith.index_cast %parallel_loop3A_102 : i32 to index
        %parallel_loop3A_159 = arith.constant 48 : index
        %parallel_loop3A_160 = tpu.vector_load %arg14[%parallel_loop3A_158, %parallel_loop3A_159] {strides = array<i32>} : memref<40x128xf32, #tpu.memory_space<vmem>>, vector<1x16xf32>,
        %parallel_loop3A_161 = vector.shape_cast %parallel_loop3A_160 : vector<1x16xf32> to vector<16xf32>
        %parallel_loop3A_162 = arith.addf %parallel_loop3A_157, %parallel_loop3A_161 : vector<16xf32>
        %parallel_loop3A_163 = arith.constant 0.000000e+00 : f32
        %parallel_loop3A_164 = vector.broadcast %parallel_loop3A_163 : f32 to vector<16xf32>
        %parallel_loop3A_165 = arith.maximumf %parallel_loop3A_162, %parallel_loop3A_164 : vector<16xf32>
        %parallel_loop3A_166 = arith.index_cast %parallel_loop3A_102 : i32 to index
        %parallel_loop3A_167 = arith.constant 48 : index
        %parallel_loop3A_168 = tpu.vector_load %arg13[%parallel_loop3A_166, %parallel_loop3A_167] {strides = array<i32>} : memref<40x128xf32, #tpu.memory_space<vmem>>, vector<1x16xf32>,
        %parallel_loop3A_169 = vector.shape_cast %parallel_loop3A_168 : vector<1x16xf32> to vector<16xf32>
        %parallel_loop3A_170 = vector.shape_cast %parallel_loop3A_165 : vector<16xf32> to vector<1x16xf32>
        tpu.vector_store %arg13[%parallel_loop3A_166, %parallel_loop3A_167], %parallel_loop3A_170 {strides = array<i32>} : memref<40x128xf32, #tpu.memory_space<vmem>>, vector<1x16xf32>,
        %parallel_loop3A_171 = arith.index_cast %parallel_loop3A_102 : i32 to index
        %parallel_loop3A_172 = arith.constant 64 : index
        %parallel_loop3A_173 = tpu.vector_load %arg13[%parallel_loop3A_171, %parallel_loop3A_172] {strides = array<i32>} : memref<40x128xf32, #tpu.memory_space<vmem>>, vector<1x16xf32>,
        %parallel_loop3A_174 = vector.shape_cast %parallel_loop3A_173 : vector<1x16xf32> to vector<16xf32>
        %parallel_loop3A_175 = arith.index_cast %parallel_loop3A_102 : i32 to index
        %parallel_loop3A_176 = arith.constant 64 : index
        %parallel_loop3A_177 = tpu.vector_load %arg14[%parallel_loop3A_175, %parallel_loop3A_176] {strides = array<i32>} : memref<40x128xf32, #tpu.memory_space<vmem>>, vector<1x16xf32>,
        %parallel_loop3A_178 = vector.shape_cast %parallel_loop3A_177 : vector<1x16xf32> to vector<16xf32>
        %parallel_loop3A_179 = arith.addf %parallel_loop3A_174, %parallel_loop3A_178 : vector<16xf32>
        %parallel_loop3A_180 = arith.constant 0.000000e+00 : f32
        %parallel_loop3A_181 = vector.broadcast %parallel_loop3A_180 : f32 to vector<16xf32>
        %parallel_loop3A_182 = arith.maximumf %parallel_loop3A_179, %parallel_loop3A_181 : vector<16xf32>
        %parallel_loop3A_183 = arith.index_cast %parallel_loop3A_102 : i32 to index
        %parallel_loop3A_184 = arith.constant 64 : index
        %parallel_loop3A_185 = tpu.vector_load %arg13[%parallel_loop3A_183, %parallel_loop3A_184] {strides = array<i32>} : memref<40x128xf32, #tpu.memory_space<vmem>>, vector<1x16xf32>,
        %parallel_loop3A_186 = vector.shape_cast %parallel_loop3A_185 : vector<1x16xf32> to vector<16xf32>
        %parallel_loop3A_187 = vector.shape_cast %parallel_loop3A_182 : vector<16xf32> to vector<1x16xf32>
        tpu.vector_store %arg13[%parallel_loop3A_183, %parallel_loop3A_184], %parallel_loop3A_187 {strides = array<i32>} : memref<40x128xf32, #tpu.memory_space<vmem>>, vector<1x16xf32>,
        %parallel_loop3A_188 = arith.index_cast %parallel_loop3A_102 : i32 to index
        %parallel_loop3A_189 = arith.constant 80 : index
        %parallel_loop3A_190 = tpu.vector_load %arg13[%parallel_loop3A_188, %parallel_loop3A_189] {strides = array<i32>} : memref<40x128xf32, #tpu.memory_space<vmem>>, vector<1x16xf32>,
        %parallel_loop3A_191 = vector.shape_cast %parallel_loop3A_190 : vector<1x16xf32> to vector<16xf32>
        %parallel_loop3A_192 = arith.index_cast %parallel_loop3A_102 : i32 to index
        %parallel_loop3A_193 = arith.constant 80 : index
        %parallel_loop3A_194 = tpu.vector_load %arg14[%parallel_loop3A_192, %parallel_loop3A_193] {strides = array<i32>} : memref<40x128xf32, #tpu.memory_space<vmem>>, vector<1x16xf32>,
        %parallel_loop3A_195 = vector.shape_cast %parallel_loop3A_194 : vector<1x16xf32> to vector<16xf32>
        %parallel_loop3A_196 = arith.addf %parallel_loop3A_191, %parallel_loop3A_195 : vector<16xf32>
        %parallel_loop3A_197 = arith.constant 0.000000e+00 : f32
        %parallel_loop3A_198 = vector.broadcast %parallel_loop3A_197 : f32 to vector<16xf32>
        %parallel_loop3A_199 = arith.maximumf %parallel_loop3A_196, %parallel_loop3A_198 : vector<16xf32>
        %parallel_loop3A_200 = arith.index_cast %parallel_loop3A_102 : i32 to index
        %parallel_loop3A_201 = arith.constant 80 : index
        %parallel_loop3A_202 = tpu.vector_load %arg13[%parallel_loop3A_200, %parallel_loop3A_201] {strides = array<i32>} : memref<40x128xf32, #tpu.memory_space<vmem>>, vector<1x16xf32>,
        %parallel_loop3A_203 = vector.shape_cast %parallel_loop3A_202 : vector<1x16xf32> to vector<16xf32>
        %parallel_loop3A_204 = vector.shape_cast %parallel_loop3A_199 : vector<16xf32> to vector<1x16xf32>
        tpu.vector_store %arg13[%parallel_loop3A_200, %parallel_loop3A_201], %parallel_loop3A_204 {strides = array<i32>} : memref<40x128xf32, #tpu.memory_space<vmem>>, vector<1x16xf32>,
        %parallel_loop3A_205 = arith.index_cast %parallel_loop3A_102 : i32 to index
        %parallel_loop3A_206 = arith.constant 96 : index
        %parallel_loop3A_207 = tpu.vector_load %arg13[%parallel_loop3A_205, %parallel_loop3A_206] {strides = array<i32>} : memref<40x128xf32, #tpu.memory_space<vmem>>, vector<1x16xf32>,
        %parallel_loop3A_208 = vector.shape_cast %parallel_loop3A_207 : vector<1x16xf32> to vector<16xf32>
        %parallel_loop3A_209 = arith.index_cast %parallel_loop3A_102 : i32 to index
        %parallel_loop3A_210 = arith.constant 96 : index
        %parallel_loop3A_211 = tpu.vector_load %arg14[%parallel_loop3A_209, %parallel_loop3A_210] {strides = array<i32>} : memref<40x128xf32, #tpu.memory_space<vmem>>, vector<1x16xf32>,
        %parallel_loop3A_212 = vector.shape_cast %parallel_loop3A_211 : vector<1x16xf32> to vector<16xf32>
        %parallel_loop3A_213 = arith.addf %parallel_loop3A_208, %parallel_loop3A_212 : vector<16xf32>
        %parallel_loop3A_214 = arith.constant 0.000000e+00 : f32
        %parallel_loop3A_215 = vector.broadcast %parallel_loop3A_214 : f32 to vector<16xf32>
        %parallel_loop3A_216 = arith.maximumf %parallel_loop3A_213, %parallel_loop3A_215 : vector<16xf32>
        %parallel_loop3A_217 = arith.index_cast %parallel_loop3A_102 : i32 to index
        %parallel_loop3A_218 = arith.constant 96 : index
        %parallel_loop3A_219 = tpu.vector_load %arg13[%parallel_loop3A_217, %parallel_loop3A_218] {strides = array<i32>} : memref<40x128xf32, #tpu.memory_space<vmem>>, vector<1x16xf32>,
        %parallel_loop3A_220 = vector.shape_cast %parallel_loop3A_219 : vector<1x16xf32> to vector<16xf32>
        %parallel_loop3A_221 = vector.shape_cast %parallel_loop3A_216 : vector<16xf32> to vector<1x16xf32>
        tpu.vector_store %arg13[%parallel_loop3A_217, %parallel_loop3A_218], %parallel_loop3A_221 {strides = array<i32>} : memref<40x128xf32, #tpu.memory_space<vmem>>, vector<1x16xf32>,
        %parallel_loop3A_222 = arith.index_cast %parallel_loop3A_102 : i32 to index
        %parallel_loop3A_223 = arith.constant 112 : index
        %parallel_loop3A_224 = tpu.vector_load %arg13[%parallel_loop3A_222, %parallel_loop3A_223] {strides = array<i32>} : memref<40x128xf32, #tpu.memory_space<vmem>>, vector<1x16xf32>,
        %parallel_loop3A_225 = vector.shape_cast %parallel_loop3A_224 : vector<1x16xf32> to vector<16xf32>
        %parallel_loop3A_226 = arith.index_cast %parallel_loop3A_102 : i32 to index
        %parallel_loop3A_227 = arith.constant 112 : index
        %parallel_loop3A_228 = tpu.vector_load %arg14[%parallel_loop3A_226, %parallel_loop3A_227] {strides = array<i32>} : memref<40x128xf32, #tpu.memory_space<vmem>>, vector<1x16xf32>,
        %parallel_loop3A_229 = vector.shape_cast %parallel_loop3A_228 : vector<1x16xf32> to vector<16xf32>
        %parallel_loop3A_230 = arith.addf %parallel_loop3A_225, %parallel_loop3A_229 : vector<16xf32>
        %parallel_loop3A_231 = arith.constant 0.000000e+00 : f32
        %parallel_loop3A_232 = vector.broadcast %parallel_loop3A_231 : f32 to vector<16xf32>
        %parallel_loop3A_233 = arith.maximumf %parallel_loop3A_230, %parallel_loop3A_232 : vector<16xf32>
        %parallel_loop3A_234 = arith.index_cast %parallel_loop3A_102 : i32 to index
        %parallel_loop3A_235 = arith.constant 112 : index
        %parallel_loop3A_236 = tpu.vector_load %arg13[%parallel_loop3A_234, %parallel_loop3A_235] {strides = array<i32>} : memref<40x128xf32, #tpu.memory_space<vmem>>, vector<1x16xf32>,
        %parallel_loop3A_237 = vector.shape_cast %parallel_loop3A_236 : vector<1x16xf32> to vector<16xf32>
        %parallel_loop3A_238 = vector.shape_cast %parallel_loop3A_233 : vector<16xf32> to vector<1x16xf32>
        tpu.vector_store %arg13[%parallel_loop3A_234, %parallel_loop3A_235], %parallel_loop3A_238 {strides = array<i32>} : memref<40x128xf32, #tpu.memory_space<vmem>>, vector<1x16xf32>,
      } {sc.loop_unroll_factor = 1 : i64, sc.parallel_access}
      "tpu.region"() ({
        %run_scoped3A = tpu.sem_alloc : memref<!tpu.dma_semaphore, #tpu.memory_space<semaphore_mem>>
        %dma_start3A_102 = arith.constant 0 : i32
        %dma_start3A_103 = arith.constant 0 : i32
        %dma_start3A_104 = tpu.memref_slice %arg15[%dma_start3A_102, %dma_start3A_103] : memref<10240x128xf32, #tpu.memory_space<vmem_shared>> -> memref<10240x128xf32, #tpu.memory_space<vmem_shared>>
        tpu.enqueue_indirect_dma source(%arg13 : memref<40x128xf32, #tpu.memory_space<vmem>>) target(%dma_start3A_104 : memref<10240x128xf32, #tpu.memory_space<vmem_shared>>) offsets(%arg10 : memref<40xi32, #tpu.memory_space<vmem>>) semaphore(%run_scoped3A : memref<!tpu.dma_semaphore, #tpu.memory_space<semaphore_mem>>) {add = true}
        %dma_wait3A_105 = arith.constant 0 : i32
        %dma_wait3A_106 = arith.constant 0 : i32
        %dma_wait3A_107 = tpu.memref_slice %arg15[%dma_wait3A_105, %dma_wait3A_106] : memref<10240x128xf32, #tpu.memory_space<vmem_shared>> -> memref<10240x128xf32, #tpu.memory_space<vmem_shared>>
        tpu.wait_indirect_dma semaphore(%run_scoped3A : memref<!tpu.dma_semaphore, #tpu.memory_space<semaphore_mem>>) src(%arg13 : memref<40x128xf32, #tpu.memory_space<vmem>>) dst(%dma_wait3A_107 : memref<10240x128xf32, #tpu.memory_space<vmem_shared>>)
        tpu.yield
      }) : () -> ()
      %add3A_95 = arith.constant 3 : i32
      %add3A_96 = arith.addi %mul3A_55, %add3A_95 : i32
      %lt3A_97 = arith.constant 250 : i32
      %lt3A_98 = arith.cmpi slt, %add3A_96, %lt3A_97 : i32
      %convert_element_type3A_99 = arith.extui %lt3A_98 : i1 to i32
      %cond3A_100 = arith.constant 0 : i32
      %cond3A_101 = arith.cmpi ne, %convert_element_type3A_99, %cond3A_100 : i32
      scf.if %cond3A_101 {
        %add3A_102 = arith.constant 3 : i32
        %add3A_103 = arith.addi %mul3A_55, %add3A_102 : i32
        %mul3A_104 = arith.constant 40 : i32
        %mul3A_105 = arith.muli %add3A_103, %mul3A_104 : i32
        %add3A_106 = arith.addi %add3A, %mul3A_105 : i32
        %dma_start3A_107 = tpu.memref_slice %arg4[%add3A_106] : memref<320000xi32, #tpu.memory_space<hbm>> -> memref<40xi32, #tpu.memory_space<hbm>>
        %dma_start3A_108 = tpu.memref_slice %arg4[%add3A_106] : memref<320000xi32, #tpu.memory_space<hbm>> -> memref<40xi32, #tpu.memory_space<hbm>>
        tpu.enqueue_dma source(%dma_start3A_108 : memref<40xi32, #tpu.memory_space<hbm>>) target(%arg9 : memref<40xi32, #tpu.memory_space<vmem>>) target_semaphore(%arg18 : memref<!tpu.dma_semaphore, #tpu.memory_space<semaphore_mem>>)
        %mul3A_109 = arith.constant 40 : i32
        %mul3A_110 = arith.muli %add3A_103, %mul3A_109 : i32
        %add3A_111 = arith.addi %add3A, %mul3A_110 : i32
        %dma_start3A_112 = tpu.memref_slice %arg5[%add3A_111] : memref<320000xi32, #tpu.memory_space<hbm>> -> memref<40xi32, #tpu.memory_space<hbm>>
        %dma_start3A_113 = tpu.memref_slice %arg5[%add3A_111] : memref<320000xi32, #tpu.memory_space<hbm>> -> memref<40xi32, #tpu.memory_space<hbm>>
        tpu.enqueue_dma source(%dma_start3A_113 : memref<40xi32, #tpu.memory_space<hbm>>) target(%arg10 : memref<40xi32, #tpu.memory_space<vmem>>) target_semaphore(%arg19 : memref<!tpu.dma_semaphore, #tpu.memory_space<semaphore_mem>>)
      } else {
      }
    }
    %scan3A_47 = arith.constant 125 : i32
    %barrier3A_48 = arith.constant 0 : index
    tpu.barrier barrier_id(%barrier3A_48)
    %mul3A_49 = arith.constant 640 : i32
    %mul3A_50 = arith.muli %arg1, %mul3A_49 : i32
    %mul3A_51 = arith.constant 640 : i32
    %mul3A_52 = arith.muli %arg1, %mul3A_51 : i32
    "tpu.region"() ({
      %run_scoped3A = tpu.sem_alloc : memref<!tpu.dma_semaphore, #tpu.memory_space<semaphore_mem>>
      %dma_start3A_53 = arith.constant 0 : i32
      %dma_start3A_54 = tpu.memref_slice %arg6[%arg0, %mul3A_52, %dma_start3A_53] : memref<2x10240x128xf32, #tpu.memory_space<hbm>> -> memref<1x640x128xf32, #tpu.memory_space<hbm>>
      %dma_start3A_55 = tpu.memref_squeeze %dma_start3A_54 : memref<1x640x128xf32, #tpu.memory_space<hbm>> -> memref<640x128xf32, #tpu.memory_space<hbm>>
      %dma_start3A_56 = arith.constant 0 : i32
      %dma_start3A_57 = tpu.memref_slice %arg15[%mul3A_50, %dma_start3A_56] : memref<10240x128xf32, #tpu.memory_space<vmem_shared>> -> memref<640x128xf32, #tpu.memory_space<vmem_shared>>
      tpu.enqueue_dma source(%dma_start3A_57 : memref<640x128xf32, #tpu.memory_space<vmem_shared>>) target(%dma_start3A_55 : memref<640x128xf32, #tpu.memory_space<hbm>>) target_semaphore(%run_scoped3A : memref<!tpu.dma_semaphore, #tpu.memory_space<semaphore_mem>>)
      %dma_wait3A_58 = arith.constant 0 : i32
      %dma_wait3A_59 = tpu.memref_slice %arg6[%arg0, %mul3A_52, %dma_wait3A_58] : memref<2x10240x128xf32, #tpu.memory_space<hbm>> -> memref<1x640x128xf32, #tpu.memory_space<hbm>>
      %dma_wait3A_60 = tpu.memref_squeeze %dma_wait3A_59 : memref<1x640x128xf32, #tpu.memory_space<hbm>> -> memref<640x128xf32, #tpu.memory_space<hbm>>
      %dma_wait3A_61 = arith.constant 0 : i32
      %dma_wait3A_62 = tpu.memref_slice %arg15[%mul3A_50, %dma_wait3A_61] : memref<10240x128xf32, #tpu.memory_space<vmem_shared>> -> memref<640x128xf32, #tpu.memory_space<vmem_shared>>
      tpu.wait_dma2 semaphore(%run_scoped3A : memref<!tpu.dma_semaphore, #tpu.memory_space<semaphore_mem>>) src(%dma_wait3A_62 : memref<640x128xf32, #tpu.memory_space<vmem_shared>>) dst(%dma_wait3A_60 : memref<640x128xf32, #tpu.memory_space<hbm>>)
      tpu.yield
    }) : () -> ()
    return
  }
}

#map = affine_map<(d0, d1) -> (0, 0)>
#map1 = affine_map<(d0, d1) -> (0)>
#map2 = affine_map<(d0, d1) -> (0, 0, 0)>
module attributes {stable_mosaic.version = 14 : i64} {
  func.func @_sc_edge_body(%arg0: i32, %arg1: i32, %arg2: memref<10240x128xf32, #tpu.memory_space<hbm>>, %arg3: memref<10240x128xf32, #tpu.memory_space<hbm>>, %arg4: memref<320000xi32, #tpu.memory_space<hbm>>, %arg5: memref<320000xi32, #tpu.memory_space<hbm>>, %arg6: memref<2x10240x128xf32, #tpu.memory_space<hbm>>, %arg7: memref<40xi32, #tpu.memory_space<vmem>>, %arg8: memref<40xi32, #tpu.memory_space<vmem>>, %arg9: memref<40xi32, #tpu.memory_space<vmem>>, %arg10: memref<40xi32, #tpu.memory_space<vmem>>, %arg11: memref<40x128xf32, #tpu.memory_space<vmem>>, %arg12: memref<40x128xf32, #tpu.memory_space<vmem>>, %arg13: memref<40x128xf32, #tpu.memory_space<vmem>>, %arg14: memref<40x128xf32, #tpu.memory_space<vmem>>, %arg15: memref<10240x128xf32, #tpu.memory_space<vmem_shared>>, %arg16: memref<!tpu.dma_semaphore, #tpu.memory_space<semaphore_mem>>, %arg17: memref<!tpu.dma_semaphore, #tpu.memory_space<semaphore_mem>>, %arg18: memref<!tpu.dma_semaphore, #tpu.memory_space<semaphore_mem>>, %arg19: memref<!tpu.dma_semaphore, #tpu.memory_space<semaphore_mem>>, %arg20: memref<!tpu.dma_semaphore, #tpu.memory_space<semaphore_mem>>, %arg21: memref<!tpu.dma_semaphore, #tpu.memory_space<semaphore_mem>>, %arg22: memref<!tpu.dma_semaphore, #tpu.memory_space<semaphore_mem>>, %arg23: memref<!tpu.dma_semaphore, #tpu.memory_space<semaphore_mem>>) attributes {dimension_semantics = [#tpu.dimension_semantics<core_parallel>, #tpu.dimension_semantics<subcore_parallel>], iteration_bounds = array<i64: 2, 16>, scalar_prefetch = 0 : i64, scratch_operands = 17 : i64, tpu.core_type = #tpu.core_type<sc_vector_subcore>, window_params = [{transform_indices = #map}, {transform_indices = #map}, {transform_indices = #map1}, {transform_indices = #map1}, {transform_indices = #map2}]} {
    %scan3A = arith.constant 0 : i32
    %scan3A_0 = arith.constant 0 : i32
    %scan3A_1 = arith.constant 40 : i32
    %scan3A_2 = arith.addi %scan3A_0, %scan3A_1 : i32
    %scan3A_3 = arith.constant 1 : i32
    scf.for %scan3A_53 = %scan3A_0 to %scan3A_2 step %scan3A_3  : i32 {
      %broadcast_in_dim3A = arith.constant 0.000000e+00 : f32
      %broadcast_in_dim3A_54 = vector.broadcast %broadcast_in_dim3A : f32 to vector<16xf32>
      %swap3A = arith.index_cast %scan3A_53 : i32 to index
      %swap3A_55 = arith.constant 0 : index
      %swap3A_56 = tpu.vector_load %arg11[%swap3A, %swap3A_55] {strides = array<i32>} : memref<40x128xf32, #tpu.memory_space<vmem>>, vector<1x16xf32>,
      %swap3A_57 = vector.shape_cast %swap3A_56 : vector<1x16xf32> to vector<16xf32>
      %swap3A_58 = vector.shape_cast %broadcast_in_dim3A_54 : vector<16xf32> to vector<1x16xf32>
      tpu.vector_store %arg11[%swap3A, %swap3A_55], %swap3A_58 {strides = array<i32>} : memref<40x128xf32, #tpu.memory_space<vmem>>, vector<1x16xf32>,
      %broadcast_in_dim3A_59 = arith.constant 0.000000e+00 : f32
      %broadcast_in_dim3A_60 = vector.broadcast %broadcast_in_dim3A_59 : f32 to vector<16xf32>
      %swap3A_61 = arith.index_cast %scan3A_53 : i32 to index
      %swap3A_62 = arith.constant 16 : index
      %swap3A_63 = tpu.vector_load %arg11[%swap3A_61, %swap3A_62] {strides = array<i32>} : memref<40x128xf32, #tpu.memory_space<vmem>>, vector<1x16xf32>,
      %swap3A_64 = vector.shape_cast %swap3A_63 : vector<1x16xf32> to vector<16xf32>
      %swap3A_65 = vector.shape_cast %broadcast_in_dim3A_60 : vector<16xf32> to vector<1x16xf32>
      tpu.vector_store %arg11[%swap3A_61, %swap3A_62], %swap3A_65 {strides = array<i32>} : memref<40x128xf32, #tpu.memory_space<vmem>>, vector<1x16xf32>,
      %broadcast_in_dim3A_66 = arith.constant 0.000000e+00 : f32
      %broadcast_in_dim3A_67 = vector.broadcast %broadcast_in_dim3A_66 : f32 to vector<16xf32>
      %swap3A_68 = arith.index_cast %scan3A_53 : i32 to index
      %swap3A_69 = arith.constant 32 : index
      %swap3A_70 = tpu.vector_load %arg11[%swap3A_68, %swap3A_69] {strides = array<i32>} : memref<40x128xf32, #tpu.memory_space<vmem>>, vector<1x16xf32>,
      %swap3A_71 = vector.shape_cast %swap3A_70 : vector<1x16xf32> to vector<16xf32>
      %swap3A_72 = vector.shape_cast %broadcast_in_dim3A_67 : vector<16xf32> to vector<1x16xf32>
      tpu.vector_store %arg11[%swap3A_68, %swap3A_69], %swap3A_72 {strides = array<i32>} : memref<40x128xf32, #tpu.memory_space<vmem>>, vector<1x16xf32>,
      %broadcast_in_dim3A_73 = arith.constant 0.000000e+00 : f32
      %broadcast_in_dim3A_74 = vector.broadcast %broadcast_in_dim3A_73 : f32 to vector<16xf32>
      %swap3A_75 = arith.index_cast %scan3A_53 : i32 to index
      %swap3A_76 = arith.constant 48 : index
      %swap3A_77 = tpu.vector_load %arg11[%swap3A_75, %swap3A_76] {strides = array<i32>} : memref<40x128xf32, #tpu.memory_space<vmem>>, vector<1x16xf32>,
      %swap3A_78 = vector.shape_cast %swap3A_77 : vector<1x16xf32> to vector<16xf32>
      %swap3A_79 = vector.shape_cast %broadcast_in_dim3A_74 : vector<16xf32> to vector<1x16xf32>
      tpu.vector_store %arg11[%swap3A_75, %swap3A_76], %swap3A_79 {strides = array<i32>} : memref<40x128xf32, #tpu.memory_space<vmem>>, vector<1x16xf32>,
      %broadcast_in_dim3A_80 = arith.constant 0.000000e+00 : f32
      %broadcast_in_dim3A_81 = vector.broadcast %broadcast_in_dim3A_80 : f32 to vector<16xf32>
      %swap3A_82 = arith.index_cast %scan3A_53 : i32 to index
      %swap3A_83 = arith.constant 64 : index
      %swap3A_84 = tpu.vector_load %arg11[%swap3A_82, %swap3A_83] {strides = array<i32>} : memref<40x128xf32, #tpu.memory_space<vmem>>, vector<1x16xf32>,
      %swap3A_85 = vector.shape_cast %swap3A_84 : vector<1x16xf32> to vector<16xf32>
      %swap3A_86 = vector.shape_cast %broadcast_in_dim3A_81 : vector<16xf32> to vector<1x16xf32>
      tpu.vector_store %arg11[%swap3A_82, %swap3A_83], %swap3A_86 {strides = array<i32>} : memref<40x128xf32, #tpu.memory_space<vmem>>, vector<1x16xf32>,
      %broadcast_in_dim3A_87 = arith.constant 0.000000e+00 : f32
      %broadcast_in_dim3A_88 = vector.broadcast %broadcast_in_dim3A_87 : f32 to vector<16xf32>
      %swap3A_89 = arith.index_cast %scan3A_53 : i32 to index
      %swap3A_90 = arith.constant 80 : index
      %swap3A_91 = tpu.vector_load %arg11[%swap3A_89, %swap3A_90] {strides = array<i32>} : memref<40x128xf32, #tpu.memory_space<vmem>>, vector<1x16xf32>,
      %swap3A_92 = vector.shape_cast %swap3A_91 : vector<1x16xf32> to vector<16xf32>
      %swap3A_93 = vector.shape_cast %broadcast_in_dim3A_88 : vector<16xf32> to vector<1x16xf32>
      tpu.vector_store %arg11[%swap3A_89, %swap3A_90], %swap3A_93 {strides = array<i32>} : memref<40x128xf32, #tpu.memory_space<vmem>>, vector<1x16xf32>,
      %broadcast_in_dim3A_94 = arith.constant 0.000000e+00 : f32
      %broadcast_in_dim3A_95 = vector.broadcast %broadcast_in_dim3A_94 : f32 to vector<16xf32>
      %swap3A_96 = arith.index_cast %scan3A_53 : i32 to index
      %swap3A_97 = arith.constant 96 : index
      %swap3A_98 = tpu.vector_load %arg11[%swap3A_96, %swap3A_97] {strides = array<i32>} : memref<40x128xf32, #tpu.memory_space<vmem>>, vector<1x16xf32>,
      %swap3A_99 = vector.shape_cast %swap3A_98 : vector<1x16xf32> to vector<16xf32>
      %swap3A_100 = vector.shape_cast %broadcast_in_dim3A_95 : vector<16xf32> to vector<1x16xf32>
      tpu.vector_store %arg11[%swap3A_96, %swap3A_97], %swap3A_100 {strides = array<i32>} : memref<40x128xf32, #tpu.memory_space<vmem>>, vector<1x16xf32>,
      %broadcast_in_dim3A_101 = arith.constant 0.000000e+00 : f32
      %broadcast_in_dim3A_102 = vector.broadcast %broadcast_in_dim3A_101 : f32 to vector<16xf32>
      %swap3A_103 = arith.index_cast %scan3A_53 : i32 to index
      %swap3A_104 = arith.constant 112 : index
      %swap3A_105 = tpu.vector_load %arg11[%swap3A_103, %swap3A_104] {strides = array<i32>} : memref<40x128xf32, #tpu.memory_space<vmem>>, vector<1x16xf32>,
      %swap3A_106 = vector.shape_cast %swap3A_105 : vector<1x16xf32> to vector<16xf32>
      %swap3A_107 = vector.shape_cast %broadcast_in_dim3A_102 : vector<16xf32> to vector<1x16xf32>
      tpu.vector_store %arg11[%swap3A_103, %swap3A_104], %swap3A_107 {strides = array<i32>} : memref<40x128xf32, #tpu.memory_space<vmem>>, vector<1x16xf32>,
    }
    %scan3A_4 = arith.constant 40 : i32
    %scan3A_5 = arith.constant 0 : i32
    %scan3A_6 = arith.constant 0 : i32
    %scan3A_7 = arith.constant 16 : i32
    %scan3A_8 = arith.addi %scan3A_6, %scan3A_7 : i32
    %scan3A_9 = arith.constant 1 : i32
    scf.for %scan3A_53 = %scan3A_6 to %scan3A_8 step %scan3A_9  : i32 {
      %mul3A_54 = arith.constant 640 : i32
      %mul3A_55 = arith.muli %arg1, %mul3A_54 : i32
      %mul3A_56 = arith.constant 40 : i32
      %mul3A_57 = arith.muli %scan3A_53, %mul3A_56 : i32
      %add3A_58 = arith.addi %mul3A_55, %mul3A_57 : i32
      "tpu.region"() ({
        %run_scoped3A = tpu.sem_alloc : memref<!tpu.dma_semaphore, #tpu.memory_space<semaphore_mem>>
        %dma_start3A_59 = arith.constant 0 : i32
        %dma_start3A_60 = arith.constant 0 : i32
        %dma_start3A_61 = tpu.memref_slice %arg11[%dma_start3A_59, %dma_start3A_60] : memref<40x128xf32, #tpu.memory_space<vmem>> -> memref<40x128xf32, #tpu.memory_space<vmem>>
        %dma_start3A_62 = arith.constant 0 : i32
        %dma_start3A_63 = tpu.memref_slice %arg15[%add3A_58, %dma_start3A_62] : memref<10240x128xf32, #tpu.memory_space<vmem_shared>> -> memref<40x128xf32, #tpu.memory_space<vmem_shared>>
        %dma_start3A_64 = arith.constant 0 : i32
        %dma_start3A_65 = tpu.memref_slice %arg15[%add3A_58, %dma_start3A_64] : memref<10240x128xf32, #tpu.memory_space<vmem_shared>> -> memref<40x128xf32, #tpu.memory_space<vmem_shared>>
        %dma_start3A_66 = arith.constant 0 : i32
        %dma_start3A_67 = arith.constant 0 : i32
        %dma_start3A_68 = tpu.memref_slice %arg11[%dma_start3A_66, %dma_start3A_67] : memref<40x128xf32, #tpu.memory_space<vmem>> -> memref<40x128xf32, #tpu.memory_space<vmem>>
        tpu.enqueue_dma source(%dma_start3A_68 : memref<40x128xf32, #tpu.memory_space<vmem>>) target(%dma_start3A_65 : memref<40x128xf32, #tpu.memory_space<vmem_shared>>) target_semaphore(%run_scoped3A : memref<!tpu.dma_semaphore, #tpu.memory_space<semaphore_mem>>)
        %dma_wait3A_69 = arith.constant 0 : i32
        %dma_wait3A_70 = arith.constant 0 : i32
        %dma_wait3A_71 = tpu.memref_slice %arg11[%dma_wait3A_69, %dma_wait3A_70] : memref<40x128xf32, #tpu.memory_space<vmem>> -> memref<40x128xf32, #tpu.memory_space<vmem>>
        %dma_wait3A_72 = arith.constant 0 : i32
        %dma_wait3A_73 = tpu.memref_slice %arg15[%add3A_58, %dma_wait3A_72] : memref<10240x128xf32, #tpu.memory_space<vmem_shared>> -> memref<40x128xf32, #tpu.memory_space<vmem_shared>>
        %dma_wait3A_74 = arith.constant 0 : i32
        %dma_wait3A_75 = tpu.memref_slice %arg15[%add3A_58, %dma_wait3A_74] : memref<10240x128xf32, #tpu.memory_space<vmem_shared>> -> memref<40x128xf32, #tpu.memory_space<vmem_shared>>
        %dma_wait3A_76 = arith.constant 0 : i32
        %dma_wait3A_77 = arith.constant 0 : i32
        %dma_wait3A_78 = tpu.memref_slice %arg11[%dma_wait3A_76, %dma_wait3A_77] : memref<40x128xf32, #tpu.memory_space<vmem>> -> memref<40x128xf32, #tpu.memory_space<vmem>>
        tpu.wait_dma2 semaphore(%run_scoped3A : memref<!tpu.dma_semaphore, #tpu.memory_space<semaphore_mem>>) src(%dma_wait3A_78 : memref<40x128xf32, #tpu.memory_space<vmem>>) dst(%dma_wait3A_75 : memref<40x128xf32, #tpu.memory_space<vmem_shared>>)
        tpu.yield
      }) : () -> ()
    }
    %scan3A_10 = arith.constant 16 : i32
    %barrier3A = arith.constant 0 : index
    tpu.barrier barrier_id(%barrier3A)
    %mul3A = arith.constant 160000 : i32
    %mul3A_11 = arith.muli %arg0, %mul3A : i32
    %mul3A_12 = arith.constant 10000 : i32
    %mul3A_13 = arith.muli %arg1, %mul3A_12 : i32
    %add3A = arith.addi %mul3A_11, %mul3A_13 : i32
    %add3A_14 = arith.constant 0 : i32
    %add3A_15 = arith.addi %add3A, %add3A_14 : i32
    %dma_start3A = tpu.memref_slice %arg4[%add3A_15] : memref<320000xi32, #tpu.memory_space<hbm>> -> memref<40xi32, #tpu.memory_space<hbm>>
    %dma_start3A_16 = tpu.memref_slice %arg4[%add3A_15] : memref<320000xi32, #tpu.memory_space<hbm>> -> memref<40xi32, #tpu.memory_space<hbm>>
    tpu.enqueue_dma source(%dma_start3A_16 : memref<40xi32, #tpu.memory_space<hbm>>) target(%arg7 : memref<40xi32, #tpu.memory_space<vmem>>) target_semaphore(%arg16 : memref<!tpu.dma_semaphore, #tpu.memory_space<semaphore_mem>>)
    %add3A_17 = arith.constant 0 : i32
    %add3A_18 = arith.addi %add3A, %add3A_17 : i32
    %dma_start3A_19 = tpu.memref_slice %arg5[%add3A_18] : memref<320000xi32, #tpu.memory_space<hbm>> -> memref<40xi32, #tpu.memory_space<hbm>>
    %dma_start3A_20 = tpu.memref_slice %arg5[%add3A_18] : memref<320000xi32, #tpu.memory_space<hbm>> -> memref<40xi32, #tpu.memory_space<hbm>>
    tpu.enqueue_dma source(%dma_start3A_20 : memref<40xi32, #tpu.memory_space<hbm>>) target(%arg8 : memref<40xi32, #tpu.memory_space<vmem>>) target_semaphore(%arg17 : memref<!tpu.dma_semaphore, #tpu.memory_space<semaphore_mem>>)
    %add3A_21 = arith.constant 0 : i32
    %add3A_22 = arith.addi %add3A, %add3A_21 : i32
    %dma_wait3A = tpu.memref_slice %arg4[%add3A_22] : memref<320000xi32, #tpu.memory_space<hbm>> -> memref<40xi32, #tpu.memory_space<hbm>>
    %dma_wait3A_23 = tpu.memref_slice %arg4[%add3A_22] : memref<320000xi32, #tpu.memory_space<hbm>> -> memref<40xi32, #tpu.memory_space<hbm>>
    tpu.wait_dma2 semaphore(%arg16 : memref<!tpu.dma_semaphore, #tpu.memory_space<semaphore_mem>>) src(%dma_wait3A_23 : memref<40xi32, #tpu.memory_space<hbm>>) dst(%arg7 : memref<40xi32, #tpu.memory_space<vmem>>)
    %add3A_24 = arith.constant 0 : i32
    %add3A_25 = arith.addi %add3A, %add3A_24 : i32
    %dma_wait3A_26 = tpu.memref_slice %arg5[%add3A_25] : memref<320000xi32, #tpu.memory_space<hbm>> -> memref<40xi32, #tpu.memory_space<hbm>>
    %dma_wait3A_27 = tpu.memref_slice %arg5[%add3A_25] : memref<320000xi32, #tpu.memory_space<hbm>> -> memref<40xi32, #tpu.memory_space<hbm>>
    tpu.wait_dma2 semaphore(%arg17 : memref<!tpu.dma_semaphore, #tpu.memory_space<semaphore_mem>>) src(%dma_wait3A_27 : memref<40xi32, #tpu.memory_space<hbm>>) dst(%arg8 : memref<40xi32, #tpu.memory_space<vmem>>)
    %dma_start3A_28 = arith.constant 0 : i32
    %dma_start3A_29 = arith.constant 0 : i32
    %dma_start3A_30 = tpu.memref_slice %arg2[%dma_start3A_28, %dma_start3A_29] : memref<10240x128xf32, #tpu.memory_space<hbm>> -> memref<10240x128xf32, #tpu.memory_space<hbm>>
    tpu.enqueue_indirect_dma source(%dma_start3A_30 : memref<10240x128xf32, #tpu.memory_space<hbm>>) target(%arg11 : memref<40x128xf32, #tpu.memory_space<vmem>>) offsets(%arg8 : memref<40xi32, #tpu.memory_space<vmem>>) semaphore(%arg20 : memref<!tpu.dma_semaphore, #tpu.memory_space<semaphore_mem>>)
    %dma_start3A_31 = arith.constant 0 : i32
    %dma_start3A_32 = arith.constant 0 : i32
    %dma_start3A_33 = tpu.memref_slice %arg3[%dma_start3A_31, %dma_start3A_32] : memref<10240x128xf32, #tpu.memory_space<hbm>> -> memref<10240x128xf32, #tpu.memory_space<hbm>>
    tpu.enqueue_indirect_dma source(%dma_start3A_33 : memref<10240x128xf32, #tpu.memory_space<hbm>>) target(%arg12 : memref<40x128xf32, #tpu.memory_space<vmem>>) offsets(%arg7 : memref<40xi32, #tpu.memory_space<vmem>>) semaphore(%arg21 : memref<!tpu.dma_semaphore, #tpu.memory_space<semaphore_mem>>)
    %add3A_34 = arith.constant 40 : i32
    %add3A_35 = arith.addi %add3A, %add3A_34 : i32
    %dma_start3A_36 = tpu.memref_slice %arg4[%add3A_35] : memref<320000xi32, #tpu.memory_space<hbm>> -> memref<40xi32, #tpu.memory_space<hbm>>
    %dma_start3A_37 = tpu.memref_slice %arg4[%add3A_35] : memref<320000xi32, #tpu.memory_space<hbm>> -> memref<40xi32, #tpu.memory_space<hbm>>
    tpu.enqueue_dma source(%dma_start3A_37 : memref<40xi32, #tpu.memory_space<hbm>>) target(%arg9 : memref<40xi32, #tpu.memory_space<vmem>>) target_semaphore(%arg18 : memref<!tpu.dma_semaphore, #tpu.memory_space<semaphore_mem>>)
    %add3A_38 = arith.constant 40 : i32
    %add3A_39 = arith.addi %add3A, %add3A_38 : i32
    %dma_start3A_40 = tpu.memref_slice %arg5[%add3A_39] : memref<320000xi32, #tpu.memory_space<hbm>> -> memref<40xi32, #tpu.memory_space<hbm>>
    %dma_start3A_41 = tpu.memref_slice %arg5[%add3A_39] : memref<320000xi32, #tpu.memory_space<hbm>> -> memref<40xi32, #tpu.memory_space<hbm>>
    tpu.enqueue_dma source(%dma_start3A_41 : memref<40xi32, #tpu.memory_space<hbm>>) target(%arg10 : memref<40xi32, #tpu.memory_space<vmem>>) target_semaphore(%arg19 : memref<!tpu.dma_semaphore, #tpu.memory_space<semaphore_mem>>)
    %scan3A_42 = arith.constant 0 : i32
    %scan3A_43 = arith.constant 0 : i32
    %scan3A_44 = arith.constant 125 : i32
    %scan3A_45 = arith.addi %scan3A_43, %scan3A_44 : i32
    %scan3A_46 = arith.constant 1 : i32
    scf.for %scan3A_53 = %scan3A_43 to %scan3A_45 step %scan3A_46  : i32 {
      %mul3A_54 = arith.constant 2 : i32
      %mul3A_55 = arith.muli %mul3A_54, %scan3A_53 : i32
      %add3A_56 = arith.constant 1 : i32
      %add3A_57 = arith.addi %mul3A_55, %add3A_56 : i32
      %mul3A_58 = arith.constant 40 : i32
      %mul3A_59 = arith.muli %add3A_57, %mul3A_58 : i32
      %add3A_60 = arith.addi %add3A, %mul3A_59 : i32
      %dma_wait3A_61 = tpu.memref_slice %arg4[%add3A_60] : memref<320000xi32, #tpu.memory_space<hbm>> -> memref<40xi32, #tpu.memory_space<hbm>>
      %dma_wait3A_62 = tpu.memref_slice %arg4[%add3A_60] : memref<320000xi32, #tpu.memory_space<hbm>> -> memref<40xi32, #tpu.memory_space<hbm>>
      tpu.wait_dma2 semaphore(%arg18 : memref<!tpu.dma_semaphore, #tpu.memory_space<semaphore_mem>>) src(%dma_wait3A_62 : memref<40xi32, #tpu.memory_space<hbm>>) dst(%arg9 : memref<40xi32, #tpu.memory_space<vmem>>)
      %mul3A_63 = arith.constant 40 : i32
      %mul3A_64 = arith.muli %add3A_57, %mul3A_63 : i32
      %add3A_65 = arith.addi %add3A, %mul3A_64 : i32
      %dma_wait3A_66 = tpu.memref_slice %arg5[%add3A_65] : memref<320000xi32, #tpu.memory_space<hbm>> -> memref<40xi32, #tpu.memory_space<hbm>>
      %dma_wait3A_67 = tpu.memref_slice %arg5[%add3A_65] : memref<320000xi32, #tpu.memory_space<hbm>> -> memref<40xi32, #tpu.memory_space<hbm>>
      tpu.wait_dma2 semaphore(%arg19 : memref<!tpu.dma_semaphore, #tpu.memory_space<semaphore_mem>>) src(%dma_wait3A_67 : memref<40xi32, #tpu.memory_space<hbm>>) dst(%arg10 : memref<40xi32, #tpu.memory_space<vmem>>)
      %dma_start3A_68 = arith.constant 0 : i32
      %dma_start3A_69 = arith.constant 0 : i32
      %dma_start3A_70 = tpu.memref_slice %arg2[%dma_start3A_68, %dma_start3A_69] : memref<10240x128xf32, #tpu.memory_space<hbm>> -> memref<10240x128xf32, #tpu.memory_space<hbm>>
      tpu.enqueue_indirect_dma source(%dma_start3A_70 : memref<10240x128xf32, #tpu.memory_space<hbm>>) target(%arg13 : memref<40x128xf32, #tpu.memory_space<vmem>>) offsets(%arg10 : memref<40xi32, #tpu.memory_space<vmem>>) semaphore(%arg22 : memref<!tpu.dma_semaphore, #tpu.memory_space<semaphore_mem>>)
      %dma_start3A_71 = arith.constant 0 : i32
      %dma_start3A_72 = arith.constant 0 : i32
      %dma_start3A_73 = tpu.memref_slice %arg3[%dma_start3A_71, %dma_start3A_72] : memref<10240x128xf32, #tpu.memory_space<hbm>> -> memref<10240x128xf32, #tpu.memory_space<hbm>>
      tpu.enqueue_indirect_dma source(%dma_start3A_73 : memref<10240x128xf32, #tpu.memory_space<hbm>>) target(%arg14 : memref<40x128xf32, #tpu.memory_space<vmem>>) offsets(%arg9 : memref<40xi32, #tpu.memory_space<vmem>>) semaphore(%arg23 : memref<!tpu.dma_semaphore, #tpu.memory_space<semaphore_mem>>)
      %dma_wait3A_74 = arith.constant 0 : i32
      %dma_wait3A_75 = arith.constant 0 : i32
      %dma_wait3A_76 = tpu.memref_slice %arg2[%dma_wait3A_74, %dma_wait3A_75] : memref<10240x128xf32, #tpu.memory_space<hbm>> -> memref<10240x128xf32, #tpu.memory_space<hbm>>
      tpu.wait_indirect_dma semaphore(%arg20 : memref<!tpu.dma_semaphore, #tpu.memory_space<semaphore_mem>>) src(%dma_wait3A_76 : memref<10240x128xf32, #tpu.memory_space<hbm>>) dst(%arg11 : memref<40x128xf32, #tpu.memory_space<vmem>>)
      %dma_wait3A_77 = arith.constant 0 : i32
      %dma_wait3A_78 = arith.constant 0 : i32
      %dma_wait3A_79 = tpu.memref_slice %arg3[%dma_wait3A_77, %dma_wait3A_78] : memref<10240x128xf32, #tpu.memory_space<hbm>> -> memref<10240x128xf32, #tpu.memory_space<hbm>>
      tpu.wait_indirect_dma semaphore(%arg21 : memref<!tpu.dma_semaphore, #tpu.memory_space<semaphore_mem>>) src(%dma_wait3A_79 : memref<10240x128xf32, #tpu.memory_space<hbm>>) dst(%arg12 : memref<40x128xf32, #tpu.memory_space<vmem>>)
      %parallel_loop3A = arith.constant 0 : i32
      %parallel_loop3A_80 = arith.constant 40 : i32
      %parallel_loop3A_81 = arith.constant 1 : i32
      scf.for %parallel_loop3A_102 = %parallel_loop3A to %parallel_loop3A_80 step %parallel_loop3A_81  : i32 {
        %parallel_loop3A_103 = arith.index_cast %parallel_loop3A_102 : i32 to index
        %parallel_loop3A_104 = arith.constant 0 : index
        %parallel_loop3A_105 = tpu.vector_load %arg11[%parallel_loop3A_103, %parallel_loop3A_104] {strides = array<i32>} : memref<40x128xf32, #tpu.memory_space<vmem>>, vector<1x16xf32>,
        %parallel_loop3A_106 = vector.shape_cast %parallel_loop3A_105 : vector<1x16xf32> to vector<16xf32>
        %parallel_loop3A_107 = arith.index_cast %parallel_loop3A_102 : i32 to index
        %parallel_loop3A_108 = arith.constant 0 : index
        %parallel_loop3A_109 = tpu.vector_load %arg12[%parallel_loop3A_107, %parallel_loop3A_108] {strides = array<i32>} : memref<40x128xf32, #tpu.memory_space<vmem>>, vector<1x16xf32>,
        %parallel_loop3A_110 = vector.shape_cast %parallel_loop3A_109 : vector<1x16xf32> to vector<16xf32>
        %parallel_loop3A_111 = arith.addf %parallel_loop3A_106, %parallel_loop3A_110 : vector<16xf32>
        %parallel_loop3A_112 = arith.constant 0.000000e+00 : f32
        %parallel_loop3A_113 = vector.broadcast %parallel_loop3A_112 : f32 to vector<16xf32>
        %parallel_loop3A_114 = arith.maximumf %parallel_loop3A_111, %parallel_loop3A_113 : vector<16xf32>
        %parallel_loop3A_115 = arith.index_cast %parallel_loop3A_102 : i32 to index
        %parallel_loop3A_116 = arith.constant 0 : index
        %parallel_loop3A_117 = tpu.vector_load %arg11[%parallel_loop3A_115, %parallel_loop3A_116] {strides = array<i32>} : memref<40x128xf32, #tpu.memory_space<vmem>>, vector<1x16xf32>,
        %parallel_loop3A_118 = vector.shape_cast %parallel_loop3A_117 : vector<1x16xf32> to vector<16xf32>
        %parallel_loop3A_119 = vector.shape_cast %parallel_loop3A_114 : vector<16xf32> to vector<1x16xf32>
        tpu.vector_store %arg11[%parallel_loop3A_115, %parallel_loop3A_116], %parallel_loop3A_119 {strides = array<i32>} : memref<40x128xf32, #tpu.memory_space<vmem>>, vector<1x16xf32>,
        %parallel_loop3A_120 = arith.index_cast %parallel_loop3A_102 : i32 to index
        %parallel_loop3A_121 = arith.constant 16 : index
        %parallel_loop3A_122 = tpu.vector_load %arg11[%parallel_loop3A_120, %parallel_loop3A_121] {strides = array<i32>} : memref<40x128xf32, #tpu.memory_space<vmem>>, vector<1x16xf32>,
        %parallel_loop3A_123 = vector.shape_cast %parallel_loop3A_122 : vector<1x16xf32> to vector<16xf32>
        %parallel_loop3A_124 = arith.index_cast %parallel_loop3A_102 : i32 to index
        %parallel_loop3A_125 = arith.constant 16 : index
        %parallel_loop3A_126 = tpu.vector_load %arg12[%parallel_loop3A_124, %parallel_loop3A_125] {strides = array<i32>} : memref<40x128xf32, #tpu.memory_space<vmem>>, vector<1x16xf32>,
        %parallel_loop3A_127 = vector.shape_cast %parallel_loop3A_126 : vector<1x16xf32> to vector<16xf32>
        %parallel_loop3A_128 = arith.addf %parallel_loop3A_123, %parallel_loop3A_127 : vector<16xf32>
        %parallel_loop3A_129 = arith.constant 0.000000e+00 : f32
        %parallel_loop3A_130 = vector.broadcast %parallel_loop3A_129 : f32 to vector<16xf32>
        %parallel_loop3A_131 = arith.maximumf %parallel_loop3A_128, %parallel_loop3A_130 : vector<16xf32>
        %parallel_loop3A_132 = arith.index_cast %parallel_loop3A_102 : i32 to index
        %parallel_loop3A_133 = arith.constant 16 : index
        %parallel_loop3A_134 = tpu.vector_load %arg11[%parallel_loop3A_132, %parallel_loop3A_133] {strides = array<i32>} : memref<40x128xf32, #tpu.memory_space<vmem>>, vector<1x16xf32>,
        %parallel_loop3A_135 = vector.shape_cast %parallel_loop3A_134 : vector<1x16xf32> to vector<16xf32>
        %parallel_loop3A_136 = vector.shape_cast %parallel_loop3A_131 : vector<16xf32> to vector<1x16xf32>
        tpu.vector_store %arg11[%parallel_loop3A_132, %parallel_loop3A_133], %parallel_loop3A_136 {strides = array<i32>} : memref<40x128xf32, #tpu.memory_space<vmem>>, vector<1x16xf32>,
        %parallel_loop3A_137 = arith.index_cast %parallel_loop3A_102 : i32 to index
        %parallel_loop3A_138 = arith.constant 32 : index
        %parallel_loop3A_139 = tpu.vector_load %arg11[%parallel_loop3A_137, %parallel_loop3A_138] {strides = array<i32>} : memref<40x128xf32, #tpu.memory_space<vmem>>, vector<1x16xf32>,
        %parallel_loop3A_140 = vector.shape_cast %parallel_loop3A_139 : vector<1x16xf32> to vector<16xf32>
        %parallel_loop3A_141 = arith.index_cast %parallel_loop3A_102 : i32 to index
        %parallel_loop3A_142 = arith.constant 32 : index
        %parallel_loop3A_143 = tpu.vector_load %arg12[%parallel_loop3A_141, %parallel_loop3A_142] {strides = array<i32>} : memref<40x128xf32, #tpu.memory_space<vmem>>, vector<1x16xf32>,
        %parallel_loop3A_144 = vector.shape_cast %parallel_loop3A_143 : vector<1x16xf32> to vector<16xf32>
        %parallel_loop3A_145 = arith.addf %parallel_loop3A_140, %parallel_loop3A_144 : vector<16xf32>
        %parallel_loop3A_146 = arith.constant 0.000000e+00 : f32
        %parallel_loop3A_147 = vector.broadcast %parallel_loop3A_146 : f32 to vector<16xf32>
        %parallel_loop3A_148 = arith.maximumf %parallel_loop3A_145, %parallel_loop3A_147 : vector<16xf32>
        %parallel_loop3A_149 = arith.index_cast %parallel_loop3A_102 : i32 to index
        %parallel_loop3A_150 = arith.constant 32 : index
        %parallel_loop3A_151 = tpu.vector_load %arg11[%parallel_loop3A_149, %parallel_loop3A_150] {strides = array<i32>} : memref<40x128xf32, #tpu.memory_space<vmem>>, vector<1x16xf32>,
        %parallel_loop3A_152 = vector.shape_cast %parallel_loop3A_151 : vector<1x16xf32> to vector<16xf32>
        %parallel_loop3A_153 = vector.shape_cast %parallel_loop3A_148 : vector<16xf32> to vector<1x16xf32>
        tpu.vector_store %arg11[%parallel_loop3A_149, %parallel_loop3A_150], %parallel_loop3A_153 {strides = array<i32>} : memref<40x128xf32, #tpu.memory_space<vmem>>, vector<1x16xf32>,
        %parallel_loop3A_154 = arith.index_cast %parallel_loop3A_102 : i32 to index
        %parallel_loop3A_155 = arith.constant 48 : index
        %parallel_loop3A_156 = tpu.vector_load %arg11[%parallel_loop3A_154, %parallel_loop3A_155] {strides = array<i32>} : memref<40x128xf32, #tpu.memory_space<vmem>>, vector<1x16xf32>,
        %parallel_loop3A_157 = vector.shape_cast %parallel_loop3A_156 : vector<1x16xf32> to vector<16xf32>
        %parallel_loop3A_158 = arith.index_cast %parallel_loop3A_102 : i32 to index
        %parallel_loop3A_159 = arith.constant 48 : index
        %parallel_loop3A_160 = tpu.vector_load %arg12[%parallel_loop3A_158, %parallel_loop3A_159] {strides = array<i32>} : memref<40x128xf32, #tpu.memory_space<vmem>>, vector<1x16xf32>,
        %parallel_loop3A_161 = vector.shape_cast %parallel_loop3A_160 : vector<1x16xf32> to vector<16xf32>
        %parallel_loop3A_162 = arith.addf %parallel_loop3A_157, %parallel_loop3A_161 : vector<16xf32>
        %parallel_loop3A_163 = arith.constant 0.000000e+00 : f32
        %parallel_loop3A_164 = vector.broadcast %parallel_loop3A_163 : f32 to vector<16xf32>
        %parallel_loop3A_165 = arith.maximumf %parallel_loop3A_162, %parallel_loop3A_164 : vector<16xf32>
        %parallel_loop3A_166 = arith.index_cast %parallel_loop3A_102 : i32 to index
        %parallel_loop3A_167 = arith.constant 48 : index
        %parallel_loop3A_168 = tpu.vector_load %arg11[%parallel_loop3A_166, %parallel_loop3A_167] {strides = array<i32>} : memref<40x128xf32, #tpu.memory_space<vmem>>, vector<1x16xf32>,
        %parallel_loop3A_169 = vector.shape_cast %parallel_loop3A_168 : vector<1x16xf32> to vector<16xf32>
        %parallel_loop3A_170 = vector.shape_cast %parallel_loop3A_165 : vector<16xf32> to vector<1x16xf32>
        tpu.vector_store %arg11[%parallel_loop3A_166, %parallel_loop3A_167], %parallel_loop3A_170 {strides = array<i32>} : memref<40x128xf32, #tpu.memory_space<vmem>>, vector<1x16xf32>,
        %parallel_loop3A_171 = arith.index_cast %parallel_loop3A_102 : i32 to index
        %parallel_loop3A_172 = arith.constant 64 : index
        %parallel_loop3A_173 = tpu.vector_load %arg11[%parallel_loop3A_171, %parallel_loop3A_172] {strides = array<i32>} : memref<40x128xf32, #tpu.memory_space<vmem>>, vector<1x16xf32>,
        %parallel_loop3A_174 = vector.shape_cast %parallel_loop3A_173 : vector<1x16xf32> to vector<16xf32>
        %parallel_loop3A_175 = arith.index_cast %parallel_loop3A_102 : i32 to index
        %parallel_loop3A_176 = arith.constant 64 : index
        %parallel_loop3A_177 = tpu.vector_load %arg12[%parallel_loop3A_175, %parallel_loop3A_176] {strides = array<i32>} : memref<40x128xf32, #tpu.memory_space<vmem>>, vector<1x16xf32>,
        %parallel_loop3A_178 = vector.shape_cast %parallel_loop3A_177 : vector<1x16xf32> to vector<16xf32>
        %parallel_loop3A_179 = arith.addf %parallel_loop3A_174, %parallel_loop3A_178 : vector<16xf32>
        %parallel_loop3A_180 = arith.constant 0.000000e+00 : f32
        %parallel_loop3A_181 = vector.broadcast %parallel_loop3A_180 : f32 to vector<16xf32>
        %parallel_loop3A_182 = arith.maximumf %parallel_loop3A_179, %parallel_loop3A_181 : vector<16xf32>
        %parallel_loop3A_183 = arith.index_cast %parallel_loop3A_102 : i32 to index
        %parallel_loop3A_184 = arith.constant 64 : index
        %parallel_loop3A_185 = tpu.vector_load %arg11[%parallel_loop3A_183, %parallel_loop3A_184] {strides = array<i32>} : memref<40x128xf32, #tpu.memory_space<vmem>>, vector<1x16xf32>,
        %parallel_loop3A_186 = vector.shape_cast %parallel_loop3A_185 : vector<1x16xf32> to vector<16xf32>
        %parallel_loop3A_187 = vector.shape_cast %parallel_loop3A_182 : vector<16xf32> to vector<1x16xf32>
        tpu.vector_store %arg11[%parallel_loop3A_183, %parallel_loop3A_184], %parallel_loop3A_187 {strides = array<i32>} : memref<40x128xf32, #tpu.memory_space<vmem>>, vector<1x16xf32>,
        %parallel_loop3A_188 = arith.index_cast %parallel_loop3A_102 : i32 to index
        %parallel_loop3A_189 = arith.constant 80 : index
        %parallel_loop3A_190 = tpu.vector_load %arg11[%parallel_loop3A_188, %parallel_loop3A_189] {strides = array<i32>} : memref<40x128xf32, #tpu.memory_space<vmem>>, vector<1x16xf32>,
        %parallel_loop3A_191 = vector.shape_cast %parallel_loop3A_190 : vector<1x16xf32> to vector<16xf32>
        %parallel_loop3A_192 = arith.index_cast %parallel_loop3A_102 : i32 to index
        %parallel_loop3A_193 = arith.constant 80 : index
        %parallel_loop3A_194 = tpu.vector_load %arg12[%parallel_loop3A_192, %parallel_loop3A_193] {strides = array<i32>} : memref<40x128xf32, #tpu.memory_space<vmem>>, vector<1x16xf32>,
        %parallel_loop3A_195 = vector.shape_cast %parallel_loop3A_194 : vector<1x16xf32> to vector<16xf32>
        %parallel_loop3A_196 = arith.addf %parallel_loop3A_191, %parallel_loop3A_195 : vector<16xf32>
        %parallel_loop3A_197 = arith.constant 0.000000e+00 : f32
        %parallel_loop3A_198 = vector.broadcast %parallel_loop3A_197 : f32 to vector<16xf32>
        %parallel_loop3A_199 = arith.maximumf %parallel_loop3A_196, %parallel_loop3A_198 : vector<16xf32>
        %parallel_loop3A_200 = arith.index_cast %parallel_loop3A_102 : i32 to index
        %parallel_loop3A_201 = arith.constant 80 : index
        %parallel_loop3A_202 = tpu.vector_load %arg11[%parallel_loop3A_200, %parallel_loop3A_201] {strides = array<i32>} : memref<40x128xf32, #tpu.memory_space<vmem>>, vector<1x16xf32>,
        %parallel_loop3A_203 = vector.shape_cast %parallel_loop3A_202 : vector<1x16xf32> to vector<16xf32>
        %parallel_loop3A_204 = vector.shape_cast %parallel_loop3A_199 : vector<16xf32> to vector<1x16xf32>
        tpu.vector_store %arg11[%parallel_loop3A_200, %parallel_loop3A_201], %parallel_loop3A_204 {strides = array<i32>} : memref<40x128xf32, #tpu.memory_space<vmem>>, vector<1x16xf32>,
        %parallel_loop3A_205 = arith.index_cast %parallel_loop3A_102 : i32 to index
        %parallel_loop3A_206 = arith.constant 96 : index
        %parallel_loop3A_207 = tpu.vector_load %arg11[%parallel_loop3A_205, %parallel_loop3A_206] {strides = array<i32>} : memref<40x128xf32, #tpu.memory_space<vmem>>, vector<1x16xf32>,
        %parallel_loop3A_208 = vector.shape_cast %parallel_loop3A_207 : vector<1x16xf32> to vector<16xf32>
        %parallel_loop3A_209 = arith.index_cast %parallel_loop3A_102 : i32 to index
        %parallel_loop3A_210 = arith.constant 96 : index
        %parallel_loop3A_211 = tpu.vector_load %arg12[%parallel_loop3A_209, %parallel_loop3A_210] {strides = array<i32>} : memref<40x128xf32, #tpu.memory_space<vmem>>, vector<1x16xf32>,
        %parallel_loop3A_212 = vector.shape_cast %parallel_loop3A_211 : vector<1x16xf32> to vector<16xf32>
        %parallel_loop3A_213 = arith.addf %parallel_loop3A_208, %parallel_loop3A_212 : vector<16xf32>
        %parallel_loop3A_214 = arith.constant 0.000000e+00 : f32
        %parallel_loop3A_215 = vector.broadcast %parallel_loop3A_214 : f32 to vector<16xf32>
        %parallel_loop3A_216 = arith.maximumf %parallel_loop3A_213, %parallel_loop3A_215 : vector<16xf32>
        %parallel_loop3A_217 = arith.index_cast %parallel_loop3A_102 : i32 to index
        %parallel_loop3A_218 = arith.constant 96 : index
        %parallel_loop3A_219 = tpu.vector_load %arg11[%parallel_loop3A_217, %parallel_loop3A_218] {strides = array<i32>} : memref<40x128xf32, #tpu.memory_space<vmem>>, vector<1x16xf32>,
        %parallel_loop3A_220 = vector.shape_cast %parallel_loop3A_219 : vector<1x16xf32> to vector<16xf32>
        %parallel_loop3A_221 = vector.shape_cast %parallel_loop3A_216 : vector<16xf32> to vector<1x16xf32>
        tpu.vector_store %arg11[%parallel_loop3A_217, %parallel_loop3A_218], %parallel_loop3A_221 {strides = array<i32>} : memref<40x128xf32, #tpu.memory_space<vmem>>, vector<1x16xf32>,
        %parallel_loop3A_222 = arith.index_cast %parallel_loop3A_102 : i32 to index
        %parallel_loop3A_223 = arith.constant 112 : index
        %parallel_loop3A_224 = tpu.vector_load %arg11[%parallel_loop3A_222, %parallel_loop3A_223] {strides = array<i32>} : memref<40x128xf32, #tpu.memory_space<vmem>>, vector<1x16xf32>,
        %parallel_loop3A_225 = vector.shape_cast %parallel_loop3A_224 : vector<1x16xf32> to vector<16xf32>
        %parallel_loop3A_226 = arith.index_cast %parallel_loop3A_102 : i32 to index
        %parallel_loop3A_227 = arith.constant 112 : index
        %parallel_loop3A_228 = tpu.vector_load %arg12[%parallel_loop3A_226, %parallel_loop3A_227] {strides = array<i32>} : memref<40x128xf32, #tpu.memory_space<vmem>>, vector<1x16xf32>,
        %parallel_loop3A_229 = vector.shape_cast %parallel_loop3A_228 : vector<1x16xf32> to vector<16xf32>
        %parallel_loop3A_230 = arith.addf %parallel_loop3A_225, %parallel_loop3A_229 : vector<16xf32>
        %parallel_loop3A_231 = arith.constant 0.000000e+00 : f32
        %parallel_loop3A_232 = vector.broadcast %parallel_loop3A_231 : f32 to vector<16xf32>
        %parallel_loop3A_233 = arith.maximumf %parallel_loop3A_230, %parallel_loop3A_232 : vector<16xf32>
        %parallel_loop3A_234 = arith.index_cast %parallel_loop3A_102 : i32 to index
        %parallel_loop3A_235 = arith.constant 112 : index
        %parallel_loop3A_236 = tpu.vector_load %arg11[%parallel_loop3A_234, %parallel_loop3A_235] {strides = array<i32>} : memref<40x128xf32, #tpu.memory_space<vmem>>, vector<1x16xf32>,
        %parallel_loop3A_237 = vector.shape_cast %parallel_loop3A_236 : vector<1x16xf32> to vector<16xf32>
        %parallel_loop3A_238 = vector.shape_cast %parallel_loop3A_233 : vector<16xf32> to vector<1x16xf32>
        tpu.vector_store %arg11[%parallel_loop3A_234, %parallel_loop3A_235], %parallel_loop3A_238 {strides = array<i32>} : memref<40x128xf32, #tpu.memory_space<vmem>>, vector<1x16xf32>,
      } {sc.loop_unroll_factor = 1 : i64, sc.parallel_access}
      "tpu.region"() ({
        %run_scoped3A = tpu.sem_alloc : memref<!tpu.dma_semaphore, #tpu.memory_space<semaphore_mem>>
        %dma_start3A_102 = arith.constant 0 : i32
        %dma_start3A_103 = arith.constant 0 : i32
        %dma_start3A_104 = tpu.memref_slice %arg15[%dma_start3A_102, %dma_start3A_103] : memref<10240x128xf32, #tpu.memory_space<vmem_shared>> -> memref<10240x128xf32, #tpu.memory_space<vmem_shared>>
        tpu.enqueue_indirect_dma source(%arg11 : memref<40x128xf32, #tpu.memory_space<vmem>>) target(%dma_start3A_104 : memref<10240x128xf32, #tpu.memory_space<vmem_shared>>) offsets(%arg8 : memref<40xi32, #tpu.memory_space<vmem>>) semaphore(%run_scoped3A : memref<!tpu.dma_semaphore, #tpu.memory_space<semaphore_mem>>) {add = true}
        %dma_wait3A_105 = arith.constant 0 : i32
        %dma_wait3A_106 = arith.constant 0 : i32
        %dma_wait3A_107 = tpu.memref_slice %arg15[%dma_wait3A_105, %dma_wait3A_106] : memref<10240x128xf32, #tpu.memory_space<vmem_shared>> -> memref<10240x128xf32, #tpu.memory_space<vmem_shared>>
        tpu.wait_indirect_dma semaphore(%run_scoped3A : memref<!tpu.dma_semaphore, #tpu.memory_space<semaphore_mem>>) src(%arg11 : memref<40x128xf32, #tpu.memory_space<vmem>>) dst(%dma_wait3A_107 : memref<10240x128xf32, #tpu.memory_space<vmem_shared>>)
        tpu.yield
      }) : () -> ()
      %add3A_82 = arith.constant 2 : i32
      %add3A_83 = arith.addi %mul3A_55, %add3A_82 : i32
      %lt3A = arith.constant 250 : i32
      %lt3A_84 = arith.cmpi slt, %add3A_83, %lt3A : i32
      %convert_element_type3A = arith.extui %lt3A_84 : i1 to i32
      %cond3A = arith.constant 0 : i32
      %cond3A_85 = arith.cmpi ne, %convert_element_type3A, %cond3A : i32
      scf.if %cond3A_85 {
        %add3A_102 = arith.constant 2 : i32
        %add3A_103 = arith.addi %mul3A_55, %add3A_102 : i32
        %mul3A_104 = arith.constant 40 : i32
        %mul3A_105 = arith.muli %add3A_103, %mul3A_104 : i32
        %add3A_106 = arith.addi %add3A, %mul3A_105 : i32
        %dma_start3A_107 = tpu.memref_slice %arg4[%add3A_106] : memref<320000xi32, #tpu.memory_space<hbm>> -> memref<40xi32, #tpu.memory_space<hbm>>
        %dma_start3A_108 = tpu.memref_slice %arg4[%add3A_106] : memref<320000xi32, #tpu.memory_space<hbm>> -> memref<40xi32, #tpu.memory_space<hbm>>
        tpu.enqueue_dma source(%dma_start3A_108 : memref<40xi32, #tpu.memory_space<hbm>>) target(%arg7 : memref<40xi32, #tpu.memory_space<vmem>>) target_semaphore(%arg16 : memref<!tpu.dma_semaphore, #tpu.memory_space<semaphore_mem>>)
        %mul3A_109 = arith.constant 40 : i32
        %mul3A_110 = arith.muli %add3A_103, %mul3A_109 : i32
        %add3A_111 = arith.addi %add3A, %mul3A_110 : i32
        %dma_start3A_112 = tpu.memref_slice %arg5[%add3A_111] : memref<320000xi32, #tpu.memory_space<hbm>> -> memref<40xi32, #tpu.memory_space<hbm>>
        %dma_start3A_113 = tpu.memref_slice %arg5[%add3A_111] : memref<320000xi32, #tpu.memory_space<hbm>> -> memref<40xi32, #tpu.memory_space<hbm>>
        tpu.enqueue_dma source(%dma_start3A_113 : memref<40xi32, #tpu.memory_space<hbm>>) target(%arg8 : memref<40xi32, #tpu.memory_space<vmem>>) target_semaphore(%arg17 : memref<!tpu.dma_semaphore, #tpu.memory_space<semaphore_mem>>)
        %add3A_114 = arith.constant 2 : i32
        %add3A_115 = arith.addi %mul3A_55, %add3A_114 : i32
        %mul3A_116 = arith.constant 40 : i32
        %mul3A_117 = arith.muli %add3A_115, %mul3A_116 : i32
        %add3A_118 = arith.addi %add3A, %mul3A_117 : i32
        %dma_wait3A_119 = tpu.memref_slice %arg4[%add3A_118] : memref<320000xi32, #tpu.memory_space<hbm>> -> memref<40xi32, #tpu.memory_space<hbm>>
        %dma_wait3A_120 = tpu.memref_slice %arg4[%add3A_118] : memref<320000xi32, #tpu.memory_space<hbm>> -> memref<40xi32, #tpu.memory_space<hbm>>
        tpu.wait_dma2 semaphore(%arg16 : memref<!tpu.dma_semaphore, #tpu.memory_space<semaphore_mem>>) src(%dma_wait3A_120 : memref<40xi32, #tpu.memory_space<hbm>>) dst(%arg7 : memref<40xi32, #tpu.memory_space<vmem>>)
        %mul3A_121 = arith.constant 40 : i32
        %mul3A_122 = arith.muli %add3A_115, %mul3A_121 : i32
        %add3A_123 = arith.addi %add3A, %mul3A_122 : i32
        %dma_wait3A_124 = tpu.memref_slice %arg5[%add3A_123] : memref<320000xi32, #tpu.memory_space<hbm>> -> memref<40xi32, #tpu.memory_space<hbm>>
        %dma_wait3A_125 = tpu.memref_slice %arg5[%add3A_123] : memref<320000xi32, #tpu.memory_space<hbm>> -> memref<40xi32, #tpu.memory_space<hbm>>
        tpu.wait_dma2 semaphore(%arg17 : memref<!tpu.dma_semaphore, #tpu.memory_space<semaphore_mem>>) src(%dma_wait3A_125 : memref<40xi32, #tpu.memory_space<hbm>>) dst(%arg8 : memref<40xi32, #tpu.memory_space<vmem>>)
        %dma_start3A_126 = arith.constant 0 : i32
        %dma_start3A_127 = arith.constant 0 : i32
        %dma_start3A_128 = tpu.memref_slice %arg2[%dma_start3A_126, %dma_start3A_127] : memref<10240x128xf32, #tpu.memory_space<hbm>> -> memref<10240x128xf32, #tpu.memory_space<hbm>>
        tpu.enqueue_indirect_dma source(%dma_start3A_128 : memref<10240x128xf32, #tpu.memory_space<hbm>>) target(%arg11 : memref<40x128xf32, #tpu.memory_space<vmem>>) offsets(%arg8 : memref<40xi32, #tpu.memory_space<vmem>>) semaphore(%arg20 : memref<!tpu.dma_semaphore, #tpu.memory_space<semaphore_mem>>)
        %dma_start3A_129 = arith.constant 0 : i32
        %dma_start3A_130 = arith.constant 0 : i32
        %dma_start3A_131 = tpu.memref_slice %arg3[%dma_start3A_129, %dma_start3A_130] : memref<10240x128xf32, #tpu.memory_space<hbm>> -> memref<10240x128xf32, #tpu.memory_space<hbm>>
        tpu.enqueue_indirect_dma source(%dma_start3A_131 : memref<10240x128xf32, #tpu.memory_space<hbm>>) target(%arg12 : memref<40x128xf32, #tpu.memory_space<vmem>>) offsets(%arg7 : memref<40xi32, #tpu.memory_space<vmem>>) semaphore(%arg21 : memref<!tpu.dma_semaphore, #tpu.memory_space<semaphore_mem>>)
      } else {
      }
      %dma_wait3A_86 = arith.constant 0 : i32
      %dma_wait3A_87 = arith.constant 0 : i32
      %dma_wait3A_88 = tpu.memref_slice %arg2[%dma_wait3A_86, %dma_wait3A_87] : memref<10240x128xf32, #tpu.memory_space<hbm>> -> memref<10240x128xf32, #tpu.memory_space<hbm>>
      tpu.wait_indirect_dma semaphore(%arg22 : memref<!tpu.dma_semaphore, #tpu.memory_space<semaphore_mem>>) src(%dma_wait3A_88 : memref<10240x128xf32, #tpu.memory_space<hbm>>) dst(%arg13 : memref<40x128xf32, #tpu.memory_space<vmem>>)
      %dma_wait3A_89 = arith.constant 0 : i32
      %dma_wait3A_90 = arith.constant 0 : i32
      %dma_wait3A_91 = tpu.memref_slice %arg3[%dma_wait3A_89, %dma_wait3A_90] : memref<10240x128xf32, #tpu.memory_space<hbm>> -> memref<10240x128xf32, #tpu.memory_space<hbm>>
      tpu.wait_indirect_dma semaphore(%arg23 : memref<!tpu.dma_semaphore, #tpu.memory_space<semaphore_mem>>) src(%dma_wait3A_91 : memref<10240x128xf32, #tpu.memory_space<hbm>>) dst(%arg14 : memref<40x128xf32, #tpu.memory_space<vmem>>)
      %parallel_loop3A_92 = arith.constant 0 : i32
      %parallel_loop3A_93 = arith.constant 40 : i32
      %parallel_loop3A_94 = arith.constant 1 : i32
      scf.for %parallel_loop3A_102 = %parallel_loop3A_92 to %parallel_loop3A_93 step %parallel_loop3A_94  : i32 {
        %parallel_loop3A_103 = arith.index_cast %parallel_loop3A_102 : i32 to index
        %parallel_loop3A_104 = arith.constant 0 : index
        %parallel_loop3A_105 = tpu.vector_load %arg13[%parallel_loop3A_103, %parallel_loop3A_104] {strides = array<i32>} : memref<40x128xf32, #tpu.memory_space<vmem>>, vector<1x16xf32>,
        %parallel_loop3A_106 = vector.shape_cast %parallel_loop3A_105 : vector<1x16xf32> to vector<16xf32>
        %parallel_loop3A_107 = arith.index_cast %parallel_loop3A_102 : i32 to index
        %parallel_loop3A_108 = arith.constant 0 : index
        %parallel_loop3A_109 = tpu.vector_load %arg14[%parallel_loop3A_107, %parallel_loop3A_108] {strides = array<i32>} : memref<40x128xf32, #tpu.memory_space<vmem>>, vector<1x16xf32>,
        %parallel_loop3A_110 = vector.shape_cast %parallel_loop3A_109 : vector<1x16xf32> to vector<16xf32>
        %parallel_loop3A_111 = arith.addf %parallel_loop3A_106, %parallel_loop3A_110 : vector<16xf32>
        %parallel_loop3A_112 = arith.constant 0.000000e+00 : f32
        %parallel_loop3A_113 = vector.broadcast %parallel_loop3A_112 : f32 to vector<16xf32>
        %parallel_loop3A_114 = arith.maximumf %parallel_loop3A_111, %parallel_loop3A_113 : vector<16xf32>
        %parallel_loop3A_115 = arith.index_cast %parallel_loop3A_102 : i32 to index
        %parallel_loop3A_116 = arith.constant 0 : index
        %parallel_loop3A_117 = tpu.vector_load %arg13[%parallel_loop3A_115, %parallel_loop3A_116] {strides = array<i32>} : memref<40x128xf32, #tpu.memory_space<vmem>>, vector<1x16xf32>,
        %parallel_loop3A_118 = vector.shape_cast %parallel_loop3A_117 : vector<1x16xf32> to vector<16xf32>
        %parallel_loop3A_119 = vector.shape_cast %parallel_loop3A_114 : vector<16xf32> to vector<1x16xf32>
        tpu.vector_store %arg13[%parallel_loop3A_115, %parallel_loop3A_116], %parallel_loop3A_119 {strides = array<i32>} : memref<40x128xf32, #tpu.memory_space<vmem>>, vector<1x16xf32>,
        %parallel_loop3A_120 = arith.index_cast %parallel_loop3A_102 : i32 to index
        %parallel_loop3A_121 = arith.constant 16 : index
        %parallel_loop3A_122 = tpu.vector_load %arg13[%parallel_loop3A_120, %parallel_loop3A_121] {strides = array<i32>} : memref<40x128xf32, #tpu.memory_space<vmem>>, vector<1x16xf32>,
        %parallel_loop3A_123 = vector.shape_cast %parallel_loop3A_122 : vector<1x16xf32> to vector<16xf32>
        %parallel_loop3A_124 = arith.index_cast %parallel_loop3A_102 : i32 to index
        %parallel_loop3A_125 = arith.constant 16 : index
        %parallel_loop3A_126 = tpu.vector_load %arg14[%parallel_loop3A_124, %parallel_loop3A_125] {strides = array<i32>} : memref<40x128xf32, #tpu.memory_space<vmem>>, vector<1x16xf32>,
        %parallel_loop3A_127 = vector.shape_cast %parallel_loop3A_126 : vector<1x16xf32> to vector<16xf32>
        %parallel_loop3A_128 = arith.addf %parallel_loop3A_123, %parallel_loop3A_127 : vector<16xf32>
        %parallel_loop3A_129 = arith.constant 0.000000e+00 : f32
        %parallel_loop3A_130 = vector.broadcast %parallel_loop3A_129 : f32 to vector<16xf32>
        %parallel_loop3A_131 = arith.maximumf %parallel_loop3A_128, %parallel_loop3A_130 : vector<16xf32>
        %parallel_loop3A_132 = arith.index_cast %parallel_loop3A_102 : i32 to index
        %parallel_loop3A_133 = arith.constant 16 : index
        %parallel_loop3A_134 = tpu.vector_load %arg13[%parallel_loop3A_132, %parallel_loop3A_133] {strides = array<i32>} : memref<40x128xf32, #tpu.memory_space<vmem>>, vector<1x16xf32>,
        %parallel_loop3A_135 = vector.shape_cast %parallel_loop3A_134 : vector<1x16xf32> to vector<16xf32>
        %parallel_loop3A_136 = vector.shape_cast %parallel_loop3A_131 : vector<16xf32> to vector<1x16xf32>
        tpu.vector_store %arg13[%parallel_loop3A_132, %parallel_loop3A_133], %parallel_loop3A_136 {strides = array<i32>} : memref<40x128xf32, #tpu.memory_space<vmem>>, vector<1x16xf32>,
        %parallel_loop3A_137 = arith.index_cast %parallel_loop3A_102 : i32 to index
        %parallel_loop3A_138 = arith.constant 32 : index
        %parallel_loop3A_139 = tpu.vector_load %arg13[%parallel_loop3A_137, %parallel_loop3A_138] {strides = array<i32>} : memref<40x128xf32, #tpu.memory_space<vmem>>, vector<1x16xf32>,
        %parallel_loop3A_140 = vector.shape_cast %parallel_loop3A_139 : vector<1x16xf32> to vector<16xf32>
        %parallel_loop3A_141 = arith.index_cast %parallel_loop3A_102 : i32 to index
        %parallel_loop3A_142 = arith.constant 32 : index
        %parallel_loop3A_143 = tpu.vector_load %arg14[%parallel_loop3A_141, %parallel_loop3A_142] {strides = array<i32>} : memref<40x128xf32, #tpu.memory_space<vmem>>, vector<1x16xf32>,
        %parallel_loop3A_144 = vector.shape_cast %parallel_loop3A_143 : vector<1x16xf32> to vector<16xf32>
        %parallel_loop3A_145 = arith.addf %parallel_loop3A_140, %parallel_loop3A_144 : vector<16xf32>
        %parallel_loop3A_146 = arith.constant 0.000000e+00 : f32
        %parallel_loop3A_147 = vector.broadcast %parallel_loop3A_146 : f32 to vector<16xf32>
        %parallel_loop3A_148 = arith.maximumf %parallel_loop3A_145, %parallel_loop3A_147 : vector<16xf32>
        %parallel_loop3A_149 = arith.index_cast %parallel_loop3A_102 : i32 to index
        %parallel_loop3A_150 = arith.constant 32 : index
        %parallel_loop3A_151 = tpu.vector_load %arg13[%parallel_loop3A_149, %parallel_loop3A_150] {strides = array<i32>} : memref<40x128xf32, #tpu.memory_space<vmem>>, vector<1x16xf32>,
        %parallel_loop3A_152 = vector.shape_cast %parallel_loop3A_151 : vector<1x16xf32> to vector<16xf32>
        %parallel_loop3A_153 = vector.shape_cast %parallel_loop3A_148 : vector<16xf32> to vector<1x16xf32>
        tpu.vector_store %arg13[%parallel_loop3A_149, %parallel_loop3A_150], %parallel_loop3A_153 {strides = array<i32>} : memref<40x128xf32, #tpu.memory_space<vmem>>, vector<1x16xf32>,
        %parallel_loop3A_154 = arith.index_cast %parallel_loop3A_102 : i32 to index
        %parallel_loop3A_155 = arith.constant 48 : index
        %parallel_loop3A_156 = tpu.vector_load %arg13[%parallel_loop3A_154, %parallel_loop3A_155] {strides = array<i32>} : memref<40x128xf32, #tpu.memory_space<vmem>>, vector<1x16xf32>,
        %parallel_loop3A_157 = vector.shape_cast %parallel_loop3A_156 : vector<1x16xf32> to vector<16xf32>
        %parallel_loop3A_158 = arith.index_cast %parallel_loop3A_102 : i32 to index
        %parallel_loop3A_159 = arith.constant 48 : index
        %parallel_loop3A_160 = tpu.vector_load %arg14[%parallel_loop3A_158, %parallel_loop3A_159] {strides = array<i32>} : memref<40x128xf32, #tpu.memory_space<vmem>>, vector<1x16xf32>,
        %parallel_loop3A_161 = vector.shape_cast %parallel_loop3A_160 : vector<1x16xf32> to vector<16xf32>
        %parallel_loop3A_162 = arith.addf %parallel_loop3A_157, %parallel_loop3A_161 : vector<16xf32>
        %parallel_loop3A_163 = arith.constant 0.000000e+00 : f32
        %parallel_loop3A_164 = vector.broadcast %parallel_loop3A_163 : f32 to vector<16xf32>
        %parallel_loop3A_165 = arith.maximumf %parallel_loop3A_162, %parallel_loop3A_164 : vector<16xf32>
        %parallel_loop3A_166 = arith.index_cast %parallel_loop3A_102 : i32 to index
        %parallel_loop3A_167 = arith.constant 48 : index
        %parallel_loop3A_168 = tpu.vector_load %arg13[%parallel_loop3A_166, %parallel_loop3A_167] {strides = array<i32>} : memref<40x128xf32, #tpu.memory_space<vmem>>, vector<1x16xf32>,
        %parallel_loop3A_169 = vector.shape_cast %parallel_loop3A_168 : vector<1x16xf32> to vector<16xf32>
        %parallel_loop3A_170 = vector.shape_cast %parallel_loop3A_165 : vector<16xf32> to vector<1x16xf32>
        tpu.vector_store %arg13[%parallel_loop3A_166, %parallel_loop3A_167], %parallel_loop3A_170 {strides = array<i32>} : memref<40x128xf32, #tpu.memory_space<vmem>>, vector<1x16xf32>,
        %parallel_loop3A_171 = arith.index_cast %parallel_loop3A_102 : i32 to index
        %parallel_loop3A_172 = arith.constant 64 : index
        %parallel_loop3A_173 = tpu.vector_load %arg13[%parallel_loop3A_171, %parallel_loop3A_172] {strides = array<i32>} : memref<40x128xf32, #tpu.memory_space<vmem>>, vector<1x16xf32>,
        %parallel_loop3A_174 = vector.shape_cast %parallel_loop3A_173 : vector<1x16xf32> to vector<16xf32>
        %parallel_loop3A_175 = arith.index_cast %parallel_loop3A_102 : i32 to index
        %parallel_loop3A_176 = arith.constant 64 : index
        %parallel_loop3A_177 = tpu.vector_load %arg14[%parallel_loop3A_175, %parallel_loop3A_176] {strides = array<i32>} : memref<40x128xf32, #tpu.memory_space<vmem>>, vector<1x16xf32>,
        %parallel_loop3A_178 = vector.shape_cast %parallel_loop3A_177 : vector<1x16xf32> to vector<16xf32>
        %parallel_loop3A_179 = arith.addf %parallel_loop3A_174, %parallel_loop3A_178 : vector<16xf32>
        %parallel_loop3A_180 = arith.constant 0.000000e+00 : f32
        %parallel_loop3A_181 = vector.broadcast %parallel_loop3A_180 : f32 to vector<16xf32>
        %parallel_loop3A_182 = arith.maximumf %parallel_loop3A_179, %parallel_loop3A_181 : vector<16xf32>
        %parallel_loop3A_183 = arith.index_cast %parallel_loop3A_102 : i32 to index
        %parallel_loop3A_184 = arith.constant 64 : index
        %parallel_loop3A_185 = tpu.vector_load %arg13[%parallel_loop3A_183, %parallel_loop3A_184] {strides = array<i32>} : memref<40x128xf32, #tpu.memory_space<vmem>>, vector<1x16xf32>,
        %parallel_loop3A_186 = vector.shape_cast %parallel_loop3A_185 : vector<1x16xf32> to vector<16xf32>
        %parallel_loop3A_187 = vector.shape_cast %parallel_loop3A_182 : vector<16xf32> to vector<1x16xf32>
        tpu.vector_store %arg13[%parallel_loop3A_183, %parallel_loop3A_184], %parallel_loop3A_187 {strides = array<i32>} : memref<40x128xf32, #tpu.memory_space<vmem>>, vector<1x16xf32>,
        %parallel_loop3A_188 = arith.index_cast %parallel_loop3A_102 : i32 to index
        %parallel_loop3A_189 = arith.constant 80 : index
        %parallel_loop3A_190 = tpu.vector_load %arg13[%parallel_loop3A_188, %parallel_loop3A_189] {strides = array<i32>} : memref<40x128xf32, #tpu.memory_space<vmem>>, vector<1x16xf32>,
        %parallel_loop3A_191 = vector.shape_cast %parallel_loop3A_190 : vector<1x16xf32> to vector<16xf32>
        %parallel_loop3A_192 = arith.index_cast %parallel_loop3A_102 : i32 to index
        %parallel_loop3A_193 = arith.constant 80 : index
        %parallel_loop3A_194 = tpu.vector_load %arg14[%parallel_loop3A_192, %parallel_loop3A_193] {strides = array<i32>} : memref<40x128xf32, #tpu.memory_space<vmem>>, vector<1x16xf32>,
        %parallel_loop3A_195 = vector.shape_cast %parallel_loop3A_194 : vector<1x16xf32> to vector<16xf32>
        %parallel_loop3A_196 = arith.addf %parallel_loop3A_191, %parallel_loop3A_195 : vector<16xf32>
        %parallel_loop3A_197 = arith.constant 0.000000e+00 : f32
        %parallel_loop3A_198 = vector.broadcast %parallel_loop3A_197 : f32 to vector<16xf32>
        %parallel_loop3A_199 = arith.maximumf %parallel_loop3A_196, %parallel_loop3A_198 : vector<16xf32>
        %parallel_loop3A_200 = arith.index_cast %parallel_loop3A_102 : i32 to index
        %parallel_loop3A_201 = arith.constant 80 : index
        %parallel_loop3A_202 = tpu.vector_load %arg13[%parallel_loop3A_200, %parallel_loop3A_201] {strides = array<i32>} : memref<40x128xf32, #tpu.memory_space<vmem>>, vector<1x16xf32>,
        %parallel_loop3A_203 = vector.shape_cast %parallel_loop3A_202 : vector<1x16xf32> to vector<16xf32>
        %parallel_loop3A_204 = vector.shape_cast %parallel_loop3A_199 : vector<16xf32> to vector<1x16xf32>
        tpu.vector_store %arg13[%parallel_loop3A_200, %parallel_loop3A_201], %parallel_loop3A_204 {strides = array<i32>} : memref<40x128xf32, #tpu.memory_space<vmem>>, vector<1x16xf32>,
        %parallel_loop3A_205 = arith.index_cast %parallel_loop3A_102 : i32 to index
        %parallel_loop3A_206 = arith.constant 96 : index
        %parallel_loop3A_207 = tpu.vector_load %arg13[%parallel_loop3A_205, %parallel_loop3A_206] {strides = array<i32>} : memref<40x128xf32, #tpu.memory_space<vmem>>, vector<1x16xf32>,
        %parallel_loop3A_208 = vector.shape_cast %parallel_loop3A_207 : vector<1x16xf32> to vector<16xf32>
        %parallel_loop3A_209 = arith.index_cast %parallel_loop3A_102 : i32 to index
        %parallel_loop3A_210 = arith.constant 96 : index
        %parallel_loop3A_211 = tpu.vector_load %arg14[%parallel_loop3A_209, %parallel_loop3A_210] {strides = array<i32>} : memref<40x128xf32, #tpu.memory_space<vmem>>, vector<1x16xf32>,
        %parallel_loop3A_212 = vector.shape_cast %parallel_loop3A_211 : vector<1x16xf32> to vector<16xf32>
        %parallel_loop3A_213 = arith.addf %parallel_loop3A_208, %parallel_loop3A_212 : vector<16xf32>
        %parallel_loop3A_214 = arith.constant 0.000000e+00 : f32
        %parallel_loop3A_215 = vector.broadcast %parallel_loop3A_214 : f32 to vector<16xf32>
        %parallel_loop3A_216 = arith.maximumf %parallel_loop3A_213, %parallel_loop3A_215 : vector<16xf32>
        %parallel_loop3A_217 = arith.index_cast %parallel_loop3A_102 : i32 to index
        %parallel_loop3A_218 = arith.constant 96 : index
        %parallel_loop3A_219 = tpu.vector_load %arg13[%parallel_loop3A_217, %parallel_loop3A_218] {strides = array<i32>} : memref<40x128xf32, #tpu.memory_space<vmem>>, vector<1x16xf32>,
        %parallel_loop3A_220 = vector.shape_cast %parallel_loop3A_219 : vector<1x16xf32> to vector<16xf32>
        %parallel_loop3A_221 = vector.shape_cast %parallel_loop3A_216 : vector<16xf32> to vector<1x16xf32>
        tpu.vector_store %arg13[%parallel_loop3A_217, %parallel_loop3A_218], %parallel_loop3A_221 {strides = array<i32>} : memref<40x128xf32, #tpu.memory_space<vmem>>, vector<1x16xf32>,
        %parallel_loop3A_222 = arith.index_cast %parallel_loop3A_102 : i32 to index
        %parallel_loop3A_223 = arith.constant 112 : index
        %parallel_loop3A_224 = tpu.vector_load %arg13[%parallel_loop3A_222, %parallel_loop3A_223] {strides = array<i32>} : memref<40x128xf32, #tpu.memory_space<vmem>>, vector<1x16xf32>,
        %parallel_loop3A_225 = vector.shape_cast %parallel_loop3A_224 : vector<1x16xf32> to vector<16xf32>
        %parallel_loop3A_226 = arith.index_cast %parallel_loop3A_102 : i32 to index
        %parallel_loop3A_227 = arith.constant 112 : index
        %parallel_loop3A_228 = tpu.vector_load %arg14[%parallel_loop3A_226, %parallel_loop3A_227] {strides = array<i32>} : memref<40x128xf32, #tpu.memory_space<vmem>>, vector<1x16xf32>,
        %parallel_loop3A_229 = vector.shape_cast %parallel_loop3A_228 : vector<1x16xf32> to vector<16xf32>
        %parallel_loop3A_230 = arith.addf %parallel_loop3A_225, %parallel_loop3A_229 : vector<16xf32>
        %parallel_loop3A_231 = arith.constant 0.000000e+00 : f32
        %parallel_loop3A_232 = vector.broadcast %parallel_loop3A_231 : f32 to vector<16xf32>
        %parallel_loop3A_233 = arith.maximumf %parallel_loop3A_230, %parallel_loop3A_232 : vector<16xf32>
        %parallel_loop3A_234 = arith.index_cast %parallel_loop3A_102 : i32 to index
        %parallel_loop3A_235 = arith.constant 112 : index
        %parallel_loop3A_236 = tpu.vector_load %arg13[%parallel_loop3A_234, %parallel_loop3A_235] {strides = array<i32>} : memref<40x128xf32, #tpu.memory_space<vmem>>, vector<1x16xf32>,
        %parallel_loop3A_237 = vector.shape_cast %parallel_loop3A_236 : vector<1x16xf32> to vector<16xf32>
        %parallel_loop3A_238 = vector.shape_cast %parallel_loop3A_233 : vector<16xf32> to vector<1x16xf32>
        tpu.vector_store %arg13[%parallel_loop3A_234, %parallel_loop3A_235], %parallel_loop3A_238 {strides = array<i32>} : memref<40x128xf32, #tpu.memory_space<vmem>>, vector<1x16xf32>,
      } {sc.loop_unroll_factor = 1 : i64, sc.parallel_access}
      "tpu.region"() ({
        %run_scoped3A = tpu.sem_alloc : memref<!tpu.dma_semaphore, #tpu.memory_space<semaphore_mem>>
        %dma_start3A_102 = arith.constant 0 : i32
        %dma_start3A_103 = arith.constant 0 : i32
        %dma_start3A_104 = tpu.memref_slice %arg15[%dma_start3A_102, %dma_start3A_103] : memref<10240x128xf32, #tpu.memory_space<vmem_shared>> -> memref<10240x128xf32, #tpu.memory_space<vmem_shared>>
        tpu.enqueue_indirect_dma source(%arg13 : memref<40x128xf32, #tpu.memory_space<vmem>>) target(%dma_start3A_104 : memref<10240x128xf32, #tpu.memory_space<vmem_shared>>) offsets(%arg10 : memref<40xi32, #tpu.memory_space<vmem>>) semaphore(%run_scoped3A : memref<!tpu.dma_semaphore, #tpu.memory_space<semaphore_mem>>) {add = true}
        %dma_wait3A_105 = arith.constant 0 : i32
        %dma_wait3A_106 = arith.constant 0 : i32
        %dma_wait3A_107 = tpu.memref_slice %arg15[%dma_wait3A_105, %dma_wait3A_106] : memref<10240x128xf32, #tpu.memory_space<vmem_shared>> -> memref<10240x128xf32, #tpu.memory_space<vmem_shared>>
        tpu.wait_indirect_dma semaphore(%run_scoped3A : memref<!tpu.dma_semaphore, #tpu.memory_space<semaphore_mem>>) src(%arg13 : memref<40x128xf32, #tpu.memory_space<vmem>>) dst(%dma_wait3A_107 : memref<10240x128xf32, #tpu.memory_space<vmem_shared>>)
        tpu.yield
      }) : () -> ()
      %add3A_95 = arith.constant 3 : i32
      %add3A_96 = arith.addi %mul3A_55, %add3A_95 : i32
      %lt3A_97 = arith.constant 250 : i32
      %lt3A_98 = arith.cmpi slt, %add3A_96, %lt3A_97 : i32
      %convert_element_type3A_99 = arith.extui %lt3A_98 : i1 to i32
      %cond3A_100 = arith.constant 0 : i32
      %cond3A_101 = arith.cmpi ne, %convert_element_type3A_99, %cond3A_100 : i32
      scf.if %cond3A_101 {
        %add3A_102 = arith.constant 3 : i32
        %add3A_103 = arith.addi %mul3A_55, %add3A_102 : i32
        %mul3A_104 = arith.constant 40 : i32
        %mul3A_105 = arith.muli %add3A_103, %mul3A_104 : i32
        %add3A_106 = arith.addi %add3A, %mul3A_105 : i32
        %dma_start3A_107 = tpu.memref_slice %arg4[%add3A_106] : memref<320000xi32, #tpu.memory_space<hbm>> -> memref<40xi32, #tpu.memory_space<hbm>>
        %dma_start3A_108 = tpu.memref_slice %arg4[%add3A_106] : memref<320000xi32, #tpu.memory_space<hbm>> -> memref<40xi32, #tpu.memory_space<hbm>>
        tpu.enqueue_dma source(%dma_start3A_108 : memref<40xi32, #tpu.memory_space<hbm>>) target(%arg9 : memref<40xi32, #tpu.memory_space<vmem>>) target_semaphore(%arg18 : memref<!tpu.dma_semaphore, #tpu.memory_space<semaphore_mem>>)
        %mul3A_109 = arith.constant 40 : i32
        %mul3A_110 = arith.muli %add3A_103, %mul3A_109 : i32
        %add3A_111 = arith.addi %add3A, %mul3A_110 : i32
        %dma_start3A_112 = tpu.memref_slice %arg5[%add3A_111] : memref<320000xi32, #tpu.memory_space<hbm>> -> memref<40xi32, #tpu.memory_space<hbm>>
        %dma_start3A_113 = tpu.memref_slice %arg5[%add3A_111] : memref<320000xi32, #tpu.memory_space<hbm>> -> memref<40xi32, #tpu.memory_space<hbm>>
        tpu.enqueue_dma source(%dma_start3A_113 : memref<40xi32, #tpu.memory_space<hbm>>) target(%arg10 : memref<40xi32, #tpu.memory_space<vmem>>) target_semaphore(%arg19 : memref<!tpu.dma_semaphore, #tpu.memory_space<semaphore_mem>>)
      } else {
      }
    }
    %scan3A_47 = arith.constant 125 : i32
    %barrier3A_48 = arith.constant 0 : index
    tpu.barrier barrier_id(%barrier3A_48)
    %mul3A_49 = arith.constant 640 : i32
    %mul3A_50 = arith.muli %arg1, %mul3A_49 : i32
    %mul3A_51 = arith.constant 640 : i32
    %mul3A_52 = arith.muli %arg1, %mul3A_51 : i32
    "tpu.region"() ({
      %run_scoped3A = tpu.sem_alloc : memref<!tpu.dma_semaphore, #tpu.memory_space<semaphore_mem>>
      %dma_start3A_53 = arith.constant 0 : i32
      %dma_start3A_54 = tpu.memref_slice %arg6[%arg0, %mul3A_52, %dma_start3A_53] : memref<2x10240x128xf32, #tpu.memory_space<hbm>> -> memref<1x640x128xf32, #tpu.memory_space<hbm>>
      %dma_start3A_55 = tpu.memref_squeeze %dma_start3A_54 : memref<1x640x128xf32, #tpu.memory_space<hbm>> -> memref<640x128xf32, #tpu.memory_space<hbm>>
      %dma_start3A_56 = arith.constant 0 : i32
      %dma_start3A_57 = tpu.memref_slice %arg15[%mul3A_50, %dma_start3A_56] : memref<10240x128xf32, #tpu.memory_space<vmem_shared>> -> memref<640x128xf32, #tpu.memory_space<vmem_shared>>
      tpu.enqueue_dma source(%dma_start3A_57 : memref<640x128xf32, #tpu.memory_space<vmem_shared>>) target(%dma_start3A_55 : memref<640x128xf32, #tpu.memory_space<hbm>>) target_semaphore(%run_scoped3A : memref<!tpu.dma_semaphore, #tpu.memory_space<semaphore_mem>>)
      %dma_wait3A_58 = arith.constant 0 : i32
      %dma_wait3A_59 = tpu.memref_slice %arg6[%arg0, %mul3A_52, %dma_wait3A_58] : memref<2x10240x128xf32, #tpu.memory_space<hbm>> -> memref<1x640x128xf32, #tpu.memory_space<hbm>>
      %dma_wait3A_60 = tpu.memref_squeeze %dma_wait3A_59 : memref<1x640x128xf32, #tpu.memory_space<hbm>> -> memref<640x128xf32, #tpu.memory_space<hbm>>
      %dma_wait3A_61 = arith.constant 0 : i32
      %dma_wait3A_62 = tpu.memref_slice %arg15[%mul3A_50, %dma_wait3A_61] : memref<10240x128xf32, #tpu.memory_space<vmem_shared>> -> memref<640x128xf32, #tpu.memory_space<vmem_shared>>
      tpu.wait_dma2 semaphore(%run_scoped3A : memref<!tpu.dma_semaphore, #tpu.memory_space<semaphore_mem>>) src(%dma_wait3A_62 : memref<640x128xf32, #tpu.memory_space<vmem_shared>>) dst(%dma_wait3A_60 : memref<640x128xf32, #tpu.memory_space<hbm>>)
      tpu.yield
    }) : () -> ()
    return
  }
}

#map = affine_map<(d0, d1) -> (0, 0)>
#map1 = affine_map<(d0, d1) -> (0)>
#map2 = affine_map<(d0, d1) -> (0, 0, 0)>
module attributes {stable_mosaic.version = 14 : i64} {
  func.func @_sc_edge_body(%arg0: i32, %arg1: i32, %arg2: memref<10240x128xf32, #tpu.memory_space<hbm>>, %arg3: memref<10240x128xf32, #tpu.memory_space<hbm>>, %arg4: memref<320000xi32, #tpu.memory_space<hbm>>, %arg5: memref<320000xi32, #tpu.memory_space<hbm>>, %arg6: memref<2x10240x128xf32, #tpu.memory_space<hbm>>, %arg7: memref<40xi32, #tpu.memory_space<vmem>>, %arg8: memref<40xi32, #tpu.memory_space<vmem>>, %arg9: memref<40xi32, #tpu.memory_space<vmem>>, %arg10: memref<40xi32, #tpu.memory_space<vmem>>, %arg11: memref<40x128xf32, #tpu.memory_space<vmem>>, %arg12: memref<40x128xf32, #tpu.memory_space<vmem>>, %arg13: memref<40x128xf32, #tpu.memory_space<vmem>>, %arg14: memref<40x128xf32, #tpu.memory_space<vmem>>, %arg15: memref<10240x128xf32, #tpu.memory_space<vmem_shared>>, %arg16: memref<!tpu.dma_semaphore, #tpu.memory_space<semaphore_mem>>, %arg17: memref<!tpu.dma_semaphore, #tpu.memory_space<semaphore_mem>>, %arg18: memref<!tpu.dma_semaphore, #tpu.memory_space<semaphore_mem>>, %arg19: memref<!tpu.dma_semaphore, #tpu.memory_space<semaphore_mem>>, %arg20: memref<!tpu.dma_semaphore, #tpu.memory_space<semaphore_mem>>, %arg21: memref<!tpu.dma_semaphore, #tpu.memory_space<semaphore_mem>>, %arg22: memref<!tpu.dma_semaphore, #tpu.memory_space<semaphore_mem>>, %arg23: memref<!tpu.dma_semaphore, #tpu.memory_space<semaphore_mem>>) attributes {dimension_semantics = [#tpu.dimension_semantics<core_parallel>, #tpu.dimension_semantics<subcore_parallel>], iteration_bounds = array<i64: 2, 16>, scalar_prefetch = 0 : i64, scratch_operands = 17 : i64, tpu.core_type = #tpu.core_type<sc_vector_subcore>, window_params = [{transform_indices = #map}, {transform_indices = #map}, {transform_indices = #map1}, {transform_indices = #map1}, {transform_indices = #map2}]} {
    %scan3A = arith.constant 0 : i32
    %scan3A_0 = arith.constant 0 : i32
    %scan3A_1 = arith.constant 40 : i32
    %scan3A_2 = arith.addi %scan3A_0, %scan3A_1 : i32
    %scan3A_3 = arith.constant 1 : i32
    scf.for %scan3A_53 = %scan3A_0 to %scan3A_2 step %scan3A_3  : i32 {
      %broadcast_in_dim3A = arith.constant 0.000000e+00 : f32
      %broadcast_in_dim3A_54 = vector.broadcast %broadcast_in_dim3A : f32 to vector<16xf32>
      %swap3A = arith.index_cast %scan3A_53 : i32 to index
      %swap3A_55 = arith.constant 0 : index
      %swap3A_56 = tpu.vector_load %arg11[%swap3A, %swap3A_55] {strides = array<i32>} : memref<40x128xf32, #tpu.memory_space<vmem>>, vector<1x16xf32>,
      %swap3A_57 = vector.shape_cast %swap3A_56 : vector<1x16xf32> to vector<16xf32>
      %swap3A_58 = vector.shape_cast %broadcast_in_dim3A_54 : vector<16xf32> to vector<1x16xf32>
      tpu.vector_store %arg11[%swap3A, %swap3A_55], %swap3A_58 {strides = array<i32>} : memref<40x128xf32, #tpu.memory_space<vmem>>, vector<1x16xf32>,
      %broadcast_in_dim3A_59 = arith.constant 0.000000e+00 : f32
      %broadcast_in_dim3A_60 = vector.broadcast %broadcast_in_dim3A_59 : f32 to vector<16xf32>
      %swap3A_61 = arith.index_cast %scan3A_53 : i32 to index
      %swap3A_62 = arith.constant 16 : index
      %swap3A_63 = tpu.vector_load %arg11[%swap3A_61, %swap3A_62] {strides = array<i32>} : memref<40x128xf32, #tpu.memory_space<vmem>>, vector<1x16xf32>,
      %swap3A_64 = vector.shape_cast %swap3A_63 : vector<1x16xf32> to vector<16xf32>
      %swap3A_65 = vector.shape_cast %broadcast_in_dim3A_60 : vector<16xf32> to vector<1x16xf32>
      tpu.vector_store %arg11[%swap3A_61, %swap3A_62], %swap3A_65 {strides = array<i32>} : memref<40x128xf32, #tpu.memory_space<vmem>>, vector<1x16xf32>,
      %broadcast_in_dim3A_66 = arith.constant 0.000000e+00 : f32
      %broadcast_in_dim3A_67 = vector.broadcast %broadcast_in_dim3A_66 : f32 to vector<16xf32>
      %swap3A_68 = arith.index_cast %scan3A_53 : i32 to index
      %swap3A_69 = arith.constant 32 : index
      %swap3A_70 = tpu.vector_load %arg11[%swap3A_68, %swap3A_69] {strides = array<i32>} : memref<40x128xf32, #tpu.memory_space<vmem>>, vector<1x16xf32>,
      %swap3A_71 = vector.shape_cast %swap3A_70 : vector<1x16xf32> to vector<16xf32>
      %swap3A_72 = vector.shape_cast %broadcast_in_dim3A_67 : vector<16xf32> to vector<1x16xf32>
      tpu.vector_store %arg11[%swap3A_68, %swap3A_69], %swap3A_72 {strides = array<i32>} : memref<40x128xf32, #tpu.memory_space<vmem>>, vector<1x16xf32>,
      %broadcast_in_dim3A_73 = arith.constant 0.000000e+00 : f32
      %broadcast_in_dim3A_74 = vector.broadcast %broadcast_in_dim3A_73 : f32 to vector<16xf32>
      %swap3A_75 = arith.index_cast %scan3A_53 : i32 to index
      %swap3A_76 = arith.constant 48 : index
      %swap3A_77 = tpu.vector_load %arg11[%swap3A_75, %swap3A_76] {strides = array<i32>} : memref<40x128xf32, #tpu.memory_space<vmem>>, vector<1x16xf32>,
      %swap3A_78 = vector.shape_cast %swap3A_77 : vector<1x16xf32> to vector<16xf32>
      %swap3A_79 = vector.shape_cast %broadcast_in_dim3A_74 : vector<16xf32> to vector<1x16xf32>
      tpu.vector_store %arg11[%swap3A_75, %swap3A_76], %swap3A_79 {strides = array<i32>} : memref<40x128xf32, #tpu.memory_space<vmem>>, vector<1x16xf32>,
      %broadcast_in_dim3A_80 = arith.constant 0.000000e+00 : f32
      %broadcast_in_dim3A_81 = vector.broadcast %broadcast_in_dim3A_80 : f32 to vector<16xf32>
      %swap3A_82 = arith.index_cast %scan3A_53 : i32 to index
      %swap3A_83 = arith.constant 64 : index
      %swap3A_84 = tpu.vector_load %arg11[%swap3A_82, %swap3A_83] {strides = array<i32>} : memref<40x128xf32, #tpu.memory_space<vmem>>, vector<1x16xf32>,
      %swap3A_85 = vector.shape_cast %swap3A_84 : vector<1x16xf32> to vector<16xf32>
      %swap3A_86 = vector.shape_cast %broadcast_in_dim3A_81 : vector<16xf32> to vector<1x16xf32>
      tpu.vector_store %arg11[%swap3A_82, %swap3A_83], %swap3A_86 {strides = array<i32>} : memref<40x128xf32, #tpu.memory_space<vmem>>, vector<1x16xf32>,
      %broadcast_in_dim3A_87 = arith.constant 0.000000e+00 : f32
      %broadcast_in_dim3A_88 = vector.broadcast %broadcast_in_dim3A_87 : f32 to vector<16xf32>
      %swap3A_89 = arith.index_cast %scan3A_53 : i32 to index
      %swap3A_90 = arith.constant 80 : index
      %swap3A_91 = tpu.vector_load %arg11[%swap3A_89, %swap3A_90] {strides = array<i32>} : memref<40x128xf32, #tpu.memory_space<vmem>>, vector<1x16xf32>,
      %swap3A_92 = vector.shape_cast %swap3A_91 : vector<1x16xf32> to vector<16xf32>
      %swap3A_93 = vector.shape_cast %broadcast_in_dim3A_88 : vector<16xf32> to vector<1x16xf32>
      tpu.vector_store %arg11[%swap3A_89, %swap3A_90], %swap3A_93 {strides = array<i32>} : memref<40x128xf32, #tpu.memory_space<vmem>>, vector<1x16xf32>,
      %broadcast_in_dim3A_94 = arith.constant 0.000000e+00 : f32
      %broadcast_in_dim3A_95 = vector.broadcast %broadcast_in_dim3A_94 : f32 to vector<16xf32>
      %swap3A_96 = arith.index_cast %scan3A_53 : i32 to index
      %swap3A_97 = arith.constant 96 : index
      %swap3A_98 = tpu.vector_load %arg11[%swap3A_96, %swap3A_97] {strides = array<i32>} : memref<40x128xf32, #tpu.memory_space<vmem>>, vector<1x16xf32>,
      %swap3A_99 = vector.shape_cast %swap3A_98 : vector<1x16xf32> to vector<16xf32>
      %swap3A_100 = vector.shape_cast %broadcast_in_dim3A_95 : vector<16xf32> to vector<1x16xf32>
      tpu.vector_store %arg11[%swap3A_96, %swap3A_97], %swap3A_100 {strides = array<i32>} : memref<40x128xf32, #tpu.memory_space<vmem>>, vector<1x16xf32>,
      %broadcast_in_dim3A_101 = arith.constant 0.000000e+00 : f32
      %broadcast_in_dim3A_102 = vector.broadcast %broadcast_in_dim3A_101 : f32 to vector<16xf32>
      %swap3A_103 = arith.index_cast %scan3A_53 : i32 to index
      %swap3A_104 = arith.constant 112 : index
      %swap3A_105 = tpu.vector_load %arg11[%swap3A_103, %swap3A_104] {strides = array<i32>} : memref<40x128xf32, #tpu.memory_space<vmem>>, vector<1x16xf32>,
      %swap3A_106 = vector.shape_cast %swap3A_105 : vector<1x16xf32> to vector<16xf32>
      %swap3A_107 = vector.shape_cast %broadcast_in_dim3A_102 : vector<16xf32> to vector<1x16xf32>
      tpu.vector_store %arg11[%swap3A_103, %swap3A_104], %swap3A_107 {strides = array<i32>} : memref<40x128xf32, #tpu.memory_space<vmem>>, vector<1x16xf32>,
    }
    %scan3A_4 = arith.constant 40 : i32
    %scan3A_5 = arith.constant 0 : i32
    %scan3A_6 = arith.constant 0 : i32
    %scan3A_7 = arith.constant 16 : i32
    %scan3A_8 = arith.addi %scan3A_6, %scan3A_7 : i32
    %scan3A_9 = arith.constant 1 : i32
    scf.for %scan3A_53 = %scan3A_6 to %scan3A_8 step %scan3A_9  : i32 {
      %mul3A_54 = arith.constant 640 : i32
      %mul3A_55 = arith.muli %arg1, %mul3A_54 : i32
      %mul3A_56 = arith.constant 40 : i32
      %mul3A_57 = arith.muli %scan3A_53, %mul3A_56 : i32
      %add3A_58 = arith.addi %mul3A_55, %mul3A_57 : i32
      "tpu.region"() ({
        %run_scoped3A = tpu.sem_alloc : memref<!tpu.dma_semaphore, #tpu.memory_space<semaphore_mem>>
        %dma_start3A_59 = arith.constant 0 : i32
        %dma_start3A_60 = arith.constant 0 : i32
        %dma_start3A_61 = tpu.memref_slice %arg11[%dma_start3A_59, %dma_start3A_60] : memref<40x128xf32, #tpu.memory_space<vmem>> -> memref<40x128xf32, #tpu.memory_space<vmem>>
        %dma_start3A_62 = arith.constant 0 : i32
        %dma_start3A_63 = tpu.memref_slice %arg15[%add3A_58, %dma_start3A_62] : memref<10240x128xf32, #tpu.memory_space<vmem_shared>> -> memref<40x128xf32, #tpu.memory_space<vmem_shared>>
        %dma_start3A_64 = arith.constant 0 : i32
        %dma_start3A_65 = tpu.memref_slice %arg15[%add3A_58, %dma_start3A_64] : memref<10240x128xf32, #tpu.memory_space<vmem_shared>> -> memref<40x128xf32, #tpu.memory_space<vmem_shared>>
        %dma_start3A_66 = arith.constant 0 : i32
        %dma_start3A_67 = arith.constant 0 : i32
        %dma_start3A_68 = tpu.memref_slice %arg11[%dma_start3A_66, %dma_start3A_67] : memref<40x128xf32, #tpu.memory_space<vmem>> -> memref<40x128xf32, #tpu.memory_space<vmem>>
        tpu.enqueue_dma source(%dma_start3A_68 : memref<40x128xf32, #tpu.memory_space<vmem>>) target(%dma_start3A_65 : memref<40x128xf32, #tpu.memory_space<vmem_shared>>) target_semaphore(%run_scoped3A : memref<!tpu.dma_semaphore, #tpu.memory_space<semaphore_mem>>)
        %dma_wait3A_69 = arith.constant 0 : i32
        %dma_wait3A_70 = arith.constant 0 : i32
        %dma_wait3A_71 = tpu.memref_slice %arg11[%dma_wait3A_69, %dma_wait3A_70] : memref<40x128xf32, #tpu.memory_space<vmem>> -> memref<40x128xf32, #tpu.memory_space<vmem>>
        %dma_wait3A_72 = arith.constant 0 : i32
        %dma_wait3A_73 = tpu.memref_slice %arg15[%add3A_58, %dma_wait3A_72] : memref<10240x128xf32, #tpu.memory_space<vmem_shared>> -> memref<40x128xf32, #tpu.memory_space<vmem_shared>>
        %dma_wait3A_74 = arith.constant 0 : i32
        %dma_wait3A_75 = tpu.memref_slice %arg15[%add3A_58, %dma_wait3A_74] : memref<10240x128xf32, #tpu.memory_space<vmem_shared>> -> memref<40x128xf32, #tpu.memory_space<vmem_shared>>
        %dma_wait3A_76 = arith.constant 0 : i32
        %dma_wait3A_77 = arith.constant 0 : i32
        %dma_wait3A_78 = tpu.memref_slice %arg11[%dma_wait3A_76, %dma_wait3A_77] : memref<40x128xf32, #tpu.memory_space<vmem>> -> memref<40x128xf32, #tpu.memory_space<vmem>>
        tpu.wait_dma2 semaphore(%run_scoped3A : memref<!tpu.dma_semaphore, #tpu.memory_space<semaphore_mem>>) src(%dma_wait3A_78 : memref<40x128xf32, #tpu.memory_space<vmem>>) dst(%dma_wait3A_75 : memref<40x128xf32, #tpu.memory_space<vmem_shared>>)
        tpu.yield
      }) : () -> ()
    }
    %scan3A_10 = arith.constant 16 : i32
    %barrier3A = arith.constant 0 : index
    tpu.barrier barrier_id(%barrier3A)
    %mul3A = arith.constant 160000 : i32
    %mul3A_11 = arith.muli %arg0, %mul3A : i32
    %mul3A_12 = arith.constant 10000 : i32
    %mul3A_13 = arith.muli %arg1, %mul3A_12 : i32
    %add3A = arith.addi %mul3A_11, %mul3A_13 : i32
    %add3A_14 = arith.constant 0 : i32
    %add3A_15 = arith.addi %add3A, %add3A_14 : i32
    %dma_start3A = tpu.memref_slice %arg4[%add3A_15] : memref<320000xi32, #tpu.memory_space<hbm>> -> memref<40xi32, #tpu.memory_space<hbm>>
    %dma_start3A_16 = tpu.memref_slice %arg4[%add3A_15] : memref<320000xi32, #tpu.memory_space<hbm>> -> memref<40xi32, #tpu.memory_space<hbm>>
    tpu.enqueue_dma source(%dma_start3A_16 : memref<40xi32, #tpu.memory_space<hbm>>) target(%arg7 : memref<40xi32, #tpu.memory_space<vmem>>) target_semaphore(%arg16 : memref<!tpu.dma_semaphore, #tpu.memory_space<semaphore_mem>>)
    %add3A_17 = arith.constant 0 : i32
    %add3A_18 = arith.addi %add3A, %add3A_17 : i32
    %dma_start3A_19 = tpu.memref_slice %arg5[%add3A_18] : memref<320000xi32, #tpu.memory_space<hbm>> -> memref<40xi32, #tpu.memory_space<hbm>>
    %dma_start3A_20 = tpu.memref_slice %arg5[%add3A_18] : memref<320000xi32, #tpu.memory_space<hbm>> -> memref<40xi32, #tpu.memory_space<hbm>>
    tpu.enqueue_dma source(%dma_start3A_20 : memref<40xi32, #tpu.memory_space<hbm>>) target(%arg8 : memref<40xi32, #tpu.memory_space<vmem>>) target_semaphore(%arg17 : memref<!tpu.dma_semaphore, #tpu.memory_space<semaphore_mem>>)
    %add3A_21 = arith.constant 0 : i32
    %add3A_22 = arith.addi %add3A, %add3A_21 : i32
    %dma_wait3A = tpu.memref_slice %arg4[%add3A_22] : memref<320000xi32, #tpu.memory_space<hbm>> -> memref<40xi32, #tpu.memory_space<hbm>>
    %dma_wait3A_23 = tpu.memref_slice %arg4[%add3A_22] : memref<320000xi32, #tpu.memory_space<hbm>> -> memref<40xi32, #tpu.memory_space<hbm>>
    tpu.wait_dma2 semaphore(%arg16 : memref<!tpu.dma_semaphore, #tpu.memory_space<semaphore_mem>>) src(%dma_wait3A_23 : memref<40xi32, #tpu.memory_space<hbm>>) dst(%arg7 : memref<40xi32, #tpu.memory_space<vmem>>)
    %add3A_24 = arith.constant 0 : i32
    %add3A_25 = arith.addi %add3A, %add3A_24 : i32
    %dma_wait3A_26 = tpu.memref_slice %arg5[%add3A_25] : memref<320000xi32, #tpu.memory_space<hbm>> -> memref<40xi32, #tpu.memory_space<hbm>>
    %dma_wait3A_27 = tpu.memref_slice %arg5[%add3A_25] : memref<320000xi32, #tpu.memory_space<hbm>> -> memref<40xi32, #tpu.memory_space<hbm>>
    tpu.wait_dma2 semaphore(%arg17 : memref<!tpu.dma_semaphore, #tpu.memory_space<semaphore_mem>>) src(%dma_wait3A_27 : memref<40xi32, #tpu.memory_space<hbm>>) dst(%arg8 : memref<40xi32, #tpu.memory_space<vmem>>)
    %dma_start3A_28 = arith.constant 0 : i32
    %dma_start3A_29 = arith.constant 0 : i32
    %dma_start3A_30 = tpu.memref_slice %arg2[%dma_start3A_28, %dma_start3A_29] : memref<10240x128xf32, #tpu.memory_space<hbm>> -> memref<10240x128xf32, #tpu.memory_space<hbm>>
    tpu.enqueue_indirect_dma source(%dma_start3A_30 : memref<10240x128xf32, #tpu.memory_space<hbm>>) target(%arg11 : memref<40x128xf32, #tpu.memory_space<vmem>>) offsets(%arg8 : memref<40xi32, #tpu.memory_space<vmem>>) semaphore(%arg20 : memref<!tpu.dma_semaphore, #tpu.memory_space<semaphore_mem>>)
    %dma_start3A_31 = arith.constant 0 : i32
    %dma_start3A_32 = arith.constant 0 : i32
    %dma_start3A_33 = tpu.memref_slice %arg3[%dma_start3A_31, %dma_start3A_32] : memref<10240x128xf32, #tpu.memory_space<hbm>> -> memref<10240x128xf32, #tpu.memory_space<hbm>>
    tpu.enqueue_indirect_dma source(%dma_start3A_33 : memref<10240x128xf32, #tpu.memory_space<hbm>>) target(%arg12 : memref<40x128xf32, #tpu.memory_space<vmem>>) offsets(%arg7 : memref<40xi32, #tpu.memory_space<vmem>>) semaphore(%arg21 : memref<!tpu.dma_semaphore, #tpu.memory_space<semaphore_mem>>)
    %add3A_34 = arith.constant 40 : i32
    %add3A_35 = arith.addi %add3A, %add3A_34 : i32
    %dma_start3A_36 = tpu.memref_slice %arg4[%add3A_35] : memref<320000xi32, #tpu.memory_space<hbm>> -> memref<40xi32, #tpu.memory_space<hbm>>
    %dma_start3A_37 = tpu.memref_slice %arg4[%add3A_35] : memref<320000xi32, #tpu.memory_space<hbm>> -> memref<40xi32, #tpu.memory_space<hbm>>
    tpu.enqueue_dma source(%dma_start3A_37 : memref<40xi32, #tpu.memory_space<hbm>>) target(%arg9 : memref<40xi32, #tpu.memory_space<vmem>>) target_semaphore(%arg18 : memref<!tpu.dma_semaphore, #tpu.memory_space<semaphore_mem>>)
    %add3A_38 = arith.constant 40 : i32
    %add3A_39 = arith.addi %add3A, %add3A_38 : i32
    %dma_start3A_40 = tpu.memref_slice %arg5[%add3A_39] : memref<320000xi32, #tpu.memory_space<hbm>> -> memref<40xi32, #tpu.memory_space<hbm>>
    %dma_start3A_41 = tpu.memref_slice %arg5[%add3A_39] : memref<320000xi32, #tpu.memory_space<hbm>> -> memref<40xi32, #tpu.memory_space<hbm>>
    tpu.enqueue_dma source(%dma_start3A_41 : memref<40xi32, #tpu.memory_space<hbm>>) target(%arg10 : memref<40xi32, #tpu.memory_space<vmem>>) target_semaphore(%arg19 : memref<!tpu.dma_semaphore, #tpu.memory_space<semaphore_mem>>)
    %scan3A_42 = arith.constant 0 : i32
    %scan3A_43 = arith.constant 0 : i32
    %scan3A_44 = arith.constant 125 : i32
    %scan3A_45 = arith.addi %scan3A_43, %scan3A_44 : i32
    %scan3A_46 = arith.constant 1 : i32
    scf.for %scan3A_53 = %scan3A_43 to %scan3A_45 step %scan3A_46  : i32 {
      %mul3A_54 = arith.constant 2 : i32
      %mul3A_55 = arith.muli %mul3A_54, %scan3A_53 : i32
      %add3A_56 = arith.constant 1 : i32
      %add3A_57 = arith.addi %mul3A_55, %add3A_56 : i32
      %mul3A_58 = arith.constant 40 : i32
      %mul3A_59 = arith.muli %add3A_57, %mul3A_58 : i32
      %add3A_60 = arith.addi %add3A, %mul3A_59 : i32
      %dma_wait3A_61 = tpu.memref_slice %arg4[%add3A_60] : memref<320000xi32, #tpu.memory_space<hbm>> -> memref<40xi32, #tpu.memory_space<hbm>>
      %dma_wait3A_62 = tpu.memref_slice %arg4[%add3A_60] : memref<320000xi32, #tpu.memory_space<hbm>> -> memref<40xi32, #tpu.memory_space<hbm>>
      tpu.wait_dma2 semaphore(%arg18 : memref<!tpu.dma_semaphore, #tpu.memory_space<semaphore_mem>>) src(%dma_wait3A_62 : memref<40xi32, #tpu.memory_space<hbm>>) dst(%arg9 : memref<40xi32, #tpu.memory_space<vmem>>)
      %mul3A_63 = arith.constant 40 : i32
      %mul3A_64 = arith.muli %add3A_57, %mul3A_63 : i32
      %add3A_65 = arith.addi %add3A, %mul3A_64 : i32
      %dma_wait3A_66 = tpu.memref_slice %arg5[%add3A_65] : memref<320000xi32, #tpu.memory_space<hbm>> -> memref<40xi32, #tpu.memory_space<hbm>>
      %dma_wait3A_67 = tpu.memref_slice %arg5[%add3A_65] : memref<320000xi32, #tpu.memory_space<hbm>> -> memref<40xi32, #tpu.memory_space<hbm>>
      tpu.wait_dma2 semaphore(%arg19 : memref<!tpu.dma_semaphore, #tpu.memory_space<semaphore_mem>>) src(%dma_wait3A_67 : memref<40xi32, #tpu.memory_space<hbm>>) dst(%arg10 : memref<40xi32, #tpu.memory_space<vmem>>)
      %dma_start3A_68 = arith.constant 0 : i32
      %dma_start3A_69 = arith.constant 0 : i32
      %dma_start3A_70 = tpu.memref_slice %arg2[%dma_start3A_68, %dma_start3A_69] : memref<10240x128xf32, #tpu.memory_space<hbm>> -> memref<10240x128xf32, #tpu.memory_space<hbm>>
      tpu.enqueue_indirect_dma source(%dma_start3A_70 : memref<10240x128xf32, #tpu.memory_space<hbm>>) target(%arg13 : memref<40x128xf32, #tpu.memory_space<vmem>>) offsets(%arg10 : memref<40xi32, #tpu.memory_space<vmem>>) semaphore(%arg22 : memref<!tpu.dma_semaphore, #tpu.memory_space<semaphore_mem>>)
      %dma_start3A_71 = arith.constant 0 : i32
      %dma_start3A_72 = arith.constant 0 : i32
      %dma_start3A_73 = tpu.memref_slice %arg3[%dma_start3A_71, %dma_start3A_72] : memref<10240x128xf32, #tpu.memory_space<hbm>> -> memref<10240x128xf32, #tpu.memory_space<hbm>>
      tpu.enqueue_indirect_dma source(%dma_start3A_73 : memref<10240x128xf32, #tpu.memory_space<hbm>>) target(%arg14 : memref<40x128xf32, #tpu.memory_space<vmem>>) offsets(%arg9 : memref<40xi32, #tpu.memory_space<vmem>>) semaphore(%arg23 : memref<!tpu.dma_semaphore, #tpu.memory_space<semaphore_mem>>)
      %dma_wait3A_74 = arith.constant 0 : i32
      %dma_wait3A_75 = arith.constant 0 : i32
      %dma_wait3A_76 = tpu.memref_slice %arg2[%dma_wait3A_74, %dma_wait3A_75] : memref<10240x128xf32, #tpu.memory_space<hbm>> -> memref<10240x128xf32, #tpu.memory_space<hbm>>
      tpu.wait_indirect_dma semaphore(%arg20 : memref<!tpu.dma_semaphore, #tpu.memory_space<semaphore_mem>>) src(%dma_wait3A_76 : memref<10240x128xf32, #tpu.memory_space<hbm>>) dst(%arg11 : memref<40x128xf32, #tpu.memory_space<vmem>>)
      %dma_wait3A_77 = arith.constant 0 : i32
      %dma_wait3A_78 = arith.constant 0 : i32
      %dma_wait3A_79 = tpu.memref_slice %arg3[%dma_wait3A_77, %dma_wait3A_78] : memref<10240x128xf32, #tpu.memory_space<hbm>> -> memref<10240x128xf32, #tpu.memory_space<hbm>>
      tpu.wait_indirect_dma semaphore(%arg21 : memref<!tpu.dma_semaphore, #tpu.memory_space<semaphore_mem>>) src(%dma_wait3A_79 : memref<10240x128xf32, #tpu.memory_space<hbm>>) dst(%arg12 : memref<40x128xf32, #tpu.memory_space<vmem>>)
      %parallel_loop3A = arith.constant 0 : i32
      %parallel_loop3A_80 = arith.constant 40 : i32
      %parallel_loop3A_81 = arith.constant 1 : i32
      scf.for %parallel_loop3A_102 = %parallel_loop3A to %parallel_loop3A_80 step %parallel_loop3A_81  : i32 {
        %parallel_loop3A_103 = arith.index_cast %parallel_loop3A_102 : i32 to index
        %parallel_loop3A_104 = arith.constant 0 : index
        %parallel_loop3A_105 = tpu.vector_load %arg11[%parallel_loop3A_103, %parallel_loop3A_104] {strides = array<i32>} : memref<40x128xf32, #tpu.memory_space<vmem>>, vector<1x16xf32>,
        %parallel_loop3A_106 = vector.shape_cast %parallel_loop3A_105 : vector<1x16xf32> to vector<16xf32>
        %parallel_loop3A_107 = arith.index_cast %parallel_loop3A_102 : i32 to index
        %parallel_loop3A_108 = arith.constant 0 : index
        %parallel_loop3A_109 = tpu.vector_load %arg12[%parallel_loop3A_107, %parallel_loop3A_108] {strides = array<i32>} : memref<40x128xf32, #tpu.memory_space<vmem>>, vector<1x16xf32>,
        %parallel_loop3A_110 = vector.shape_cast %parallel_loop3A_109 : vector<1x16xf32> to vector<16xf32>
        %parallel_loop3A_111 = arith.addf %parallel_loop3A_106, %parallel_loop3A_110 : vector<16xf32>
        %parallel_loop3A_112 = arith.constant 0.000000e+00 : f32
        %parallel_loop3A_113 = vector.broadcast %parallel_loop3A_112 : f32 to vector<16xf32>
        %parallel_loop3A_114 = arith.maximumf %parallel_loop3A_111, %parallel_loop3A_113 : vector<16xf32>
        %parallel_loop3A_115 = arith.index_cast %parallel_loop3A_102 : i32 to index
        %parallel_loop3A_116 = arith.constant 0 : index
        %parallel_loop3A_117 = tpu.vector_load %arg11[%parallel_loop3A_115, %parallel_loop3A_116] {strides = array<i32>} : memref<40x128xf32, #tpu.memory_space<vmem>>, vector<1x16xf32>,
        %parallel_loop3A_118 = vector.shape_cast %parallel_loop3A_117 : vector<1x16xf32> to vector<16xf32>
        %parallel_loop3A_119 = vector.shape_cast %parallel_loop3A_114 : vector<16xf32> to vector<1x16xf32>
        tpu.vector_store %arg11[%parallel_loop3A_115, %parallel_loop3A_116], %parallel_loop3A_119 {strides = array<i32>} : memref<40x128xf32, #tpu.memory_space<vmem>>, vector<1x16xf32>,
        %parallel_loop3A_120 = arith.index_cast %parallel_loop3A_102 : i32 to index
        %parallel_loop3A_121 = arith.constant 16 : index
        %parallel_loop3A_122 = tpu.vector_load %arg11[%parallel_loop3A_120, %parallel_loop3A_121] {strides = array<i32>} : memref<40x128xf32, #tpu.memory_space<vmem>>, vector<1x16xf32>,
        %parallel_loop3A_123 = vector.shape_cast %parallel_loop3A_122 : vector<1x16xf32> to vector<16xf32>
        %parallel_loop3A_124 = arith.index_cast %parallel_loop3A_102 : i32 to index
        %parallel_loop3A_125 = arith.constant 16 : index
        %parallel_loop3A_126 = tpu.vector_load %arg12[%parallel_loop3A_124, %parallel_loop3A_125] {strides = array<i32>} : memref<40x128xf32, #tpu.memory_space<vmem>>, vector<1x16xf32>,
        %parallel_loop3A_127 = vector.shape_cast %parallel_loop3A_126 : vector<1x16xf32> to vector<16xf32>
        %parallel_loop3A_128 = arith.addf %parallel_loop3A_123, %parallel_loop3A_127 : vector<16xf32>
        %parallel_loop3A_129 = arith.constant 0.000000e+00 : f32
        %parallel_loop3A_130 = vector.broadcast %parallel_loop3A_129 : f32 to vector<16xf32>
        %parallel_loop3A_131 = arith.maximumf %parallel_loop3A_128, %parallel_loop3A_130 : vector<16xf32>
        %parallel_loop3A_132 = arith.index_cast %parallel_loop3A_102 : i32 to index
        %parallel_loop3A_133 = arith.constant 16 : index
        %parallel_loop3A_134 = tpu.vector_load %arg11[%parallel_loop3A_132, %parallel_loop3A_133] {strides = array<i32>} : memref<40x128xf32, #tpu.memory_space<vmem>>, vector<1x16xf32>,
        %parallel_loop3A_135 = vector.shape_cast %parallel_loop3A_134 : vector<1x16xf32> to vector<16xf32>
        %parallel_loop3A_136 = vector.shape_cast %parallel_loop3A_131 : vector<16xf32> to vector<1x16xf32>
        tpu.vector_store %arg11[%parallel_loop3A_132, %parallel_loop3A_133], %parallel_loop3A_136 {strides = array<i32>} : memref<40x128xf32, #tpu.memory_space<vmem>>, vector<1x16xf32>,
        %parallel_loop3A_137 = arith.index_cast %parallel_loop3A_102 : i32 to index
        %parallel_loop3A_138 = arith.constant 32 : index
        %parallel_loop3A_139 = tpu.vector_load %arg11[%parallel_loop3A_137, %parallel_loop3A_138] {strides = array<i32>} : memref<40x128xf32, #tpu.memory_space<vmem>>, vector<1x16xf32>,
        %parallel_loop3A_140 = vector.shape_cast %parallel_loop3A_139 : vector<1x16xf32> to vector<16xf32>
        %parallel_loop3A_141 = arith.index_cast %parallel_loop3A_102 : i32 to index
        %parallel_loop3A_142 = arith.constant 32 : index
        %parallel_loop3A_143 = tpu.vector_load %arg12[%parallel_loop3A_141, %parallel_loop3A_142] {strides = array<i32>} : memref<40x128xf32, #tpu.memory_space<vmem>>, vector<1x16xf32>,
        %parallel_loop3A_144 = vector.shape_cast %parallel_loop3A_143 : vector<1x16xf32> to vector<16xf32>
        %parallel_loop3A_145 = arith.addf %parallel_loop3A_140, %parallel_loop3A_144 : vector<16xf32>
        %parallel_loop3A_146 = arith.constant 0.000000e+00 : f32
        %parallel_loop3A_147 = vector.broadcast %parallel_loop3A_146 : f32 to vector<16xf32>
        %parallel_loop3A_148 = arith.maximumf %parallel_loop3A_145, %parallel_loop3A_147 : vector<16xf32>
        %parallel_loop3A_149 = arith.index_cast %parallel_loop3A_102 : i32 to index
        %parallel_loop3A_150 = arith.constant 32 : index
        %parallel_loop3A_151 = tpu.vector_load %arg11[%parallel_loop3A_149, %parallel_loop3A_150] {strides = array<i32>} : memref<40x128xf32, #tpu.memory_space<vmem>>, vector<1x16xf32>,
        %parallel_loop3A_152 = vector.shape_cast %parallel_loop3A_151 : vector<1x16xf32> to vector<16xf32>
        %parallel_loop3A_153 = vector.shape_cast %parallel_loop3A_148 : vector<16xf32> to vector<1x16xf32>
        tpu.vector_store %arg11[%parallel_loop3A_149, %parallel_loop3A_150], %parallel_loop3A_153 {strides = array<i32>} : memref<40x128xf32, #tpu.memory_space<vmem>>, vector<1x16xf32>,
        %parallel_loop3A_154 = arith.index_cast %parallel_loop3A_102 : i32 to index
        %parallel_loop3A_155 = arith.constant 48 : index
        %parallel_loop3A_156 = tpu.vector_load %arg11[%parallel_loop3A_154, %parallel_loop3A_155] {strides = array<i32>} : memref<40x128xf32, #tpu.memory_space<vmem>>, vector<1x16xf32>,
        %parallel_loop3A_157 = vector.shape_cast %parallel_loop3A_156 : vector<1x16xf32> to vector<16xf32>
        %parallel_loop3A_158 = arith.index_cast %parallel_loop3A_102 : i32 to index
        %parallel_loop3A_159 = arith.constant 48 : index
        %parallel_loop3A_160 = tpu.vector_load %arg12[%parallel_loop3A_158, %parallel_loop3A_159] {strides = array<i32>} : memref<40x128xf32, #tpu.memory_space<vmem>>, vector<1x16xf32>,
        %parallel_loop3A_161 = vector.shape_cast %parallel_loop3A_160 : vector<1x16xf32> to vector<16xf32>
        %parallel_loop3A_162 = arith.addf %parallel_loop3A_157, %parallel_loop3A_161 : vector<16xf32>
        %parallel_loop3A_163 = arith.constant 0.000000e+00 : f32
        %parallel_loop3A_164 = vector.broadcast %parallel_loop3A_163 : f32 to vector<16xf32>
        %parallel_loop3A_165 = arith.maximumf %parallel_loop3A_162, %parallel_loop3A_164 : vector<16xf32>
        %parallel_loop3A_166 = arith.index_cast %parallel_loop3A_102 : i32 to index
        %parallel_loop3A_167 = arith.constant 48 : index
        %parallel_loop3A_168 = tpu.vector_load %arg11[%parallel_loop3A_166, %parallel_loop3A_167] {strides = array<i32>} : memref<40x128xf32, #tpu.memory_space<vmem>>, vector<1x16xf32>,
        %parallel_loop3A_169 = vector.shape_cast %parallel_loop3A_168 : vector<1x16xf32> to vector<16xf32>
        %parallel_loop3A_170 = vector.shape_cast %parallel_loop3A_165 : vector<16xf32> to vector<1x16xf32>
        tpu.vector_store %arg11[%parallel_loop3A_166, %parallel_loop3A_167], %parallel_loop3A_170 {strides = array<i32>} : memref<40x128xf32, #tpu.memory_space<vmem>>, vector<1x16xf32>,
        %parallel_loop3A_171 = arith.index_cast %parallel_loop3A_102 : i32 to index
        %parallel_loop3A_172 = arith.constant 64 : index
        %parallel_loop3A_173 = tpu.vector_load %arg11[%parallel_loop3A_171, %parallel_loop3A_172] {strides = array<i32>} : memref<40x128xf32, #tpu.memory_space<vmem>>, vector<1x16xf32>,
        %parallel_loop3A_174 = vector.shape_cast %parallel_loop3A_173 : vector<1x16xf32> to vector<16xf32>
        %parallel_loop3A_175 = arith.index_cast %parallel_loop3A_102 : i32 to index
        %parallel_loop3A_176 = arith.constant 64 : index
        %parallel_loop3A_177 = tpu.vector_load %arg12[%parallel_loop3A_175, %parallel_loop3A_176] {strides = array<i32>} : memref<40x128xf32, #tpu.memory_space<vmem>>, vector<1x16xf32>,
        %parallel_loop3A_178 = vector.shape_cast %parallel_loop3A_177 : vector<1x16xf32> to vector<16xf32>
        %parallel_loop3A_179 = arith.addf %parallel_loop3A_174, %parallel_loop3A_178 : vector<16xf32>
        %parallel_loop3A_180 = arith.constant 0.000000e+00 : f32
        %parallel_loop3A_181 = vector.broadcast %parallel_loop3A_180 : f32 to vector<16xf32>
        %parallel_loop3A_182 = arith.maximumf %parallel_loop3A_179, %parallel_loop3A_181 : vector<16xf32>
        %parallel_loop3A_183 = arith.index_cast %parallel_loop3A_102 : i32 to index
        %parallel_loop3A_184 = arith.constant 64 : index
        %parallel_loop3A_185 = tpu.vector_load %arg11[%parallel_loop3A_183, %parallel_loop3A_184] {strides = array<i32>} : memref<40x128xf32, #tpu.memory_space<vmem>>, vector<1x16xf32>,
        %parallel_loop3A_186 = vector.shape_cast %parallel_loop3A_185 : vector<1x16xf32> to vector<16xf32>
        %parallel_loop3A_187 = vector.shape_cast %parallel_loop3A_182 : vector<16xf32> to vector<1x16xf32>
        tpu.vector_store %arg11[%parallel_loop3A_183, %parallel_loop3A_184], %parallel_loop3A_187 {strides = array<i32>} : memref<40x128xf32, #tpu.memory_space<vmem>>, vector<1x16xf32>,
        %parallel_loop3A_188 = arith.index_cast %parallel_loop3A_102 : i32 to index
        %parallel_loop3A_189 = arith.constant 80 : index
        %parallel_loop3A_190 = tpu.vector_load %arg11[%parallel_loop3A_188, %parallel_loop3A_189] {strides = array<i32>} : memref<40x128xf32, #tpu.memory_space<vmem>>, vector<1x16xf32>,
        %parallel_loop3A_191 = vector.shape_cast %parallel_loop3A_190 : vector<1x16xf32> to vector<16xf32>
        %parallel_loop3A_192 = arith.index_cast %parallel_loop3A_102 : i32 to index
        %parallel_loop3A_193 = arith.constant 80 : index
        %parallel_loop3A_194 = tpu.vector_load %arg12[%parallel_loop3A_192, %parallel_loop3A_193] {strides = array<i32>} : memref<40x128xf32, #tpu.memory_space<vmem>>, vector<1x16xf32>,
        %parallel_loop3A_195 = vector.shape_cast %parallel_loop3A_194 : vector<1x16xf32> to vector<16xf32>
        %parallel_loop3A_196 = arith.addf %parallel_loop3A_191, %parallel_loop3A_195 : vector<16xf32>
        %parallel_loop3A_197 = arith.constant 0.000000e+00 : f32
        %parallel_loop3A_198 = vector.broadcast %parallel_loop3A_197 : f32 to vector<16xf32>
        %parallel_loop3A_199 = arith.maximumf %parallel_loop3A_196, %parallel_loop3A_198 : vector<16xf32>
        %parallel_loop3A_200 = arith.index_cast %parallel_loop3A_102 : i32 to index
        %parallel_loop3A_201 = arith.constant 80 : index
        %parallel_loop3A_202 = tpu.vector_load %arg11[%parallel_loop3A_200, %parallel_loop3A_201] {strides = array<i32>} : memref<40x128xf32, #tpu.memory_space<vmem>>, vector<1x16xf32>,
        %parallel_loop3A_203 = vector.shape_cast %parallel_loop3A_202 : vector<1x16xf32> to vector<16xf32>
        %parallel_loop3A_204 = vector.shape_cast %parallel_loop3A_199 : vector<16xf32> to vector<1x16xf32>
        tpu.vector_store %arg11[%parallel_loop3A_200, %parallel_loop3A_201], %parallel_loop3A_204 {strides = array<i32>} : memref<40x128xf32, #tpu.memory_space<vmem>>, vector<1x16xf32>,
        %parallel_loop3A_205 = arith.index_cast %parallel_loop3A_102 : i32 to index
        %parallel_loop3A_206 = arith.constant 96 : index
        %parallel_loop3A_207 = tpu.vector_load %arg11[%parallel_loop3A_205, %parallel_loop3A_206] {strides = array<i32>} : memref<40x128xf32, #tpu.memory_space<vmem>>, vector<1x16xf32>,
        %parallel_loop3A_208 = vector.shape_cast %parallel_loop3A_207 : vector<1x16xf32> to vector<16xf32>
        %parallel_loop3A_209 = arith.index_cast %parallel_loop3A_102 : i32 to index
        %parallel_loop3A_210 = arith.constant 96 : index
        %parallel_loop3A_211 = tpu.vector_load %arg12[%parallel_loop3A_209, %parallel_loop3A_210] {strides = array<i32>} : memref<40x128xf32, #tpu.memory_space<vmem>>, vector<1x16xf32>,
        %parallel_loop3A_212 = vector.shape_cast %parallel_loop3A_211 : vector<1x16xf32> to vector<16xf32>
        %parallel_loop3A_213 = arith.addf %parallel_loop3A_208, %parallel_loop3A_212 : vector<16xf32>
        %parallel_loop3A_214 = arith.constant 0.000000e+00 : f32
        %parallel_loop3A_215 = vector.broadcast %parallel_loop3A_214 : f32 to vector<16xf32>
        %parallel_loop3A_216 = arith.maximumf %parallel_loop3A_213, %parallel_loop3A_215 : vector<16xf32>
        %parallel_loop3A_217 = arith.index_cast %parallel_loop3A_102 : i32 to index
        %parallel_loop3A_218 = arith.constant 96 : index
        %parallel_loop3A_219 = tpu.vector_load %arg11[%parallel_loop3A_217, %parallel_loop3A_218] {strides = array<i32>} : memref<40x128xf32, #tpu.memory_space<vmem>>, vector<1x16xf32>,
        %parallel_loop3A_220 = vector.shape_cast %parallel_loop3A_219 : vector<1x16xf32> to vector<16xf32>
        %parallel_loop3A_221 = vector.shape_cast %parallel_loop3A_216 : vector<16xf32> to vector<1x16xf32>
        tpu.vector_store %arg11[%parallel_loop3A_217, %parallel_loop3A_218], %parallel_loop3A_221 {strides = array<i32>} : memref<40x128xf32, #tpu.memory_space<vmem>>, vector<1x16xf32>,
        %parallel_loop3A_222 = arith.index_cast %parallel_loop3A_102 : i32 to index
        %parallel_loop3A_223 = arith.constant 112 : index
        %parallel_loop3A_224 = tpu.vector_load %arg11[%parallel_loop3A_222, %parallel_loop3A_223] {strides = array<i32>} : memref<40x128xf32, #tpu.memory_space<vmem>>, vector<1x16xf32>,
        %parallel_loop3A_225 = vector.shape_cast %parallel_loop3A_224 : vector<1x16xf32> to vector<16xf32>
        %parallel_loop3A_226 = arith.index_cast %parallel_loop3A_102 : i32 to index
        %parallel_loop3A_227 = arith.constant 112 : index
        %parallel_loop3A_228 = tpu.vector_load %arg12[%parallel_loop3A_226, %parallel_loop3A_227] {strides = array<i32>} : memref<40x128xf32, #tpu.memory_space<vmem>>, vector<1x16xf32>,
        %parallel_loop3A_229 = vector.shape_cast %parallel_loop3A_228 : vector<1x16xf32> to vector<16xf32>
        %parallel_loop3A_230 = arith.addf %parallel_loop3A_225, %parallel_loop3A_229 : vector<16xf32>
        %parallel_loop3A_231 = arith.constant 0.000000e+00 : f32
        %parallel_loop3A_232 = vector.broadcast %parallel_loop3A_231 : f32 to vector<16xf32>
        %parallel_loop3A_233 = arith.maximumf %parallel_loop3A_230, %parallel_loop3A_232 : vector<16xf32>
        %parallel_loop3A_234 = arith.index_cast %parallel_loop3A_102 : i32 to index
        %parallel_loop3A_235 = arith.constant 112 : index
        %parallel_loop3A_236 = tpu.vector_load %arg11[%parallel_loop3A_234, %parallel_loop3A_235] {strides = array<i32>} : memref<40x128xf32, #tpu.memory_space<vmem>>, vector<1x16xf32>,
        %parallel_loop3A_237 = vector.shape_cast %parallel_loop3A_236 : vector<1x16xf32> to vector<16xf32>
        %parallel_loop3A_238 = vector.shape_cast %parallel_loop3A_233 : vector<16xf32> to vector<1x16xf32>
        tpu.vector_store %arg11[%parallel_loop3A_234, %parallel_loop3A_235], %parallel_loop3A_238 {strides = array<i32>} : memref<40x128xf32, #tpu.memory_space<vmem>>, vector<1x16xf32>,
      } {sc.loop_unroll_factor = 1 : i64, sc.parallel_access}
      "tpu.region"() ({
        %run_scoped3A = tpu.sem_alloc : memref<!tpu.dma_semaphore, #tpu.memory_space<semaphore_mem>>
        %dma_start3A_102 = arith.constant 0 : i32
        %dma_start3A_103 = arith.constant 0 : i32
        %dma_start3A_104 = tpu.memref_slice %arg15[%dma_start3A_102, %dma_start3A_103] : memref<10240x128xf32, #tpu.memory_space<vmem_shared>> -> memref<10240x128xf32, #tpu.memory_space<vmem_shared>>
        tpu.enqueue_indirect_dma source(%arg11 : memref<40x128xf32, #tpu.memory_space<vmem>>) target(%dma_start3A_104 : memref<10240x128xf32, #tpu.memory_space<vmem_shared>>) offsets(%arg8 : memref<40xi32, #tpu.memory_space<vmem>>) semaphore(%run_scoped3A : memref<!tpu.dma_semaphore, #tpu.memory_space<semaphore_mem>>) {add = true}
        %dma_wait3A_105 = arith.constant 0 : i32
        %dma_wait3A_106 = arith.constant 0 : i32
        %dma_wait3A_107 = tpu.memref_slice %arg15[%dma_wait3A_105, %dma_wait3A_106] : memref<10240x128xf32, #tpu.memory_space<vmem_shared>> -> memref<10240x128xf32, #tpu.memory_space<vmem_shared>>
        tpu.wait_indirect_dma semaphore(%run_scoped3A : memref<!tpu.dma_semaphore, #tpu.memory_space<semaphore_mem>>) src(%arg11 : memref<40x128xf32, #tpu.memory_space<vmem>>) dst(%dma_wait3A_107 : memref<10240x128xf32, #tpu.memory_space<vmem_shared>>)
        tpu.yield
      }) : () -> ()
      %add3A_82 = arith.constant 2 : i32
      %add3A_83 = arith.addi %mul3A_55, %add3A_82 : i32
      %lt3A = arith.constant 250 : i32
      %lt3A_84 = arith.cmpi slt, %add3A_83, %lt3A : i32
      %convert_element_type3A = arith.extui %lt3A_84 : i1 to i32
      %cond3A = arith.constant 0 : i32
      %cond3A_85 = arith.cmpi ne, %convert_element_type3A, %cond3A : i32
      scf.if %cond3A_85 {
        %add3A_102 = arith.constant 2 : i32
        %add3A_103 = arith.addi %mul3A_55, %add3A_102 : i32
        %mul3A_104 = arith.constant 40 : i32
        %mul3A_105 = arith.muli %add3A_103, %mul3A_104 : i32
        %add3A_106 = arith.addi %add3A, %mul3A_105 : i32
        %dma_start3A_107 = tpu.memref_slice %arg4[%add3A_106] : memref<320000xi32, #tpu.memory_space<hbm>> -> memref<40xi32, #tpu.memory_space<hbm>>
        %dma_start3A_108 = tpu.memref_slice %arg4[%add3A_106] : memref<320000xi32, #tpu.memory_space<hbm>> -> memref<40xi32, #tpu.memory_space<hbm>>
        tpu.enqueue_dma source(%dma_start3A_108 : memref<40xi32, #tpu.memory_space<hbm>>) target(%arg7 : memref<40xi32, #tpu.memory_space<vmem>>) target_semaphore(%arg16 : memref<!tpu.dma_semaphore, #tpu.memory_space<semaphore_mem>>)
        %mul3A_109 = arith.constant 40 : i32
        %mul3A_110 = arith.muli %add3A_103, %mul3A_109 : i32
        %add3A_111 = arith.addi %add3A, %mul3A_110 : i32
        %dma_start3A_112 = tpu.memref_slice %arg5[%add3A_111] : memref<320000xi32, #tpu.memory_space<hbm>> -> memref<40xi32, #tpu.memory_space<hbm>>
        %dma_start3A_113 = tpu.memref_slice %arg5[%add3A_111] : memref<320000xi32, #tpu.memory_space<hbm>> -> memref<40xi32, #tpu.memory_space<hbm>>
        tpu.enqueue_dma source(%dma_start3A_113 : memref<40xi32, #tpu.memory_space<hbm>>) target(%arg8 : memref<40xi32, #tpu.memory_space<vmem>>) target_semaphore(%arg17 : memref<!tpu.dma_semaphore, #tpu.memory_space<semaphore_mem>>)
        %add3A_114 = arith.constant 2 : i32
        %add3A_115 = arith.addi %mul3A_55, %add3A_114 : i32
        %mul3A_116 = arith.constant 40 : i32
        %mul3A_117 = arith.muli %add3A_115, %mul3A_116 : i32
        %add3A_118 = arith.addi %add3A, %mul3A_117 : i32
        %dma_wait3A_119 = tpu.memref_slice %arg4[%add3A_118] : memref<320000xi32, #tpu.memory_space<hbm>> -> memref<40xi32, #tpu.memory_space<hbm>>
        %dma_wait3A_120 = tpu.memref_slice %arg4[%add3A_118] : memref<320000xi32, #tpu.memory_space<hbm>> -> memref<40xi32, #tpu.memory_space<hbm>>
        tpu.wait_dma2 semaphore(%arg16 : memref<!tpu.dma_semaphore, #tpu.memory_space<semaphore_mem>>) src(%dma_wait3A_120 : memref<40xi32, #tpu.memory_space<hbm>>) dst(%arg7 : memref<40xi32, #tpu.memory_space<vmem>>)
        %mul3A_121 = arith.constant 40 : i32
        %mul3A_122 = arith.muli %add3A_115, %mul3A_121 : i32
        %add3A_123 = arith.addi %add3A, %mul3A_122 : i32
        %dma_wait3A_124 = tpu.memref_slice %arg5[%add3A_123] : memref<320000xi32, #tpu.memory_space<hbm>> -> memref<40xi32, #tpu.memory_space<hbm>>
        %dma_wait3A_125 = tpu.memref_slice %arg5[%add3A_123] : memref<320000xi32, #tpu.memory_space<hbm>> -> memref<40xi32, #tpu.memory_space<hbm>>
        tpu.wait_dma2 semaphore(%arg17 : memref<!tpu.dma_semaphore, #tpu.memory_space<semaphore_mem>>) src(%dma_wait3A_125 : memref<40xi32, #tpu.memory_space<hbm>>) dst(%arg8 : memref<40xi32, #tpu.memory_space<vmem>>)
        %dma_start3A_126 = arith.constant 0 : i32
        %dma_start3A_127 = arith.constant 0 : i32
        %dma_start3A_128 = tpu.memref_slice %arg2[%dma_start3A_126, %dma_start3A_127] : memref<10240x128xf32, #tpu.memory_space<hbm>> -> memref<10240x128xf32, #tpu.memory_space<hbm>>
        tpu.enqueue_indirect_dma source(%dma_start3A_128 : memref<10240x128xf32, #tpu.memory_space<hbm>>) target(%arg11 : memref<40x128xf32, #tpu.memory_space<vmem>>) offsets(%arg8 : memref<40xi32, #tpu.memory_space<vmem>>) semaphore(%arg20 : memref<!tpu.dma_semaphore, #tpu.memory_space<semaphore_mem>>)
        %dma_start3A_129 = arith.constant 0 : i32
        %dma_start3A_130 = arith.constant 0 : i32
        %dma_start3A_131 = tpu.memref_slice %arg3[%dma_start3A_129, %dma_start3A_130] : memref<10240x128xf32, #tpu.memory_space<hbm>> -> memref<10240x128xf32, #tpu.memory_space<hbm>>
        tpu.enqueue_indirect_dma source(%dma_start3A_131 : memref<10240x128xf32, #tpu.memory_space<hbm>>) target(%arg12 : memref<40x128xf32, #tpu.memory_space<vmem>>) offsets(%arg7 : memref<40xi32, #tpu.memory_space<vmem>>) semaphore(%arg21 : memref<!tpu.dma_semaphore, #tpu.memory_space<semaphore_mem>>)
      } else {
      }
      %dma_wait3A_86 = arith.constant 0 : i32
      %dma_wait3A_87 = arith.constant 0 : i32
      %dma_wait3A_88 = tpu.memref_slice %arg2[%dma_wait3A_86, %dma_wait3A_87] : memref<10240x128xf32, #tpu.memory_space<hbm>> -> memref<10240x128xf32, #tpu.memory_space<hbm>>
      tpu.wait_indirect_dma semaphore(%arg22 : memref<!tpu.dma_semaphore, #tpu.memory_space<semaphore_mem>>) src(%dma_wait3A_88 : memref<10240x128xf32, #tpu.memory_space<hbm>>) dst(%arg13 : memref<40x128xf32, #tpu.memory_space<vmem>>)
      %dma_wait3A_89 = arith.constant 0 : i32
      %dma_wait3A_90 = arith.constant 0 : i32
      %dma_wait3A_91 = tpu.memref_slice %arg3[%dma_wait3A_89, %dma_wait3A_90] : memref<10240x128xf32, #tpu.memory_space<hbm>> -> memref<10240x128xf32, #tpu.memory_space<hbm>>
      tpu.wait_indirect_dma semaphore(%arg23 : memref<!tpu.dma_semaphore, #tpu.memory_space<semaphore_mem>>) src(%dma_wait3A_91 : memref<10240x128xf32, #tpu.memory_space<hbm>>) dst(%arg14 : memref<40x128xf32, #tpu.memory_space<vmem>>)
      %parallel_loop3A_92 = arith.constant 0 : i32
      %parallel_loop3A_93 = arith.constant 40 : i32
      %parallel_loop3A_94 = arith.constant 1 : i32
      scf.for %parallel_loop3A_102 = %parallel_loop3A_92 to %parallel_loop3A_93 step %parallel_loop3A_94  : i32 {
        %parallel_loop3A_103 = arith.index_cast %parallel_loop3A_102 : i32 to index
        %parallel_loop3A_104 = arith.constant 0 : index
        %parallel_loop3A_105 = tpu.vector_load %arg13[%parallel_loop3A_103, %parallel_loop3A_104] {strides = array<i32>} : memref<40x128xf32, #tpu.memory_space<vmem>>, vector<1x16xf32>,
        %parallel_loop3A_106 = vector.shape_cast %parallel_loop3A_105 : vector<1x16xf32> to vector<16xf32>
        %parallel_loop3A_107 = arith.index_cast %parallel_loop3A_102 : i32 to index
        %parallel_loop3A_108 = arith.constant 0 : index
        %parallel_loop3A_109 = tpu.vector_load %arg14[%parallel_loop3A_107, %parallel_loop3A_108] {strides = array<i32>} : memref<40x128xf32, #tpu.memory_space<vmem>>, vector<1x16xf32>,
        %parallel_loop3A_110 = vector.shape_cast %parallel_loop3A_109 : vector<1x16xf32> to vector<16xf32>
        %parallel_loop3A_111 = arith.addf %parallel_loop3A_106, %parallel_loop3A_110 : vector<16xf32>
        %parallel_loop3A_112 = arith.constant 0.000000e+00 : f32
        %parallel_loop3A_113 = vector.broadcast %parallel_loop3A_112 : f32 to vector<16xf32>
        %parallel_loop3A_114 = arith.maximumf %parallel_loop3A_111, %parallel_loop3A_113 : vector<16xf32>
        %parallel_loop3A_115 = arith.index_cast %parallel_loop3A_102 : i32 to index
        %parallel_loop3A_116 = arith.constant 0 : index
        %parallel_loop3A_117 = tpu.vector_load %arg13[%parallel_loop3A_115, %parallel_loop3A_116] {strides = array<i32>} : memref<40x128xf32, #tpu.memory_space<vmem>>, vector<1x16xf32>,
        %parallel_loop3A_118 = vector.shape_cast %parallel_loop3A_117 : vector<1x16xf32> to vector<16xf32>
        %parallel_loop3A_119 = vector.shape_cast %parallel_loop3A_114 : vector<16xf32> to vector<1x16xf32>
        tpu.vector_store %arg13[%parallel_loop3A_115, %parallel_loop3A_116], %parallel_loop3A_119 {strides = array<i32>} : memref<40x128xf32, #tpu.memory_space<vmem>>, vector<1x16xf32>,
        %parallel_loop3A_120 = arith.index_cast %parallel_loop3A_102 : i32 to index
        %parallel_loop3A_121 = arith.constant 16 : index
        %parallel_loop3A_122 = tpu.vector_load %arg13[%parallel_loop3A_120, %parallel_loop3A_121] {strides = array<i32>} : memref<40x128xf32, #tpu.memory_space<vmem>>, vector<1x16xf32>,
        %parallel_loop3A_123 = vector.shape_cast %parallel_loop3A_122 : vector<1x16xf32> to vector<16xf32>
        %parallel_loop3A_124 = arith.index_cast %parallel_loop3A_102 : i32 to index
        %parallel_loop3A_125 = arith.constant 16 : index
        %parallel_loop3A_126 = tpu.vector_load %arg14[%parallel_loop3A_124, %parallel_loop3A_125] {strides = array<i32>} : memref<40x128xf32, #tpu.memory_space<vmem>>, vector<1x16xf32>,
        %parallel_loop3A_127 = vector.shape_cast %parallel_loop3A_126 : vector<1x16xf32> to vector<16xf32>
        %parallel_loop3A_128 = arith.addf %parallel_loop3A_123, %parallel_loop3A_127 : vector<16xf32>
        %parallel_loop3A_129 = arith.constant 0.000000e+00 : f32
        %parallel_loop3A_130 = vector.broadcast %parallel_loop3A_129 : f32 to vector<16xf32>
        %parallel_loop3A_131 = arith.maximumf %parallel_loop3A_128, %parallel_loop3A_130 : vector<16xf32>
        %parallel_loop3A_132 = arith.index_cast %parallel_loop3A_102 : i32 to index
        %parallel_loop3A_133 = arith.constant 16 : index
        %parallel_loop3A_134 = tpu.vector_load %arg13[%parallel_loop3A_132, %parallel_loop3A_133] {strides = array<i32>} : memref<40x128xf32, #tpu.memory_space<vmem>>, vector<1x16xf32>,
        %parallel_loop3A_135 = vector.shape_cast %parallel_loop3A_134 : vector<1x16xf32> to vector<16xf32>
        %parallel_loop3A_136 = vector.shape_cast %parallel_loop3A_131 : vector<16xf32> to vector<1x16xf32>
        tpu.vector_store %arg13[%parallel_loop3A_132, %parallel_loop3A_133], %parallel_loop3A_136 {strides = array<i32>} : memref<40x128xf32, #tpu.memory_space<vmem>>, vector<1x16xf32>,
        %parallel_loop3A_137 = arith.index_cast %parallel_loop3A_102 : i32 to index
        %parallel_loop3A_138 = arith.constant 32 : index
        %parallel_loop3A_139 = tpu.vector_load %arg13[%parallel_loop3A_137, %parallel_loop3A_138] {strides = array<i32>} : memref<40x128xf32, #tpu.memory_space<vmem>>, vector<1x16xf32>,
        %parallel_loop3A_140 = vector.shape_cast %parallel_loop3A_139 : vector<1x16xf32> to vector<16xf32>
        %parallel_loop3A_141 = arith.index_cast %parallel_loop3A_102 : i32 to index
        %parallel_loop3A_142 = arith.constant 32 : index
        %parallel_loop3A_143 = tpu.vector_load %arg14[%parallel_loop3A_141, %parallel_loop3A_142] {strides = array<i32>} : memref<40x128xf32, #tpu.memory_space<vmem>>, vector<1x16xf32>,
        %parallel_loop3A_144 = vector.shape_cast %parallel_loop3A_143 : vector<1x16xf32> to vector<16xf32>
        %parallel_loop3A_145 = arith.addf %parallel_loop3A_140, %parallel_loop3A_144 : vector<16xf32>
        %parallel_loop3A_146 = arith.constant 0.000000e+00 : f32
        %parallel_loop3A_147 = vector.broadcast %parallel_loop3A_146 : f32 to vector<16xf32>
        %parallel_loop3A_148 = arith.maximumf %parallel_loop3A_145, %parallel_loop3A_147 : vector<16xf32>
        %parallel_loop3A_149 = arith.index_cast %parallel_loop3A_102 : i32 to index
        %parallel_loop3A_150 = arith.constant 32 : index
        %parallel_loop3A_151 = tpu.vector_load %arg13[%parallel_loop3A_149, %parallel_loop3A_150] {strides = array<i32>} : memref<40x128xf32, #tpu.memory_space<vmem>>, vector<1x16xf32>,
        %parallel_loop3A_152 = vector.shape_cast %parallel_loop3A_151 : vector<1x16xf32> to vector<16xf32>
        %parallel_loop3A_153 = vector.shape_cast %parallel_loop3A_148 : vector<16xf32> to vector<1x16xf32>
        tpu.vector_store %arg13[%parallel_loop3A_149, %parallel_loop3A_150], %parallel_loop3A_153 {strides = array<i32>} : memref<40x128xf32, #tpu.memory_space<vmem>>, vector<1x16xf32>,
        %parallel_loop3A_154 = arith.index_cast %parallel_loop3A_102 : i32 to index
        %parallel_loop3A_155 = arith.constant 48 : index
        %parallel_loop3A_156 = tpu.vector_load %arg13[%parallel_loop3A_154, %parallel_loop3A_155] {strides = array<i32>} : memref<40x128xf32, #tpu.memory_space<vmem>>, vector<1x16xf32>,
        %parallel_loop3A_157 = vector.shape_cast %parallel_loop3A_156 : vector<1x16xf32> to vector<16xf32>
        %parallel_loop3A_158 = arith.index_cast %parallel_loop3A_102 : i32 to index
        %parallel_loop3A_159 = arith.constant 48 : index
        %parallel_loop3A_160 = tpu.vector_load %arg14[%parallel_loop3A_158, %parallel_loop3A_159] {strides = array<i32>} : memref<40x128xf32, #tpu.memory_space<vmem>>, vector<1x16xf32>,
        %parallel_loop3A_161 = vector.shape_cast %parallel_loop3A_160 : vector<1x16xf32> to vector<16xf32>
        %parallel_loop3A_162 = arith.addf %parallel_loop3A_157, %parallel_loop3A_161 : vector<16xf32>
        %parallel_loop3A_163 = arith.constant 0.000000e+00 : f32
        %parallel_loop3A_164 = vector.broadcast %parallel_loop3A_163 : f32 to vector<16xf32>
        %parallel_loop3A_165 = arith.maximumf %parallel_loop3A_162, %parallel_loop3A_164 : vector<16xf32>
        %parallel_loop3A_166 = arith.index_cast %parallel_loop3A_102 : i32 to index
        %parallel_loop3A_167 = arith.constant 48 : index
        %parallel_loop3A_168 = tpu.vector_load %arg13[%parallel_loop3A_166, %parallel_loop3A_167] {strides = array<i32>} : memref<40x128xf32, #tpu.memory_space<vmem>>, vector<1x16xf32>,
        %parallel_loop3A_169 = vector.shape_cast %parallel_loop3A_168 : vector<1x16xf32> to vector<16xf32>
        %parallel_loop3A_170 = vector.shape_cast %parallel_loop3A_165 : vector<16xf32> to vector<1x16xf32>
        tpu.vector_store %arg13[%parallel_loop3A_166, %parallel_loop3A_167], %parallel_loop3A_170 {strides = array<i32>} : memref<40x128xf32, #tpu.memory_space<vmem>>, vector<1x16xf32>,
        %parallel_loop3A_171 = arith.index_cast %parallel_loop3A_102 : i32 to index
        %parallel_loop3A_172 = arith.constant 64 : index
        %parallel_loop3A_173 = tpu.vector_load %arg13[%parallel_loop3A_171, %parallel_loop3A_172] {strides = array<i32>} : memref<40x128xf32, #tpu.memory_space<vmem>>, vector<1x16xf32>,
        %parallel_loop3A_174 = vector.shape_cast %parallel_loop3A_173 : vector<1x16xf32> to vector<16xf32>
        %parallel_loop3A_175 = arith.index_cast %parallel_loop3A_102 : i32 to index
        %parallel_loop3A_176 = arith.constant 64 : index
        %parallel_loop3A_177 = tpu.vector_load %arg14[%parallel_loop3A_175, %parallel_loop3A_176] {strides = array<i32>} : memref<40x128xf32, #tpu.memory_space<vmem>>, vector<1x16xf32>,
        %parallel_loop3A_178 = vector.shape_cast %parallel_loop3A_177 : vector<1x16xf32> to vector<16xf32>
        %parallel_loop3A_179 = arith.addf %parallel_loop3A_174, %parallel_loop3A_178 : vector<16xf32>
        %parallel_loop3A_180 = arith.constant 0.000000e+00 : f32
        %parallel_loop3A_181 = vector.broadcast %parallel_loop3A_180 : f32 to vector<16xf32>
        %parallel_loop3A_182 = arith.maximumf %parallel_loop3A_179, %parallel_loop3A_181 : vector<16xf32>
        %parallel_loop3A_183 = arith.index_cast %parallel_loop3A_102 : i32 to index
        %parallel_loop3A_184 = arith.constant 64 : index
        %parallel_loop3A_185 = tpu.vector_load %arg13[%parallel_loop3A_183, %parallel_loop3A_184] {strides = array<i32>} : memref<40x128xf32, #tpu.memory_space<vmem>>, vector<1x16xf32>,
        %parallel_loop3A_186 = vector.shape_cast %parallel_loop3A_185 : vector<1x16xf32> to vector<16xf32>
        %parallel_loop3A_187 = vector.shape_cast %parallel_loop3A_182 : vector<16xf32> to vector<1x16xf32>
        tpu.vector_store %arg13[%parallel_loop3A_183, %parallel_loop3A_184], %parallel_loop3A_187 {strides = array<i32>} : memref<40x128xf32, #tpu.memory_space<vmem>>, vector<1x16xf32>,
        %parallel_loop3A_188 = arith.index_cast %parallel_loop3A_102 : i32 to index
        %parallel_loop3A_189 = arith.constant 80 : index
        %parallel_loop3A_190 = tpu.vector_load %arg13[%parallel_loop3A_188, %parallel_loop3A_189] {strides = array<i32>} : memref<40x128xf32, #tpu.memory_space<vmem>>, vector<1x16xf32>,
        %parallel_loop3A_191 = vector.shape_cast %parallel_loop3A_190 : vector<1x16xf32> to vector<16xf32>
        %parallel_loop3A_192 = arith.index_cast %parallel_loop3A_102 : i32 to index
        %parallel_loop3A_193 = arith.constant 80 : index
        %parallel_loop3A_194 = tpu.vector_load %arg14[%parallel_loop3A_192, %parallel_loop3A_193] {strides = array<i32>} : memref<40x128xf32, #tpu.memory_space<vmem>>, vector<1x16xf32>,
        %parallel_loop3A_195 = vector.shape_cast %parallel_loop3A_194 : vector<1x16xf32> to vector<16xf32>
        %parallel_loop3A_196 = arith.addf %parallel_loop3A_191, %parallel_loop3A_195 : vector<16xf32>
        %parallel_loop3A_197 = arith.constant 0.000000e+00 : f32
        %parallel_loop3A_198 = vector.broadcast %parallel_loop3A_197 : f32 to vector<16xf32>
        %parallel_loop3A_199 = arith.maximumf %parallel_loop3A_196, %parallel_loop3A_198 : vector<16xf32>
        %parallel_loop3A_200 = arith.index_cast %parallel_loop3A_102 : i32 to index
        %parallel_loop3A_201 = arith.constant 80 : index
        %parallel_loop3A_202 = tpu.vector_load %arg13[%parallel_loop3A_200, %parallel_loop3A_201] {strides = array<i32>} : memref<40x128xf32, #tpu.memory_space<vmem>>, vector<1x16xf32>,
        %parallel_loop3A_203 = vector.shape_cast %parallel_loop3A_202 : vector<1x16xf32> to vector<16xf32>
        %parallel_loop3A_204 = vector.shape_cast %parallel_loop3A_199 : vector<16xf32> to vector<1x16xf32>
        tpu.vector_store %arg13[%parallel_loop3A_200, %parallel_loop3A_201], %parallel_loop3A_204 {strides = array<i32>} : memref<40x128xf32, #tpu.memory_space<vmem>>, vector<1x16xf32>,
        %parallel_loop3A_205 = arith.index_cast %parallel_loop3A_102 : i32 to index
        %parallel_loop3A_206 = arith.constant 96 : index
        %parallel_loop3A_207 = tpu.vector_load %arg13[%parallel_loop3A_205, %parallel_loop3A_206] {strides = array<i32>} : memref<40x128xf32, #tpu.memory_space<vmem>>, vector<1x16xf32>,
        %parallel_loop3A_208 = vector.shape_cast %parallel_loop3A_207 : vector<1x16xf32> to vector<16xf32>
        %parallel_loop3A_209 = arith.index_cast %parallel_loop3A_102 : i32 to index
        %parallel_loop3A_210 = arith.constant 96 : index
        %parallel_loop3A_211 = tpu.vector_load %arg14[%parallel_loop3A_209, %parallel_loop3A_210] {strides = array<i32>} : memref<40x128xf32, #tpu.memory_space<vmem>>, vector<1x16xf32>,
        %parallel_loop3A_212 = vector.shape_cast %parallel_loop3A_211 : vector<1x16xf32> to vector<16xf32>
        %parallel_loop3A_213 = arith.addf %parallel_loop3A_208, %parallel_loop3A_212 : vector<16xf32>
        %parallel_loop3A_214 = arith.constant 0.000000e+00 : f32
        %parallel_loop3A_215 = vector.broadcast %parallel_loop3A_214 : f32 to vector<16xf32>
        %parallel_loop3A_216 = arith.maximumf %parallel_loop3A_213, %parallel_loop3A_215 : vector<16xf32>
        %parallel_loop3A_217 = arith.index_cast %parallel_loop3A_102 : i32 to index
        %parallel_loop3A_218 = arith.constant 96 : index
        %parallel_loop3A_219 = tpu.vector_load %arg13[%parallel_loop3A_217, %parallel_loop3A_218] {strides = array<i32>} : memref<40x128xf32, #tpu.memory_space<vmem>>, vector<1x16xf32>,
        %parallel_loop3A_220 = vector.shape_cast %parallel_loop3A_219 : vector<1x16xf32> to vector<16xf32>
        %parallel_loop3A_221 = vector.shape_cast %parallel_loop3A_216 : vector<16xf32> to vector<1x16xf32>
        tpu.vector_store %arg13[%parallel_loop3A_217, %parallel_loop3A_218], %parallel_loop3A_221 {strides = array<i32>} : memref<40x128xf32, #tpu.memory_space<vmem>>, vector<1x16xf32>,
        %parallel_loop3A_222 = arith.index_cast %parallel_loop3A_102 : i32 to index
        %parallel_loop3A_223 = arith.constant 112 : index
        %parallel_loop3A_224 = tpu.vector_load %arg13[%parallel_loop3A_222, %parallel_loop3A_223] {strides = array<i32>} : memref<40x128xf32, #tpu.memory_space<vmem>>, vector<1x16xf32>,
        %parallel_loop3A_225 = vector.shape_cast %parallel_loop3A_224 : vector<1x16xf32> to vector<16xf32>
        %parallel_loop3A_226 = arith.index_cast %parallel_loop3A_102 : i32 to index
        %parallel_loop3A_227 = arith.constant 112 : index
        %parallel_loop3A_228 = tpu.vector_load %arg14[%parallel_loop3A_226, %parallel_loop3A_227] {strides = array<i32>} : memref<40x128xf32, #tpu.memory_space<vmem>>, vector<1x16xf32>,
        %parallel_loop3A_229 = vector.shape_cast %parallel_loop3A_228 : vector<1x16xf32> to vector<16xf32>
        %parallel_loop3A_230 = arith.addf %parallel_loop3A_225, %parallel_loop3A_229 : vector<16xf32>
        %parallel_loop3A_231 = arith.constant 0.000000e+00 : f32
        %parallel_loop3A_232 = vector.broadcast %parallel_loop3A_231 : f32 to vector<16xf32>
        %parallel_loop3A_233 = arith.maximumf %parallel_loop3A_230, %parallel_loop3A_232 : vector<16xf32>
        %parallel_loop3A_234 = arith.index_cast %parallel_loop3A_102 : i32 to index
        %parallel_loop3A_235 = arith.constant 112 : index
        %parallel_loop3A_236 = tpu.vector_load %arg13[%parallel_loop3A_234, %parallel_loop3A_235] {strides = array<i32>} : memref<40x128xf32, #tpu.memory_space<vmem>>, vector<1x16xf32>,
        %parallel_loop3A_237 = vector.shape_cast %parallel_loop3A_236 : vector<1x16xf32> to vector<16xf32>
        %parallel_loop3A_238 = vector.shape_cast %parallel_loop3A_233 : vector<16xf32> to vector<1x16xf32>
        tpu.vector_store %arg13[%parallel_loop3A_234, %parallel_loop3A_235], %parallel_loop3A_238 {strides = array<i32>} : memref<40x128xf32, #tpu.memory_space<vmem>>, vector<1x16xf32>,
      } {sc.loop_unroll_factor = 1 : i64, sc.parallel_access}
      "tpu.region"() ({
        %run_scoped3A = tpu.sem_alloc : memref<!tpu.dma_semaphore, #tpu.memory_space<semaphore_mem>>
        %dma_start3A_102 = arith.constant 0 : i32
        %dma_start3A_103 = arith.constant 0 : i32
        %dma_start3A_104 = tpu.memref_slice %arg15[%dma_start3A_102, %dma_start3A_103] : memref<10240x128xf32, #tpu.memory_space<vmem_shared>> -> memref<10240x128xf32, #tpu.memory_space<vmem_shared>>
        tpu.enqueue_indirect_dma source(%arg13 : memref<40x128xf32, #tpu.memory_space<vmem>>) target(%dma_start3A_104 : memref<10240x128xf32, #tpu.memory_space<vmem_shared>>) offsets(%arg10 : memref<40xi32, #tpu.memory_space<vmem>>) semaphore(%run_scoped3A : memref<!tpu.dma_semaphore, #tpu.memory_space<semaphore_mem>>) {add = true}
        %dma_wait3A_105 = arith.constant 0 : i32
        %dma_wait3A_106 = arith.constant 0 : i32
        %dma_wait3A_107 = tpu.memref_slice %arg15[%dma_wait3A_105, %dma_wait3A_106] : memref<10240x128xf32, #tpu.memory_space<vmem_shared>> -> memref<10240x128xf32, #tpu.memory_space<vmem_shared>>
        tpu.wait_indirect_dma semaphore(%run_scoped3A : memref<!tpu.dma_semaphore, #tpu.memory_space<semaphore_mem>>) src(%arg13 : memref<40x128xf32, #tpu.memory_space<vmem>>) dst(%dma_wait3A_107 : memref<10240x128xf32, #tpu.memory_space<vmem_shared>>)
        tpu.yield
      }) : () -> ()
      %add3A_95 = arith.constant 3 : i32
      %add3A_96 = arith.addi %mul3A_55, %add3A_95 : i32
      %lt3A_97 = arith.constant 250 : i32
      %lt3A_98 = arith.cmpi slt, %add3A_96, %lt3A_97 : i32
      %convert_element_type3A_99 = arith.extui %lt3A_98 : i1 to i32
      %cond3A_100 = arith.constant 0 : i32
      %cond3A_101 = arith.cmpi ne, %convert_element_type3A_99, %cond3A_100 : i32
      scf.if %cond3A_101 {
        %add3A_102 = arith.constant 3 : i32
        %add3A_103 = arith.addi %mul3A_55, %add3A_102 : i32
        %mul3A_104 = arith.constant 40 : i32
        %mul3A_105 = arith.muli %add3A_103, %mul3A_104 : i32
        %add3A_106 = arith.addi %add3A, %mul3A_105 : i32
        %dma_start3A_107 = tpu.memref_slice %arg4[%add3A_106] : memref<320000xi32, #tpu.memory_space<hbm>> -> memref<40xi32, #tpu.memory_space<hbm>>
        %dma_start3A_108 = tpu.memref_slice %arg4[%add3A_106] : memref<320000xi32, #tpu.memory_space<hbm>> -> memref<40xi32, #tpu.memory_space<hbm>>
        tpu.enqueue_dma source(%dma_start3A_108 : memref<40xi32, #tpu.memory_space<hbm>>) target(%arg9 : memref<40xi32, #tpu.memory_space<vmem>>) target_semaphore(%arg18 : memref<!tpu.dma_semaphore, #tpu.memory_space<semaphore_mem>>)
        %mul3A_109 = arith.constant 40 : i32
        %mul3A_110 = arith.muli %add3A_103, %mul3A_109 : i32
        %add3A_111 = arith.addi %add3A, %mul3A_110 : i32
        %dma_start3A_112 = tpu.memref_slice %arg5[%add3A_111] : memref<320000xi32, #tpu.memory_space<hbm>> -> memref<40xi32, #tpu.memory_space<hbm>>
        %dma_start3A_113 = tpu.memref_slice %arg5[%add3A_111] : memref<320000xi32, #tpu.memory_space<hbm>> -> memref<40xi32, #tpu.memory_space<hbm>>
        tpu.enqueue_dma source(%dma_start3A_113 : memref<40xi32, #tpu.memory_space<hbm>>) target(%arg10 : memref<40xi32, #tpu.memory_space<vmem>>) target_semaphore(%arg19 : memref<!tpu.dma_semaphore, #tpu.memory_space<semaphore_mem>>)
      } else {
      }
    }
    %scan3A_47 = arith.constant 125 : i32
    %barrier3A_48 = arith.constant 0 : index
    tpu.barrier barrier_id(%barrier3A_48)
    %mul3A_49 = arith.constant 640 : i32
    %mul3A_50 = arith.muli %arg1, %mul3A_49 : i32
    %mul3A_51 = arith.constant 640 : i32
    %mul3A_52 = arith.muli %arg1, %mul3A_51 : i32
    "tpu.region"() ({
      %run_scoped3A = tpu.sem_alloc : memref<!tpu.dma_semaphore, #tpu.memory_space<semaphore_mem>>
      %dma_start3A_53 = arith.constant 0 : i32
      %dma_start3A_54 = tpu.memref_slice %arg6[%arg0, %mul3A_52, %dma_start3A_53] : memref<2x10240x128xf32, #tpu.memory_space<hbm>> -> memref<1x640x128xf32, #tpu.memory_space<hbm>>
      %dma_start3A_55 = tpu.memref_squeeze %dma_start3A_54 : memref<1x640x128xf32, #tpu.memory_space<hbm>> -> memref<640x128xf32, #tpu.memory_space<hbm>>
      %dma_start3A_56 = arith.constant 0 : i32
      %dma_start3A_57 = tpu.memref_slice %arg15[%mul3A_50, %dma_start3A_56] : memref<10240x128xf32, #tpu.memory_space<vmem_shared>> -> memref<640x128xf32, #tpu.memory_space<vmem_shared>>
      tpu.enqueue_dma source(%dma_start3A_57 : memref<640x128xf32, #tpu.memory_space<vmem_shared>>) target(%dma_start3A_55 : memref<640x128xf32, #tpu.memory_space<hbm>>) target_semaphore(%run_scoped3A : memref<!tpu.dma_semaphore, #tpu.memory_space<semaphore_mem>>)
      %dma_wait3A_58 = arith.constant 0 : i32
      %dma_wait3A_59 = tpu.memref_slice %arg6[%arg0, %mul3A_52, %dma_wait3A_58] : memref<2x10240x128xf32, #tpu.memory_space<hbm>> -> memref<1x640x128xf32, #tpu.memory_space<hbm>>
      %dma_wait3A_60 = tpu.memref_squeeze %dma_wait3A_59 : memref<1x640x128xf32, #tpu.memory_space<hbm>> -> memref<640x128xf32, #tpu.memory_space<hbm>>
      %dma_wait3A_61 = arith.constant 0 : i32
      %dma_wait3A_62 = tpu.memref_slice %arg15[%mul3A_50, %dma_wait3A_61] : memref<10240x128xf32, #tpu.memory_space<vmem_shared>> -> memref<640x128xf32, #tpu.memory_space<vmem_shared>>
      tpu.wait_dma2 semaphore(%run_scoped3A : memref<!tpu.dma_semaphore, #tpu.memory_space<semaphore_mem>>) src(%dma_wait3A_62 : memref<640x128xf32, #tpu.memory_space<vmem_shared>>) dst(%dma_wait3A_60 : memref<640x128xf32, #tpu.memory_space<hbm>>)
      tpu.yield
    }) : () -> ()
    return
  }
}

module attributes {stable_mosaic.version = 14 : i64} {
  func.func @_tc_pre_body(%arg0: i32, %arg1: memref<512x128xf32, #tpu.memory_space<vmem>>, %arg2: memref<512x128xf32, #tpu.memory_space<vmem>>, %arg3: memref<128x128xf32, #tpu.memory_space<vmem>>, %arg4: memref<1x128xf32, #tpu.memory_space<vmem>>, %arg5: memref<128x128xf32, #tpu.memory_space<vmem>>, %arg6: memref<1x128xf32, #tpu.memory_space<vmem>>, %arg7: memref<128x128xf32, #tpu.memory_space<vmem>>, %arg8: memref<128x128xf32, #tpu.memory_space<vmem>>, %arg9: memref<128x128xf32, #tpu.memory_space<vmem>>, %arg10: memref<1x128xf32, #tpu.memory_space<vmem>>, %arg11: memref<512x128xf32, #tpu.memory_space<vmem>>, %arg12: memref<512x128xf32, #tpu.memory_space<vmem>>) attributes {dimension_semantics = [#tpu.dimension_semantics<arbitrary>], iteration_bounds = array<i64: 20>, scalar_prefetch = 0 : i64, scratch_operands = 0 : i64, tpu.core_type = #tpu.core_type<tc>, window_params = [{transform_indices = @transform_0, window_bounds = array<i64: 512, 128>}, {transform_indices = @transform_1, window_bounds = array<i64: 512, 128>}, {pipeline_mode = #tpu.pipeline_mode<synchronous>, transform_indices = @transform_2, window_bounds = array<i64: 128, 128>}, {pipeline_mode = #tpu.pipeline_mode<synchronous>, transform_indices = @transform_3, window_bounds = array<i64: 1, 128>}, {pipeline_mode = #tpu.pipeline_mode<synchronous>, transform_indices = @transform_4, window_bounds = array<i64: 128, 128>}, {pipeline_mode = #tpu.pipeline_mode<synchronous>, transform_indices = @transform_5, window_bounds = array<i64: 1, 128>}, {pipeline_mode = #tpu.pipeline_mode<synchronous>, transform_indices = @transform_6, window_bounds = array<i64: 128, 128>}, {pipeline_mode = #tpu.pipeline_mode<synchronous>, transform_indices = @transform_7, window_bounds = array<i64: 128, 128>}, {pipeline_mode = #tpu.pipeline_mode<synchronous>, transform_indices = @transform_8, window_bounds = array<i64: 128, 128>}, {pipeline_mode = #tpu.pipeline_mode<synchronous>, transform_indices = @transform_9, window_bounds = array<i64: 1, 128>}, {transform_indices = @transform_10, window_bounds = array<i64: 512, 128>}, {transform_indices = @transform_11, window_bounds = array<i64: 512, 128>}]} {
    %get3A = arith.constant 0 : index
    %get3A_0 = arith.constant 0 : index
    %get3A_1 = vector.load %arg1[%get3A, %get3A_0] : memref<512x128xf32, #tpu.memory_space<vmem>>, vector<512x128xf32>
    %get3A_2 = arith.constant 0 : index
    %get3A_3 = arith.constant 0 : index
    %get3A_4 = vector.load %arg3[%get3A_2, %get3A_3] : memref<128x128xf32, #tpu.memory_space<vmem>>, vector<128x128xf32>
    %dot_general3A = arith.constant dense<0.000000e+00> : vector<512x128xf32>
    %dot_general3A_5 = tpu.matmul %get3A_1, %get3A_4, %dot_general3A {dimension_numbers = #tpu.dot_dimension_numbers<[1], [0], [0], [1], [0, 0, 1, 1], [], []>, transpose_lhs_hint = false} : vector<512x128xf32>, vector<128x128xf32>, vector<512x128xf32> -> vector<512x128xf32>
    %get3A_6 = arith.constant 0 : index
    %get3A_7 = arith.constant 0 : index
    %get3A_8 = vector.load %arg4[%get3A_6, %get3A_7] : memref<1x128xf32, #tpu.memory_space<vmem>>, vector<1x128xf32>
    %add3A = vector.broadcast %get3A_8 : vector<1x128xf32> to vector<512x128xf32>
    %add3A_9 = arith.addf %dot_general3A_5, %add3A : vector<512x128xf32>
    %max3A = arith.constant 0.000000e+00 : f32
    %max3A_10 = vector.broadcast %max3A : f32 to vector<512x128xf32>
    %max3A_11 = arith.maximumf %add3A_9, %max3A_10 : vector<512x128xf32>
    %get3A_12 = arith.constant 0 : index
    %get3A_13 = arith.constant 0 : index
    %get3A_14 = vector.load %arg5[%get3A_12, %get3A_13] : memref<128x128xf32, #tpu.memory_space<vmem>>, vector<128x128xf32>
    %dot_general3A_15 = arith.constant dense<0.000000e+00> : vector<512x128xf32>
    %dot_general3A_16 = tpu.matmul %max3A_11, %get3A_14, %dot_general3A_15 {dimension_numbers = #tpu.dot_dimension_numbers<[1], [0], [0], [1], [0, 0, 1, 1], [], []>, transpose_lhs_hint = false} : vector<512x128xf32>, vector<128x128xf32>, vector<512x128xf32> -> vector<512x128xf32>
    %get3A_17 = arith.constant 0 : index
    %get3A_18 = arith.constant 0 : index
    %get3A_19 = vector.load %arg6[%get3A_17, %get3A_18] : memref<1x128xf32, #tpu.memory_space<vmem>>, vector<1x128xf32>
    %add3A_20 = vector.broadcast %get3A_19 : vector<1x128xf32> to vector<512x128xf32>
    %add3A_21 = arith.addf %dot_general3A_16, %add3A_20 : vector<512x128xf32>
    %get3A_22 = arith.constant 0 : index
    %get3A_23 = arith.constant 0 : index
    %get3A_24 = vector.load %arg7[%get3A_22, %get3A_23] : memref<128x128xf32, #tpu.memory_space<vmem>>, vector<128x128xf32>
    %dot_general3A_25 = arith.constant dense<0.000000e+00> : vector<512x128xf32>
    %dot_general3A_26 = tpu.matmul %add3A_21, %get3A_24, %dot_general3A_25 {dimension_numbers = #tpu.dot_dimension_numbers<[1], [0], [0], [1], [0, 0, 1, 1], [], []>, transpose_lhs_hint = false} : vector<512x128xf32>, vector<128x128xf32>, vector<512x128xf32> -> vector<512x128xf32>
    %swap3A = arith.constant 0 : index
    %swap3A_27 = arith.constant 0 : index
    %swap3A_28 = vector.load %arg11[%swap3A, %swap3A_27] : memref<512x128xf32, #tpu.memory_space<vmem>>, vector<512x128xf32>
    tpu.vector_store %arg11[%swap3A, %swap3A_27], %dot_general3A_26 {strides = array<i32>} : memref<512x128xf32, #tpu.memory_space<vmem>>, vector<512x128xf32>,
    %get3A_29 = arith.constant 0 : index
    %get3A_30 = arith.constant 0 : index
    %get3A_31 = vector.load %arg8[%get3A_29, %get3A_30] : memref<128x128xf32, #tpu.memory_space<vmem>>, vector<128x128xf32>
    %dot_general3A_32 = arith.constant dense<0.000000e+00> : vector<512x128xf32>
    %dot_general3A_33 = tpu.matmul %add3A_21, %get3A_31, %dot_general3A_32 {dimension_numbers = #tpu.dot_dimension_numbers<[1], [0], [0], [1], [0, 0, 1, 1], [], []>, transpose_lhs_hint = false} : vector<512x128xf32>, vector<128x128xf32>, vector<512x128xf32> -> vector<512x128xf32>
    %get3A_34 = arith.constant 0 : index
    %get3A_35 = arith.constant 0 : index
    %get3A_36 = vector.load %arg2[%get3A_34, %get3A_35] : memref<512x128xf32, #tpu.memory_space<vmem>>, vector<512x128xf32>
    %get3A_37 = arith.constant 0 : index
    %get3A_38 = arith.constant 0 : index
    %get3A_39 = vector.load %arg9[%get3A_37, %get3A_38] : memref<128x128xf32, #tpu.memory_space<vmem>>, vector<128x128xf32>
    %dot_general3A_40 = arith.constant dense<0.000000e+00> : vector<512x128xf32>
    %dot_general3A_41 = tpu.matmul %get3A_36, %get3A_39, %dot_general3A_40 {dimension_numbers = #tpu.dot_dimension_numbers<[1], [0], [0], [1], [0, 0, 1, 1], [], []>, transpose_lhs_hint = false} : vector<512x128xf32>, vector<128x128xf32>, vector<512x128xf32> -> vector<512x128xf32>
    %add3A_42 = arith.addf %dot_general3A_33, %dot_general3A_41 : vector<512x128xf32>
    %get3A_43 = arith.constant 0 : index
    %get3A_44 = arith.constant 0 : index
    %get3A_45 = vector.load %arg10[%get3A_43, %get3A_44] : memref<1x128xf32, #tpu.memory_space<vmem>>, vector<1x128xf32>
    %add3A_46 = vector.broadcast %get3A_45 : vector<1x128xf32> to vector<512x128xf32>
    %add3A_47 = arith.addf %add3A_42, %add3A_46 : vector<512x128xf32>
    %swap3A_48 = arith.constant 0 : index
    %swap3A_49 = arith.constant 0 : index
    %swap3A_50 = vector.load %arg12[%swap3A_48, %swap3A_49] : memref<512x128xf32, #tpu.memory_space<vmem>>, vector<512x128xf32>
    tpu.vector_store %arg12[%swap3A_48, %swap3A_49], %add3A_47 {strides = array<i32>} : memref<512x128xf32, #tpu.memory_space<vmem>>, vector<512x128xf32>,
    return
  }
  func.func @transform_0(%arg0: i32) -> (i32, i32) {
    %c0_i32 = arith.constant 0 : i32
    %c0_i32_0 = arith.constant 0 : i32
    return %arg0, %c0_i32 : i32, i32
  }
  func.func @transform_1(%arg0: i32) -> (i32, i32) {
    %c0_i32 = arith.constant 0 : i32
    %c0_i32_0 = arith.constant 0 : i32
    return %arg0, %c0_i32 : i32, i32
  }
  func.func @transform_2(%arg0: i32) -> (i32, i32) {
    %c0_i32 = arith.constant 0 : i32
    %c0_i32_0 = arith.constant 0 : i32
    %c0_i32_1 = arith.constant 0 : i32
    return %c0_i32, %c0_i32_0 : i32, i32
  }
  func.func @transform_3(%arg0: i32) -> (i32, i32) {
    %c0_i32 = arith.constant 0 : i32
    %c0_i32_0 = arith.constant 0 : i32
    %c0_i32_1 = arith.constant 0 : i32
    return %c0_i32, %c0_i32_0 : i32, i32
  }
  func.func @transform_4(%arg0: i32) -> (i32, i32) {
    %c0_i32 = arith.constant 0 : i32
    %c0_i32_0 = arith.constant 0 : i32
    %c0_i32_1 = arith.constant 0 : i32
    return %c0_i32, %c0_i32_0 : i32, i32
  }
  func.func @transform_5(%arg0: i32) -> (i32, i32) {
    %c0_i32 = arith.constant 0 : i32
    %c0_i32_0 = arith.constant 0 : i32
    %c0_i32_1 = arith.constant 0 : i32
    return %c0_i32, %c0_i32_0 : i32, i32
  }
  func.func @transform_6(%arg0: i32) -> (i32, i32) {
    %c0_i32 = arith.constant 0 : i32
    %c0_i32_0 = arith.constant 0 : i32
    %c0_i32_1 = arith.constant 0 : i32
    return %c0_i32, %c0_i32_0 : i32, i32
  }
  func.func @transform_7(%arg0: i32) -> (i32, i32) {
    %c0_i32 = arith.constant 0 : i32
    %c0_i32_0 = arith.constant 0 : i32
    %c0_i32_1 = arith.constant 0 : i32
    return %c0_i32, %c0_i32_0 : i32, i32
  }
  func.func @transform_8(%arg0: i32) -> (i32, i32) {
    %c0_i32 = arith.constant 0 : i32
    %c0_i32_0 = arith.constant 0 : i32
    %c0_i32_1 = arith.constant 0 : i32
    return %c0_i32, %c0_i32_0 : i32, i32
  }
  func.func @transform_9(%arg0: i32) -> (i32, i32) {
    %c0_i32 = arith.constant 0 : i32
    %c0_i32_0 = arith.constant 0 : i32
    %c0_i32_1 = arith.constant 0 : i32
    return %c0_i32, %c0_i32_0 : i32, i32
  }
  func.func @transform_10(%arg0: i32) -> (i32, i32) {
    %c0_i32 = arith.constant 0 : i32
    %c0_i32_0 = arith.constant 0 : i32
    return %arg0, %c0_i32 : i32, i32
  }
  func.func @transform_11(%arg0: i32) -> (i32, i32) {
    %c0_i32 = arith.constant 0 : i32
    %c0_i32_0 = arith.constant 0 : i32
    return %arg0, %c0_i32 : i32, i32
  }
}

module attributes {stable_mosaic.version = 14 : i64} {
  func.func @_tc_mid_body(%arg0: i32, %arg1: memref<512x128xf32, #tpu.memory_space<vmem>>, %arg2: memref<512x128xf32, #tpu.memory_space<vmem>>, %arg3: memref<512x1xf32, #tpu.memory_space<vmem>>, %arg4: memref<512x1xf32, #tpu.memory_space<vmem>>, %arg5: memref<128x128xf32, #tpu.memory_space<vmem>>, %arg6: memref<1x128xf32, #tpu.memory_space<vmem>>, %arg7: memref<128x128xf32, #tpu.memory_space<vmem>>, %arg8: memref<1x128xf32, #tpu.memory_space<vmem>>, %arg9: memref<128x128xf32, #tpu.memory_space<vmem>>, %arg10: memref<1x128xf32, #tpu.memory_space<vmem>>, %arg11: memref<128x128xf32, #tpu.memory_space<vmem>>, %arg12: memref<128x128xf32, #tpu.memory_space<vmem>>, %arg13: memref<128x128xf32, #tpu.memory_space<vmem>>, %arg14: memref<1x128xf32, #tpu.memory_space<vmem>>, %arg15: memref<512x128xf32, #tpu.memory_space<vmem>>, %arg16: memref<512x128xf32, #tpu.memory_space<vmem>>, %arg17: memref<512x128xf32, #tpu.memory_space<vmem>>) attributes {dimension_semantics = [#tpu.dimension_semantics<arbitrary>], iteration_bounds = array<i64: 20>, scalar_prefetch = 0 : i64, scratch_operands = 0 : i64, tpu.core_type = #tpu.core_type<tc>, window_params = [{transform_indices = @transform_0, window_bounds = array<i64: 512, 128>}, {transform_indices = @transform_1, window_bounds = array<i64: 512, 128>}, {transform_indices = @transform_2, window_bounds = array<i64: 512, 1>}, {transform_indices = @transform_3, window_bounds = array<i64: 512, 1>}, {pipeline_mode = #tpu.pipeline_mode<synchronous>, transform_indices = @transform_4, window_bounds = array<i64: 128, 128>}, {pipeline_mode = #tpu.pipeline_mode<synchronous>, transform_indices = @transform_5, window_bounds = array<i64: 1, 128>}, {pipeline_mode = #tpu.pipeline_mode<synchronous>, transform_indices = @transform_6, window_bounds = array<i64: 128, 128>}, {pipeline_mode = #tpu.pipeline_mode<synchronous>, transform_indices = @transform_7, window_bounds = array<i64: 1, 128>}, {pipeline_mode = #tpu.pipeline_mode<synchronous>, transform_indices = @transform_8, window_bounds = array<i64: 128, 128>}, {pipeline_mode = #tpu.pipeline_mode<synchronous>, transform_indices = @transform_9, window_bounds = array<i64: 1, 128>}, {pipeline_mode = #tpu.pipeline_mode<synchronous>, transform_indices = @transform_10, window_bounds = array<i64: 128, 128>}, {pipeline_mode = #tpu.pipeline_mode<synchronous>, transform_indices = @transform_11, window_bounds = array<i64: 128, 128>}, {pipeline_mode = #tpu.pipeline_mode<synchronous>, transform_indices = @transform_12, window_bounds = array<i64: 128, 128>}, {pipeline_mode = #tpu.pipeline_mode<synchronous>, transform_indices = @transform_13, window_bounds = array<i64: 1, 128>}, {transform_indices = @transform_14, window_bounds = array<i64: 512, 128>}, {transform_indices = @transform_15, window_bounds = array<i64: 512, 128>}, {transform_indices = @transform_16, window_bounds = array<i64: 512, 128>}]} {
    %get3A = arith.constant 0 : index
    %get3A_0 = arith.constant 0 : index
    %get3A_1 = vector.load %arg1[%get3A, %get3A_0] : memref<512x128xf32, #tpu.memory_space<vmem>>, vector<512x128xf32>
    %get3A_2 = arith.constant 0 : index
    %get3A_3 = arith.constant 0 : index
    %get3A_4 = vector.load %arg2[%get3A_2, %get3A_3] : memref<512x128xf32, #tpu.memory_space<vmem>>, vector<512x128xf32>
    %add3A = arith.addf %get3A_1, %get3A_4 : vector<512x128xf32>
    %get3A_5 = arith.constant 0 : index
    %get3A_6 = arith.constant 0 : index
    %get3A_7 = vector.load %arg5[%get3A_5, %get3A_6] : memref<128x128xf32, #tpu.memory_space<vmem>>, vector<128x128xf32>
    %dot_general3A = arith.constant dense<0.000000e+00> : vector<512x128xf32>
    %dot_general3A_8 = tpu.matmul %add3A, %get3A_7, %dot_general3A {dimension_numbers = #tpu.dot_dimension_numbers<[1], [0], [0], [1], [0, 0, 1, 1], [], []>, transpose_lhs_hint = false} : vector<512x128xf32>, vector<128x128xf32>, vector<512x128xf32> -> vector<512x128xf32>
    %get3A_9 = arith.constant 0 : index
    %get3A_10 = arith.constant 0 : index
    %get3A_11 = vector.load %arg3[%get3A_9, %get3A_10] : memref<512x1xf32, #tpu.memory_space<vmem>>, vector<512x1xf32>
    %get3A_12 = arith.constant 0 : index
    %get3A_13 = arith.constant 0 : index
    %get3A_14 = vector.load %arg4[%get3A_12, %get3A_13] : memref<512x1xf32, #tpu.memory_space<vmem>>, vector<512x1xf32>
    %add3A_15 = arith.addf %get3A_11, %get3A_14 : vector<512x1xf32>
    %get3A_16 = arith.constant 0 : index
    %get3A_17 = arith.constant 0 : index
    %get3A_18 = vector.load %arg6[%get3A_16, %get3A_17] : memref<1x128xf32, #tpu.memory_space<vmem>>, vector<1x128xf32>
    %mul3A = vector.broadcast %add3A_15 : vector<512x1xf32> to vector<512x128xf32>
    %mul3A_19 = vector.broadcast %get3A_18 : vector<1x128xf32> to vector<512x128xf32>
    %mul3A_20 = arith.mulf %mul3A, %mul3A_19 : vector<512x128xf32>
    %add3A_21 = arith.addf %dot_general3A_8, %mul3A_20 : vector<512x128xf32>
    %get3A_22 = arith.constant 0 : index
    %get3A_23 = arith.constant 0 : index
    %get3A_24 = vector.load %arg7[%get3A_22, %get3A_23] : memref<128x128xf32, #tpu.memory_space<vmem>>, vector<128x128xf32>
    %dot_general3A_25 = arith.constant dense<0.000000e+00> : vector<512x128xf32>
    %dot_general3A_26 = tpu.matmul %add3A_21, %get3A_24, %dot_general3A_25 {dimension_numbers = #tpu.dot_dimension_numbers<[1], [0], [0], [1], [0, 0, 1, 1], [], []>, transpose_lhs_hint = false} : vector<512x128xf32>, vector<128x128xf32>, vector<512x128xf32> -> vector<512x128xf32>
    %get3A_27 = arith.constant 0 : index
    %get3A_28 = arith.constant 0 : index
    %get3A_29 = vector.load %arg8[%get3A_27, %get3A_28] : memref<1x128xf32, #tpu.memory_space<vmem>>, vector<1x128xf32>
    %add3A_30 = vector.broadcast %get3A_29 : vector<1x128xf32> to vector<512x128xf32>
    %add3A_31 = arith.addf %dot_general3A_26, %add3A_30 : vector<512x128xf32>
    %max3A = arith.constant 0.000000e+00 : f32
    %max3A_32 = vector.broadcast %max3A : f32 to vector<512x128xf32>
    %max3A_33 = arith.maximumf %add3A_31, %max3A_32 : vector<512x128xf32>
    %get3A_34 = arith.constant 0 : index
    %get3A_35 = arith.constant 0 : index
    %get3A_36 = vector.load %arg9[%get3A_34, %get3A_35] : memref<128x128xf32, #tpu.memory_space<vmem>>, vector<128x128xf32>
    %dot_general3A_37 = arith.constant dense<0.000000e+00> : vector<512x128xf32>
    %dot_general3A_38 = tpu.matmul %max3A_33, %get3A_36, %dot_general3A_37 {dimension_numbers = #tpu.dot_dimension_numbers<[1], [0], [0], [1], [0, 0, 1, 1], [], []>, transpose_lhs_hint = false} : vector<512x128xf32>, vector<128x128xf32>, vector<512x128xf32> -> vector<512x128xf32>
    %get3A_39 = arith.constant 0 : index
    %get3A_40 = arith.constant 0 : index
    %get3A_41 = vector.load %arg10[%get3A_39, %get3A_40] : memref<1x128xf32, #tpu.memory_space<vmem>>, vector<1x128xf32>
    %add3A_42 = vector.broadcast %get3A_41 : vector<1x128xf32> to vector<512x128xf32>
    %add3A_43 = arith.addf %dot_general3A_38, %add3A_42 : vector<512x128xf32>
    %max3A_44 = arith.constant 0.000000e+00 : f32
    %max3A_45 = vector.broadcast %max3A_44 : f32 to vector<512x128xf32>
    %max3A_46 = arith.maximumf %add3A_43, %max3A_45 : vector<512x128xf32>
    %get3A_47 = arith.constant 0 : index
    %get3A_48 = arith.constant 0 : index
    %get3A_49 = vector.load %arg11[%get3A_47, %get3A_48] : memref<128x128xf32, #tpu.memory_space<vmem>>, vector<128x128xf32>
    %dot_general3A_50 = arith.constant dense<0.000000e+00> : vector<512x128xf32>
    %dot_general3A_51 = tpu.matmul %max3A_46, %get3A_49, %dot_general3A_50 {dimension_numbers = #tpu.dot_dimension_numbers<[1], [0], [0], [1], [0, 0, 1, 1], [], []>, transpose_lhs_hint = false} : vector<512x128xf32>, vector<128x128xf32>, vector<512x128xf32> -> vector<512x128xf32>
    %swap3A = arith.constant 0 : index
    %swap3A_52 = arith.constant 0 : index
    %swap3A_53 = vector.load %arg16[%swap3A, %swap3A_52] : memref<512x128xf32, #tpu.memory_space<vmem>>, vector<512x128xf32>
    tpu.vector_store %arg16[%swap3A, %swap3A_52], %dot_general3A_51 {strides = array<i32>} : memref<512x128xf32, #tpu.memory_space<vmem>>, vector<512x128xf32>,
    %get3A_54 = arith.constant 0 : index
    %get3A_55 = arith.constant 0 : index
    %get3A_56 = vector.load %arg12[%get3A_54, %get3A_55] : memref<128x128xf32, #tpu.memory_space<vmem>>, vector<128x128xf32>
    %dot_general3A_57 = arith.constant dense<0.000000e+00> : vector<512x128xf32>
    %dot_general3A_58 = tpu.matmul %max3A_46, %get3A_56, %dot_general3A_57 {dimension_numbers = #tpu.dot_dimension_numbers<[1], [0], [0], [1], [0, 0, 1, 1], [], []>, transpose_lhs_hint = false} : vector<512x128xf32>, vector<128x128xf32>, vector<512x128xf32> -> vector<512x128xf32>
    %get3A_59 = arith.constant 0 : index
    %get3A_60 = arith.constant 0 : index
    %get3A_61 = vector.load %arg15[%get3A_59, %get3A_60] : memref<512x128xf32, #tpu.memory_space<vmem>>, vector<512x128xf32>
    %get3A_62 = arith.constant 0 : index
    %get3A_63 = arith.constant 0 : index
    %get3A_64 = vector.load %arg13[%get3A_62, %get3A_63] : memref<128x128xf32, #tpu.memory_space<vmem>>, vector<128x128xf32>
    %dot_general3A_65 = arith.constant dense<0.000000e+00> : vector<512x128xf32>
    %dot_general3A_66 = tpu.matmul %get3A_61, %get3A_64, %dot_general3A_65 {dimension_numbers = #tpu.dot_dimension_numbers<[1], [0], [0], [1], [0, 0, 1, 1], [], []>, transpose_lhs_hint = false} : vector<512x128xf32>, vector<128x128xf32>, vector<512x128xf32> -> vector<512x128xf32>
    %add3A_67 = arith.addf %dot_general3A_58, %dot_general3A_66 : vector<512x128xf32>
    %get3A_68 = arith.constant 0 : index
    %get3A_69 = arith.constant 0 : index
    %get3A_70 = vector.load %arg14[%get3A_68, %get3A_69] : memref<1x128xf32, #tpu.memory_space<vmem>>, vector<1x128xf32>
    %add3A_71 = vector.broadcast %get3A_70 : vector<1x128xf32> to vector<512x128xf32>
    %add3A_72 = arith.addf %add3A_67, %add3A_71 : vector<512x128xf32>
    %swap3A_73 = arith.constant 0 : index
    %swap3A_74 = arith.constant 0 : index
    %swap3A_75 = vector.load %arg17[%swap3A_73, %swap3A_74] : memref<512x128xf32, #tpu.memory_space<vmem>>, vector<512x128xf32>
    tpu.vector_store %arg17[%swap3A_73, %swap3A_74], %add3A_72 {strides = array<i32>} : memref<512x128xf32, #tpu.memory_space<vmem>>, vector<512x128xf32>,
    return
  }
  func.func @transform_0(%arg0: i32) -> (i32, i32) {
    %c0_i32 = arith.constant 0 : i32
    %c0_i32_0 = arith.constant 0 : i32
    return %arg0, %c0_i32 : i32, i32
  }
  func.func @transform_1(%arg0: i32) -> (i32, i32) {
    %c0_i32 = arith.constant 0 : i32
    %c0_i32_0 = arith.constant 0 : i32
    return %arg0, %c0_i32 : i32, i32
  }
  func.func @transform_2(%arg0: i32) -> (i32, i32) {
    %c0_i32 = arith.constant 0 : i32
    %c0_i32_0 = arith.constant 0 : i32
    return %arg0, %c0_i32 : i32, i32
  }
  func.func @transform_3(%arg0: i32) -> (i32, i32) {
    %c0_i32 = arith.constant 0 : i32
    %c0_i32_0 = arith.constant 0 : i32
    return %arg0, %c0_i32 : i32, i32
  }
  func.func @transform_4(%arg0: i32) -> (i32, i32) {
    %c0_i32 = arith.constant 0 : i32
    %c0_i32_0 = arith.constant 0 : i32
    %c0_i32_1 = arith.constant 0 : i32
    return %c0_i32, %c0_i32_0 : i32, i32
  }
  func.func @transform_5(%arg0: i32) -> (i32, i32) {
    %c0_i32 = arith.constant 0 : i32
    %c0_i32_0 = arith.constant 0 : i32
    %c0_i32_1 = arith.constant 0 : i32
    return %c0_i32, %c0_i32_0 : i32, i32
  }
  func.func @transform_6(%arg0: i32) -> (i32, i32) {
    %c0_i32 = arith.constant 0 : i32
    %c0_i32_0 = arith.constant 0 : i32
    %c0_i32_1 = arith.constant 0 : i32
    return %c0_i32, %c0_i32_0 : i32, i32
  }
  func.func @transform_7(%arg0: i32) -> (i32, i32) {
    %c0_i32 = arith.constant 0 : i32
    %c0_i32_0 = arith.constant 0 : i32
    %c0_i32_1 = arith.constant 0 : i32
    return %c0_i32, %c0_i32_0 : i32, i32
  }
  func.func @transform_8(%arg0: i32) -> (i32, i32) {
    %c0_i32 = arith.constant 0 : i32
    %c0_i32_0 = arith.constant 0 : i32
    %c0_i32_1 = arith.constant 0 : i32
    return %c0_i32, %c0_i32_0 : i32, i32
  }
  func.func @transform_9(%arg0: i32) -> (i32, i32) {
    %c0_i32 = arith.constant 0 : i32
    %c0_i32_0 = arith.constant 0 : i32
    %c0_i32_1 = arith.constant 0 : i32
    return %c0_i32, %c0_i32_0 : i32, i32
  }
  func.func @transform_10(%arg0: i32) -> (i32, i32) {
    %c0_i32 = arith.constant 0 : i32
    %c0_i32_0 = arith.constant 0 : i32
    %c0_i32_1 = arith.constant 0 : i32
    return %c0_i32, %c0_i32_0 : i32, i32
  }
  func.func @transform_11(%arg0: i32) -> (i32, i32) {
    %c0_i32 = arith.constant 0 : i32
    %c0_i32_0 = arith.constant 0 : i32
    %c0_i32_1 = arith.constant 0 : i32
    return %c0_i32, %c0_i32_0 : i32, i32
  }
  func.func @transform_12(%arg0: i32) -> (i32, i32) {
    %c0_i32 = arith.constant 0 : i32
    %c0_i32_0 = arith.constant 0 : i32
    %c0_i32_1 = arith.constant 0 : i32
    return %c0_i32, %c0_i32_0 : i32, i32
  }
  func.func @transform_13(%arg0: i32) -> (i32, i32) {
    %c0_i32 = arith.constant 0 : i32
    %c0_i32_0 = arith.constant 0 : i32
    %c0_i32_1 = arith.constant 0 : i32
    return %c0_i32, %c0_i32_0 : i32, i32
  }
  func.func @transform_14(%arg0: i32) -> (i32, i32) {
    %c0_i32 = arith.constant 0 : i32
    %c0_i32_0 = arith.constant 0 : i32
    return %arg0, %c0_i32 : i32, i32
  }
  func.func @transform_15(%arg0: i32) -> (i32, i32) {
    %c0_i32 = arith.constant 0 : i32
    %c0_i32_0 = arith.constant 0 : i32
    return %arg0, %c0_i32 : i32, i32
  }
  func.func @transform_16(%arg0: i32) -> (i32, i32) {
    %c0_i32 = arith.constant 0 : i32
    %c0_i32_0 = arith.constant 0 : i32
    return %arg0, %c0_i32 : i32, i32
  }
}

module attributes {stable_mosaic.version = 14 : i64} {
  func.func @_tc_last_body(%arg0: i32, %arg1: memref<512x128xf32, #tpu.memory_space<vmem>>, %arg2: memref<512x128xf32, #tpu.memory_space<vmem>>, %arg3: memref<512x1xf32, #tpu.memory_space<vmem>>, %arg4: memref<512x1xf32, #tpu.memory_space<vmem>>, %arg5: memref<128x128xf32, #tpu.memory_space<vmem>>, %arg6: memref<1x128xf32, #tpu.memory_space<vmem>>, %arg7: memref<128x128xf32, #tpu.memory_space<vmem>>, %arg8: memref<1x128xf32, #tpu.memory_space<vmem>>, %arg9: memref<128x128xf32, #tpu.memory_space<vmem>>, %arg10: memref<1x128xf32, #tpu.memory_space<vmem>>, %arg11: memref<128x64xf32, #tpu.memory_space<vmem>>, %arg12: memref<1x64xf32, #tpu.memory_space<vmem>>, %arg13: memref<64x128xf32, #tpu.memory_space<vmem>>, %arg14: memref<1x128xf32, #tpu.memory_space<vmem>>, %arg15: memref<512x1xi32, #tpu.memory_space<vmem>>, %arg16: memref<64x128xf32, #tpu.memory_space<vmem>>) attributes {dimension_semantics = [#tpu.dimension_semantics<arbitrary>], iteration_bounds = array<i64: 20>, scalar_prefetch = 0 : i64, scratch_operands = 0 : i64, tpu.core_type = #tpu.core_type<tc>, window_params = [{transform_indices = @transform_0, window_bounds = array<i64: 512, 128>}, {transform_indices = @transform_1, window_bounds = array<i64: 512, 128>}, {transform_indices = @transform_2, window_bounds = array<i64: 512, 1>}, {transform_indices = @transform_3, window_bounds = array<i64: 512, 1>}, {pipeline_mode = #tpu.pipeline_mode<synchronous>, transform_indices = @transform_4, window_bounds = array<i64: 128, 128>}, {pipeline_mode = #tpu.pipeline_mode<synchronous>, transform_indices = @transform_5, window_bounds = array<i64: 1, 128>}, {pipeline_mode = #tpu.pipeline_mode<synchronous>, transform_indices = @transform_6, window_bounds = array<i64: 128, 128>}, {pipeline_mode = #tpu.pipeline_mode<synchronous>, transform_indices = @transform_7, window_bounds = array<i64: 1, 128>}, {pipeline_mode = #tpu.pipeline_mode<synchronous>, transform_indices = @transform_8, window_bounds = array<i64: 128, 128>}, {pipeline_mode = #tpu.pipeline_mode<synchronous>, transform_indices = @transform_9, window_bounds = array<i64: 1, 128>}, {pipeline_mode = #tpu.pipeline_mode<synchronous>, transform_indices = @transform_10, window_bounds = array<i64: 128, 64>}, {pipeline_mode = #tpu.pipeline_mode<synchronous>, transform_indices = @transform_11, window_bounds = array<i64: 1, 64>}, {pipeline_mode = #tpu.pipeline_mode<synchronous>, transform_indices = @transform_12, window_bounds = array<i64: 64, 128>}, {pipeline_mode = #tpu.pipeline_mode<synchronous>, transform_indices = @transform_13, window_bounds = array<i64: 1, 128>}, {transform_indices = @transform_14, window_bounds = array<i64: 512, 1>}, {pipeline_mode = #tpu.pipeline_mode<synchronous>, transform_indices = @transform_15, window_bounds = array<i64: 64, 128>}]} {
    %get3A = arith.constant 0 : index
    %get3A_0 = arith.constant 0 : index
    %get3A_1 = vector.load %arg1[%get3A, %get3A_0] : memref<512x128xf32, #tpu.memory_space<vmem>>, vector<512x128xf32>
    %get3A_2 = arith.constant 0 : index
    %get3A_3 = arith.constant 0 : index
    %get3A_4 = vector.load %arg2[%get3A_2, %get3A_3] : memref<512x128xf32, #tpu.memory_space<vmem>>, vector<512x128xf32>
    %add3A = arith.addf %get3A_1, %get3A_4 : vector<512x128xf32>
    %get3A_5 = arith.constant 0 : index
    %get3A_6 = arith.constant 0 : index
    %get3A_7 = vector.load %arg5[%get3A_5, %get3A_6] : memref<128x128xf32, #tpu.memory_space<vmem>>, vector<128x128xf32>
    %dot_general3A = arith.constant dense<0.000000e+00> : vector<512x128xf32>
    %dot_general3A_8 = tpu.matmul %add3A, %get3A_7, %dot_general3A {dimension_numbers = #tpu.dot_dimension_numbers<[1], [0], [0], [1], [0, 0, 1, 1], [], []>, transpose_lhs_hint = false} : vector<512x128xf32>, vector<128x128xf32>, vector<512x128xf32> -> vector<512x128xf32>
    %get3A_9 = arith.constant 0 : index
    %get3A_10 = arith.constant 0 : index
    %get3A_11 = vector.load %arg3[%get3A_9, %get3A_10] : memref<512x1xf32, #tpu.memory_space<vmem>>, vector<512x1xf32>
    %get3A_12 = arith.constant 0 : index
    %get3A_13 = arith.constant 0 : index
    %get3A_14 = vector.load %arg4[%get3A_12, %get3A_13] : memref<512x1xf32, #tpu.memory_space<vmem>>, vector<512x1xf32>
    %add3A_15 = arith.addf %get3A_11, %get3A_14 : vector<512x1xf32>
    %get3A_16 = arith.constant 0 : index
    %get3A_17 = arith.constant 0 : index
    %get3A_18 = vector.load %arg6[%get3A_16, %get3A_17] : memref<1x128xf32, #tpu.memory_space<vmem>>, vector<1x128xf32>
    %mul3A = vector.broadcast %add3A_15 : vector<512x1xf32> to vector<512x128xf32>
    %mul3A_19 = vector.broadcast %get3A_18 : vector<1x128xf32> to vector<512x128xf32>
    %mul3A_20 = arith.mulf %mul3A, %mul3A_19 : vector<512x128xf32>
    %add3A_21 = arith.addf %dot_general3A_8, %mul3A_20 : vector<512x128xf32>
    %get3A_22 = arith.constant 0 : index
    %get3A_23 = arith.constant 0 : index
    %get3A_24 = vector.load %arg7[%get3A_22, %get3A_23] : memref<128x128xf32, #tpu.memory_space<vmem>>, vector<128x128xf32>
    %dot_general3A_25 = arith.constant dense<0.000000e+00> : vector<512x128xf32>
    %dot_general3A_26 = tpu.matmul %add3A_21, %get3A_24, %dot_general3A_25 {dimension_numbers = #tpu.dot_dimension_numbers<[1], [0], [0], [1], [0, 0, 1, 1], [], []>, transpose_lhs_hint = false} : vector<512x128xf32>, vector<128x128xf32>, vector<512x128xf32> -> vector<512x128xf32>
    %get3A_27 = arith.constant 0 : index
    %get3A_28 = arith.constant 0 : index
    %get3A_29 = vector.load %arg8[%get3A_27, %get3A_28] : memref<1x128xf32, #tpu.memory_space<vmem>>, vector<1x128xf32>
    %add3A_30 = vector.broadcast %get3A_29 : vector<1x128xf32> to vector<512x128xf32>
    %add3A_31 = arith.addf %dot_general3A_26, %add3A_30 : vector<512x128xf32>
    %max3A = arith.constant 0.000000e+00 : f32
    %max3A_32 = vector.broadcast %max3A : f32 to vector<512x128xf32>
    %max3A_33 = arith.maximumf %add3A_31, %max3A_32 : vector<512x128xf32>
    %get3A_34 = arith.constant 0 : index
    %get3A_35 = arith.constant 0 : index
    %get3A_36 = vector.load %arg9[%get3A_34, %get3A_35] : memref<128x128xf32, #tpu.memory_space<vmem>>, vector<128x128xf32>
    %dot_general3A_37 = arith.constant dense<0.000000e+00> : vector<512x128xf32>
    %dot_general3A_38 = tpu.matmul %max3A_33, %get3A_36, %dot_general3A_37 {dimension_numbers = #tpu.dot_dimension_numbers<[1], [0], [0], [1], [0, 0, 1, 1], [], []>, transpose_lhs_hint = false} : vector<512x128xf32>, vector<128x128xf32>, vector<512x128xf32> -> vector<512x128xf32>
    %get3A_39 = arith.constant 0 : index
    %get3A_40 = arith.constant 0 : index
    %get3A_41 = vector.load %arg10[%get3A_39, %get3A_40] : memref<1x128xf32, #tpu.memory_space<vmem>>, vector<1x128xf32>
    %add3A_42 = vector.broadcast %get3A_41 : vector<1x128xf32> to vector<512x128xf32>
    %add3A_43 = arith.addf %dot_general3A_38, %add3A_42 : vector<512x128xf32>
    %max3A_44 = arith.constant 0.000000e+00 : f32
    %max3A_45 = vector.broadcast %max3A_44 : f32 to vector<512x128xf32>
    %max3A_46 = arith.maximumf %add3A_43, %max3A_45 : vector<512x128xf32>
    %get3A_47 = arith.constant 0 : index
    %get3A_48 = arith.constant 0 : index
    %get3A_49 = vector.load %arg11[%get3A_47, %get3A_48] : memref<128x64xf32, #tpu.memory_space<vmem>>, vector<128x64xf32>
    %dot_general3A_50 = arith.constant dense<0.000000e+00> : vector<512x64xf32>
    %dot_general3A_51 = tpu.matmul %max3A_46, %get3A_49, %dot_general3A_50 {dimension_numbers = #tpu.dot_dimension_numbers<[1], [0], [0], [1], [0, 0, 1, 1], [], []>, transpose_lhs_hint = false} : vector<512x128xf32>, vector<128x64xf32>, vector<512x64xf32> -> vector<512x64xf32>
    %get3A_52 = arith.constant 0 : index
    %get3A_53 = arith.constant 0 : index
    %get3A_54 = vector.load %arg12[%get3A_52, %get3A_53] : memref<1x64xf32, #tpu.memory_space<vmem>>, vector<1x64xf32>
    %add3A_55 = vector.broadcast %get3A_54 : vector<1x64xf32> to vector<512x64xf32>
    %add3A_56 = arith.addf %dot_general3A_51, %add3A_55 : vector<512x64xf32>
    %max3A_57 = arith.constant 0.000000e+00 : f32
    %max3A_58 = vector.broadcast %max3A_57 : f32 to vector<512x64xf32>
    %max3A_59 = arith.maximumf %add3A_56, %max3A_58 : vector<512x64xf32>
    %get3A_60 = arith.constant 0 : index
    %get3A_61 = arith.constant 0 : index
    %get3A_62 = vector.load %arg13[%get3A_60, %get3A_61] : memref<64x128xf32, #tpu.memory_space<vmem>>, vector<64x128xf32>
    %dot_general3A_63 = arith.constant dense<0.000000e+00> : vector<512x128xf32>
    %dot_general3A_64 = tpu.matmul %max3A_59, %get3A_62, %dot_general3A_63 {dimension_numbers = #tpu.dot_dimension_numbers<[1], [0], [0], [1], [0, 0, 1, 1], [], []>, transpose_lhs_hint = false} : vector<512x64xf32>, vector<64x128xf32>, vector<512x128xf32> -> vector<512x128xf32>
    %get3A_65 = arith.constant 0 : index
    %get3A_66 = arith.constant 0 : index
    %get3A_67 = vector.load %arg14[%get3A_65, %get3A_66] : memref<1x128xf32, #tpu.memory_space<vmem>>, vector<1x128xf32>
    %add3A_68 = vector.broadcast %get3A_67 : vector<1x128xf32> to vector<512x128xf32>
    %add3A_69 = arith.addf %dot_general3A_64, %add3A_68 : vector<512x128xf32>
    %iota3A = tpu.iota {dimensions = array<i32: 1>} : vector<512x64xi32>
    %get3A_70 = arith.constant 0 : index
    %get3A_71 = arith.constant 0 : index
    %get3A_72 = vector.load %arg15[%get3A_70, %get3A_71] : memref<512x1xi32, #tpu.memory_space<vmem>>, vector<512x1xi32>
    %eq3A = vector.broadcast %get3A_72 : vector<512x1xi32> to vector<512x64xi32>
    %eq3A_73 = arith.cmpi eq, %eq3A, %iota3A : vector<512x64xi32>
    %convert_element_type3A = arith.extui %eq3A_73 : vector<512x64xi1> to vector<512x64xi32>
    %convert_element_type3A_74 = arith.sitofp %convert_element_type3A : vector<512x64xi32> to vector<512x64xf32>
    %dot_general3A_75 = arith.constant dense<0.000000e+00> : vector<64x128xf32>
    %dot_general3A_76 = tpu.matmul %convert_element_type3A_74, %add3A_69, %dot_general3A_75 {dimension_numbers = #tpu.dot_dimension_numbers<[0], [0], [1], [1], [0, 1, 1, 1], [], []>, transpose_lhs_hint = false} : vector<512x64xf32>, vector<512x128xf32>, vector<64x128xf32> -> vector<64x128xf32>
    %eq3A_77 = arith.constant 0 : i32
    %eq3A_78 = arith.cmpi eq, %arg0, %eq3A_77 : i32
    %convert_element_type3A_79 = arith.extui %eq3A_78 : i1 to i32
    %cond3A = arith.constant 0 : i32
    %cond3A_80 = arith.cmpi ne, %convert_element_type3A_79, %cond3A : i32
    scf.if %cond3A_80 {
      %broadcast_in_dim3A = arith.constant 0.000000e+00 : f32
      %broadcast_in_dim3A_87 = vector.broadcast %broadcast_in_dim3A : f32 to vector<64x128xf32>
      %swap3A_88 = arith.constant 0 : index
      %swap3A_89 = arith.constant 0 : index
      %swap3A_90 = vector.load %arg16[%swap3A_88, %swap3A_89] : memref<64x128xf32, #tpu.memory_space<vmem>>, vector<64x128xf32>
      tpu.vector_store %arg16[%swap3A_88, %swap3A_89], %broadcast_in_dim3A_87 {strides = array<i32>} : memref<64x128xf32, #tpu.memory_space<vmem>>, vector<64x128xf32>,
    } else {
    }
    %get3A_81 = arith.constant 0 : index
    %get3A_82 = arith.constant 0 : index
    %get3A_83 = vector.load %arg16[%get3A_81, %get3A_82] : memref<64x128xf32, #tpu.memory_space<vmem>>, vector<64x128xf32>
    %add3A_84 = arith.addf %get3A_83, %dot_general3A_76 : vector<64x128xf32>
    %swap3A = arith.constant 0 : index
    %swap3A_85 = arith.constant 0 : index
    %swap3A_86 = vector.load %arg16[%swap3A, %swap3A_85] : memref<64x128xf32, #tpu.memory_space<vmem>>, vector<64x128xf32>
    tpu.vector_store %arg16[%swap3A, %swap3A_85], %add3A_84 {strides = array<i32>} : memref<64x128xf32, #tpu.memory_space<vmem>>, vector<64x128xf32>,
    return
  }
  func.func @transform_0(%arg0: i32) -> (i32, i32) {
    %c0_i32 = arith.constant 0 : i32
    %c0_i32_0 = arith.constant 0 : i32
    return %arg0, %c0_i32 : i32, i32
  }
  func.func @transform_1(%arg0: i32) -> (i32, i32) {
    %c0_i32 = arith.constant 0 : i32
    %c0_i32_0 = arith.constant 0 : i32
    return %arg0, %c0_i32 : i32, i32
  }
  func.func @transform_2(%arg0: i32) -> (i32, i32) {
    %c0_i32 = arith.constant 0 : i32
    %c0_i32_0 = arith.constant 0 : i32
    return %arg0, %c0_i32 : i32, i32
  }
  func.func @transform_3(%arg0: i32) -> (i32, i32) {
    %c0_i32 = arith.constant 0 : i32
    %c0_i32_0 = arith.constant 0 : i32
    return %arg0, %c0_i32 : i32, i32
  }
  func.func @transform_4(%arg0: i32) -> (i32, i32) {
    %c0_i32 = arith.constant 0 : i32
    %c0_i32_0 = arith.constant 0 : i32
    %c0_i32_1 = arith.constant 0 : i32
    return %c0_i32, %c0_i32_0 : i32, i32
  }
  func.func @transform_5(%arg0: i32) -> (i32, i32) {
    %c0_i32 = arith.constant 0 : i32
    %c0_i32_0 = arith.constant 0 : i32
    %c0_i32_1 = arith.constant 0 : i32
    return %c0_i32, %c0_i32_0 : i32, i32
  }
  func.func @transform_6(%arg0: i32) -> (i32, i32) {
    %c0_i32 = arith.constant 0 : i32
    %c0_i32_0 = arith.constant 0 : i32
    %c0_i32_1 = arith.constant 0 : i32
    return %c0_i32, %c0_i32_0 : i32, i32
  }
  func.func @transform_7(%arg0: i32) -> (i32, i32) {
    %c0_i32 = arith.constant 0 : i32
    %c0_i32_0 = arith.constant 0 : i32
    %c0_i32_1 = arith.constant 0 : i32
    return %c0_i32, %c0_i32_0 : i32, i32
  }
  func.func @transform_8(%arg0: i32) -> (i32, i32) {
    %c0_i32 = arith.constant 0 : i32
    %c0_i32_0 = arith.constant 0 : i32
    %c0_i32_1 = arith.constant 0 : i32
    return %c0_i32, %c0_i32_0 : i32, i32
  }
  func.func @transform_9(%arg0: i32) -> (i32, i32) {
    %c0_i32 = arith.constant 0 : i32
    %c0_i32_0 = arith.constant 0 : i32
    %c0_i32_1 = arith.constant 0 : i32
    return %c0_i32, %c0_i32_0 : i32, i32
  }
  func.func @transform_10(%arg0: i32) -> (i32, i32) {
    %c0_i32 = arith.constant 0 : i32
    %c0_i32_0 = arith.constant 0 : i32
    %c0_i32_1 = arith.constant 0 : i32
    return %c0_i32, %c0_i32_0 : i32, i32
  }
  func.func @transform_11(%arg0: i32) -> (i32, i32) {
    %c0_i32 = arith.constant 0 : i32
    %c0_i32_0 = arith.constant 0 : i32
    %c0_i32_1 = arith.constant 0 : i32
    return %c0_i32, %c0_i32_0 : i32, i32
  }
  func.func @transform_12(%arg0: i32) -> (i32, i32) {
    %c0_i32 = arith.constant 0 : i32
    %c0_i32_0 = arith.constant 0 : i32
    %c0_i32_1 = arith.constant 0 : i32
    return %c0_i32, %c0_i32_0 : i32, i32
  }
  func.func @transform_13(%arg0: i32) -> (i32, i32) {
    %c0_i32 = arith.constant 0 : i32
    %c0_i32_0 = arith.constant 0 : i32
    %c0_i32_1 = arith.constant 0 : i32
    return %c0_i32, %c0_i32_0 : i32, i32
  }
  func.func @transform_14(%arg0: i32) -> (i32, i32) {
    %c0_i32 = arith.constant 0 : i32
    %c0_i32_0 = arith.constant 0 : i32
    return %arg0, %c0_i32 : i32, i32
  }
  func.func @transform_15(%arg0: i32) -> (i32, i32) {
    %c0_i32 = arith.constant 0 : i32
    %c0_i32_0 = arith.constant 0 : i32
    %c0_i32_1 = arith.constant 0 : i32
    return %c0_i32, %c0_i32_0 : i32, i32
  }
}

</mosaic_0001>

<sc_bundles>
// kernel: kernel.10.cloned.1.call-start
scs
__scs_entry_jumppad:
0x0: {  	(pc) =	sbr.rel $0x88, $3  }
0x1: {  	(tag) =	ssettag $0x0;
	lr =	simm.s32 $0x1  }
0x2: {  	[smem:$0x3F8D] =	sst lr;
	_ =	strace $0xD0000000  }
0x3: {  	_ = 	snop  }
0x4: {  	_ = 	snop  }
0x5: {  	_ = 	snop  }
0x6: {  	_ = 	snop  }
0x7: {  	_ = 	snop  }
__scs_overlays_trampoline_lowered:
0x8: {  	[smem:$0x3F9C] =	sst s0  }
0x9: {  	[smem:$0x3F9D] =	sst s1  }
0xa: {  	[smem:$0x3F9E] =	sst s2  }
0xb: {  	[smem:$0x3F9F] =	sst s3  }
0xc: {  	[smem:$0x3FA0] =	sst s4  }
0xd: {  	[smem:$0x3FA1] =	sst s5  }
0xe: {  	[smem:$0x3FA2] =	sst s6  }
0xf: {  	[smem:$0x3FA3] =	sst s7  }
0x10: {  	[smem:$0x3FA4] =	sst s8  }
0x11: {  	[smem:$0x3FA5] =	sst s9;
	s0 =	simm.s32 @!p0 $0x0  }
0x12: {  	s1 =	sld [smem:$0x3F8B];
	s0 =	simm.s32 @p0 $0x1  }
0x13: {  	[smem:$0x3FA6] =	sst s0;
	s0 =	simm.s32 @!p1 $0x0  }
0x14: {  	s2 =	sld [smem:$0x3F8A];
	s0 =	simm.s32 @p1 $0x1  }
0x15: {  	[smem:$0x3FA7] =	sst s0;
	s0 =	simm.s32 @!p2 $0x0  }
0x16: {  	s3 =	sld [smem:$0x3FDB];
	s0 =	simm.s32 @p2 $0x1  }
0x17: {  	s4 =	simm.s32 $0x1BF5;
	[smem:$0x3FA9] =	sst s0  }
0x18: {  	s0 =	sld [smem:$0x3F8C];
	_ =	swait.ge [sflag:s4], $0x0  }
0x19: {  	s7 =	sld [smem:$0x3F8D]  }
0x1a: {  	s8 =	sadd.s32 $0xFFFFE003, lr  }
0x1b: {  	s9 =	sadd.s32 $0xFFFFFEF7, lr;
	s5 =	simm.s32 $0xFFFFFFFF;
	p2 =	slt.u32 s8, $0xFFFFF086  }
0x1c: {  	p1 =	slt.u32 s9, $0xF7A;
	s5 =	simm.s32 @!p2 $0x0  }
0x1d: {  	s5 =	simm.s32 @p1 $0x1;
	p0 =	seq.s32 s7, s2  }
0x1e: {  	s7 =	smul.u32 @!p0 $0xF7A, s2;
	p2 =	seq.s32 @!p0 s5, $0x0  }
0x1f: {  	s9 =	smul.u32 $0xF7A, s1;
	s8 =	simm.s32 @!p0 $0x1BF5;
	p2 =	por !p2, p0  }
0x20: {  	[sflag:s8] =	ssyncset.s32 @!p0 $0xFFFFF086;
	s6 =	sadd.s32 @!p0 s3, s7;
	s7 =	simm.s32 @!p0 $0x108  }
0x21: {  	s3 =	sadd.s32 s3, s9;
	s6 =	sadd.s32 @!p0 $0x88, s6;
	s7 =	simm.s32 @p2 $0x1082  }
0x22: {  	[simem:s7], [sflag:s8] =	dma.local @!p0 [hbm:s6], $0xF7A  }
0x23: {  	s9 =	sor.u32 $0xD0000000, s2;
	s6 =	simm.s32 $0x108;
	_ =	swait.ge @!p0 [sflag:s8], $0x0  }
0x24: {  	s3 =	sadd.s32 $0x88, s3;
	s6 =	simm.s32 @!p1 $0x1082;
	[sflag:s4] =	ssyncset.s32 $0xFFFFF086  }
0x25: {  	[simem:s6], [sflag:s4] =	dma.local [hbm:s3], $0xF7A  }
0x26: {  	[smem:$0x3F8D] =	sst s1;
	(tag) =	ssettag s2;
	_ =	strace s9  }
0x27: {  	s1 =	sld [smem:$0x3F9D]  }
0x28: {  	s2 =	sld [smem:$0x3F9E]  }
0x29: {  	s4 =	sld [smem:$0x3FA0]  }
0x2a: {  	p0 =	seq.s32 s5, $0x0;
	s5 =	sld [smem:$0x3FA1]  }
0x2b: {  	s6 =	sld [smem:$0x3FA2]  }
0x2c: {  	s7 =	sld [smem:$0x3FA3]  }
0x2d: {  	s3 =	simm.s32 $0x108;
	s8 =	sld [smem:$0x3FA4]  }
0x2e: {  	s3 =	simm.s32 @!p0 $0x1082;
	s9 =	sld [smem:$0x3FA5]  }
0x2f: {  	lr =	sadd.s32 s0, s3;
	s0 =	sld [smem:$0x3F9C]  }
0x30: {  	s3 =	sld [smem:$0x3F9F]  }
0x31: {  	[smem:$0x3FA8] =	sst s10  }
0x32: {  	s10 =	sld [smem:$0x3FA6];
	_ =	sdelay $0x3  }
0x33: {  	p0 =	seq.s32 s10, $0x1;
	s10 =	sld [smem:$0x3FA8];
	_ =	sdelay $0x3  }
0x34: {  	[smem:$0x3FA8] =	sst s10  }
0x35: {  	s10 =	sld [smem:$0x3FA7];
	_ =	sdelay $0x3  }
0x36: {  	p1 =	seq.s32 s10, $0x1;
	s10 =	sld [smem:$0x3FA8];
	_ =	sdelay $0x3  }
0x37: {  	[smem:$0x3FA8] =	sst s10  }
0x38: {  	s10 =	sld [smem:$0x3FA9]  }
0x39: {  	_ = 	snop;
	(pc) =	sbr.ind lr, $3  }
0x3a: {  	_ = 	snop  }
0x3b: {  	_ = 	snop  }
0x3c: {  	p2 =	seq.s32 s10, $0x1;
	s10 =	sld [smem:$0x3FA8]  }
0x3d: {  	_ =	shalt  }
0x3e: {  	_ =	shalt  }
0x3f: {  	_ =	shalt  }
0x40: {  	_ =	shalt  }
0x41: {  	_ =	shalt  }
0x42: {  	_ =	shalt  }
0x43: {  	_ =	shalt  }
0x44: {  	_ =	shalt  }
0x45: {  	_ =	shalt  }
0x46: {  	_ =	shalt  }
0x47: {  	_ =	shalt  }
0x48: {  	_ =	shalt  }
0x49: {  	_ =	shalt  }
0x4a: {  	_ =	shalt  }
0x4b: {  	_ =	shalt  }
0x4c: {  	_ =	shalt  }
0x4d: {  	_ =	shalt  }
0x4e: {  	_ =	shalt  }
0x4f: {  	_ =	shalt  }
0x50: {  	_ =	shalt  }
0x51: {  	_ =	shalt  }
0x52: {  	_ =	shalt  }
0x53: {  	_ =	shalt  }
0x54: {  	_ =	shalt  }
0x55: {  	_ =	shalt  }
0x56: {  	_ =	shalt  }
0x57: {  	_ =	shalt  }
0x58: {  	_ =	shalt  }
0x59: {  	_ =	shalt  }
0x5a: {  	_ =	shalt  }
0x5b: {  	_ =	shalt  }
0x5c: {  	_ =	shalt  }
0x5d: {  	_ =	shalt  }
0x5e: {  	_ =	shalt  }
0x5f: {  	_ =	shalt  }
0x60: {  	_ =	shalt  }
0x61: {  	_ =	shalt  }
0x62: {  	_ =	shalt  }
0x63: {  	_ =	shalt  }
0x64: {  	_ =	shalt  }
0x65: {  	_ =	shalt  }
0x66: {  	_ =	shalt  }
0x67: {  	_ =	shalt  }
0x68: {  	_ =	shalt  }
0x69: {  	_ =	shalt  }
0x6a: {  	_ =	shalt  }
0x6b: {  	_ =	shalt  }
0x6c: {  	_ =	shalt  }
0x6d: {  	_ =	shalt  }
0x6e: {  	_ =	shalt  }
0x6f: {  	_ =	shalt  }
0x70: {  	_ =	shalt  }
0x71: {  	_ =	shalt  }
0x72: {  	_ =	shalt  }
0x73: {  	_ =	shalt  }
0x74: {  	_ =	shalt  }
0x75: {  	_ =	shalt  }
0x76: {  	_ =	shalt  }
0x77: {  	_ =	shalt  }
0x78: {  	_ =	shalt  }
0x79: {  	_ =	shalt  }
0x7a: {  	_ =	shalt  }
0x7b: {  	_ =	shalt  }
0x7c: {  	_ =	shalt  }
0x7d: {  	_ =	shalt  }
0x7e: {  	_ =	shalt  }
0x7f: {  	_ =	shalt  }
0x80: {  	_ =	shalt  }
0x81: {  	_ =	shalt  }
0x82: {  	_ =	shalt  }
0x83: {  	_ =	shalt  }
0x84: {  	_ =	shalt  }
0x85: {  	_ =	shalt  }
0x86: {  	_ =	shalt  }
0x87: {  	_ =	shalt  }
.Lfunc_end0:
.L_simem_size_0:
called_computation_lowered:
.L_overlay_start_0:
0x88: {  	s2 =	sld [smem:$0x3FD9]  }
0x89: {  	s3 =	sld [smem:$0x3FFE];
	_ =	sdelay $0x1  }
0x8a: {  	s1 =	srdreg.scid  }
0x8b: {  	s0 =	sand.u32 $0x1, s1  }
0x8c: {  	s17 =	sshll.u32 s0, $0xA;
	s2 =	sadd.s32 s3, s2  }
0x8d: {  	s2 =	sadd.s32 s2, s17  }
0x8e: {  	[smem:$0x3FB4] =	sst s2  }
0x8f: {  	_ = 	snop  }
0x90: {  	(tm) =	ssettm $0x1  }
0x91: {  	s18 =	sld [smem:$0x3FFB];
	_ =	sdelay $0x3  }
0x92: {  	_ =	strace s18  }
0x93: {  	s2 =	sld [smem:$0x3FFC];
	_ =	sdelay $0x3  }
0x94: {  	_ =	strace s2  }
0x95: {  	s2 =	sld [smem:$0x3FFD];
	_ =	sdelay $0x3  }
0x96: {  	_ =	strace s2  }
0x97: {  	_ =	strace $0x8FFFFFFF  }
0x98: {  	s19 =	sld [smem:$0x3FDB];
	_ =	sdelay $0x1  }
0x99: {  	s20 =	simm.s32 $_scs_section_size  }
0x9a: {  	s4 =	simm.s32 $_size__tile_overlayer_lowered;
	s5 =	simm.s32 $_tile_overlayer_lowered  }
0x9b: {  	s6 =	simm.s32 $0x1BFF;
	s21 =	sshll.u32 s5, $0x1;
	s3 =	sadd.s32 s20, s19  }
0x9c: {  	s22 =	simm.s32 $0x0;
	s4 =	sshll.u32 s4, $0x1;
	s5 =	sadd.s32 s21, s3  }
0x9d: {  	[timem:s22], [sflag:s6] =	dma.local [hbm:s5], s4  }
0x9e: {  	_ =	swait.ge [sflag:s6], s4  }
0x9f: {  	s4 =	ssub.s32 $0x0, s4;
	[sflag:s6] =	ssyncset.done $0x0  }
0xa0: {  	[sflag:s6] =	ssyncadd.s32 s4;
	_ =	sdelay $0x1  }
0xa1: {  	s23 =	simm.s32 $0x1B8B  }
0xa2: {  	_ =	swait.ge [sflag:s23], $0x1  }
0xa3: {  	[sflag:s23] =	ssyncset.done $0x0  }
0xa4: {  	[sflag:s23] =	ssyncadd.s32 $0xFFFFFFFF  }
0xa5: {  	s4 =	sld [smem:$0x0]  }
0xa6: {  	s5 =	sand.u32 $0xFFFFFFFE, s1  }
0xa7: {  	p0 =	sne.s32 s1, s5  }
0xa8: {  	s5 =	sshll.u32 @p0 s5, $0xE  }
0xa9: {  	s5 =	sadd.s32 @p0 $0x11B8D, s5;
	s6 =	sshll.u32 @p0 s4, $0x11  }
0xaa: {  	s5 =	sor.u32 @p0 s6, s5  }
0xab: {  	[sflag:s5] =	ssyncadd.remote.s32 @p0 $0x1;
	_ =	sdelay $0x1  }
0xac: {  	s5 =	simm.s32 @p0 $0x1B8D  }
0xad: {  	_ =	swait.eq @p0 [sflag:s5], $0x1  }
0xae: {  	[sflag:s5] =	ssyncadd.s32 @p0 $0xFFFFFFFF  }
0xaf: {  	s6 =	sshll.u32 @!p0 s1, $0xE  }
0xb0: {  	s6 =	sor.u32 @!p0 $0x4000, s6;
	s5 =	simm.s32 @!p0 $0x1B8D  }
0xb1: {  	s4 =	sshll.u32 @!p0 s4, $0x11;
	s6 =	sadd.s32 @!p0 $0x11B8D, s6;
	_ =	swait.eq @!p0 [sflag:s5], $0x1  }
0xb2: {  	s4 =	sor.u32 @!p0 s4, s6;
	[sflag:s5] =	ssyncadd.s32 @!p0 $0xFFFFFFFF  }
0xb3: {  	s25 =	simm.s32 $0x1B8E;
	s24 =	sld [smem:$0x3FFE];
	[sflag:s4] =	ssyncadd.remote.s32 @!p0 $0x1  }
0xb4: {  	s26 =	simm.s32 $execute0_lowered;
	[smem:$0x3FD2] =	sst s25  }
0xb5: {  	s5 =	sshll.u32 s26, $0x1;
	_ =	strace $0x80000049;
	[dreg:$0x1] =	wrdreg $0xFFFFFFFF  }
0xb6: {  	s28 =	simm.s32 $_size_execute0_lowered;
	s3 =	sadd.s32 s3, s5;
	[dreg:$0x0] =	wrdreg $0x0  }
0xb7: {  	s5 =	sshll.u32 s28, $0x1;
	[dreg:$0x2] =	wrdreg s3  }
0xb8: {  	[dreg:$0x3] =	wrdreg s5  }
0xb9: {  	[dreg:$0x4] =	wrdreg $0xC0  }
0xba: {  	_ =	task [dreg:s22], $0x5FFFF  }
0xbb: {  	[dreg:$0x1] =	wrdreg $0xFFFFFFFF  }
0xbc: {  	[dreg:$0x0] =	wrdreg $0x60  }
0xbd: {  	[dreg:$0x2] =	wrdreg s24  }
0xbe: {  	[dreg:$0x3] =	wrdreg $0xA8000  }
0xbf: {  	[dreg:$0x4] =	wrdreg $0x9  }
0xc0: {  	_ =	task.clear_ibuf [dreg:s22], $0x5FFFF;
	_ =	strace $0x90000049  }
0xc1: {  	s29 =	simm.s32 $0x9;
	_ =	strace $0x8000004B  }
0xc2: {  	_ =	swait.ge [sflag:s29], $0x1  }
0xc3: {  	[sflag:s29] =	ssyncadd.s32 $0xFFFFFFFF  }
0xc4: {  	_ =	strace $0x9000004B  }
0xc5: {  	_ =	sfence  }
0xc6: {  	s30 =	sld [smem:$0x0];
	_ =	sdelay $0x2  }
0xc7: {  	s31 =	sshll.u32 s1, $0xD;
	s1 =	sshrl.u32 s1, $0x2  }
0xc8: {  	s4 =	sand.u32 $0x4000, s31;
	s1 =	sadd.s32 s1, s30  }
0xc9: {  	s0 =	sor.u32 s4, s0;
	s1 =	sshll.u32 s1, $0x11  }
0xca: {  	s0 =	sor.u32 s1, s0  }
0xcb: {  	s0 =	sadd.s32 $0x8F2B, s0  }
0xcc: {  	[sflag:s0] =	ssyncadd.remote.s32 $0x1  }
0xcd: {  	_ =	sfence.sel $0xFFFF  }
0xce: {  	[dreg:$0x0] =	wrdreg $0xFFFFFFFF;
	(pc) =	sbr.abs _section_cstart, $3  }
0xcf: {  	[dreg:$0x1] =	wrdreg $0xFFFFFFFF  }
0xd0: {  	_ =	task.clear_ibuf [dreg:s22], $0x2FFFF;
	_ =	strace $0x9FFFFFFF  }
0xd1: {  	(tm) =	ssettm $0x7FFFFFFF  }
tec
execute0_lowered:
.L_overlay_start_1:
0x0: {  	(tag) =	ssettag $0x1  }
0x1: {  	s4 =	rddreg [dreg:$0x0];
	s0 =	srdreg.scid  }
0x2: {  	s2 =	rddreg [dreg:$0x1];
	s1 =	stileid.u32  }
0x3: {  	s3 =	simm.s32 $0x0;
	s23 =	simm.s32 $0x9400;
	s24 =	simm.s32 $0x1  }
0x4: {  	s5 =	sand.u32 $0x1, s0;
	s0 =	rddreg [dreg:$0x2];
	s7 =	smul.u32 $0x14000, s1  }
0x5: {  	s25 =	simm.s32 $0x28;
	[smem:$0x7FF] =	sst s3;
	s28 =	smul.u32 $0x50000, s1  }
0x6: {  	s8 =	sshll.u32 s1, $0xC;
	s6 =	smul.u32 $0x140000, s5;
	_ =	strace $0x8000004A  }
0x7: {  	s26 =	sadd.s32 s8, s4;
	s29 =	ssub.s32 $0x2, s5;
	s5 =	sshll.u32 s5, $0x10  }
0x8: {  	s9 =	sshrl.u32 s29, $0x1;
	s5 =	sadd.s32 s5, s26;
	s6 =	sadd.s32 s7, s6  }
0x9: {  	s30 =	sshrl.u32 s28, $0x2;
	s31 =	ssub.s32 s29, s9;
	s6 =	sshrl.u32 s6, $0x3  }
0xa: {  	s26 =	simm.s32 $0x8000;
	s7 =	smax.u32 s31, $0x1;
	s6 =	sadd.s32 s6, s4  }
0xb: {  	s4 =	sadd.s32 $0xE2600, s5;
	s5 =	sadd.s32 s30, s2;
	s6 =	sadd.s32 $0x102600, s6  }
0xc: {  	s8 =	sadd.s32 $0x1400, s5;
	s9 =	sadd.s32 $0x2800, s5;
	s10 =	sadd.s32 $0x3C00, s5  }
0xd: {  	s11 =	sadd.s32 $0x5000, s5;
	s12 =	sadd.s32 $0x6400, s5;
	s13 =	sadd.s32 $0x7800, s5  }
0xe: {  	s14 =	sadd.s32 $0x8C00, s5;
	s15 =	sadd.s32 $0xA000, s5;
	s16 =	sadd.s32 $0xB400, s5  }
0xf: {  	s17 =	sadd.s32 $0xC800, s5;
	s18 =	sadd.s32 $0xDC00, s5;
	s19 =	sadd.s32 $0xF000, s5  }
0x10: {  	v0 =	vimm.f32 $1.000000000e+00;
	v1 =	vimm.f32 $0.0e+00;
	s20 =	sadd.s32 $0x10400, s5;
	s21 =	sadd.s32 $0x11800, s5;
	s22 =	sadd.s32 $0x12C00, s5  }
.LBB2_1:
0x11: {  	s28 =	simm.s32 $0x200;
	s29 =	simm.s32 $0x0  }
.LBB2_2:
0x12: {  	p0 =	sne.s32 s28, $0x4E00;
	[tilespmem:s29+$0x8000] =	vst v0;
	s30 =	smov.u32 s28;
	s28 =	sadd.s32 $0x200, s28  }
.Ltmp0:
0x13: {  	[tilespmem:s29+$0x9400] =	vst v1;
	(pc) =	sbr.rel @p0 .LBB2_2-.Ltmp0, $2  }
0x14: {  	_ =	sdelay $0x2  }
0x15: {  	s29 =	sshra.s32 s30, $0x2  }
0x16: {  	[tilespmem:s29+$0x8000] =	vst v0  }
0x17: {  	[tilespmem:s29+$0x9400] =	vst v1  }
0x18: {  	[spmem:s5] =	stream.linear.scatter [tilespmem:s23], [sflag:$0x1], $0x1400, $0x38;
	[tilespmem:$0xD000] =	vst v63  }
0x19: {  	_ =	swait.ge [sflag:s24], $0x1400  }
0x1a: {  	[sflag:s24] =	ssyncset.done $0x0  }
0x1b: {  	[sflag:s24] =	ssyncadd.s32 $0xFFFFEC00  }
0x1c: {  	[spmem:s8] =	stream.linear.scatter [tilespmem:s23], [sflag:$0x1], $0x1400, $0x38;
	[tilespmem:$0xD000] =	vst v63  }
0x1d: {  	_ =	swait.ge [sflag:s24], $0x1400  }
0x1e: {  	[sflag:s24] =	ssyncset.done $0x0  }
0x1f: {  	[sflag:s24] =	ssyncadd.s32 $0xFFFFEC00  }
0x20: {  	[spmem:s9] =	stream.linear.scatter [tilespmem:s23], [sflag:$0x1], $0x1400, $0x38;
	[tilespmem:$0xD000] =	vst v63  }
0x21: {  	_ =	swait.ge [sflag:s24], $0x1400  }
0x22: {  	[sflag:s24] =	ssyncset.done $0x0  }
0x23: {  	[sflag:s24] =	ssyncadd.s32 $0xFFFFEC00  }
0x24: {  	[spmem:s10] =	stream.linear.scatter [tilespmem:s23], [sflag:$0x1], $0x1400, $0x38;
	[tilespmem:$0xD000] =	vst v63  }
0x25: {  	_ =	swait.ge [sflag:s24], $0x1400  }
0x26: {  	[sflag:s24] =	ssyncset.done $0x0  }
0x27: {  	[sflag:s24] =	ssyncadd.s32 $0xFFFFEC00  }
0x28: {  	[spmem:s11] =	stream.linear.scatter [tilespmem:s23], [sflag:$0x1], $0x1400, $0x38;
	[tilespmem:$0xD000] =	vst v63  }
0x29: {  	_ =	swait.ge [sflag:s24], $0x1400  }
0x2a: {  	[sflag:s24] =	ssyncset.done $0x0  }
0x2b: {  	[sflag:s24] =	ssyncadd.s32 $0xFFFFEC00  }
0x2c: {  	[spmem:s12] =	stream.linear.scatter [tilespmem:s23], [sflag:$0x1], $0x1400, $0x38;
	[tilespmem:$0xD000] =	vst v63  }
0x2d: {  	_ =	swait.ge [sflag:s24], $0x1400  }
0x2e: {  	[sflag:s24] =	ssyncset.done $0x0  }
0x2f: {  	[sflag:s24] =	ssyncadd.s32 $0xFFFFEC00  }
0x30: {  	[spmem:s13] =	stream.linear.scatter [tilespmem:s23], [sflag:$0x1], $0x1400, $0x38;
	[tilespmem:$0xD000] =	vst v63  }
0x31: {  	_ =	swait.ge [sflag:s24], $0x1400  }
0x32: {  	[sflag:s24] =	ssyncset.done $0x0  }
0x33: {  	[sflag:s24] =	ssyncadd.s32 $0xFFFFEC00  }
0x34: {  	[spmem:s14] =	stream.linear.scatter [tilespmem:s23], [sflag:$0x1], $0x1400, $0x38;
	[tilespmem:$0xD000] =	vst v63  }
0x35: {  	_ =	swait.ge [sflag:s24], $0x1400  }
0x36: {  	[sflag:s24] =	ssyncset.done $0x0  }
0x37: {  	[sflag:s24] =	ssyncadd.s32 $0xFFFFEC00  }
0x38: {  	[spmem:s15] =	stream.linear.scatter [tilespmem:s23], [sflag:$0x1], $0x1400, $0x38;
	[tilespmem:$0xD000] =	vst v63  }
0x39: {  	_ =	swait.ge [sflag:s24], $0x1400  }
0x3a: {  	[sflag:s24] =	ssyncset.done $0x0  }
0x3b: {  	[sflag:s24] =	ssyncadd.s32 $0xFFFFEC00  }
0x3c: {  	[spmem:s16] =	stream.linear.scatter [tilespmem:s23], [sflag:$0x1], $0x1400, $0x38;
	[tilespmem:$0xD000] =	vst v63  }
0x3d: {  	_ =	swait.ge [sflag:s24], $0x1400  }
0x3e: {  	[sflag:s24] =	ssyncset.done $0x0  }
0x3f: {  	[sflag:s24] =	ssyncadd.s32 $0xFFFFEC00  }
0x40: {  	[spmem:s17] =	stream.linear.scatter [tilespmem:s23], [sflag:$0x1], $0x1400, $0x38;
	[tilespmem:$0xD000] =	vst v63  }
0x41: {  	_ =	swait.ge [sflag:s24], $0x1400  }
0x42: {  	[sflag:s24] =	ssyncset.done $0x0  }
0x43: {  	[sflag:s24] =	ssyncadd.s32 $0xFFFFEC00  }
0x44: {  	[spmem:s18] =	stream.linear.scatter [tilespmem:s23], [sflag:$0x1], $0x1400, $0x38;
	[tilespmem:$0xD000] =	vst v63  }
0x45: {  	_ =	swait.ge [sflag:s24], $0x1400  }
0x46: {  	[sflag:s24] =	ssyncset.done $0x0  }
0x47: {  	[sflag:s24] =	ssyncadd.s32 $0xFFFFEC00  }
0x48: {  	[spmem:s19] =	stream.linear.scatter [tilespmem:s23], [sflag:$0x1], $0x1400, $0x38;
	[tilespmem:$0xD000] =	vst v63  }
0x49: {  	_ =	swait.ge [sflag:s24], $0x1400  }
0x4a: {  	[sflag:s24] =	ssyncset.done $0x0  }
0x4b: {  	[sflag:s24] =	ssyncadd.s32 $0xFFFFEC00  }
0x4c: {  	[spmem:s20] =	stream.linear.scatter [tilespmem:s23], [sflag:$0x1], $0x1400, $0x38;
	[tilespmem:$0xD000] =	vst v63  }
0x4d: {  	_ =	swait.ge [sflag:s24], $0x1400  }
0x4e: {  	[sflag:s24] =	ssyncset.done $0x0  }
0x4f: {  	[sflag:s24] =	ssyncadd.s32 $0xFFFFEC00  }
0x50: {  	[spmem:s21] =	stream.linear.scatter [tilespmem:s23], [sflag:$0x1], $0x1400, $0x38;
	[tilespmem:$0xD000] =	vst v63  }
0x51: {  	_ =	swait.ge [sflag:s24], $0x1400  }
0x52: {  	[sflag:s24] =	ssyncset.done $0x0  }
0x53: {  	[sflag:s24] =	ssyncadd.s32 $0xFFFFEC00  }
0x54: {  	[spmem:s22] =	stream.linear.scatter [tilespmem:s23], [sflag:$0x1], $0x1400, $0x38;
	[tilespmem:$0xD000] =	vst v63  }
0x55: {  	_ =	swait.ge [sflag:s24], $0x1400  }
0x56: {  	[sflag:s24] =	ssyncset.done $0x0  }
0x57: {  	[sflag:s24] =	ssyncadd.s32 $0xFFFFEC00  }
0x58: {  	s28 =	simm.s32 $0x0;
	[bflag:$0x0] =	sbarrier.arrive $0xFFFF  }
0x59: {  	[tilespmem:s28], [sflag:$0x1] =	stream.linear.gather [hbm4b:s4+s28], $0x7D00, $0x38;
	[tilespmem:$0xD000] =	vst v63  }
0x5a: {  	_ =	swait.ge [sflag:s24], $0x7D00  }
0x5b: {  	[sflag:s24] =	ssyncset.done $0x0  }
0x5c: {  	s28 =	simm.s32 $0x0;
	[sflag:s24] =	ssyncadd.s32 $0xFFFF8300  }
0x5d: {  	[spmem:s2] =	stream.indirect.scatter.add.f32 [tilespmem:s26], [sflag:$0x1], $0x10, s28, s25, $0xb8;
	[tilespmem:$0xD000] =	vst v63  }
0x5e: {  	_ =	swait.ge [sflag:s24], $0x280  }
0x5f: {  	s28 =	simm.s32 $0x200;
	[sflag:s24] =	ssyncset.done $0x0  }
.LBB2_4:
0x60: {  	s29 =	sshra.s32 s28, $0x2;
	[sflag:s24] =	ssyncadd.s32 $0xFFFFFD80;
	p0 =	sne.s32 s28, $0x1F200  }
0x61: {  	[spmem:s2] =	stream.indirect.scatter.add.f32 [tilespmem:s26], [sflag:$0x1], $0x10, s29, s25, $0xb8;
	[tilespmem:$0xD000] =	vst v63  }
.Ltmp1:
0x62: {  	_ = 	snop;
	(pc) =	sbr.rel @p0 .LBB2_4-.Ltmp1, $4  }
0x63: {  	_ = 	snop  }
0x64: {  	s28 =	sadd.s32 $0x200, s28  }
0x65: {  	_ =	swait.ge [sflag:s24], $0x280  }
0x66: {  	[sflag:s24] =	ssyncset.done $0x0  }
0x67: {  	[sflag:s24] =	ssyncadd.s32 $0xFFFFFD80;
	s3 =	sadd.s32 $0x1, s3  }
0x68: {  	s28 =	sshll.u32 s1, $0x6;
	s29 =	sshrl.u32 s5, $0x3;
	p0 =	sne.s32 s3, s7  }
.Ltmp2:
0x69: {  	[bflag:$0x0] =	sbarrier.arrive $0xFFFF;
	s28 =	sor.u32 $0x1C01, s28;
	(pc) =	sbr.rel @p0 .LBB2_1-.Ltmp2, $4  }
0x6a: {  	[hbm:s6], [sflag:s28] =	dma.local [spmem:s29], $0x2800  }
0x6b: {  	_ =	swait.ge [sflag:s24], $0x2800  }
0x6c: {  	[sflag:s24] =	ssyncset.done $0x0  }
0x6d: {  	[sflag:s24] =	ssyncadd.s32 $0xFFFFD800  }
0x6e: {  	_ =	sfence.sel $0x180000  }
0x6f: {  	[bflag:$0x0] =	sbarrier.arrive $0xFFFF  }
0x70: {  	p0 =	sne.s32 s1, $0x0;
	_ =	strace $0x9000004A  }
0x71: {  	s0 =	sadd.s32 @!p0 $0x100000, s0;
	[bflag:$0x2] =	sbarrier.arrive $0xFFFF  }
0x72: {  	[sflag:s0] =	ssyncadd.tile.s32 @!p0 $0x1;
	_ =	shalt  }
.Lfunc_end2:
_tile_overlayer_lowered:
.L_overlay_start_2:
0x73: {  	(tag) =	ssettag $0x2  }
0x74: {  	s0 =	rddreg [dreg:$0x0];
	s2 =	stileid.u32  }
0x75: {  	s1 =	rddreg [dreg:$0x1];
	p0 =	sne.s32 s2, $0x0  }
0x76: {  	s3 =	rddreg [dreg:$0x2];
	[bflag:$0x3] =	sbarrier.arrive $0xFFFF;
	s2 =	simm.s32 @!p0 $0x1C01  }
0x77: {  	[timem:s3], [sflag:s2] =	dma.local @!p0 [hbm:s0], s1  }
0x78: {  	s0 =	simm.s32 @!p0 $0x1  }
0x79: {  	_ =	swait.ge @!p0 [sflag:s0], s1  }
0x7a: {  	s1 =	ssub.s32 @!p0 $0x0, s1;
	[sflag:s0] =	ssyncset.done @!p0 $0x0  }
0x7b: {  	[sflag:s0] =	ssyncadd.s32 @!p0 s1  }
0x7c: {  	[bflag:$0x3] =	sbarrier.arrive $0xFFFF  }
0x7d: {  	_ =	shalt  }

// kernel: kernel.13.cloned.1.call-start
scs
__scs_entry_jumppad:
0x0: {  	(pc) =	sbr.rel $0x88, $3  }
0x1: {  	(tag) =	ssettag $0x0;
	lr =	simm.s32 $0x1  }
0x2: {  	[smem:$0x3F8D] =	sst lr;
	_ =	strace $0xD0000000  }
0x3: {  	_ = 	snop  }
0x4: {  	_ = 	snop  }
0x5: {  	_ = 	snop  }
0x6: {  	_ = 	snop  }
0x7: {  	_ = 	snop  }
__scs_overlays_trampoline_lowered:
0x8: {  	[smem:$0x3F9C] =	sst s0  }
0x9: {  	[smem:$0x3F9D] =	sst s1  }
0xa: {  	[smem:$0x3F9E] =	sst s2  }
0xb: {  	[smem:$0x3F9F] =	sst s3  }
0xc: {  	[smem:$0x3FA0] =	sst s4  }
0xd: {  	[smem:$0x3FA1] =	sst s5  }
0xe: {  	[smem:$0x3FA2] =	sst s6  }
0xf: {  	[smem:$0x3FA3] =	sst s7  }
0x10: {  	[smem:$0x3FA4] =	sst s8  }
0x11: {  	[smem:$0x3FA5] =	sst s9;
	s0 =	simm.s32 @!p0 $0x0  }
0x12: {  	s1 =	sld [smem:$0x3F8B];
	s0 =	simm.s32 @p0 $0x1  }
0x13: {  	[smem:$0x3FA6] =	sst s0;
	s0 =	simm.s32 @!p1 $0x0  }
0x14: {  	s2 =	sld [smem:$0x3F8A];
	s0 =	simm.s32 @p1 $0x1  }
0x15: {  	[smem:$0x3FA7] =	sst s0;
	s0 =	simm.s32 @!p2 $0x0  }
0x16: {  	s3 =	sld [smem:$0x3FDB];
	s0 =	simm.s32 @p2 $0x1  }
0x17: {  	s4 =	simm.s32 $0x1BF5;
	[smem:$0x3FA9] =	sst s0  }
0x18: {  	s0 =	sld [smem:$0x3F8C];
	_ =	swait.ge [sflag:s4], $0x0  }
0x19: {  	s7 =	sld [smem:$0x3F8D]  }
0x1a: {  	s8 =	sadd.s32 $0xFFFFE003, lr  }
0x1b: {  	s9 =	sadd.s32 $0xFFFFFEF7, lr;
	s5 =	simm.s32 $0xFFFFFFFF;
	p2 =	slt.u32 s8, $0xFFFFF086  }
0x1c: {  	p1 =	slt.u32 s9, $0xF7A;
	s5 =	simm.s32 @!p2 $0x0  }
0x1d: {  	s5 =	simm.s32 @p1 $0x1;
	p0 =	seq.s32 s7, s2  }
0x1e: {  	s7 =	smul.u32 @!p0 $0xF7A, s2;
	p2 =	seq.s32 @!p0 s5, $0x0  }
0x1f: {  	s9 =	smul.u32 $0xF7A, s1;
	s8 =	simm.s32 @!p0 $0x1BF5;
	p2 =	por !p2, p0  }
0x20: {  	[sflag:s8] =	ssyncset.s32 @!p0 $0xFFFFF086;
	s6 =	sadd.s32 @!p0 s3, s7;
	s7 =	simm.s32 @!p0 $0x108  }
0x21: {  	s3 =	sadd.s32 s3, s9;
	s6 =	sadd.s32 @!p0 $0x88, s6;
	s7 =	simm.s32 @p2 $0x1082  }
0x22: {  	[simem:s7], [sflag:s8] =	dma.local @!p0 [hbm:s6], $0xF7A  }
0x23: {  	s9 =	sor.u32 $0xD0000000, s2;
	s6 =	simm.s32 $0x108;
	_ =	swait.ge @!p0 [sflag:s8], $0x0  }
0x24: {  	s3 =	sadd.s32 $0x88, s3;
	s6 =	simm.s32 @!p1 $0x1082;
	[sflag:s4] =	ssyncset.s32 $0xFFFFF086  }
0x25: {  	[simem:s6], [sflag:s4] =	dma.local [hbm:s3], $0xF7A  }
0x26: {  	[smem:$0x3F8D] =	sst s1;
	(tag) =	ssettag s2;
	_ =	strace s9  }
0x27: {  	s1 =	sld [smem:$0x3F9D]  }
0x28: {  	s2 =	sld [smem:$0x3F9E]  }
0x29: {  	s4 =	sld [smem:$0x3FA0]  }
0x2a: {  	p0 =	seq.s32 s5, $0x0;
	s5 =	sld [smem:$0x3FA1]  }
0x2b: {  	s6 =	sld [smem:$0x3FA2]  }
0x2c: {  	s7 =	sld [smem:$0x3FA3]  }
0x2d: {  	s3 =	simm.s32 $0x108;
	s8 =	sld [smem:$0x3FA4]  }
0x2e: {  	s3 =	simm.s32 @!p0 $0x1082;
	s9 =	sld [smem:$0x3FA5]  }
0x2f: {  	lr =	sadd.s32 s0, s3;
	s0 =	sld [smem:$0x3F9C]  }
0x30: {  	s3 =	sld [smem:$0x3F9F]  }
0x31: {  	[smem:$0x3FA8] =	sst s10  }
0x32: {  	s10 =	sld [smem:$0x3FA6];
	_ =	sdelay $0x3  }
0x33: {  	p0 =	seq.s32 s10, $0x1;
	s10 =	sld [smem:$0x3FA8];
	_ =	sdelay $0x3  }
0x34: {  	[smem:$0x3FA8] =	sst s10  }
0x35: {  	s10 =	sld [smem:$0x3FA7];
	_ =	sdelay $0x3  }
0x36: {  	p1 =	seq.s32 s10, $0x1;
	s10 =	sld [smem:$0x3FA8];
	_ =	sdelay $0x3  }
0x37: {  	[smem:$0x3FA8] =	sst s10  }
0x38: {  	s10 =	sld [smem:$0x3FA9]  }
0x39: {  	_ = 	snop;
	(pc) =	sbr.ind lr, $3  }
0x3a: {  	_ = 	snop  }
0x3b: {  	_ = 	snop  }
0x3c: {  	p2 =	seq.s32 s10, $0x1;
	s10 =	sld [smem:$0x3FA8]  }
0x3d: {  	_ =	shalt  }
0x3e: {  	_ =	shalt  }
0x3f: {  	_ =	shalt  }
0x40: {  	_ =	shalt  }
0x41: {  	_ =	shalt  }
0x42: {  	_ =	shalt  }
0x43: {  	_ =	shalt  }
0x44: {  	_ =	shalt  }
0x45: {  	_ =	shalt  }
0x46: {  	_ =	shalt  }
0x47: {  	_ =	shalt  }
0x48: {  	_ =	shalt  }
0x49: {  	_ =	shalt  }
0x4a: {  	_ =	shalt  }
0x4b: {  	_ =	shalt  }
0x4c: {  	_ =	shalt  }
0x4d: {  	_ =	shalt  }
0x4e: {  	_ =	shalt  }
0x4f: {  	_ =	shalt  }
0x50: {  	_ =	shalt  }
0x51: {  	_ =	shalt  }
0x52: {  	_ =	shalt  }
0x53: {  	_ =	shalt  }
0x54: {  	_ =	shalt  }
0x55: {  	_ =	shalt  }
0x56: {  	_ =	shalt  }
0x57: {  	_ =	shalt  }
0x58: {  	_ =	shalt  }
0x59: {  	_ =	shalt  }
0x5a: {  	_ =	shalt  }
0x5b: {  	_ =	shalt  }
0x5c: {  	_ =	shalt  }
0x5d: {  	_ =	shalt  }
0x5e: {  	_ =	shalt  }
0x5f: {  	_ =	shalt  }
0x60: {  	_ =	shalt  }
0x61: {  	_ =	shalt  }
0x62: {  	_ =	shalt  }
0x63: {  	_ =	shalt  }
0x64: {  	_ =	shalt  }
0x65: {  	_ =	shalt  }
0x66: {  	_ =	shalt  }
0x67: {  	_ =	shalt  }
0x68: {  	_ =	shalt  }
0x69: {  	_ =	shalt  }
0x6a: {  	_ =	shalt  }
0x6b: {  	_ =	shalt  }
0x6c: {  	_ =	shalt  }
0x6d: {  	_ =	shalt  }
0x6e: {  	_ =	shalt  }
0x6f: {  	_ =	shalt  }
0x70: {  	_ =	shalt  }
0x71: {  	_ =	shalt  }
0x72: {  	_ =	shalt  }
0x73: {  	_ =	shalt  }
0x74: {  	_ =	shalt  }
0x75: {  	_ =	shalt  }
0x76: {  	_ =	shalt  }
0x77: {  	_ =	shalt  }
0x78: {  	_ =	shalt  }
0x79: {  	_ =	shalt  }
0x7a: {  	_ =	shalt  }
0x7b: {  	_ =	shalt  }
0x7c: {  	_ =	shalt  }
0x7d: {  	_ =	shalt  }
0x7e: {  	_ =	shalt  }
0x7f: {  	_ =	shalt  }
0x80: {  	_ =	shalt  }
0x81: {  	_ =	shalt  }
0x82: {  	_ =	shalt  }
0x83: {  	_ =	shalt  }
0x84: {  	_ =	shalt  }
0x85: {  	_ =	shalt  }
0x86: {  	_ =	shalt  }
0x87: {  	_ =	shalt  }
.Lfunc_end0:
.L_simem_size_0:
called_computation.1_lowered:
.L_overlay_start_0:
0x88: {  	s2 =	sld [smem:$0x3FD9]  }
0x89: {  	s3 =	sld [smem:$0x3FFE];
	_ =	sdelay $0x1  }
0x8a: {  	s1 =	srdreg.scid  }
0x8b: {  	s0 =	sand.u32 $0x1, s1  }
0x8c: {  	s16 =	sshll.u32 s0, $0xA;
	s2 =	sadd.s32 s3, s2  }
0x8d: {  	s2 =	sadd.s32 s2, s16  }
0x8e: {  	[smem:$0x3FB4] =	sst s2  }
0x8f: {  	_ = 	snop  }
0x90: {  	(tm) =	ssettm $0x1  }
0x91: {  	s17 =	sld [smem:$0x3FFB];
	_ =	sdelay $0x3  }
0x92: {  	_ =	strace s17  }
0x93: {  	s2 =	sld [smem:$0x3FFC];
	_ =	sdelay $0x3  }
0x94: {  	_ =	strace s2  }
0x95: {  	s2 =	sld [smem:$0x3FFD];
	_ =	sdelay $0x3  }
0x96: {  	_ =	strace s2  }
0x97: {  	_ =	strace $0x8FFFFFFF  }
0x98: {  	s18 =	sld [smem:$0x3FDB];
	_ =	sdelay $0x1  }
0x99: {  	s19 =	simm.s32 $_scs_section_size  }
0x9a: {  	s4 =	simm.s32 $_size__tile_overlayer_lowered;
	s5 =	simm.s32 $_tile_overlayer_lowered  }
0x9b: {  	s22 =	simm.s32 $0x1BFF;
	s21 =	sshll.u32 s5, $0x1;
	s2 =	sadd.s32 s19, s18  }
0x9c: {  	s6 =	simm.s32 $0x0;
	s20 =	sshll.u32 s4, $0x1;
	s4 =	sadd.s32 s21, s2  }
0x9d: {  	[timem:s6], [sflag:s22] =	dma.local [hbm:s4], s20  }
0x9e: {  	_ =	swait.ge [sflag:s22], s20  }
0x9f: {  	s3 =	ssub.s32 $0x0, s20;
	[sflag:s22] =	ssyncset.done $0x0  }
0xa0: {  	[sflag:s22] =	ssyncadd.s32 s3;
	_ =	sdelay $0x1  }
0xa1: {  	s23 =	simm.s32 $0x1B8B  }
0xa2: {  	_ =	swait.ge [sflag:s23], $0x1  }
0xa3: {  	[sflag:s23] =	ssyncset.done $0x0  }
0xa4: {  	s25 =	simm.s32 $0x1B8E;
	s24 =	sld [smem:$0x3FFE];
	[sflag:s23] =	ssyncadd.s32 $0xFFFFFFFF  }
0xa5: {  	s26 =	simm.s32 $execute0_lowered;
	[smem:$0x3FD2] =	sst s25  }
0xa6: {  	s4 =	sshll.u32 s26, $0x1;
	_ =	strace $0x80000046;
	[dreg:$0x1] =	wrdreg $0xFFFFFFFF  }
0xa7: {  	s28 =	simm.s32 $_size_execute0_lowered;
	s2 =	sadd.s32 s2, s4;
	[dreg:$0x0] =	wrdreg $0x0  }
0xa8: {  	s4 =	sshll.u32 s28, $0x1;
	[dreg:$0x2] =	wrdreg s2  }
0xa9: {  	[dreg:$0x3] =	wrdreg s4  }
0xaa: {  	[dreg:$0x4] =	wrdreg $0xC0  }
0xab: {  	_ =	task [dreg:s6], $0x5FFFF  }
0xac: {  	[dreg:$0x1] =	wrdreg $0xFFFFFFFF  }
0xad: {  	[dreg:$0x0] =	wrdreg $0x60  }
0xae: {  	[dreg:$0x2] =	wrdreg s24  }
0xaf: {  	[dreg:$0x3] =	wrdreg $0x52000  }
0xb0: {  	[dreg:$0x4] =	wrdreg $0xA  }
0xb1: {  	_ =	task.clear_ibuf [dreg:s6], $0x5FFFF;
	_ =	strace $0x90000046  }
0xb2: {  	s29 =	simm.s32 $0xA;
	_ =	strace $0x80000048  }
0xb3: {  	_ =	swait.ge [sflag:s29], $0x1  }
0xb4: {  	[sflag:s29] =	ssyncadd.s32 $0xFFFFFFFF  }
0xb5: {  	_ =	strace $0x90000048  }
0xb6: {  	_ =	sfence  }
0xb7: {  	s30 =	sld [smem:$0x0];
	_ =	sdelay $0x2  }
0xb8: {  	s31 =	sshll.u32 s1, $0xD;
	s1 =	sshrl.u32 s1, $0x2  }
0xb9: {  	s3 =	sand.u32 $0x4000, s31;
	s1 =	sadd.s32 s1, s30  }
0xba: {  	s0 =	sor.u32 s3, s0;
	s1 =	sshll.u32 s1, $0x11  }
0xbb: {  	s0 =	sor.u32 s1, s0  }
0xbc: {  	s0 =	sadd.s32 $0x8F2B, s0  }
0xbd: {  	[sflag:s0] =	ssyncadd.remote.s32 $0x1  }
0xbe: {  	_ =	sfence.sel $0xFFFF  }
0xbf: {  	[dreg:$0x0] =	wrdreg $0xFFFFFFFF;
	(pc) =	sbr.abs _section_cstart, $3  }
0xc0: {  	[dreg:$0x1] =	wrdreg $0xFFFFFFFF  }
0xc1: {  	_ =	task.clear_ibuf [dreg:s6], $0x2FFFF;
	_ =	strace $0x9FFFFFFF  }
0xc2: {  	(tm) =	ssettm $0x7FFFFFFF  }
0xc3: {  	_ =	shalt  }
tec
execute0_lowered:
.L_overlay_start_1:
0x0: {  	(tag) =	ssettag $0x1  }
0x1: {  	s11 =	stileid.u32  }
0x2: {  	s8 =	smul.u32 $0x14000, s11  }
0x3: {  	s2 =	srdreg.scid;
	s10 =	smul.u32 $0x2710, s11  }
0x4: {  	s0 =	rddreg [dreg:$0x0];
	s2 =	sand.u32 $0x1, s2;
	s11 =	smul.u32 $0x50000, s11  }
0x5: {  	s1 =	rddreg [dreg:$0x1];
	s3 =	simm.s32 $0x0;
	s7 =	smul.u32 $0x140000, s2  }
0x6: {  	[smem:$0x7FF] =	sst s3;
	s9 =	smul.u32 $0x27100, s2;
	s2 =	ssub.s32 $0x2, s2  }
0x7: {  	s4 =	sadd.s32 $0x42600, s0;
	s5 =	sadd.s32 $0x6A600, s0;
	s29 =	sshrl.u32 s2, $0x1  }
0x8: {  	s6 =	sadd.s32 $0x38800, s0;
	s11 =	sshrl.u32 s11, $0x2;
	s2 =	ssub.s32 s2, s29  }
0x9: {  	_ =	strace $0x80000047;
	s15 =	sadd.s32 s11, s1;
	s14 =	smax.u32 s2, $0x1  }
0xa: {  	s8 =	sadd.s32 s8, s7;
	s16 =	sadd.s32 $0x1400, s15;
	[dreg:$0x8] =	wrdreg s14  }
0xb: {  	s7 =	sadd.s32 $0x2EA00, s0;
	s17 =	sadd.s32 $0x2800, s15;
	[dreg:$0x9] =	wrdreg s16  }
0xc: {  	s9 =	sadd.s32 s10, s9;
	s18 =	sadd.s32 $0x3C00, s15;
	[dreg:$0xa] =	wrdreg s17  }
0xd: {  	s11 =	simm.s32 $0x2;
	s19 =	sadd.s32 $0x5000, s15;
	[dreg:$0xb] =	wrdreg s18  }
0xe: {  	s8 =	sshrl.u32 s8, $0x3;
	s20 =	sadd.s32 $0x6400, s15;
	[dreg:$0xc] =	wrdreg s19  }
0xf: {  	s30 =	sshrl.u32 s9, $0x3;
	s21 =	sadd.s32 $0x7800, s15;
	[dreg:$0xd] =	wrdreg s20  }
0x10: {  	s10 =	sadd.s32 $0x28, s9;
	s22 =	sadd.s32 $0x8C00, s15;
	[dreg:$0xe] =	wrdreg s21  }
0x11: {  	s13 =	sadd.s32 $0x78, s9;
	s23 =	sadd.s32 $0xA000, s15;
	[dreg:$0xf] =	wrdreg s22  }
0x12: {  	s24 =	sadd.s32 $0xB400, s15;
	s25 =	sadd.s32 $0xC800, s15;
	[dreg:$0x10] =	wrdreg s23  }
0x13: {  	s26 =	sadd.s32 $0xDC00, s15;
	s28 =	sadd.s32 $0xF000, s15;
	[dreg:$0x11] =	wrdreg s24  }
0x14: {  	s29 =	sadd.s32 $0x10400, s15;
	s2 =	simm.s32 $0x200;
	[dreg:$0x12] =	wrdreg s25  }
0x15: {  	s0 =	sadd.s32 s8, s0;
	s12 =	sadd.s32 s6, s30;
	[dreg:$0x13] =	wrdreg s26  }
0x16: {  	s10 =	sshrl.u32 s10, $0x3;
	s8 =	sadd.s32 s7, s30;
	[dreg:$0x14] =	wrdreg s28  }
0x17: {  	[dreg:$0x15] =	wrdreg s29;
	s30 =	sadd.s32 $0x11800, s15;
	s14 =	simm.s32 $0x28  }
0x18: {  	s16 =	simm.s32 $0x100;
	s17 =	simm.s32 $0x180;
	s18 =	simm.s32 $0x3  }
0x19: {  	s19 =	simm.s32 $0x4;
	s20 =	simm.s32 $0x2A00;
	s21 =	simm.s32 $0x3E00  }
0x1a: {  	s22 =	simm.s32 $0x5;
	s23 =	simm.s32 $0x6;
	[dreg:$0x3] =	wrdreg s12  }
0x1b: {  	s24 =	simm.s32 $0x7;
	s25 =	simm.s32 $0x8;
	[dreg:$0x4] =	wrdreg s8  }
.Ltmp0:
0x1c: {  	s31 =	sadd.s32 s6, s10;
	[dreg:$0x16] =	wrdreg s30;
	(pc) =	sbr.rel .LBB2_1-.Ltmp0, $4  }
0x1d: {  	s26 =	simm.s32 $0x0;
	s10 =	sadd.s32 s7, s10;
	[dreg:$0x5] =	wrdreg s31  }
0x1e: {  	s12 =	sadd.s32 $0x50, s9;
	s0 =	sadd.s32 $0x92600, s0;
	[dreg:$0x6] =	wrdreg s10  }
0x1f: {  	s8 =	simm.s32 $0x9;
	[dreg:$0x7] =	wrdreg s0;
	s31 =	sadd.s32 $0x12C00, s15  }
0x20: {  	v0 =	vimm.f32 $0.0e+00;
	s9 =	simm.s32 $0x80;
	s10 =	simm.s32 $0x1;
	[dreg:$0x17] =	wrdreg s31  }
.LBB2_10:
0x21: {  	s0 =	stileid.u32  }
0x22: {  	[bflag:$0x0] =	sbarrier.arrive $0xFFFF;
	s0 =	sshll.u32 s0, $0x6  }
0x23: {  	s28 =	sshrl.u32 s15, $0x3;
	s29 =	rddreg [dreg:$0x7];
	s0 =	sor.u32 $0x1C09, s0  }
0x24: {  	[hbm:s29], [sflag:s0] =	dma.local [spmem:s28], $0x2800  }
0x25: {  	_ =	swait.ge [sflag:s8], $0x2800  }
0x26: {  	s26 =	sadd.s32 $0x1, s26;
	s31 =	rddreg [dreg:$0x8]  }
0x27: {  	p0 =	sne.s32 s26, s31  }
.Ltmp1:
0x28: {  	_ = 	snop;
	(pc) =	sbr.rel @!p0 .LBB2_11-.Ltmp1, $3  }
0x29: {  	_ =	sdelay $0x1  }
0x2a: {  	[sflag:s8] =	ssyncset.done $0x0  }
0x2b: {  	[sflag:s8] =	ssyncadd.s32 $0xFFFFD800  }
.LBB2_1:
0x2c: {  	s28 =	simm.s32 $0x0;
	s29 =	simm.s32 $0x200  }
.LBB2_2:
0x2d: {  	p0 =	sne.s32 s29, $0x4E00;
	[tilespmem:s28+$0x270] =	vst v0  }
0x2e: {  	[tilespmem:s28+$0x200] =	vst v0  }
0x2f: {  	[tilespmem:s28+$0x210] =	vst v0  }
.Ltmp2:
0x30: {  	[tilespmem:s28+$0x220] =	vst v0;
	(pc) =	sbr.rel @p0 .LBB2_2-.Ltmp2, $4  }
0x31: {  	[tilespmem:s28+$0x230] =	vst v0  }
0x32: {  	[tilespmem:s28+$0x240] =	vst v0  }
0x33: {  	[tilespmem:s28+$0x250] =	vst v0  }
0x34: {  	[tilespmem:s28+$0x260] =	vst v0;
	s28 =	sshra.s32 s29, $0x2;
	s29 =	sadd.s32 $0x200, s29  }
0x35: {  	[tilespmem:s28+$0x270] =	vst v0  }
0x36: {  	[tilespmem:s28+$0x200] =	vst v0  }
0x37: {  	[tilespmem:s28+$0x210] =	vst v0  }
0x38: {  	[tilespmem:s28+$0x220] =	vst v0  }
0x39: {  	[tilespmem:s28+$0x230] =	vst v0  }
0x3a: {  	[tilespmem:s28+$0x240] =	vst v0  }
0x3b: {  	[tilespmem:s28+$0x250] =	vst v0  }
0x3c: {  	[tilespmem:s28+$0x260] =	vst v0  }
0x3d: {  	[spmem:s15] =	stream.linear.scatter [tilespmem:s2], [sflag:$0x9], $0x1400, $0x38;
	[tilespmem:$0x19200] =	vst v63  }
0x3e: {  	_ =	swait.ge [sflag:s8], $0x1400  }
0x3f: {  	[sflag:s8] =	ssyncset.done $0x0  }
0x40: {  	s0 =	rddreg [dreg:$0x9];
	[sflag:s8] =	ssyncadd.s32 $0xFFFFEC00  }
0x41: {  	[spmem:s0] =	stream.linear.scatter [tilespmem:s2], [sflag:$0x9], $0x1400, $0x38;
	[tilespmem:$0x19200] =	vst v63  }
0x42: {  	_ =	swait.ge [sflag:s8], $0x1400  }
0x43: {  	[sflag:s8] =	ssyncset.done $0x0  }
0x44: {  	s31 =	rddreg [dreg:$0xa];
	[sflag:s8] =	ssyncadd.s32 $0xFFFFEC00  }
0x45: {  	[spmem:s31] =	stream.linear.scatter [tilespmem:s2], [sflag:$0x9], $0x1400, $0x38;
	[tilespmem:$0x19200] =	vst v63  }
0x46: {  	_ =	swait.ge [sflag:s8], $0x1400  }
0x47: {  	[sflag:s8] =	ssyncset.done $0x0  }
0x48: {  	s29 =	rddreg [dreg:$0xb];
	[sflag:s8] =	ssyncadd.s32 $0xFFFFEC00  }
0x49: {  	[spmem:s29] =	stream.linear.scatter [tilespmem:s2], [sflag:$0x9], $0x1400, $0x38;
	[tilespmem:$0x19200] =	vst v63  }
0x4a: {  	_ =	swait.ge [sflag:s8], $0x1400  }
0x4b: {  	[sflag:s8] =	ssyncset.done $0x0  }
0x4c: {  	s30 =	rddreg [dreg:$0xc];
	[sflag:s8] =	ssyncadd.s32 $0xFFFFEC00  }
0x4d: {  	[spmem:s30] =	stream.linear.scatter [tilespmem:s2], [sflag:$0x9], $0x1400, $0x38;
	[tilespmem:$0x19200] =	vst v63  }
0x4e: {  	_ =	swait.ge [sflag:s8], $0x1400  }
0x4f: {  	[sflag:s8] =	ssyncset.done $0x0  }
0x50: {  	s31 =	rddreg [dreg:$0xd];
	[sflag:s8] =	ssyncadd.s32 $0xFFFFEC00  }
0x51: {  	[spmem:s31] =	stream.linear.scatter [tilespmem:s2], [sflag:$0x9], $0x1400, $0x38;
	[tilespmem:$0x19200] =	vst v63  }
0x52: {  	_ =	swait.ge [sflag:s8], $0x1400  }
0x53: {  	[sflag:s8] =	ssyncset.done $0x0  }
0x54: {  	s29 =	rddreg [dreg:$0xe];
	[sflag:s8] =	ssyncadd.s32 $0xFFFFEC00  }
0x55: {  	[spmem:s29] =	stream.linear.scatter [tilespmem:s2], [sflag:$0x9], $0x1400, $0x38;
	[tilespmem:$0x19200] =	vst v63  }
0x56: {  	_ =	swait.ge [sflag:s8], $0x1400  }
0x57: {  	[sflag:s8] =	ssyncset.done $0x0  }
0x58: {  	s30 =	rddreg [dreg:$0xf];
	[sflag:s8] =	ssyncadd.s32 $0xFFFFEC00  }
0x59: {  	[spmem:s30] =	stream.linear.scatter [tilespmem:s2], [sflag:$0x9], $0x1400, $0x38;
	[tilespmem:$0x19200] =	vst v63  }
0x5a: {  	_ =	swait.ge [sflag:s8], $0x1400  }
0x5b: {  	[sflag:s8] =	ssyncset.done $0x0  }
0x5c: {  	s31 =	rddreg [dreg:$0x10];
	[sflag:s8] =	ssyncadd.s32 $0xFFFFEC00  }
0x5d: {  	[spmem:s31] =	stream.linear.scatter [tilespmem:s2], [sflag:$0x9], $0x1400, $0x38;
	[tilespmem:$0x19200] =	vst v63  }
0x5e: {  	_ =	swait.ge [sflag:s8], $0x1400  }
0x5f: {  	[sflag:s8] =	ssyncset.done $0x0  }
0x60: {  	s29 =	rddreg [dreg:$0x11];
	[sflag:s8] =	ssyncadd.s32 $0xFFFFEC00  }
0x61: {  	[spmem:s29] =	stream.linear.scatter [tilespmem:s2], [sflag:$0x9], $0x1400, $0x38;
	[tilespmem:$0x19200] =	vst v63  }
0x62: {  	_ =	swait.ge [sflag:s8], $0x1400  }
0x63: {  	[sflag:s8] =	ssyncset.done $0x0  }
0x64: {  	s30 =	rddreg [dreg:$0x12];
	[sflag:s8] =	ssyncadd.s32 $0xFFFFEC00  }
0x65: {  	[spmem:s30] =	stream.linear.scatter [tilespmem:s2], [sflag:$0x9], $0x1400, $0x38;
	[tilespmem:$0x19200] =	vst v63  }
0x66: {  	_ =	swait.ge [sflag:s8], $0x1400  }
0x67: {  	[sflag:s8] =	ssyncset.done $0x0  }
0x68: {  	s31 =	rddreg [dreg:$0x13];
	[sflag:s8] =	ssyncadd.s32 $0xFFFFEC00  }
0x69: {  	[spmem:s31] =	stream.linear.scatter [tilespmem:s2], [sflag:$0x9], $0x1400, $0x38;
	[tilespmem:$0x19200] =	vst v63  }
0x6a: {  	_ =	swait.ge [sflag:s8], $0x1400  }
0x6b: {  	[sflag:s8] =	ssyncset.done $0x0  }
0x6c: {  	s29 =	rddreg [dreg:$0x14];
	[sflag:s8] =	ssyncadd.s32 $0xFFFFEC00  }
0x6d: {  	[spmem:s29] =	stream.linear.scatter [tilespmem:s2], [sflag:$0x9], $0x1400, $0x38;
	[tilespmem:$0x19200] =	vst v63  }
0x6e: {  	_ =	swait.ge [sflag:s8], $0x1400  }
0x6f: {  	[sflag:s8] =	ssyncset.done $0x0  }
0x70: {  	s30 =	rddreg [dreg:$0x15];
	[sflag:s8] =	ssyncadd.s32 $0xFFFFEC00  }
0x71: {  	[spmem:s30] =	stream.linear.scatter [tilespmem:s2], [sflag:$0x9], $0x1400, $0x38;
	[tilespmem:$0x19200] =	vst v63  }
0x72: {  	_ =	swait.ge [sflag:s8], $0x1400  }
0x73: {  	[sflag:s8] =	ssyncset.done $0x0  }
0x74: {  	s31 =	rddreg [dreg:$0x16];
	[sflag:s8] =	ssyncadd.s32 $0xFFFFEC00  }
0x75: {  	[spmem:s31] =	stream.linear.scatter [tilespmem:s2], [sflag:$0x9], $0x1400, $0x38;
	[tilespmem:$0x19200] =	vst v63  }
0x76: {  	_ =	swait.ge [sflag:s8], $0x1400  }
0x77: {  	[sflag:s8] =	ssyncset.done $0x0  }
0x78: {  	s29 =	rddreg [dreg:$0x17];
	[sflag:s8] =	ssyncadd.s32 $0xFFFFEC00  }
0x79: {  	[spmem:s29] =	stream.linear.scatter [tilespmem:s2], [sflag:$0x9], $0x1400, $0x38;
	[tilespmem:$0x19200] =	vst v63  }
0x7a: {  	_ =	swait.ge [sflag:s8], $0x1400  }
0x7b: {  	[sflag:s8] =	ssyncset.done $0x0  }
0x7c: {  	[sflag:s8] =	ssyncadd.s32 $0xFFFFEC00  }
0x7d: {  	[bflag:$0x0] =	sbarrier.arrive $0xFFFF  }
0x7e: {  	s28 =	simm.s32 $0x0;
	s30 =	rddreg [dreg:$0x3]  }
0x7f: {  	[tilespmem:s28], [sflag:$0x1] =	stream.linear.gather [hbm4b:s30+s28], $0x28, $0x38;
	[tilespmem:$0x19200] =	vst v63  }
0x80: {  	s31 =	rddreg [dreg:$0x4]  }
0x81: {  	[tilespmem:s9], [sflag:$0x2] =	stream.linear.gather [hbm4b:s31+s28], $0x28, $0x38;
	[tilespmem:$0x19200] =	vst v63  }
0x82: {  	_ =	swait.ge [sflag:s10], $0x28  }
0x83: {  	[sflag:s10] =	ssyncset.done $0x0  }
0x84: {  	[sflag:s10] =	ssyncadd.s32 $0xFFFFFFD8  }
0x85: {  	_ =	swait.ge [sflag:s11], $0x28  }
0x86: {  	[sflag:s11] =	ssyncset.done $0x0  }
0x87: {  	[sflag:s11] =	ssyncadd.s32 $0xFFFFFFD8  }
0x88: {  	[tilespmem:s2], [sflag:$0x5] =	stream.indirect.gather [hbm4b:s4+s14], $0x80, s9, s14, $0xb8;
	[tilespmem:$0x19200] =	vst v63  }
0x89: {  	s29 =	simm.s32 $0x1600  }
0x8a: {  	[tilespmem:s29], [sflag:$0x6] =	stream.indirect.gather [hbm4b:s5+s14], $0x80, s28, s14, $0xb8;
	[tilespmem:$0x19200] =	vst v63  }
0x8b: {  	s30 =	rddreg [dreg:$0x5]  }
0x8c: {  	[tilespmem:s16], [sflag:$0x3] =	stream.linear.gather [hbm4b:s30+s28], $0x28, $0x38;
	[tilespmem:$0x19200] =	vst v63  }
0x8d: {  	s31 =	rddreg [dreg:$0x6]  }
0x8e: {  	[tilespmem:s17], [sflag:$0x4] =	stream.linear.gather [hbm4b:s31+s28], $0x28, $0x38;
	[tilespmem:$0x19200] =	vst v63  }
.LBB2_4:
0x8f: {  	_ =	swait.ge [sflag:s18], $0x28  }
0x90: {  	[sflag:s18] =	ssyncset.done $0x0  }
0x91: {  	[sflag:s18] =	ssyncadd.s32 $0xFFFFFFD8  }
0x92: {  	_ =	swait.ge [sflag:s19], $0x28  }
0x93: {  	[sflag:s19] =	ssyncset.done $0x0  }
0x94: {  	[sflag:s19] =	ssyncadd.s32 $0xFFFFFFD8  }
0x95: {  	[tilespmem:s20], [sflag:$0x7] =	stream.indirect.gather [hbm4b:s4+s14], $0x80, s17, s14, $0xb8;
	[tilespmem:$0x19200] =	vst v63  }
0x96: {  	_ = 	snop  }
0x97: {  	[tilespmem:s21], [sflag:$0x8] =	stream.indirect.gather [hbm4b:s5+s14], $0x80, s16, s14, $0xb8;
	[tilespmem:$0x19200] =	vst v63  }
0x98: {  	_ =	swait.ge [sflag:s22], $0x1400  }
0x99: {  	[sflag:s22] =	ssyncset.done $0x0  }
0x9a: {  	[sflag:s22] =	ssyncadd.s32 $0xFFFFEC00  }
0x9b: {  	_ =	swait.ge [sflag:s23], $0x1400  }
0x9c: {  	[sflag:s23] =	ssyncset.done $0x0  }
0x9d: {  	s29 =	simm.s32 $0x0;
	[sflag:s23] =	ssyncadd.s32 $0xFFFFEC00  }
0x9e: {  	v1 =	vld [tilespmem:s29+$0x270]  }
0x9f: {  	v2 =	vld [tilespmem:s29+$0x1670]  }
0xa0: {  	v3 =	vld [tilespmem:s29+$0x200]  }
0xa1: {  	v4 =	vld [tilespmem:s29+$0x1600]  }
0xa2: {  	v5 =	vld [tilespmem:s29+$0x210]  }
0xa3: {  	v6 =	vld [tilespmem:s29+$0x1610]  }
0xa4: {  	v7 =	vld [tilespmem:s29+$0x220]  }
0xa5: {  	v8 =	vld [tilespmem:s29+$0x230];
	v1 =	vadd.f32 v2, v1  }
0xa6: {  	v2 =	vld [tilespmem:s29+$0x1620];
	v3 =	vadd.f32 v4, v3  }
0xa7: {  	v4 =	vld [tilespmem:s29+$0x1630];
	v1 =	vmax.f32 v1, $0.0e+00  }
0xa8: {  	v9 =	vld [tilespmem:s29+$0x240];
	[tilespmem:s29+$0x270] =	vst v1;
	v1 =	vmax.f32 v3, $0.0e+00;
	v3 =	vadd.f32 v6, v5  }
0xa9: {  	v5 =	vld [tilespmem:s29+$0x1640]  }
0xaa: {  	[tilespmem:s29+$0x200] =	vst v1;
	v1 =	vld [tilespmem:s29+$0x250];
	v3 =	vmax.f32 v3, $0.0e+00  }
0xab: {  	v2 =	vadd.f32 v2, v7;
	[tilespmem:s29+$0x210] =	vst v3;
	v3 =	vld [tilespmem:s29+$0x1650]  }
0xac: {  	v8 =	vadd.f32 v4, v8;
	v4 =	vld [tilespmem:s29+$0x1660]  }
0xad: {  	s30 =	simm.s32 $0x80;
	v6 =	vmax.f32 v2, $0.0e+00;
	v2 =	vld [tilespmem:s29+$0x260]  }
0xae: {  	s31 =	simm.s32 $0x400;
	v7 =	vld [tilespmem:s30+$0x270];
	[tilespmem:s29+$0x220] =	vst v6;
	v6 =	vmax.f32 v8, $0.0e+00;
	v5 =	vadd.f32 v5, v9  }
.LBB2_5:
0xaf: {  	p0 =	sne.s32 s31, $0x4E00;
	v8 =	vld [tilespmem:s30+$0x1670];
	[tilespmem:s29+$0x230] =	vst v6  }
0xb0: {  	v6 =	vld [tilespmem:s30+$0x200];
	v5 =	vmax.f32 v5, $0.0e+00;
	v1 =	vadd.f32 v3, v1  }
0xb1: {  	v3 =	vld [tilespmem:s30+$0x1600];
	[tilespmem:s29+$0x240] =	vst v5  }
0xb2: {  	v5 =	vld [tilespmem:s30+$0x210];
	v1 =	vmax.f32 v1, $0.0e+00;
	v2 =	vadd.f32 v4, v2  }
0xb3: {  	v4 =	vld [tilespmem:s30+$0x1610];
	[tilespmem:s29+$0x250] =	vst v1  }
0xb4: {  	v1 =	vld [tilespmem:s30+$0x220];
	v7 =	vadd.f32 v8, v7;
	v2 =	vmax.f32 v2, $0.0e+00  }
0xb5: {  	v8 =	vld [tilespmem:s30+$0x1620];
	[tilespmem:s29+$0x260] =	vst v2;
	s29 =	smov.u32 s30  }
0xb6: {  	v2 =	vadd.f32 v3, v6;
	v6 =	vld [tilespmem:s29+$0x230];
	v3 =	vmax.f32 v7, $0.0e+00  }
0xb7: {  	v7 =	vld [tilespmem:s29+$0x1630];
	[tilespmem:s29+$0x270] =	vst v3  }
0xb8: {  	v2 =	vmax.f32 v2, $0.0e+00;
	v3 =	vadd.f32 v4, v5;
	v5 =	vld [tilespmem:s29+$0x240]  }
0xb9: {  	[tilespmem:s29+$0x200] =	vst v2;
	v9 =	vld [tilespmem:s29+$0x1640]  }
.Ltmp3:
0xba: {  	v2 =	vmax.f32 v3, $0.0e+00;
	v4 =	vadd.f32 v8, v1;
	v1 =	vld [tilespmem:s29+$0x250];
	(pc) =	sbr.rel @p0 .LBB2_5-.Ltmp3, $4  }
0xbb: {  	[tilespmem:s29+$0x210] =	vst v2;
	v3 =	vld [tilespmem:s29+$0x1650]  }
0xbc: {  	v4 =	vmax.f32 v4, $0.0e+00;
	v6 =	vadd.f32 v7, v6;
	v2 =	vld [tilespmem:s29+$0x260]  }
0xbd: {  	s30 =	sshra.s32 s31, $0x2;
	[tilespmem:s29+$0x220] =	vst v4;
	v4 =	vld [tilespmem:s29+$0x1660]  }
0xbe: {  	s31 =	sadd.s32 $0x200, s31;
	v7 =	vld [tilespmem:s30+$0x270];
	v6 =	vmax.f32 v6, $0.0e+00;
	v5 =	vadd.f32 v9, v5  }
0xbf: {  	v8 =	vld [tilespmem:s30+$0x1670]  }
0xc0: {  	v9 =	vld [tilespmem:s30+$0x200]  }
0xc1: {  	v10 =	vld [tilespmem:s30+$0x1600]  }
0xc2: {  	v11 =	vld [tilespmem:s30+$0x210]  }
0xc3: {  	v12 =	vld [tilespmem:s30+$0x1610]  }
0xc4: {  	v13 =	vld [tilespmem:s30+$0x220]  }
0xc5: {  	v14 =	vld [tilespmem:s30+$0x230]  }
0xc6: {  	v58 =	vld [tilespmem:s30+$0x1630]  }
0xc7: {  	v59 =	vld [tilespmem:s30+$0x240];
	v7 =	vadd.f32 v8, v7  }
0xc8: {  	v60 =	vld [tilespmem:s30+$0x250];
	v9 =	vadd.f32 v10, v9  }
0xc9: {  	v61 =	vld [tilespmem:s30+$0x1650];
	v7 =	vmax.f32 v7, $0.0e+00  }
0xca: {  	v8 =	vld [tilespmem:s30+$0x1620];
	[tilespmem:s30+$0x270] =	vst v7;
	v7 =	vmax.f32 v9, $0.0e+00  }
0xcb: {  	v1 =	vadd.f32 v3, v1;
	[tilespmem:s30+$0x200] =	vst v7;
	v7 =	vld [tilespmem:s30+$0x1640]  }
0xcc: {  	v62 =	vld [tilespmem:s30+$0x260];
	[tilespmem:s29+$0x230] =	vst v6;
	v2 =	vadd.f32 v4, v2;
	v4 =	vmax.f32 v5, $0.0e+00  }
0xcd: {  	v3 =	vld [tilespmem:s30+$0x1660];
	v1 =	vmax.f32 v1, $0.0e+00;
	[tilespmem:s29+$0x240] =	vst v4;
	v11 =	vadd.f32 v12, v11  }
0xce: {  	[tilespmem:s29+$0x250] =	vst v1;
	v4 =	vadd.f32 v58, v14;
	v1 =	vmax.f32 v2, $0.0e+00  }
0xcf: {  	[tilespmem:s29+$0x260] =	vst v1;
	v11 =	vmax.f32 v11, $0.0e+00;
	v8 =	vadd.f32 v8, v13  }
0xd0: {  	v1 =	vmax.f32 v4, $0.0e+00;
	[tilespmem:s30+$0x210] =	vst v11;
	v2 =	vadd.f32 v7, v59  }
0xd1: {  	v4 =	vadd.f32 v61, v60;
	[tilespmem:s30+$0x230] =	vst v1;
	v8 =	vmax.f32 v8, $0.0e+00  }
0xd2: {  	[tilespmem:s30+$0x220] =	vst v8;
	v1 =	vmax.f32 v2, $0.0e+00;
	v2 =	vadd.f32 v3, v62  }
0xd3: {  	[tilespmem:s30+$0x240] =	vst v1;
	v1 =	vmax.f32 v4, $0.0e+00  }
0xd4: {  	p0 =	seq.s32 s28, $0x7C;
	[tilespmem:s30+$0x250] =	vst v1;
	v1 =	vmax.f32 v2, $0.0e+00  }
0xd5: {  	s29 =	smul.u32 @!p0 $0x50, s28;
	[tilespmem:s30+$0x260] =	vst v1  }
0xd6: {  	[spmem:s1] =	stream.indirect.scatter.add.f32 [tilespmem:s2], [sflag:$0x9], $0x80, s9, s14, $0xb8;
	[tilespmem:$0x19200] =	vst v63  }
0xd7: {  	s29 =	sadd.s32 @!p0 s29, s12;
	_ =	swait.ge [sflag:s8], $0x1400  }
0xd8: {  	s29 =	sshrl.u32 @!p0 s29, $0x3;
	[sflag:s8] =	ssyncset.done $0x0  }
0xd9: {  	s31 =	simm.s32 @!p0 $0x0;
	s30 =	sadd.s32 @!p0 s6, s29;
	[sflag:s8] =	ssyncadd.s32 $0xFFFFEC00  }
0xda: {  	[tilespmem:s31], [sflag:$0x1] =	stream.linear.gather @!p0 [hbm4b:s30+s31], $0x28, $0x38;
	[tilespmem:$0x19200] =	vst v63  }
0xdb: {  	s29 =	sadd.s32 @!p0 s7, s29;
	s30 =	simm.s32 @!p0 $0x80  }
0xdc: {  	[tilespmem:s30], [sflag:$0x2] =	stream.linear.gather @!p0 [hbm4b:s29+s31], $0x28, $0x38;
	[tilespmem:$0x19200] =	vst v63  }
0xdd: {  	s29 =	simm.s32 @!p0 $0x1  }
0xde: {  	_ =	swait.ge @!p0 [sflag:s29], $0x28  }
0xdf: {  	[sflag:s29] =	ssyncset.done @!p0 $0x0  }
0xe0: {  	[sflag:s29] =	ssyncadd.s32 @!p0 $0xFFFFFFD8;
	s29 =	simm.s32 @!p0 $0x2  }
0xe1: {  	_ =	swait.ge @!p0 [sflag:s29], $0x28  }
0xe2: {  	[sflag:s29] =	ssyncset.done @!p0 $0x0  }
0xe3: {  	s0 =	simm.s32 @!p0 $0x200;
	[sflag:s29] =	ssyncadd.s32 @!p0 $0xFFFFFFD8;
	s29 =	simm.s32 @!p0 $0x28  }
0xe4: {  	[tilespmem:s0], [sflag:$0x5] =	stream.indirect.gather @!p0 [hbm4b:s4+s29], $0x80, s30, s29, $0xb8;
	[tilespmem:$0x19200] =	vst v63  }
0xe5: {  	s0 =	simm.s32 @!p0 $0x1600  }
0xe6: {  	[tilespmem:s0], [sflag:$0x6] =	stream.indirect.gather @!p0 [hbm4b:s5+s29], $0x80, s31, s29, $0xb8;
	[tilespmem:$0x19200] =	vst v63  }
0xe7: {  	_ =	swait.ge [sflag:s24], $0x1400  }
0xe8: {  	[sflag:s24] =	ssyncset.done $0x0  }
0xe9: {  	[sflag:s24] =	ssyncadd.s32 $0xFFFFEC00  }
0xea: {  	_ =	swait.ge [sflag:s25], $0x1400  }
0xeb: {  	[sflag:s25] =	ssyncset.done $0x0  }
0xec: {  	s29 =	simm.s32 $0x0;
	[sflag:s25] =	ssyncadd.s32 $0xFFFFEC00  }
0xed: {  	v1 =	vld [tilespmem:s29+$0x2A70]  }
0xee: {  	v2 =	vld [tilespmem:s29+$0x3E70]  }
0xef: {  	v3 =	vld [tilespmem:s29+$0x2A00]  }
0xf0: {  	v4 =	vld [tilespmem:s29+$0x3E00]  }
0xf1: {  	v5 =	vld [tilespmem:s29+$0x2A10]  }
0xf2: {  	v6 =	vld [tilespmem:s29+$0x3E10]  }
0xf3: {  	v7 =	vld [tilespmem:s29+$0x2A20]  }
0xf4: {  	v8 =	vld [tilespmem:s29+$0x2A30];
	v1 =	vadd.f32 v2, v1  }
0xf5: {  	v2 =	vld [tilespmem:s29+$0x3E20];
	v3 =	vadd.f32 v4, v3  }
0xf6: {  	v4 =	vld [tilespmem:s29+$0x3E30];
	v1 =	vmax.f32 v1, $0.0e+00  }
0xf7: {  	v63 =	vld [tilespmem:s29+$0x2A40];
	[tilespmem:s29+$0x2A70] =	vst v1;
	v1 =	vmax.f32 v3, $0.0e+00;
	v3 =	vadd.f32 v6, v5  }
0xf8: {  	v5 =	vld [tilespmem:s29+$0x3E40]  }
0xf9: {  	[tilespmem:s29+$0x2A00] =	vst v1;
	v1 =	vld [tilespmem:s29+$0x2A50];
	v3 =	vmax.f32 v3, $0.0e+00  }
0xfa: {  	v2 =	vadd.f32 v2, v7;
	[tilespmem:s29+$0x2A10] =	vst v3;
	v3 =	vld [tilespmem:s29+$0x3E50]  }
0xfb: {  	v8 =	vadd.f32 v4, v8;
	v4 =	vld [tilespmem:s29+$0x3E60]  }
0xfc: {  	s30 =	simm.s32 $0x80;
	v6 =	vmax.f32 v2, $0.0e+00;
	v2 =	vld [tilespmem:s29+$0x2A60]  }
0xfd: {  	s31 =	simm.s32 $0x400;
	v7 =	vld [tilespmem:s30+$0x2A70];
	[tilespmem:s29+$0x2A20] =	vst v6;
	v6 =	vmax.f32 v8, $0.0e+00;
	v5 =	vadd.f32 v5, v63  }
.LBB2_7:
0xfe: {  	p1 =	sne.s32 s31, $0x4E00;
	v8 =	vld [tilespmem:s30+$0x3E70];
	[tilespmem:s29+$0x2A30] =	vst v6  }
0xff: {  	v6 =	vld [tilespmem:s30+$0x2A00];
	v5 =	vmax.f32 v5, $0.0e+00;
	v1 =	vadd.f32 v3, v1  }
0x100: {  	v3 =	vld [tilespmem:s30+$0x3E00];
	[tilespmem:s29+$0x2A40] =	vst v5  }
0x101: {  	v5 =	vld [tilespmem:s30+$0x2A10];
	v1 =	vmax.f32 v1, $0.0e+00;
	v2 =	vadd.f32 v4, v2  }
0x102: {  	v4 =	vld [tilespmem:s30+$0x3E10];
	[tilespmem:s29+$0x2A50] =	vst v1  }
0x103: {  	v1 =	vld [tilespmem:s30+$0x2A20];
	v7 =	vadd.f32 v8, v7;
	v2 =	vmax.f32 v2, $0.0e+00  }
0x104: {  	v8 =	vld [tilespmem:s30+$0x3E20];
	[tilespmem:s29+$0x2A60] =	vst v2;
	s29 =	smov.u32 s30  }
0x105: {  	v2 =	vadd.f32 v3, v6;
	v6 =	vld [tilespmem:s29+$0x2A30];
	v3 =	vmax.f32 v7, $0.0e+00  }
0x106: {  	v7 =	vld [tilespmem:s29+$0x3E30];
	[tilespmem:s29+$0x2A70] =	vst v3  }
0x107: {  	v2 =	vmax.f32 v2, $0.0e+00;
	v3 =	vadd.f32 v4, v5;
	v5 =	vld [tilespmem:s29+$0x2A40]  }
0x108: {  	[tilespmem:s29+$0x2A00] =	vst v2;
	v9 =	vld [tilespmem:s29+$0x3E40]  }
.Ltmp4:
0x109: {  	v2 =	vmax.f32 v3, $0.0e+00;
	v4 =	vadd.f32 v8, v1;
	v1 =	vld [tilespmem:s29+$0x2A50];
	(pc) =	sbr.rel @p1 .LBB2_7-.Ltmp4, $4  }
0x10a: {  	[tilespmem:s29+$0x2A10] =	vst v2;
	v3 =	vld [tilespmem:s29+$0x3E50]  }
0x10b: {  	v4 =	vmax.f32 v4, $0.0e+00;
	v6 =	vadd.f32 v7, v6;
	v2 =	vld [tilespmem:s29+$0x2A60]  }
0x10c: {  	s30 =	sshra.s32 s31, $0x2;
	[tilespmem:s29+$0x2A20] =	vst v4;
	v4 =	vld [tilespmem:s29+$0x3E60]  }
0x10d: {  	s31 =	sadd.s32 $0x200, s31;
	v7 =	vld [tilespmem:s30+$0x2A70];
	v6 =	vmax.f32 v6, $0.0e+00;
	v5 =	vadd.f32 v9, v5  }
0x10e: {  	v8 =	vld [tilespmem:s30+$0x3E70]  }
0x10f: {  	v9 =	vld [tilespmem:s30+$0x2A00]  }
0x110: {  	v10 =	vld [tilespmem:s30+$0x3E00]  }
0x111: {  	v11 =	vld [tilespmem:s30+$0x2A10]  }
0x112: {  	v12 =	vld [tilespmem:s30+$0x3E10]  }
0x113: {  	v13 =	vld [tilespmem:s30+$0x2A20]  }
0x114: {  	v53 =	vld [tilespmem:s30+$0x3E20]  }
0x115: {  	v14 =	vld [tilespmem:s30+$0x2A30]  }
0x116: {  	v54 =	vld [tilespmem:s30+$0x3E30]  }
0x117: {  	v56 =	vld [tilespmem:s30+$0x2A40]  }
0x118: {  	v57 =	vld [tilespmem:s30+$0x3E40];
	v1 =	vadd.f32 v3, v1  }
0x119: {  	v58 =	vld [tilespmem:s30+$0x2A50];
	[tilespmem:s29+$0x2A30] =	vst v6;
	v61 =	vmax.f32 v5, $0.0e+00;
	v2 =	vadd.f32 v4, v2  }
0x11a: {  	v59 =	vld [tilespmem:s30+$0x3E50];
	[tilespmem:s29+$0x2A40] =	vst v61;
	v1 =	vmax.f32 v1, $0.0e+00;
	v7 =	vadd.f32 v8, v7  }
0x11b: {  	v60 =	vld [tilespmem:s30+$0x2A60];
	[tilespmem:s29+$0x2A50] =	vst v1;
	v9 =	vadd.f32 v10, v9;
	v1 =	vmax.f32 v2, $0.0e+00  }
0x11c: {  	v3 =	vld [tilespmem:s30+$0x3E60];
	v11 =	vadd.f32 v12, v11;
	[tilespmem:s29+$0x2A60] =	vst v1;
	v7 =	vmax.f32 v7, $0.0e+00  }
0x11d: {  	v8 =	vadd.f32 v53, v13;
	v55 =	vmax.f32 v9, $0.0e+00;
	[tilespmem:s30+$0x2A70] =	vst v7  }
0x11e: {  	v62 =	vadd.f32 v54, v14;
	v11 =	vmax.f32 v11, $0.0e+00;
	[tilespmem:s30+$0x2A00] =	vst v55  }
0x11f: {  	v2 =	vadd.f32 v57, v56;
	v8 =	vmax.f32 v8, $0.0e+00;
	[tilespmem:s30+$0x2A10] =	vst v11  }
0x120: {  	v63 =	vadd.f32 v59, v58;
	v1 =	vmax.f32 v62, $0.0e+00;
	[tilespmem:s30+$0x2A20] =	vst v8  }
0x121: {  	[tilespmem:s30+$0x2A30] =	vst v1;
	v1 =	vmax.f32 v2, $0.0e+00;
	v2 =	vadd.f32 v3, v60  }
0x122: {  	[tilespmem:s30+$0x2A40] =	vst v1;
	v1 =	vmax.f32 v63, $0.0e+00  }
0x123: {  	[tilespmem:s30+$0x2A50] =	vst v1;
	v1 =	vmax.f32 v2, $0.0e+00  }
.Ltmp5:
0x124: {  	[tilespmem:s30+$0x2A60] =	vst v1;
	(pc) =	sbr.rel @p0 .LBB2_10-.Ltmp5, $4  }
0x125: {  	[spmem:s1] =	stream.indirect.scatter.add.f32 [tilespmem:s20], [sflag:$0x9], $0x80, s17, s14, $0xb8;
	[tilespmem:$0x19200] =	vst v63  }
0x126: {  	_ =	swait.ge [sflag:s8], $0x1400  }
0x127: {  	[sflag:s8] =	ssyncset.done $0x0  }
0x128: {  	[sflag:s8] =	ssyncadd.s32 $0xFFFFEC00  }
0x129: {  	s0 =	smul.u32 $0x50, s28;
	_ =	sdelay $0x1  }
0x12a: {  	s0 =	sadd.s32 s0, s13  }
.Ltmp6:
0x12b: {  	s0 =	sshrl.u32 s0, $0x3;
	(pc) =	sbr.rel .LBB2_4-.Ltmp6, $4  }
0x12c: {  	s29 =	sadd.s32 s6, s0  }
0x12d: {  	[tilespmem:s16], [sflag:$0x3] =	stream.linear.gather [hbm4b:s29+s3], $0x28, $0x38;
	[tilespmem:$0x19200] =	vst v63  }
0x12e: {  	s28 =	sadd.s32 $0x1, s28;
	s0 =	sadd.s32 s7, s0  }
0x12f: {  	[tilespmem:s17], [sflag:$0x4] =	stream.linear.gather [hbm4b:s0+s3], $0x28, $0x38;
	[tilespmem:$0x19200] =	vst v63  }
.LBB2_11:
0x130: {  	_ =	sfence.sel $0x180000  }
0x131: {  	[bflag:$0x0] =	sbarrier.arrive $0xFFFF  }
0x132: {  	_ =	strace $0x90000047  }
0x133: {  	s0 =	stileid.u32;
	[bflag:$0x2] =	sbarrier.arrive $0xFFFF  }
0x134: {  	p0 =	sne.s32 s0, $0x0;
	s0 =	rddreg [dreg:$0x2]  }
0x135: {  	s0 =	sadd.s32 @!p0 $0x100000, s0  }
0x136: {  	[sflag:s0] =	ssyncadd.tile.s32 @!p0 $0x1;
	_ =	shalt  }
.Lfunc_end2:
_tile_overlayer_lowered:
.L_overlay_start_2:
0x137: {  	(tag) =	ssettag $0x2  }
0x138: {  	s0 =	rddreg [dreg:$0x0];
	s2 =	stileid.u32  }
0x139: {  	s1 =	rddreg [dreg:$0x1];
	p0 =	sne.s32 s2, $0x0  }
0x13a: {  	s3 =	rddreg [dreg:$0x2];
	[bflag:$0x3] =	sbarrier.arrive $0xFFFF;
	s2 =	simm.s32 @!p0 $0x1C09  }
0x13b: {  	[timem:s3], [sflag:s2] =	dma.local @!p0 [hbm:s0], s1  }
0x13c: {  	s0 =	simm.s32 @!p0 $0x9  }
0x13d: {  	_ =	swait.ge @!p0 [sflag:s0], s1  }
0x13e: {  	s1 =	ssub.s32 @!p0 $0x0, s1;
	[sflag:s0] =	ssyncset.done @!p0 $0x0  }
0x13f: {  	[sflag:s0] =	ssyncadd.s32 @!p0 s1  }
0x140: {  	[bflag:$0x3] =	sbarrier.arrive $0xFFFF  }
0x141: {  	_ =	shalt  }

// kernel: kernel.16.cloned.1.call-start
scs
__scs_entry_jumppad:
0x0: {  	(pc) =	sbr.rel $0x88, $3  }
0x1: {  	(tag) =	ssettag $0x0;
	lr =	simm.s32 $0x1  }
0x2: {  	[smem:$0x3F8D] =	sst lr;
	_ =	strace $0xD0000000  }
0x3: {  	_ = 	snop  }
0x4: {  	_ = 	snop  }
0x5: {  	_ = 	snop  }
0x6: {  	_ = 	snop  }
0x7: {  	_ = 	snop  }
__scs_overlays_trampoline_lowered:
0x8: {  	[smem:$0x3F9C] =	sst s0  }
0x9: {  	[smem:$0x3F9D] =	sst s1  }
0xa: {  	[smem:$0x3F9E] =	sst s2  }
0xb: {  	[smem:$0x3F9F] =	sst s3  }
0xc: {  	[smem:$0x3FA0] =	sst s4  }
0xd: {  	[smem:$0x3FA1] =	sst s5  }
0xe: {  	[smem:$0x3FA2] =	sst s6  }
0xf: {  	[smem:$0x3FA3] =	sst s7  }
0x10: {  	[smem:$0x3FA4] =	sst s8  }
0x11: {  	[smem:$0x3FA5] =	sst s9;
	s0 =	simm.s32 @!p0 $0x0  }
0x12: {  	s1 =	sld [smem:$0x3F8B];
	s0 =	simm.s32 @p0 $0x1  }
0x13: {  	[smem:$0x3FA6] =	sst s0;
	s0 =	simm.s32 @!p1 $0x0  }
0x14: {  	s2 =	sld [smem:$0x3F8A];
	s0 =	simm.s32 @p1 $0x1  }
0x15: {  	[smem:$0x3FA7] =	sst s0;
	s0 =	simm.s32 @!p2 $0x0  }
0x16: {  	s3 =	sld [smem:$0x3FDB];
	s0 =	simm.s32 @p2 $0x1  }
0x17: {  	s4 =	simm.s32 $0x1BF5;
	[smem:$0x3FA9] =	sst s0  }
0x18: {  	s0 =	sld [smem:$0x3F8C];
	_ =	swait.ge [sflag:s4], $0x0  }
0x19: {  	s7 =	sld [smem:$0x3F8D]  }
0x1a: {  	s8 =	sadd.s32 $0xFFFFE003, lr  }
0x1b: {  	s9 =	sadd.s32 $0xFFFFFEF7, lr;
	s5 =	simm.s32 $0xFFFFFFFF;
	p2 =	slt.u32 s8, $0xFFFFF086  }
0x1c: {  	p1 =	slt.u32 s9, $0xF7A;
	s5 =	simm.s32 @!p2 $0x0  }
0x1d: {  	s5 =	simm.s32 @p1 $0x1;
	p0 =	seq.s32 s7, s2  }
0x1e: {  	s7 =	smul.u32 @!p0 $0xF7A, s2;
	p2 =	seq.s32 @!p0 s5, $0x0  }
0x1f: {  	s9 =	smul.u32 $0xF7A, s1;
	s8 =	simm.s32 @!p0 $0x1BF5;
	p2 =	por !p2, p0  }
0x20: {  	[sflag:s8] =	ssyncset.s32 @!p0 $0xFFFFF086;
	s6 =	sadd.s32 @!p0 s3, s7;
	s7 =	simm.s32 @!p0 $0x108  }
0x21: {  	s3 =	sadd.s32 s3, s9;
	s6 =	sadd.s32 @!p0 $0x88, s6;
	s7 =	simm.s32 @p2 $0x1082  }
0x22: {  	[simem:s7], [sflag:s8] =	dma.local @!p0 [hbm:s6], $0xF7A  }
0x23: {  	s9 =	sor.u32 $0xD0000000, s2;
	s6 =	simm.s32 $0x108;
	_ =	swait.ge @!p0 [sflag:s8], $0x0  }
0x24: {  	s3 =	sadd.s32 $0x88, s3;
	s6 =	simm.s32 @!p1 $0x1082;
	[sflag:s4] =	ssyncset.s32 $0xFFFFF086  }
0x25: {  	[simem:s6], [sflag:s4] =	dma.local [hbm:s3], $0xF7A  }
0x26: {  	[smem:$0x3F8D] =	sst s1;
	(tag) =	ssettag s2;
	_ =	strace s9  }
0x27: {  	s1 =	sld [smem:$0x3F9D]  }
0x28: {  	s2 =	sld [smem:$0x3F9E]  }
0x29: {  	s4 =	sld [smem:$0x3FA0]  }
0x2a: {  	p0 =	seq.s32 s5, $0x0;
	s5 =	sld [smem:$0x3FA1]  }
0x2b: {  	s6 =	sld [smem:$0x3FA2]  }
0x2c: {  	s7 =	sld [smem:$0x3FA3]  }
0x2d: {  	s3 =	simm.s32 $0x108;
	s8 =	sld [smem:$0x3FA4]  }
0x2e: {  	s3 =	simm.s32 @!p0 $0x1082;
	s9 =	sld [smem:$0x3FA5]  }
0x2f: {  	lr =	sadd.s32 s0, s3;
	s0 =	sld [smem:$0x3F9C]  }
0x30: {  	s3 =	sld [smem:$0x3F9F]  }
0x31: {  	[smem:$0x3FA8] =	sst s10  }
0x32: {  	s10 =	sld [smem:$0x3FA6];
	_ =	sdelay $0x3  }
0x33: {  	p0 =	seq.s32 s10, $0x1;
	s10 =	sld [smem:$0x3FA8];
	_ =	sdelay $0x3  }
0x34: {  	[smem:$0x3FA8] =	sst s10  }
0x35: {  	s10 =	sld [smem:$0x3FA7];
	_ =	sdelay $0x3  }
0x36: {  	p1 =	seq.s32 s10, $0x1;
	s10 =	sld [smem:$0x3FA8];
	_ =	sdelay $0x3  }
0x37: {  	[smem:$0x3FA8] =	sst s10  }
0x38: {  	s10 =	sld [smem:$0x3FA9]  }
0x39: {  	_ = 	snop;
	(pc) =	sbr.ind lr, $3  }
0x3a: {  	_ = 	snop  }
0x3b: {  	_ = 	snop  }
0x3c: {  	p2 =	seq.s32 s10, $0x1;
	s10 =	sld [smem:$0x3FA8]  }
0x3d: {  	_ =	shalt  }
0x3e: {  	_ =	shalt  }
0x3f: {  	_ =	shalt  }
0x40: {  	_ =	shalt  }
0x41: {  	_ =	shalt  }
0x42: {  	_ =	shalt  }
0x43: {  	_ =	shalt  }
0x44: {  	_ =	shalt  }
0x45: {  	_ =	shalt  }
0x46: {  	_ =	shalt  }
0x47: {  	_ =	shalt  }
0x48: {  	_ =	shalt  }
0x49: {  	_ =	shalt  }
0x4a: {  	_ =	shalt  }
0x4b: {  	_ =	shalt  }
0x4c: {  	_ =	shalt  }
0x4d: {  	_ =	shalt  }
0x4e: {  	_ =	shalt  }
0x4f: {  	_ =	shalt  }
0x50: {  	_ =	shalt  }
0x51: {  	_ =	shalt  }
0x52: {  	_ =	shalt  }
0x53: {  	_ =	shalt  }
0x54: {  	_ =	shalt  }
0x55: {  	_ =	shalt  }
0x56: {  	_ =	shalt  }
0x57: {  	_ =	shalt  }
0x58: {  	_ =	shalt  }
0x59: {  	_ =	shalt  }
0x5a: {  	_ =	shalt  }
0x5b: {  	_ =	shalt  }
0x5c: {  	_ =	shalt  }
0x5d: {  	_ =	shalt  }
0x5e: {  	_ =	shalt  }
0x5f: {  	_ =	shalt  }
0x60: {  	_ =	shalt  }
0x61: {  	_ =	shalt  }
0x62: {  	_ =	shalt  }
0x63: {  	_ =	shalt  }
0x64: {  	_ =	shalt  }
0x65: {  	_ =	shalt  }
0x66: {  	_ =	shalt  }
0x67: {  	_ =	shalt  }
0x68: {  	_ =	shalt  }
0x69: {  	_ =	shalt  }
0x6a: {  	_ =	shalt  }
0x6b: {  	_ =	shalt  }
0x6c: {  	_ =	shalt  }
0x6d: {  	_ =	shalt  }
0x6e: {  	_ =	shalt  }
0x6f: {  	_ =	shalt  }
0x70: {  	_ =	shalt  }
0x71: {  	_ =	shalt  }
0x72: {  	_ =	shalt  }
0x73: {  	_ =	shalt  }
0x74: {  	_ =	shalt  }
0x75: {  	_ =	shalt  }
0x76: {  	_ =	shalt  }
0x77: {  	_ =	shalt  }
0x78: {  	_ =	shalt  }
0x79: {  	_ =	shalt  }
0x7a: {  	_ =	shalt  }
0x7b: {  	_ =	shalt  }
0x7c: {  	_ =	shalt  }
0x7d: {  	_ =	shalt  }
0x7e: {  	_ =	shalt  }
0x7f: {  	_ =	shalt  }
0x80: {  	_ =	shalt  }
0x81: {  	_ =	shalt  }
0x82: {  	_ =	shalt  }
0x83: {  	_ =	shalt  }
0x84: {  	_ =	shalt  }
0x85: {  	_ =	shalt  }
0x86: {  	_ =	shalt  }
0x87: {  	_ =	shalt  }
.Lfunc_end0:
.L_simem_size_0:
called_computation.2_lowered:
.L_overlay_start_0:
0x88: {  	s2 =	sld [smem:$0x3FD9]  }
0x89: {  	s3 =	sld [smem:$0x3FFE];
	_ =	sdelay $0x1  }
0x8a: {  	s1 =	srdreg.scid  }
0x8b: {  	s0 =	sand.u32 $0x1, s1  }
0x8c: {  	s16 =	sshll.u32 s0, $0xA;
	s2 =	sadd.s32 s3, s2  }
0x8d: {  	s2 =	sadd.s32 s2, s16  }
0x8e: {  	[smem:$0x3FB4] =	sst s2  }
0x8f: {  	_ = 	snop  }
0x90: {  	(tm) =	ssettm $0x1  }
0x91: {  	s17 =	sld [smem:$0x3FFB];
	_ =	sdelay $0x3  }
0x92: {  	_ =	strace s17  }
0x93: {  	s2 =	sld [smem:$0x3FFC];
	_ =	sdelay $0x3  }
0x94: {  	_ =	strace s2  }
0x95: {  	s2 =	sld [smem:$0x3FFD];
	_ =	sdelay $0x3  }
0x96: {  	_ =	strace s2  }
0x97: {  	_ =	strace $0x8FFFFFFF  }
0x98: {  	s18 =	sld [smem:$0x3FDB];
	_ =	sdelay $0x1  }
0x99: {  	s19 =	simm.s32 $_scs_section_size  }
0x9a: {  	s4 =	simm.s32 $_size__tile_overlayer_lowered;
	s5 =	simm.s32 $_tile_overlayer_lowered  }
0x9b: {  	s22 =	simm.s32 $0x1BFF;
	s21 =	sshll.u32 s5, $0x1;
	s2 =	sadd.s32 s19, s18  }
0x9c: {  	s6 =	simm.s32 $0x0;
	s20 =	sshll.u32 s4, $0x1;
	s4 =	sadd.s32 s21, s2  }
0x9d: {  	[timem:s6], [sflag:s22] =	dma.local [hbm:s4], s20  }
0x9e: {  	_ =	swait.ge [sflag:s22], s20  }
0x9f: {  	s3 =	ssub.s32 $0x0, s20;
	[sflag:s22] =	ssyncset.done $0x0  }
0xa0: {  	[sflag:s22] =	ssyncadd.s32 s3;
	_ =	sdelay $0x1  }
0xa1: {  	s23 =	simm.s32 $0x1B8B  }
0xa2: {  	_ =	swait.ge [sflag:s23], $0x1  }
0xa3: {  	[sflag:s23] =	ssyncset.done $0x0  }
0xa4: {  	s25 =	simm.s32 $0x1B8E;
	s24 =	sld [smem:$0x3FFE];
	[sflag:s23] =	ssyncadd.s32 $0xFFFFFFFF  }
0xa5: {  	s26 =	simm.s32 $execute0_lowered;
	[smem:$0x3FD2] =	sst s25  }
0xa6: {  	s4 =	sshll.u32 s26, $0x1;
	_ =	strace $0x8000004C;
	[dreg:$0x1] =	wrdreg $0xFFFFFFFF  }
0xa7: {  	s28 =	simm.s32 $_size_execute0_lowered;
	s2 =	sadd.s32 s2, s4;
	[dreg:$0x0] =	wrdreg $0x0  }
0xa8: {  	s4 =	sshll.u32 s28, $0x1;
	[dreg:$0x2] =	wrdreg s2  }
0xa9: {  	[dreg:$0x3] =	wrdreg s4  }
0xaa: {  	[dreg:$0x4] =	wrdreg $0xC0  }
0xab: {  	_ =	task [dreg:s6], $0x5FFFF  }
0xac: {  	[dreg:$0x1] =	wrdreg $0xFFFFFFFF  }
0xad: {  	[dreg:$0x0] =	wrdreg $0x60  }
0xae: {  	[dreg:$0x2] =	wrdreg s24  }
0xaf: {  	[dreg:$0x3] =	wrdreg $0x52000  }
0xb0: {  	[dreg:$0x4] =	wrdreg $0x9  }
0xb1: {  	_ =	task.clear_ibuf [dreg:s6], $0x5FFFF;
	_ =	strace $0x9000004C  }
0xb2: {  	s29 =	simm.s32 $0x9;
	_ =	strace $0x8000004E  }
0xb3: {  	_ =	swait.ge [sflag:s29], $0x1  }
0xb4: {  	[sflag:s29] =	ssyncadd.s32 $0xFFFFFFFF  }
0xb5: {  	_ =	strace $0x9000004E  }
0xb6: {  	_ =	sfence  }
0xb7: {  	s30 =	sld [smem:$0x0];
	_ =	sdelay $0x2  }
0xb8: {  	s31 =	sshll.u32 s1, $0xD;
	s1 =	sshrl.u32 s1, $0x2  }
0xb9: {  	s3 =	sand.u32 $0x4000, s31;
	s1 =	sadd.s32 s1, s30  }
0xba: {  	s0 =	sor.u32 s3, s0;
	s1 =	sshll.u32 s1, $0x11  }
0xbb: {  	s0 =	sor.u32 s1, s0  }
0xbc: {  	s0 =	sadd.s32 $0x8F2B, s0  }
0xbd: {  	[sflag:s0] =	ssyncadd.remote.s32 $0x1  }
0xbe: {  	_ =	sfence.sel $0xFFFF  }
0xbf: {  	[dreg:$0x0] =	wrdreg $0xFFFFFFFF;
	(pc) =	sbr.abs _section_cstart, $3  }
0xc0: {  	[dreg:$0x1] =	wrdreg $0xFFFFFFFF  }
0xc1: {  	_ =	task.clear_ibuf [dreg:s6], $0x2FFFF;
	_ =	strace $0x9FFFFFFF  }
0xc2: {  	(tm) =	ssettm $0x7FFFFFFF  }
0xc3: {  	_ =	shalt  }
tec
execute0_lowered:
.L_overlay_start_1:
0x0: {  	(tag) =	ssettag $0x1  }
0x1: {  	s11 =	stileid.u32  }
0x2: {  	s8 =	smul.u32 $0x14000, s11  }
0x3: {  	s2 =	srdreg.scid;
	s10 =	smul.u32 $0x2710, s11  }
0x4: {  	s0 =	rddreg [dreg:$0x0];
	s2 =	sand.u32 $0x1, s2;
	s11 =	smul.u32 $0x50000, s11  }
0x5: {  	s1 =	rddreg [dreg:$0x1];
	s3 =	simm.s32 $0x0;
	s7 =	smul.u32 $0x140000, s2  }
0x6: {  	[smem:$0x7FF] =	sst s3;
	s9 =	smul.u32 $0x27100, s2;
	s2 =	ssub.s32 $0x2, s2  }
0x7: {  	s4 =	sadd.s32 $0x92600, s0;
	s5 =	sadd.s32 $0xBA600, s0;
	s29 =	sshrl.u32 s2, $0x1  }
0x8: {  	s6 =	sadd.s32 $0x38800, s0;
	s11 =	sshrl.u32 s11, $0x2;
	s2 =	ssub.s32 s2, s29  }
0x9: {  	_ =	strace $0x8000004D;
	s15 =	sadd.s32 s11, s1;
	s14 =	smax.u32 s2, $0x1  }
0xa: {  	s8 =	sadd.s32 s8, s7;
	s16 =	sadd.s32 $0x1400, s15;
	[dreg:$0x8] =	wrdreg s14  }
0xb: {  	s7 =	sadd.s32 $0x2EA00, s0;
	s17 =	sadd.s32 $0x2800, s15;
	[dreg:$0x9] =	wrdreg s16  }
0xc: {  	s9 =	sadd.s32 s10, s9;
	s18 =	sadd.s32 $0x3C00, s15;
	[dreg:$0xa] =	wrdreg s17  }
0xd: {  	s11 =	simm.s32 $0x2;
	s19 =	sadd.s32 $0x5000, s15;
	[dreg:$0xb] =	wrdreg s18  }
0xe: {  	s8 =	sshrl.u32 s8, $0x3;
	s20 =	sadd.s32 $0x6400, s15;
	[dreg:$0xc] =	wrdreg s19  }
0xf: {  	s30 =	sshrl.u32 s9, $0x3;
	s21 =	sadd.s32 $0x7800, s15;
	[dreg:$0xd] =	wrdreg s20  }
0x10: {  	s10 =	sadd.s32 $0x28, s9;
	s22 =	sadd.s32 $0x8C00, s15;
	[dreg:$0xe] =	wrdreg s21  }
0x11: {  	s13 =	sadd.s32 $0x78, s9;
	s23 =	sadd.s32 $0xA000, s15;
	[dreg:$0xf] =	wrdreg s22  }
0x12: {  	s24 =	sadd.s32 $0xB400, s15;
	s25 =	sadd.s32 $0xC800, s15;
	[dreg:$0x10] =	wrdreg s23  }
0x13: {  	s26 =	sadd.s32 $0xDC00, s15;
	s28 =	sadd.s32 $0xF000, s15;
	[dreg:$0x11] =	wrdreg s24  }
0x14: {  	s29 =	sadd.s32 $0x10400, s15;
	s2 =	simm.s32 $0x200;
	[dreg:$0x12] =	wrdreg s25  }
0x15: {  	s0 =	sadd.s32 s8, s0;
	s12 =	sadd.s32 s6, s30;
	[dreg:$0x13] =	wrdreg s26  }
0x16: {  	s10 =	sshrl.u32 s10, $0x3;
	s8 =	sadd.s32 s7, s30;
	[dreg:$0x14] =	wrdreg s28  }
0x17: {  	[dreg:$0x15] =	wrdreg s29;
	s30 =	sadd.s32 $0x11800, s15;
	s14 =	simm.s32 $0x28  }
0x18: {  	s16 =	simm.s32 $0x100;
	s17 =	simm.s32 $0x180;
	s18 =	simm.s32 $0x3  }
0x19: {  	s19 =	simm.s32 $0x4;
	s20 =	simm.s32 $0x2A00;
	s21 =	simm.s32 $0x3E00  }
0x1a: {  	s22 =	simm.s32 $0x5;
	s23 =	simm.s32 $0x6;
	[dreg:$0x3] =	wrdreg s12  }
0x1b: {  	s24 =	simm.s32 $0x7;
	s25 =	simm.s32 $0x8;
	[dreg:$0x4] =	wrdreg s8  }
.Ltmp0:
0x1c: {  	s31 =	sadd.s32 s6, s10;
	[dreg:$0x16] =	wrdreg s30;
	(pc) =	sbr.rel .LBB2_1-.Ltmp0, $4  }
0x1d: {  	s26 =	simm.s32 $0x0;
	s10 =	sadd.s32 s7, s10;
	[dreg:$0x5] =	wrdreg s31  }
0x1e: {  	s12 =	sadd.s32 $0x50, s9;
	s0 =	sadd.s32 $0xE2600, s0;
	[dreg:$0x6] =	wrdreg s10  }
0x1f: {  	s8 =	simm.s32 $0x9;
	[dreg:$0x7] =	wrdreg s0;
	s31 =	sadd.s32 $0x12C00, s15  }
0x20: {  	v0 =	vimm.f32 $0.0e+00;
	s9 =	simm.s32 $0x80;
	s10 =	simm.s32 $0x1;
	[dreg:$0x17] =	wrdreg s31  }
.LBB2_10:
0x21: {  	s0 =	stileid.u32  }
0x22: {  	[bflag:$0x0] =	sbarrier.arrive $0xFFFF;
	s0 =	sshll.u32 s0, $0x6  }
0x23: {  	s28 =	sshrl.u32 s15, $0x3;
	s29 =	rddreg [dreg:$0x7];
	s0 =	sor.u32 $0x1C09, s0  }
0x24: {  	[hbm:s29], [sflag:s0] =	dma.local [spmem:s28], $0x2800  }
0x25: {  	_ =	swait.ge [sflag:s8], $0x2800  }
0x26: {  	s26 =	sadd.s32 $0x1, s26;
	s31 =	rddreg [dreg:$0x8]  }
0x27: {  	p0 =	sne.s32 s26, s31  }
.Ltmp1:
0x28: {  	_ = 	snop;
	(pc) =	sbr.rel @!p0 .LBB2_11-.Ltmp1, $3  }
0x29: {  	_ =	sdelay $0x1  }
0x2a: {  	[sflag:s8] =	ssyncset.done $0x0  }
0x2b: {  	[sflag:s8] =	ssyncadd.s32 $0xFFFFD800  }
.LBB2_1:
0x2c: {  	s28 =	simm.s32 $0x0;
	s29 =	simm.s32 $0x200  }
.LBB2_2:
0x2d: {  	p0 =	sne.s32 s29, $0x4E00;
	[tilespmem:s28+$0x270] =	vst v0  }
0x2e: {  	[tilespmem:s28+$0x200] =	vst v0  }
0x2f: {  	[tilespmem:s28+$0x210] =	vst v0  }
.Ltmp2:
0x30: {  	[tilespmem:s28+$0x220] =	vst v0;
	(pc) =	sbr.rel @p0 .LBB2_2-.Ltmp2, $4  }
0x31: {  	[tilespmem:s28+$0x230] =	vst v0  }
0x32: {  	[tilespmem:s28+$0x240] =	vst v0  }
0x33: {  	[tilespmem:s28+$0x250] =	vst v0  }
0x34: {  	[tilespmem:s28+$0x260] =	vst v0;
	s28 =	sshra.s32 s29, $0x2;
	s29 =	sadd.s32 $0x200, s29  }
0x35: {  	[tilespmem:s28+$0x270] =	vst v0  }
0x36: {  	[tilespmem:s28+$0x200] =	vst v0  }
0x37: {  	[tilespmem:s28+$0x210] =	vst v0  }
0x38: {  	[tilespmem:s28+$0x220] =	vst v0  }
0x39: {  	[tilespmem:s28+$0x230] =	vst v0  }
0x3a: {  	[tilespmem:s28+$0x240] =	vst v0  }
0x3b: {  	[tilespmem:s28+$0x250] =	vst v0  }
0x3c: {  	[tilespmem:s28+$0x260] =	vst v0  }
0x3d: {  	[spmem:s15] =	stream.linear.scatter [tilespmem:s2], [sflag:$0x9], $0x1400, $0x38;
	[tilespmem:$0x19200] =	vst v63  }
0x3e: {  	_ =	swait.ge [sflag:s8], $0x1400  }
0x3f: {  	[sflag:s8] =	ssyncset.done $0x0  }
0x40: {  	s0 =	rddreg [dreg:$0x9];
	[sflag:s8] =	ssyncadd.s32 $0xFFFFEC00  }
0x41: {  	[spmem:s0] =	stream.linear.scatter [tilespmem:s2], [sflag:$0x9], $0x1400, $0x38;
	[tilespmem:$0x19200] =	vst v63  }
0x42: {  	_ =	swait.ge [sflag:s8], $0x1400  }
0x43: {  	[sflag:s8] =	ssyncset.done $0x0  }
0x44: {  	s31 =	rddreg [dreg:$0xa];
	[sflag:s8] =	ssyncadd.s32 $0xFFFFEC00  }
0x45: {  	[spmem:s31] =	stream.linear.scatter [tilespmem:s2], [sflag:$0x9], $0x1400, $0x38;
	[tilespmem:$0x19200] =	vst v63  }
0x46: {  	_ =	swait.ge [sflag:s8], $0x1400  }
0x47: {  	[sflag:s8] =	ssyncset.done $0x0  }
0x48: {  	s29 =	rddreg [dreg:$0xb];
	[sflag:s8] =	ssyncadd.s32 $0xFFFFEC00  }
0x49: {  	[spmem:s29] =	stream.linear.scatter [tilespmem:s2], [sflag:$0x9], $0x1400, $0x38;
	[tilespmem:$0x19200] =	vst v63  }
0x4a: {  	_ =	swait.ge [sflag:s8], $0x1400  }
0x4b: {  	[sflag:s8] =	ssyncset.done $0x0  }
0x4c: {  	s30 =	rddreg [dreg:$0xc];
	[sflag:s8] =	ssyncadd.s32 $0xFFFFEC00  }
0x4d: {  	[spmem:s30] =	stream.linear.scatter [tilespmem:s2], [sflag:$0x9], $0x1400, $0x38;
	[tilespmem:$0x19200] =	vst v63  }
0x4e: {  	_ =	swait.ge [sflag:s8], $0x1400  }
0x4f: {  	[sflag:s8] =	ssyncset.done $0x0  }
0x50: {  	s31 =	rddreg [dreg:$0xd];
	[sflag:s8] =	ssyncadd.s32 $0xFFFFEC00  }
0x51: {  	[spmem:s31] =	stream.linear.scatter [tilespmem:s2], [sflag:$0x9], $0x1400, $0x38;
	[tilespmem:$0x19200] =	vst v63  }
0x52: {  	_ =	swait.ge [sflag:s8], $0x1400  }
0x53: {  	[sflag:s8] =	ssyncset.done $0x0  }
0x54: {  	s29 =	rddreg [dreg:$0xe];
	[sflag:s8] =	ssyncadd.s32 $0xFFFFEC00  }
0x55: {  	[spmem:s29] =	stream.linear.scatter [tilespmem:s2], [sflag:$0x9], $0x1400, $0x38;
	[tilespmem:$0x19200] =	vst v63  }
0x56: {  	_ =	swait.ge [sflag:s8], $0x1400  }
0x57: {  	[sflag:s8] =	ssyncset.done $0x0  }
0x58: {  	s30 =	rddreg [dreg:$0xf];
	[sflag:s8] =	ssyncadd.s32 $0xFFFFEC00  }
0x59: {  	[spmem:s30] =	stream.linear.scatter [tilespmem:s2], [sflag:$0x9], $0x1400, $0x38;
	[tilespmem:$0x19200] =	vst v63  }
0x5a: {  	_ =	swait.ge [sflag:s8], $0x1400  }
0x5b: {  	[sflag:s8] =	ssyncset.done $0x0  }
0x5c: {  	s31 =	rddreg [dreg:$0x10];
	[sflag:s8] =	ssyncadd.s32 $0xFFFFEC00  }
0x5d: {  	[spmem:s31] =	stream.linear.scatter [tilespmem:s2], [sflag:$0x9], $0x1400, $0x38;
	[tilespmem:$0x19200] =	vst v63  }
0x5e: {  	_ =	swait.ge [sflag:s8], $0x1400  }
0x5f: {  	[sflag:s8] =	ssyncset.done $0x0  }
0x60: {  	s29 =	rddreg [dreg:$0x11];
	[sflag:s8] =	ssyncadd.s32 $0xFFFFEC00  }
0x61: {  	[spmem:s29] =	stream.linear.scatter [tilespmem:s2], [sflag:$0x9], $0x1400, $0x38;
	[tilespmem:$0x19200] =	vst v63  }
0x62: {  	_ =	swait.ge [sflag:s8], $0x1400  }
0x63: {  	[sflag:s8] =	ssyncset.done $0x0  }
0x64: {  	s30 =	rddreg [dreg:$0x12];
	[sflag:s8] =	ssyncadd.s32 $0xFFFFEC00  }
0x65: {  	[spmem:s30] =	stream.linear.scatter [tilespmem:s2], [sflag:$0x9], $0x1400, $0x38;
	[tilespmem:$0x19200] =	vst v63  }
0x66: {  	_ =	swait.ge [sflag:s8], $0x1400  }
0x67: {  	[sflag:s8] =	ssyncset.done $0x0  }
0x68: {  	s31 =	rddreg [dreg:$0x13];
	[sflag:s8] =	ssyncadd.s32 $0xFFFFEC00  }
0x69: {  	[spmem:s31] =	stream.linear.scatter [tilespmem:s2], [sflag:$0x9], $0x1400, $0x38;
	[tilespmem:$0x19200] =	vst v63  }
0x6a: {  	_ =	swait.ge [sflag:s8], $0x1400  }
0x6b: {  	[sflag:s8] =	ssyncset.done $0x0  }
0x6c: {  	s29 =	rddreg [dreg:$0x14];
	[sflag:s8] =	ssyncadd.s32 $0xFFFFEC00  }
0x6d: {  	[spmem:s29] =	stream.linear.scatter [tilespmem:s2], [sflag:$0x9], $0x1400, $0x38;
	[tilespmem:$0x19200] =	vst v63  }
0x6e: {  	_ =	swait.ge [sflag:s8], $0x1400  }
0x6f: {  	[sflag:s8] =	ssyncset.done $0x0  }
0x70: {  	s30 =	rddreg [dreg:$0x15];
	[sflag:s8] =	ssyncadd.s32 $0xFFFFEC00  }
0x71: {  	[spmem:s30] =	stream.linear.scatter [tilespmem:s2], [sflag:$0x9], $0x1400, $0x38;
	[tilespmem:$0x19200] =	vst v63  }
0x72: {  	_ =	swait.ge [sflag:s8], $0x1400  }
0x73: {  	[sflag:s8] =	ssyncset.done $0x0  }
0x74: {  	s31 =	rddreg [dreg:$0x16];
	[sflag:s8] =	ssyncadd.s32 $0xFFFFEC00  }
0x75: {  	[spmem:s31] =	stream.linear.scatter [tilespmem:s2], [sflag:$0x9], $0x1400, $0x38;
	[tilespmem:$0x19200] =	vst v63  }
0x76: {  	_ =	swait.ge [sflag:s8], $0x1400  }
0x77: {  	[sflag:s8] =	ssyncset.done $0x0  }
0x78: {  	s29 =	rddreg [dreg:$0x17];
	[sflag:s8] =	ssyncadd.s32 $0xFFFFEC00  }
0x79: {  	[spmem:s29] =	stream.linear.scatter [tilespmem:s2], [sflag:$0x9], $0x1400, $0x38;
	[tilespmem:$0x19200] =	vst v63  }
0x7a: {  	_ =	swait.ge [sflag:s8], $0x1400  }
0x7b: {  	[sflag:s8] =	ssyncset.done $0x0  }
0x7c: {  	[sflag:s8] =	ssyncadd.s32 $0xFFFFEC00  }
0x7d: {  	[bflag:$0x0] =	sbarrier.arrive $0xFFFF  }
0x7e: {  	s28 =	simm.s32 $0x0;
	s30 =	rddreg [dreg:$0x3]  }
0x7f: {  	[tilespmem:s28], [sflag:$0x1] =	stream.linear.gather [hbm4b:s30+s28], $0x28, $0x38;
	[tilespmem:$0x19200] =	vst v63  }
0x80: {  	s31 =	rddreg [dreg:$0x4]  }
0x81: {  	[tilespmem:s9], [sflag:$0x2] =	stream.linear.gather [hbm4b:s31+s28], $0x28, $0x38;
	[tilespmem:$0x19200] =	vst v63  }
0x82: {  	_ =	swait.ge [sflag:s10], $0x28  }
0x83: {  	[sflag:s10] =	ssyncset.done $0x0  }
0x84: {  	[sflag:s10] =	ssyncadd.s32 $0xFFFFFFD8  }
0x85: {  	_ =	swait.ge [sflag:s11], $0x28  }
0x86: {  	[sflag:s11] =	ssyncset.done $0x0  }
0x87: {  	[sflag:s11] =	ssyncadd.s32 $0xFFFFFFD8  }
0x88: {  	[tilespmem:s2], [sflag:$0x5] =	stream.indirect.gather [hbm4b:s4+s14], $0x80, s9, s14, $0xb8;
	[tilespmem:$0x19200] =	vst v63  }
0x89: {  	s29 =	simm.s32 $0x1600  }
0x8a: {  	[tilespmem:s29], [sflag:$0x6] =	stream.indirect.gather [hbm4b:s5+s14], $0x80, s28, s14, $0xb8;
	[tilespmem:$0x19200] =	vst v63  }
0x8b: {  	s30 =	rddreg [dreg:$0x5]  }
0x8c: {  	[tilespmem:s16], [sflag:$0x3] =	stream.linear.gather [hbm4b:s30+s28], $0x28, $0x38;
	[tilespmem:$0x19200] =	vst v63  }
0x8d: {  	s31 =	rddreg [dreg:$0x6]  }
0x8e: {  	[tilespmem:s17], [sflag:$0x4] =	stream.linear.gather [hbm4b:s31+s28], $0x28, $0x38;
	[tilespmem:$0x19200] =	vst v63  }
.LBB2_4:
0x8f: {  	_ =	swait.ge [sflag:s18], $0x28  }
0x90: {  	[sflag:s18] =	ssyncset.done $0x0  }
0x91: {  	[sflag:s18] =	ssyncadd.s32 $0xFFFFFFD8  }
0x92: {  	_ =	swait.ge [sflag:s19], $0x28  }
0x93: {  	[sflag:s19] =	ssyncset.done $0x0  }
0x94: {  	[sflag:s19] =	ssyncadd.s32 $0xFFFFFFD8  }
0x95: {  	[tilespmem:s20], [sflag:$0x7] =	stream.indirect.gather [hbm4b:s4+s14], $0x80, s17, s14, $0xb8;
	[tilespmem:$0x19200] =	vst v63  }
0x96: {  	_ = 	snop  }
0x97: {  	[tilespmem:s21], [sflag:$0x8] =	stream.indirect.gather [hbm4b:s5+s14], $0x80, s16, s14, $0xb8;
	[tilespmem:$0x19200] =	vst v63  }
0x98: {  	_ =	swait.ge [sflag:s22], $0x1400  }
0x99: {  	[sflag:s22] =	ssyncset.done $0x0  }
0x9a: {  	[sflag:s22] =	ssyncadd.s32 $0xFFFFEC00  }
0x9b: {  	_ =	swait.ge [sflag:s23], $0x1400  }
0x9c: {  	[sflag:s23] =	ssyncset.done $0x0  }
0x9d: {  	s29 =	simm.s32 $0x0;
	[sflag:s23] =	ssyncadd.s32 $0xFFFFEC00  }
0x9e: {  	v1 =	vld [tilespmem:s29+$0x270]  }
0x9f: {  	v2 =	vld [tilespmem:s29+$0x1670]  }
0xa0: {  	v3 =	vld [tilespmem:s29+$0x200]  }
0xa1: {  	v4 =	vld [tilespmem:s29+$0x1600]  }
0xa2: {  	v5 =	vld [tilespmem:s29+$0x210]  }
0xa3: {  	v6 =	vld [tilespmem:s29+$0x1610]  }
0xa4: {  	v7 =	vld [tilespmem:s29+$0x220]  }
0xa5: {  	v8 =	vld [tilespmem:s29+$0x230];
	v1 =	vadd.f32 v2, v1  }
0xa6: {  	v2 =	vld [tilespmem:s29+$0x1620];
	v3 =	vadd.f32 v4, v3  }
0xa7: {  	v4 =	vld [tilespmem:s29+$0x1630];
	v1 =	vmax.f32 v1, $0.0e+00  }
0xa8: {  	v9 =	vld [tilespmem:s29+$0x240];
	[tilespmem:s29+$0x270] =	vst v1;
	v1 =	vmax.f32 v3, $0.0e+00;
	v3 =	vadd.f32 v6, v5  }
0xa9: {  	v5 =	vld [tilespmem:s29+$0x1640]  }
0xaa: {  	[tilespmem:s29+$0x200] =	vst v1;
	v1 =	vld [tilespmem:s29+$0x250];
	v3 =	vmax.f32 v3, $0.0e+00  }
0xab: {  	v2 =	vadd.f32 v2, v7;
	[tilespmem:s29+$0x210] =	vst v3;
	v3 =	vld [tilespmem:s29+$0x1650]  }
0xac: {  	v8 =	vadd.f32 v4, v8;
	v4 =	vld [tilespmem:s29+$0x1660]  }
0xad: {  	s30 =	simm.s32 $0x80;
	v6 =	vmax.f32 v2, $0.0e+00;
	v2 =	vld [tilespmem:s29+$0x260]  }
0xae: {  	s31 =	simm.s32 $0x400;
	v7 =	vld [tilespmem:s30+$0x270];
	[tilespmem:s29+$0x220] =	vst v6;
	v6 =	vmax.f32 v8, $0.0e+00;
	v5 =	vadd.f32 v5, v9  }
.LBB2_5:
0xaf: {  	p0 =	sne.s32 s31, $0x4E00;
	v8 =	vld [tilespmem:s30+$0x1670];
	[tilespmem:s29+$0x230] =	vst v6  }
0xb0: {  	v6 =	vld [tilespmem:s30+$0x200];
	v5 =	vmax.f32 v5, $0.0e+00;
	v1 =	vadd.f32 v3, v1  }
0xb1: {  	v3 =	vld [tilespmem:s30+$0x1600];
	[tilespmem:s29+$0x240] =	vst v5  }
0xb2: {  	v5 =	vld [tilespmem:s30+$0x210];
	v1 =	vmax.f32 v1, $0.0e+00;
	v2 =	vadd.f32 v4, v2  }
0xb3: {  	v4 =	vld [tilespmem:s30+$0x1610];
	[tilespmem:s29+$0x250] =	vst v1  }
0xb4: {  	v1 =	vld [tilespmem:s30+$0x220];
	v7 =	vadd.f32 v8, v7;
	v2 =	vmax.f32 v2, $0.0e+00  }
0xb5: {  	v8 =	vld [tilespmem:s30+$0x1620];
	[tilespmem:s29+$0x260] =	vst v2;
	s29 =	smov.u32 s30  }
0xb6: {  	v2 =	vadd.f32 v3, v6;
	v6 =	vld [tilespmem:s29+$0x230];
	v3 =	vmax.f32 v7, $0.0e+00  }
0xb7: {  	v7 =	vld [tilespmem:s29+$0x1630];
	[tilespmem:s29+$0x270] =	vst v3  }
0xb8: {  	v2 =	vmax.f32 v2, $0.0e+00;
	v3 =	vadd.f32 v4, v5;
	v5 =	vld [tilespmem:s29+$0x240]  }
0xb9: {  	[tilespmem:s29+$0x200] =	vst v2;
	v9 =	vld [tilespmem:s29+$0x1640]  }
.Ltmp3:
0xba: {  	v2 =	vmax.f32 v3, $0.0e+00;
	v4 =	vadd.f32 v8, v1;
	v1 =	vld [tilespmem:s29+$0x250];
	(pc) =	sbr.rel @p0 .LBB2_5-.Ltmp3, $4  }
0xbb: {  	[tilespmem:s29+$0x210] =	vst v2;
	v3 =	vld [tilespmem:s29+$0x1650]  }
0xbc: {  	v4 =	vmax.f32 v4, $0.0e+00;
	v6 =	vadd.f32 v7, v6;
	v2 =	vld [tilespmem:s29+$0x260]  }
0xbd: {  	s30 =	sshra.s32 s31, $0x2;
	[tilespmem:s29+$0x220] =	vst v4;
	v4 =	vld [tilespmem:s29+$0x1660]  }
0xbe: {  	s31 =	sadd.s32 $0x200, s31;
	v7 =	vld [tilespmem:s30+$0x270];
	v6 =	vmax.f32 v6, $0.0e+00;
	v5 =	vadd.f32 v9, v5  }
0xbf: {  	v8 =	vld [tilespmem:s30+$0x1670]  }
0xc0: {  	v9 =	vld [tilespmem:s30+$0x200]  }
0xc1: {  	v10 =	vld [tilespmem:s30+$0x1600]  }
0xc2: {  	v11 =	vld [tilespmem:s30+$0x210]  }
0xc3: {  	v12 =	vld [tilespmem:s30+$0x1610]  }
0xc4: {  	v13 =	vld [tilespmem:s30+$0x220]  }
0xc5: {  	v14 =	vld [tilespmem:s30+$0x230]  }
0xc6: {  	v58 =	vld [tilespmem:s30+$0x1630]  }
0xc7: {  	v59 =	vld [tilespmem:s30+$0x240];
	v7 =	vadd.f32 v8, v7  }
0xc8: {  	v60 =	vld [tilespmem:s30+$0x250];
	v9 =	vadd.f32 v10, v9  }
0xc9: {  	v61 =	vld [tilespmem:s30+$0x1650];
	v7 =	vmax.f32 v7, $0.0e+00  }
0xca: {  	v8 =	vld [tilespmem:s30+$0x1620];
	[tilespmem:s30+$0x270] =	vst v7;
	v7 =	vmax.f32 v9, $0.0e+00  }
0xcb: {  	v1 =	vadd.f32 v3, v1;
	[tilespmem:s30+$0x200] =	vst v7;
	v7 =	vld [tilespmem:s30+$0x1640]  }
0xcc: {  	v62 =	vld [tilespmem:s30+$0x260];
	[tilespmem:s29+$0x230] =	vst v6;
	v2 =	vadd.f32 v4, v2;
	v4 =	vmax.f32 v5, $0.0e+00  }
0xcd: {  	v3 =	vld [tilespmem:s30+$0x1660];
	v1 =	vmax.f32 v1, $0.0e+00;
	[tilespmem:s29+$0x240] =	vst v4;
	v11 =	vadd.f32 v12, v11  }
0xce: {  	[tilespmem:s29+$0x250] =	vst v1;
	v4 =	vadd.f32 v58, v14;
	v1 =	vmax.f32 v2, $0.0e+00  }
0xcf: {  	[tilespmem:s29+$0x260] =	vst v1;
	v11 =	vmax.f32 v11, $0.0e+00;
	v8 =	vadd.f32 v8, v13  }
0xd0: {  	v1 =	vmax.f32 v4, $0.0e+00;
	[tilespmem:s30+$0x210] =	vst v11;
	v2 =	vadd.f32 v7, v59  }
0xd1: {  	v4 =	vadd.f32 v61, v60;
	[tilespmem:s30+$0x230] =	vst v1;
	v8 =	vmax.f32 v8, $0.0e+00  }
0xd2: {  	[tilespmem:s30+$0x220] =	vst v8;
	v1 =	vmax.f32 v2, $0.0e+00;
	v2 =	vadd.f32 v3, v62  }
0xd3: {  	[tilespmem:s30+$0x240] =	vst v1;
	v1 =	vmax.f32 v4, $0.0e+00  }
0xd4: {  	p0 =	seq.s32 s28, $0x7C;
	[tilespmem:s30+$0x250] =	vst v1;
	v1 =	vmax.f32 v2, $0.0e+00  }
0xd5: {  	s29 =	smul.u32 @!p0 $0x50, s28;
	[tilespmem:s30+$0x260] =	vst v1  }
0xd6: {  	[spmem:s1] =	stream.indirect.scatter.add.f32 [tilespmem:s2], [sflag:$0x9], $0x80, s9, s14, $0xb8;
	[tilespmem:$0x19200] =	vst v63  }
0xd7: {  	s29 =	sadd.s32 @!p0 s29, s12;
	_ =	swait.ge [sflag:s8], $0x1400  }
0xd8: {  	s29 =	sshrl.u32 @!p0 s29, $0x3;
	[sflag:s8] =	ssyncset.done $0x0  }
0xd9: {  	s31 =	simm.s32 @!p0 $0x0;
	s30 =	sadd.s32 @!p0 s6, s29;
	[sflag:s8] =	ssyncadd.s32 $0xFFFFEC00  }
0xda: {  	[tilespmem:s31], [sflag:$0x1] =	stream.linear.gather @!p0 [hbm4b:s30+s31], $0x28, $0x38;
	[tilespmem:$0x19200] =	vst v63  }
0xdb: {  	s29 =	sadd.s32 @!p0 s7, s29;
	s30 =	simm.s32 @!p0 $0x80  }
0xdc: {  	[tilespmem:s30], [sflag:$0x2] =	stream.linear.gather @!p0 [hbm4b:s29+s31], $0x28, $0x38;
	[tilespmem:$0x19200] =	vst v63  }
0xdd: {  	s29 =	simm.s32 @!p0 $0x1  }
0xde: {  	_ =	swait.ge @!p0 [sflag:s29], $0x28  }
0xdf: {  	[sflag:s29] =	ssyncset.done @!p0 $0x0  }
0xe0: {  	[sflag:s29] =	ssyncadd.s32 @!p0 $0xFFFFFFD8;
	s29 =	simm.s32 @!p0 $0x2  }
0xe1: {  	_ =	swait.ge @!p0 [sflag:s29], $0x28  }
0xe2: {  	[sflag:s29] =	ssyncset.done @!p0 $0x0  }
0xe3: {  	s0 =	simm.s32 @!p0 $0x200;
	[sflag:s29] =	ssyncadd.s32 @!p0 $0xFFFFFFD8;
	s29 =	simm.s32 @!p0 $0x28  }
0xe4: {  	[tilespmem:s0], [sflag:$0x5] =	stream.indirect.gather @!p0 [hbm4b:s4+s29], $0x80, s30, s29, $0xb8;
	[tilespmem:$0x19200] =	vst v63  }
0xe5: {  	s0 =	simm.s32 @!p0 $0x1600  }
0xe6: {  	[tilespmem:s0], [sflag:$0x6] =	stream.indirect.gather @!p0 [hbm4b:s5+s29], $0x80, s31, s29, $0xb8;
	[tilespmem:$0x19200] =	vst v63  }
0xe7: {  	_ =	swait.ge [sflag:s24], $0x1400  }
0xe8: {  	[sflag:s24] =	ssyncset.done $0x0  }
0xe9: {  	[sflag:s24] =	ssyncadd.s32 $0xFFFFEC00  }
0xea: {  	_ =	swait.ge [sflag:s25], $0x1400  }
0xeb: {  	[sflag:s25] =	ssyncset.done $0x0  }
0xec: {  	s29 =	simm.s32 $0x0;
	[sflag:s25] =	ssyncadd.s32 $0xFFFFEC00  }
0xed: {  	v1 =	vld [tilespmem:s29+$0x2A70]  }
0xee: {  	v2 =	vld [tilespmem:s29+$0x3E70]  }
0xef: {  	v3 =	vld [tilespmem:s29+$0x2A00]  }
0xf0: {  	v4 =	vld [tilespmem:s29+$0x3E00]  }
0xf1: {  	v5 =	vld [tilespmem:s29+$0x2A10]  }
0xf2: {  	v6 =	vld [tilespmem:s29+$0x3E10]  }
0xf3: {  	v7 =	vld [tilespmem:s29+$0x2A20]  }
0xf4: {  	v8 =	vld [tilespmem:s29+$0x2A30];
	v1 =	vadd.f32 v2, v1  }
0xf5: {  	v2 =	vld [tilespmem:s29+$0x3E20];
	v3 =	vadd.f32 v4, v3  }
0xf6: {  	v4 =	vld [tilespmem:s29+$0x3E30];
	v1 =	vmax.f32 v1, $0.0e+00  }
0xf7: {  	v63 =	vld [tilespmem:s29+$0x2A40];
	[tilespmem:s29+$0x2A70] =	vst v1;
	v1 =	vmax.f32 v3, $0.0e+00;
	v3 =	vadd.f32 v6, v5  }
0xf8: {  	v5 =	vld [tilespmem:s29+$0x3E40]  }
0xf9: {  	[tilespmem:s29+$0x2A00] =	vst v1;
	v1 =	vld [tilespmem:s29+$0x2A50];
	v3 =	vmax.f32 v3, $0.0e+00  }
0xfa: {  	v2 =	vadd.f32 v2, v7;
	[tilespmem:s29+$0x2A10] =	vst v3;
	v3 =	vld [tilespmem:s29+$0x3E50]  }
0xfb: {  	v8 =	vadd.f32 v4, v8;
	v4 =	vld [tilespmem:s29+$0x3E60]  }
0xfc: {  	s30 =	simm.s32 $0x80;
	v6 =	vmax.f32 v2, $0.0e+00;
	v2 =	vld [tilespmem:s29+$0x2A60]  }
0xfd: {  	s31 =	simm.s32 $0x400;
	v7 =	vld [tilespmem:s30+$0x2A70];
	[tilespmem:s29+$0x2A20] =	vst v6;
	v6 =	vmax.f32 v8, $0.0e+00;
	v5 =	vadd.f32 v5, v63  }
.LBB2_7:
0xfe: {  	p1 =	sne.s32 s31, $0x4E00;
	v8 =	vld [tilespmem:s30+$0x3E70];
	[tilespmem:s29+$0x2A30] =	vst v6  }
0xff: {  	v6 =	vld [tilespmem:s30+$0x2A00];
	v5 =	vmax.f32 v5, $0.0e+00;
	v1 =	vadd.f32 v3, v1  }
0x100: {  	v3 =	vld [tilespmem:s30+$0x3E00];
	[tilespmem:s29+$0x2A40] =	vst v5  }
0x101: {  	v5 =	vld [tilespmem:s30+$0x2A10];
	v1 =	vmax.f32 v1, $0.0e+00;
	v2 =	vadd.f32 v4, v2  }
0x102: {  	v4 =	vld [tilespmem:s30+$0x3E10];
	[tilespmem:s29+$0x2A50] =	vst v1  }
0x103: {  	v1 =	vld [tilespmem:s30+$0x2A20];
	v7 =	vadd.f32 v8, v7;
	v2 =	vmax.f32 v2, $0.0e+00  }
0x104: {  	v8 =	vld [tilespmem:s30+$0x3E20];
	[tilespmem:s29+$0x2A60] =	vst v2;
	s29 =	smov.u32 s30  }
0x105: {  	v2 =	vadd.f32 v3, v6;
	v6 =	vld [tilespmem:s29+$0x2A30];
	v3 =	vmax.f32 v7, $0.0e+00  }
0x106: {  	v7 =	vld [tilespmem:s29+$0x3E30];
	[tilespmem:s29+$0x2A70] =	vst v3  }
0x107: {  	v2 =	vmax.f32 v2, $0.0e+00;
	v3 =	vadd.f32 v4, v5;
	v5 =	vld [tilespmem:s29+$0x2A40]  }
0x108: {  	[tilespmem:s29+$0x2A00] =	vst v2;
	v9 =	vld [tilespmem:s29+$0x3E40]  }
.Ltmp4:
0x109: {  	v2 =	vmax.f32 v3, $0.0e+00;
	v4 =	vadd.f32 v8, v1;
	v1 =	vld [tilespmem:s29+$0x2A50];
	(pc) =	sbr.rel @p1 .LBB2_7-.Ltmp4, $4  }
0x10a: {  	[tilespmem:s29+$0x2A10] =	vst v2;
	v3 =	vld [tilespmem:s29+$0x3E50]  }
0x10b: {  	v4 =	vmax.f32 v4, $0.0e+00;
	v6 =	vadd.f32 v7, v6;
	v2 =	vld [tilespmem:s29+$0x2A60]  }
0x10c: {  	s30 =	sshra.s32 s31, $0x2;
	[tilespmem:s29+$0x2A20] =	vst v4;
	v4 =	vld [tilespmem:s29+$0x3E60]  }
0x10d: {  	s31 =	sadd.s32 $0x200, s31;
	v7 =	vld [tilespmem:s30+$0x2A70];
	v6 =	vmax.f32 v6, $0.0e+00;
	v5 =	vadd.f32 v9, v5  }
0x10e: {  	v8 =	vld [tilespmem:s30+$0x3E70]  }
0x10f: {  	v9 =	vld [tilespmem:s30+$0x2A00]  }
0x110: {  	v10 =	vld [tilespmem:s30+$0x3E00]  }
0x111: {  	v11 =	vld [tilespmem:s30+$0x2A10]  }
0x112: {  	v12 =	vld [tilespmem:s30+$0x3E10]  }
0x113: {  	v13 =	vld [tilespmem:s30+$0x2A20]  }
0x114: {  	v53 =	vld [tilespmem:s30+$0x3E20]  }
0x115: {  	v14 =	vld [tilespmem:s30+$0x2A30]  }
0x116: {  	v54 =	vld [tilespmem:s30+$0x3E30]  }
0x117: {  	v56 =	vld [tilespmem:s30+$0x2A40]  }
0x118: {  	v57 =	vld [tilespmem:s30+$0x3E40];
	v1 =	vadd.f32 v3, v1  }
0x119: {  	v58 =	vld [tilespmem:s30+$0x2A50];
	[tilespmem:s29+$0x2A30] =	vst v6;
	v61 =	vmax.f32 v5, $0.0e+00;
	v2 =	vadd.f32 v4, v2  }
0x11a: {  	v59 =	vld [tilespmem:s30+$0x3E50];
	[tilespmem:s29+$0x2A40] =	vst v61;
	v1 =	vmax.f32 v1, $0.0e+00;
	v7 =	vadd.f32 v8, v7  }
0x11b: {  	v60 =	vld [tilespmem:s30+$0x2A60];
	[tilespmem:s29+$0x2A50] =	vst v1;
	v9 =	vadd.f32 v10, v9;
	v1 =	vmax.f32 v2, $0.0e+00  }
0x11c: {  	v3 =	vld [tilespmem:s30+$0x3E60];
	v11 =	vadd.f32 v12, v11;
	[tilespmem:s29+$0x2A60] =	vst v1;
	v7 =	vmax.f32 v7, $0.0e+00  }
0x11d: {  	v8 =	vadd.f32 v53, v13;
	v55 =	vmax.f32 v9, $0.0e+00;
	[tilespmem:s30+$0x2A70] =	vst v7  }
0x11e: {  	v62 =	vadd.f32 v54, v14;
	v11 =	vmax.f32 v11, $0.0e+00;
	[tilespmem:s30+$0x2A00] =	vst v55  }
0x11f: {  	v2 =	vadd.f32 v57, v56;
	v8 =	vmax.f32 v8, $0.0e+00;
	[tilespmem:s30+$0x2A10] =	vst v11  }
0x120: {  	v63 =	vadd.f32 v59, v58;
	v1 =	vmax.f32 v62, $0.0e+00;
	[tilespmem:s30+$0x2A20] =	vst v8  }
0x121: {  	[tilespmem:s30+$0x2A30] =	vst v1;
	v1 =	vmax.f32 v2, $0.0e+00;
	v2 =	vadd.f32 v3, v60  }
0x122: {  	[tilespmem:s30+$0x2A40] =	vst v1;
	v1 =	vmax.f32 v63, $0.0e+00  }
0x123: {  	[tilespmem:s30+$0x2A50] =	vst v1;
	v1 =	vmax.f32 v2, $0.0e+00  }
.Ltmp5:
0x124: {  	[tilespmem:s30+$0x2A60] =	vst v1;
	(pc) =	sbr.rel @p0 .LBB2_10-.Ltmp5, $4  }
0x125: {  	[spmem:s1] =	stream.indirect.scatter.add.f32 [tilespmem:s20], [sflag:$0x9], $0x80, s17, s14, $0xb8;
	[tilespmem:$0x19200] =	vst v63  }
0x126: {  	_ =	swait.ge [sflag:s8], $0x1400  }
0x127: {  	[sflag:s8] =	ssyncset.done $0x0  }
0x128: {  	[sflag:s8] =	ssyncadd.s32 $0xFFFFEC00  }
0x129: {  	s0 =	smul.u32 $0x50, s28;
	_ =	sdelay $0x1  }
0x12a: {  	s0 =	sadd.s32 s0, s13  }
.Ltmp6:
0x12b: {  	s0 =	sshrl.u32 s0, $0x3;
	(pc) =	sbr.rel .LBB2_4-.Ltmp6, $4  }
0x12c: {  	s29 =	sadd.s32 s6, s0  }
0x12d: {  	[tilespmem:s16], [sflag:$0x3] =	stream.linear.gather [hbm4b:s29+s3], $0x28, $0x38;
	[tilespmem:$0x19200] =	vst v63  }
0x12e: {  	s28 =	sadd.s32 $0x1, s28;
	s0 =	sadd.s32 s7, s0  }
0x12f: {  	[tilespmem:s17], [sflag:$0x4] =	stream.linear.gather [hbm4b:s0+s3], $0x28, $0x38;
	[tilespmem:$0x19200] =	vst v63  }
.LBB2_11:
0x130: {  	_ =	sfence.sel $0x180000  }
0x131: {  	[bflag:$0x0] =	sbarrier.arrive $0xFFFF  }
0x132: {  	_ =	strace $0x9000004D  }
0x133: {  	s0 =	stileid.u32;
	[bflag:$0x2] =	sbarrier.arrive $0xFFFF  }
0x134: {  	p0 =	sne.s32 s0, $0x0;
	s0 =	rddreg [dreg:$0x2]  }
0x135: {  	s0 =	sadd.s32 @!p0 $0x100000, s0  }
0x136: {  	[sflag:s0] =	ssyncadd.tile.s32 @!p0 $0x1;
	_ =	shalt  }
.Lfunc_end2:
_tile_overlayer_lowered:
.L_overlay_start_2:
0x137: {  	(tag) =	ssettag $0x2  }
0x138: {  	s0 =	rddreg [dreg:$0x0];
	s2 =	stileid.u32  }
0x139: {  	s1 =	rddreg [dreg:$0x1];
	p0 =	sne.s32 s2, $0x0  }
0x13a: {  	s3 =	rddreg [dreg:$0x2];
	[bflag:$0x3] =	sbarrier.arrive $0xFFFF;
	s2 =	simm.s32 @!p0 $0x1C09  }
0x13b: {  	[timem:s3], [sflag:s2] =	dma.local @!p0 [hbm:s0], s1  }
0x13c: {  	s0 =	simm.s32 @!p0 $0x9  }
0x13d: {  	_ =	swait.ge @!p0 [sflag:s0], s1  }
0x13e: {  	s1 =	ssub.s32 @!p0 $0x0, s1;
	[sflag:s0] =	ssyncset.done @!p0 $0x0  }
0x13f: {  	[sflag:s0] =	ssyncadd.s32 @!p0 s1  }
0x140: {  	[bflag:$0x3] =	sbarrier.arrive $0xFFFF  }
0x141: {  	_ =	shalt  }

// kernel: kernel.19.cloned.1.call-start
scs
__scs_entry_jumppad:
0x0: {  	(pc) =	sbr.rel $0x88, $3  }
0x1: {  	(tag) =	ssettag $0x0;
	lr =	simm.s32 $0x1  }
0x2: {  	[smem:$0x3F8D] =	sst lr;
	_ =	strace $0xD0000000  }
0x3: {  	_ = 	snop  }
0x4: {  	_ = 	snop  }
0x5: {  	_ = 	snop  }
0x6: {  	_ = 	snop  }
0x7: {  	_ = 	snop  }
__scs_overlays_trampoline_lowered:
0x8: {  	[smem:$0x3F9C] =	sst s0  }
0x9: {  	[smem:$0x3F9D] =	sst s1  }
0xa: {  	[smem:$0x3F9E] =	sst s2  }
0xb: {  	[smem:$0x3F9F] =	sst s3  }
0xc: {  	[smem:$0x3FA0] =	sst s4  }
0xd: {  	[smem:$0x3FA1] =	sst s5  }
0xe: {  	[smem:$0x3FA2] =	sst s6  }
0xf: {  	[smem:$0x3FA3] =	sst s7  }
0x10: {  	[smem:$0x3FA4] =	sst s8  }
0x11: {  	[smem:$0x3FA5] =	sst s9;
	s0 =	simm.s32 @!p0 $0x0  }
0x12: {  	s1 =	sld [smem:$0x3F8B];
	s0 =	simm.s32 @p0 $0x1  }
0x13: {  	[smem:$0x3FA6] =	sst s0;
	s0 =	simm.s32 @!p1 $0x0  }
0x14: {  	s2 =	sld [smem:$0x3F8A];
	s0 =	simm.s32 @p1 $0x1  }
0x15: {  	[smem:$0x3FA7] =	sst s0;
	s0 =	simm.s32 @!p2 $0x0  }
0x16: {  	s3 =	sld [smem:$0x3FDB];
	s0 =	simm.s32 @p2 $0x1  }
0x17: {  	s4 =	simm.s32 $0x1BF5;
	[smem:$0x3FA9] =	sst s0  }
0x18: {  	s0 =	sld [smem:$0x3F8C];
	_ =	swait.ge [sflag:s4], $0x0  }
0x19: {  	s7 =	sld [smem:$0x3F8D]  }
0x1a: {  	s8 =	sadd.s32 $0xFFFFE003, lr  }
0x1b: {  	s9 =	sadd.s32 $0xFFFFFEF7, lr;
	s5 =	simm.s32 $0xFFFFFFFF;
	p2 =	slt.u32 s8, $0xFFFFF086  }
0x1c: {  	p1 =	slt.u32 s9, $0xF7A;
	s5 =	simm.s32 @!p2 $0x0  }
0x1d: {  	s5 =	simm.s32 @p1 $0x1;
	p0 =	seq.s32 s7, s2  }
0x1e: {  	s7 =	smul.u32 @!p0 $0xF7A, s2;
	p2 =	seq.s32 @!p0 s5, $0x0  }
0x1f: {  	s9 =	smul.u32 $0xF7A, s1;
	s8 =	simm.s32 @!p0 $0x1BF5;
	p2 =	por !p2, p0  }
0x20: {  	[sflag:s8] =	ssyncset.s32 @!p0 $0xFFFFF086;
	s6 =	sadd.s32 @!p0 s3, s7;
	s7 =	simm.s32 @!p0 $0x108  }
0x21: {  	s3 =	sadd.s32 s3, s9;
	s6 =	sadd.s32 @!p0 $0x88, s6;
	s7 =	simm.s32 @p2 $0x1082  }
0x22: {  	[simem:s7], [sflag:s8] =	dma.local @!p0 [hbm:s6], $0xF7A  }
0x23: {  	s9 =	sor.u32 $0xD0000000, s2;
	s6 =	simm.s32 $0x108;
	_ =	swait.ge @!p0 [sflag:s8], $0x0  }
0x24: {  	s3 =	sadd.s32 $0x88, s3;
	s6 =	simm.s32 @!p1 $0x1082;
	[sflag:s4] =	ssyncset.s32 $0xFFFFF086  }
0x25: {  	[simem:s6], [sflag:s4] =	dma.local [hbm:s3], $0xF7A  }
0x26: {  	[smem:$0x3F8D] =	sst s1;
	(tag) =	ssettag s2;
	_ =	strace s9  }
0x27: {  	s1 =	sld [smem:$0x3F9D]  }
0x28: {  	s2 =	sld [smem:$0x3F9E]  }
0x29: {  	s4 =	sld [smem:$0x3FA0]  }
0x2a: {  	p0 =	seq.s32 s5, $0x0;
	s5 =	sld [smem:$0x3FA1]  }
0x2b: {  	s6 =	sld [smem:$0x3FA2]  }
0x2c: {  	s7 =	sld [smem:$0x3FA3]  }
0x2d: {  	s3 =	simm.s32 $0x108;
	s8 =	sld [smem:$0x3FA4]  }
0x2e: {  	s3 =	simm.s32 @!p0 $0x1082;
	s9 =	sld [smem:$0x3FA5]  }
0x2f: {  	lr =	sadd.s32 s0, s3;
	s0 =	sld [smem:$0x3F9C]  }
0x30: {  	s3 =	sld [smem:$0x3F9F]  }
0x31: {  	[smem:$0x3FA8] =	sst s10  }
0x32: {  	s10 =	sld [smem:$0x3FA6];
	_ =	sdelay $0x3  }
0x33: {  	p0 =	seq.s32 s10, $0x1;
	s10 =	sld [smem:$0x3FA8];
	_ =	sdelay $0x3  }
0x34: {  	[smem:$0x3FA8] =	sst s10  }
0x35: {  	s10 =	sld [smem:$0x3FA7];
	_ =	sdelay $0x3  }
0x36: {  	p1 =	seq.s32 s10, $0x1;
	s10 =	sld [smem:$0x3FA8];
	_ =	sdelay $0x3  }
0x37: {  	[smem:$0x3FA8] =	sst s10  }
0x38: {  	s10 =	sld [smem:$0x3FA9]  }
0x39: {  	_ = 	snop;
	(pc) =	sbr.ind lr, $3  }
0x3a: {  	_ = 	snop  }
0x3b: {  	_ = 	snop  }
0x3c: {  	p2 =	seq.s32 s10, $0x1;
	s10 =	sld [smem:$0x3FA8]  }
0x3d: {  	_ =	shalt  }
0x3e: {  	_ =	shalt  }
0x3f: {  	_ =	shalt  }
0x40: {  	_ =	shalt  }
0x41: {  	_ =	shalt  }
0x42: {  	_ =	shalt  }
0x43: {  	_ =	shalt  }
0x44: {  	_ =	shalt  }
0x45: {  	_ =	shalt  }
0x46: {  	_ =	shalt  }
0x47: {  	_ =	shalt  }
0x48: {  	_ =	shalt  }
0x49: {  	_ =	shalt  }
0x4a: {  	_ =	shalt  }
0x4b: {  	_ =	shalt  }
0x4c: {  	_ =	shalt  }
0x4d: {  	_ =	shalt  }
0x4e: {  	_ =	shalt  }
0x4f: {  	_ =	shalt  }
0x50: {  	_ =	shalt  }
0x51: {  	_ =	shalt  }
0x52: {  	_ =	shalt  }
0x53: {  	_ =	shalt  }
0x54: {  	_ =	shalt  }
0x55: {  	_ =	shalt  }
0x56: {  	_ =	shalt  }
0x57: {  	_ =	shalt  }
0x58: {  	_ =	shalt  }
0x59: {  	_ =	shalt  }
0x5a: {  	_ =	shalt  }
0x5b: {  	_ =	shalt  }
0x5c: {  	_ =	shalt  }
0x5d: {  	_ =	shalt  }
0x5e: {  	_ =	shalt  }
0x5f: {  	_ =	shalt  }
0x60: {  	_ =	shalt  }
0x61: {  	_ =	shalt  }
0x62: {  	_ =	shalt  }
0x63: {  	_ =	shalt  }
0x64: {  	_ =	shalt  }
0x65: {  	_ =	shalt  }
0x66: {  	_ =	shalt  }
0x67: {  	_ =	shalt  }
0x68: {  	_ =	shalt  }
0x69: {  	_ =	shalt  }
0x6a: {  	_ =	shalt  }
0x6b: {  	_ =	shalt  }
0x6c: {  	_ =	shalt  }
0x6d: {  	_ =	shalt  }
0x6e: {  	_ =	shalt  }
0x6f: {  	_ =	shalt  }
0x70: {  	_ =	shalt  }
0x71: {  	_ =	shalt  }
0x72: {  	_ =	shalt  }
0x73: {  	_ =	shalt  }
0x74: {  	_ =	shalt  }
0x75: {  	_ =	shalt  }
0x76: {  	_ =	shalt  }
0x77: {  	_ =	shalt  }
0x78: {  	_ =	shalt  }
0x79: {  	_ =	shalt  }
0x7a: {  	_ =	shalt  }
0x7b: {  	_ =	shalt  }
0x7c: {  	_ =	shalt  }
0x7d: {  	_ =	shalt  }
0x7e: {  	_ =	shalt  }
0x7f: {  	_ =	shalt  }
0x80: {  	_ =	shalt  }
0x81: {  	_ =	shalt  }
0x82: {  	_ =	shalt  }
0x83: {  	_ =	shalt  }
0x84: {  	_ =	shalt  }
0x85: {  	_ =	shalt  }
0x86: {  	_ =	shalt  }
0x87: {  	_ =	shalt  }
.Lfunc_end0:
.L_simem_size_0:
called_computation.3_lowered:
.L_overlay_start_0:
0x88: {  	s2 =	sld [smem:$0x3FD9]  }
0x89: {  	s3 =	sld [smem:$0x3FFE];
	_ =	sdelay $0x1  }
0x8a: {  	s1 =	srdreg.scid  }
0x8b: {  	s0 =	sand.u32 $0x1, s1  }
0x8c: {  	s16 =	sshll.u32 s0, $0xA;
	s2 =	sadd.s32 s3, s2  }
0x8d: {  	s2 =	sadd.s32 s2, s16  }
0x8e: {  	[smem:$0x3FB4] =	sst s2  }
0x8f: {  	_ = 	snop  }
0x90: {  	(tm) =	ssettm $0x1  }
0x91: {  	s17 =	sld [smem:$0x3FFB];
	_ =	sdelay $0x3  }
0x92: {  	_ =	strace s17  }
0x93: {  	s2 =	sld [smem:$0x3FFC];
	_ =	sdelay $0x3  }
0x94: {  	_ =	strace s2  }
0x95: {  	s2 =	sld [smem:$0x3FFD];
	_ =	sdelay $0x3  }
0x96: {  	_ =	strace s2  }
0x97: {  	_ =	strace $0x8FFFFFFF  }
0x98: {  	s18 =	sld [smem:$0x3FDB];
	_ =	sdelay $0x1  }
0x99: {  	s19 =	simm.s32 $_scs_section_size  }
0x9a: {  	s4 =	simm.s32 $_size__tile_overlayer_lowered;
	s5 =	simm.s32 $_tile_overlayer_lowered  }
0x9b: {  	s22 =	simm.s32 $0x1BFF;
	s21 =	sshll.u32 s5, $0x1;
	s2 =	sadd.s32 s19, s18  }
0x9c: {  	s6 =	simm.s32 $0x0;
	s20 =	sshll.u32 s4, $0x1;
	s4 =	sadd.s32 s21, s2  }
0x9d: {  	[timem:s6], [sflag:s22] =	dma.local [hbm:s4], s20  }
0x9e: {  	_ =	swait.ge [sflag:s22], s20  }
0x9f: {  	s3 =	ssub.s32 $0x0, s20;
	[sflag:s22] =	ssyncset.done $0x0  }
0xa0: {  	[sflag:s22] =	ssyncadd.s32 s3;
	_ =	sdelay $0x1  }
0xa1: {  	s23 =	simm.s32 $0x1B8B  }
0xa2: {  	_ =	swait.ge [sflag:s23], $0x1  }
0xa3: {  	[sflag:s23] =	ssyncset.done $0x0  }
0xa4: {  	s25 =	simm.s32 $0x1B8E;
	s24 =	sld [smem:$0x3FFE];
	[sflag:s23] =	ssyncadd.s32 $0xFFFFFFFF  }
0xa5: {  	s26 =	simm.s32 $execute0_lowered;
	[smem:$0x3FD2] =	sst s25  }
0xa6: {  	s4 =	sshll.u32 s26, $0x1;
	_ =	strace $0x8000004F;
	[dreg:$0x1] =	wrdreg $0xFFFFFFFF  }
0xa7: {  	s28 =	simm.s32 $_size_execute0_lowered;
	s2 =	sadd.s32 s2, s4;
	[dreg:$0x0] =	wrdreg $0x0  }
0xa8: {  	s4 =	sshll.u32 s28, $0x1;
	[dreg:$0x2] =	wrdreg s2  }
0xa9: {  	[dreg:$0x3] =	wrdreg s4  }
0xaa: {  	[dreg:$0x4] =	wrdreg $0xC0  }
0xab: {  	_ =	task [dreg:s6], $0x5FFFF  }
0xac: {  	[dreg:$0x1] =	wrdreg $0xFFFFFFFF  }
0xad: {  	[dreg:$0x0] =	wrdreg $0x60  }
0xae: {  	[dreg:$0x2] =	wrdreg s24  }
0xaf: {  	[dreg:$0x3] =	wrdreg $0x52000  }
0xb0: {  	[dreg:$0x4] =	wrdreg $0x9  }
0xb1: {  	_ =	task.clear_ibuf [dreg:s6], $0x5FFFF;
	_ =	strace $0x9000004F  }
0xb2: {  	s29 =	simm.s32 $0x9;
	_ =	strace $0x80000051  }
0xb3: {  	_ =	swait.ge [sflag:s29], $0x1  }
0xb4: {  	[sflag:s29] =	ssyncadd.s32 $0xFFFFFFFF  }
0xb5: {  	_ =	strace $0x90000051  }
0xb6: {  	_ =	sfence  }
0xb7: {  	s30 =	sld [smem:$0x0];
	_ =	sdelay $0x2  }
0xb8: {  	s31 =	sshll.u32 s1, $0xD;
	s1 =	sshrl.u32 s1, $0x2  }
0xb9: {  	s3 =	sand.u32 $0x4000, s31;
	s1 =	sadd.s32 s1, s30  }
0xba: {  	s0 =	sor.u32 s3, s0;
	s1 =	sshll.u32 s1, $0x11  }
0xbb: {  	s0 =	sor.u32 s1, s0  }
0xbc: {  	s0 =	sadd.s32 $0x8F2B, s0  }
0xbd: {  	[sflag:s0] =	ssyncadd.remote.s32 $0x1  }
0xbe: {  	_ =	sfence.sel $0xFFFF  }
0xbf: {  	[dreg:$0x0] =	wrdreg $0xFFFFFFFF;
	(pc) =	sbr.abs _section_cstart, $3  }
0xc0: {  	[dreg:$0x1] =	wrdreg $0xFFFFFFFF  }
0xc1: {  	_ =	task.clear_ibuf [dreg:s6], $0x2FFFF;
	_ =	strace $0x9FFFFFFF  }
0xc2: {  	(tm) =	ssettm $0x7FFFFFFF  }
0xc3: {  	_ =	shalt  }
tec
execute0_lowered:
.L_overlay_start_1:
0x0: {  	(tag) =	ssettag $0x1  }
0x1: {  	s11 =	stileid.u32  }
0x2: {  	s8 =	smul.u32 $0x14000, s11  }
0x3: {  	s2 =	srdreg.scid;
	s10 =	smul.u32 $0x2710, s11  }
0x4: {  	s0 =	rddreg [dreg:$0x0];
	s2 =	sand.u32 $0x1, s2;
	s11 =	smul.u32 $0x50000, s11  }
0x5: {  	s1 =	rddreg [dreg:$0x1];
	s3 =	simm.s32 $0x0;
	s7 =	smul.u32 $0x140000, s2  }
0x6: {  	[smem:$0x7FF] =	sst s3;
	s9 =	smul.u32 $0x27100, s2;
	s2 =	ssub.s32 $0x2, s2  }
0x7: {  	s4 =	sadd.s32 $0x6A00, s0;
	s5 =	sadd.s32 $0x92600, s0;
	s29 =	sshrl.u32 s2, $0x1  }
0x8: {  	s6 =	sadd.s32 $0x38800, s0;
	s11 =	sshrl.u32 s11, $0x2;
	s2 =	ssub.s32 s2, s29  }
0x9: {  	_ =	strace $0x80000050;
	s15 =	sadd.s32 s11, s1;
	s14 =	smax.u32 s2, $0x1  }
0xa: {  	s8 =	sadd.s32 s8, s7;
	s16 =	sadd.s32 $0x1400, s15;
	[dreg:$0x8] =	wrdreg s14  }
0xb: {  	s7 =	sadd.s32 $0x2EA00, s0;
	s17 =	sadd.s32 $0x2800, s15;
	[dreg:$0x9] =	wrdreg s16  }
0xc: {  	s9 =	sadd.s32 s10, s9;
	s18 =	sadd.s32 $0x3C00, s15;
	[dreg:$0xa] =	wrdreg s17  }
0xd: {  	s11 =	simm.s32 $0x2;
	s19 =	sadd.s32 $0x5000, s15;
	[dreg:$0xb] =	wrdreg s18  }
0xe: {  	s8 =	sshrl.u32 s8, $0x3;
	s20 =	sadd.s32 $0x6400, s15;
	[dreg:$0xc] =	wrdreg s19  }
0xf: {  	s30 =	sshrl.u32 s9, $0x3;
	s21 =	sadd.s32 $0x7800, s15;
	[dreg:$0xd] =	wrdreg s20  }
0x10: {  	s10 =	sadd.s32 $0x28, s9;
	s22 =	sadd.s32 $0x8C00, s15;
	[dreg:$0xe] =	wrdreg s21  }
0x11: {  	s13 =	sadd.s32 $0x78, s9;
	s23 =	sadd.s32 $0xA000, s15;
	[dreg:$0xf] =	wrdreg s22  }
0x12: {  	s24 =	sadd.s32 $0xB400, s15;
	s25 =	sadd.s32 $0xC800, s15;
	[dreg:$0x10] =	wrdreg s23  }
0x13: {  	s26 =	sadd.s32 $0xDC00, s15;
	s28 =	sadd.s32 $0xF000, s15;
	[dreg:$0x11] =	wrdreg s24  }
0x14: {  	s29 =	sadd.s32 $0x10400, s15;
	s2 =	simm.s32 $0x200;
	[dreg:$0x12] =	wrdreg s25  }
0x15: {  	s0 =	sadd.s32 s8, s0;
	s12 =	sadd.s32 s6, s30;
	[dreg:$0x13] =	wrdreg s26  }
0x16: {  	s10 =	sshrl.u32 s10, $0x3;
	s8 =	sadd.s32 s7, s30;
	[dreg:$0x14] =	wrdreg s28  }
0x17: {  	[dreg:$0x15] =	wrdreg s29;
	s30 =	sadd.s32 $0x11800, s15;
	s14 =	simm.s32 $0x28  }
0x18: {  	s16 =	simm.s32 $0x100;
	s17 =	simm.s32 $0x180;
	s18 =	simm.s32 $0x3  }
0x19: {  	s19 =	simm.s32 $0x4;
	s20 =	simm.s32 $0x2A00;
	s21 =	simm.s32 $0x3E00  }
0x1a: {  	s22 =	simm.s32 $0x5;
	s23 =	simm.s32 $0x6;
	[dreg:$0x3] =	wrdreg s12  }
0x1b: {  	s24 =	simm.s32 $0x7;
	s25 =	simm.s32 $0x8;
	[dreg:$0x4] =	wrdreg s8  }
.Ltmp0:
0x1c: {  	s31 =	sadd.s32 s6, s10;
	[dreg:$0x16] =	wrdreg s30;
	(pc) =	sbr.rel .LBB2_1-.Ltmp0, $4  }
0x1d: {  	s26 =	simm.s32 $0x0;
	s10 =	sadd.s32 s7, s10;
	[dreg:$0x5] =	wrdreg s31  }
0x1e: {  	s12 =	sadd.s32 $0x50, s9;
	s0 =	sadd.s32 $0xBA600, s0;
	[dreg:$0x6] =	wrdreg s10  }
0x1f: {  	s8 =	simm.s32 $0x9;
	[dreg:$0x7] =	wrdreg s0;
	s31 =	sadd.s32 $0x12C00, s15  }
0x20: {  	v0 =	vimm.f32 $0.0e+00;
	s9 =	simm.s32 $0x80;
	s10 =	simm.s32 $0x1;
	[dreg:$0x17] =	wrdreg s31  }
.LBB2_10:
0x21: {  	s0 =	stileid.u32  }
0x22: {  	[bflag:$0x0] =	sbarrier.arrive $0xFFFF;
	s0 =	sshll.u32 s0, $0x6  }
0x23: {  	s28 =	sshrl.u32 s15, $0x3;
	s29 =	rddreg [dreg:$0x7];
	s0 =	sor.u32 $0x1C09, s0  }
0x24: {  	[hbm:s29], [sflag:s0] =	dma.local [spmem:s28], $0x2800  }
0x25: {  	_ =	swait.ge [sflag:s8], $0x2800  }
0x26: {  	s26 =	sadd.s32 $0x1, s26;
	s31 =	rddreg [dreg:$0x8]  }
0x27: {  	p0 =	sne.s32 s26, s31  }
.Ltmp1:
0x28: {  	_ = 	snop;
	(pc) =	sbr.rel @!p0 .LBB2_11-.Ltmp1, $3  }
0x29: {  	_ =	sdelay $0x1  }
0x2a: {  	[sflag:s8] =	ssyncset.done $0x0  }
0x2b: {  	[sflag:s8] =	ssyncadd.s32 $0xFFFFD800  }
.LBB2_1:
0x2c: {  	s28 =	simm.s32 $0x0;
	s29 =	simm.s32 $0x200  }
.LBB2_2:
0x2d: {  	p0 =	sne.s32 s29, $0x4E00;
	[tilespmem:s28+$0x270] =	vst v0  }
0x2e: {  	[tilespmem:s28+$0x200] =	vst v0  }
0x2f: {  	[tilespmem:s28+$0x210] =	vst v0  }
.Ltmp2:
0x30: {  	[tilespmem:s28+$0x220] =	vst v0;
	(pc) =	sbr.rel @p0 .LBB2_2-.Ltmp2, $4  }
0x31: {  	[tilespmem:s28+$0x230] =	vst v0  }
0x32: {  	[tilespmem:s28+$0x240] =	vst v0  }
0x33: {  	[tilespmem:s28+$0x250] =	vst v0  }
0x34: {  	[tilespmem:s28+$0x260] =	vst v0;
	s28 =	sshra.s32 s29, $0x2;
	s29 =	sadd.s32 $0x200, s29  }
0x35: {  	[tilespmem:s28+$0x270] =	vst v0  }
0x36: {  	[tilespmem:s28+$0x200] =	vst v0  }
0x37: {  	[tilespmem:s28+$0x210] =	vst v0  }
0x38: {  	[tilespmem:s28+$0x220] =	vst v0  }
0x39: {  	[tilespmem:s28+$0x230] =	vst v0  }
0x3a: {  	[tilespmem:s28+$0x240] =	vst v0  }
0x3b: {  	[tilespmem:s28+$0x250] =	vst v0  }
0x3c: {  	[tilespmem:s28+$0x260] =	vst v0  }
0x3d: {  	[spmem:s15] =	stream.linear.scatter [tilespmem:s2], [sflag:$0x9], $0x1400, $0x38;
	[tilespmem:$0x19200] =	vst v63  }
0x3e: {  	_ =	swait.ge [sflag:s8], $0x1400  }
0x3f: {  	[sflag:s8] =	ssyncset.done $0x0  }
0x40: {  	s0 =	rddreg [dreg:$0x9];
	[sflag:s8] =	ssyncadd.s32 $0xFFFFEC00  }
0x41: {  	[spmem:s0] =	stream.linear.scatter [tilespmem:s2], [sflag:$0x9], $0x1400, $0x38;
	[tilespmem:$0x19200] =	vst v63  }
0x42: {  	_ =	swait.ge [sflag:s8], $0x1400  }
0x43: {  	[sflag:s8] =	ssyncset.done $0x0  }
0x44: {  	s31 =	rddreg [dreg:$0xa];
	[sflag:s8] =	ssyncadd.s32 $0xFFFFEC00  }
0x45: {  	[spmem:s31] =	stream.linear.scatter [tilespmem:s2], [sflag:$0x9], $0x1400, $0x38;
	[tilespmem:$0x19200] =	vst v63  }
0x46: {  	_ =	swait.ge [sflag:s8], $0x1400  }
0x47: {  	[sflag:s8] =	ssyncset.done $0x0  }
0x48: {  	s29 =	rddreg [dreg:$0xb];
	[sflag:s8] =	ssyncadd.s32 $0xFFFFEC00  }
0x49: {  	[spmem:s29] =	stream.linear.scatter [tilespmem:s2], [sflag:$0x9], $0x1400, $0x38;
	[tilespmem:$0x19200] =	vst v63  }
0x4a: {  	_ =	swait.ge [sflag:s8], $0x1400  }
0x4b: {  	[sflag:s8] =	ssyncset.done $0x0  }
0x4c: {  	s30 =	rddreg [dreg:$0xc];
	[sflag:s8] =	ssyncadd.s32 $0xFFFFEC00  }
0x4d: {  	[spmem:s30] =	stream.linear.scatter [tilespmem:s2], [sflag:$0x9], $0x1400, $0x38;
	[tilespmem:$0x19200] =	vst v63  }
0x4e: {  	_ =	swait.ge [sflag:s8], $0x1400  }
0x4f: {  	[sflag:s8] =	ssyncset.done $0x0  }
0x50: {  	s31 =	rddreg [dreg:$0xd];
	[sflag:s8] =	ssyncadd.s32 $0xFFFFEC00  }
0x51: {  	[spmem:s31] =	stream.linear.scatter [tilespmem:s2], [sflag:$0x9], $0x1400, $0x38;
	[tilespmem:$0x19200] =	vst v63  }
0x52: {  	_ =	swait.ge [sflag:s8], $0x1400  }
0x53: {  	[sflag:s8] =	ssyncset.done $0x0  }
0x54: {  	s29 =	rddreg [dreg:$0xe];
	[sflag:s8] =	ssyncadd.s32 $0xFFFFEC00  }
0x55: {  	[spmem:s29] =	stream.linear.scatter [tilespmem:s2], [sflag:$0x9], $0x1400, $0x38;
	[tilespmem:$0x19200] =	vst v63  }
0x56: {  	_ =	swait.ge [sflag:s8], $0x1400  }
0x57: {  	[sflag:s8] =	ssyncset.done $0x0  }
0x58: {  	s30 =	rddreg [dreg:$0xf];
	[sflag:s8] =	ssyncadd.s32 $0xFFFFEC00  }
0x59: {  	[spmem:s30] =	stream.linear.scatter [tilespmem:s2], [sflag:$0x9], $0x1400, $0x38;
	[tilespmem:$0x19200] =	vst v63  }
0x5a: {  	_ =	swait.ge [sflag:s8], $0x1400  }
0x5b: {  	[sflag:s8] =	ssyncset.done $0x0  }
0x5c: {  	s31 =	rddreg [dreg:$0x10];
	[sflag:s8] =	ssyncadd.s32 $0xFFFFEC00  }
0x5d: {  	[spmem:s31] =	stream.linear.scatter [tilespmem:s2], [sflag:$0x9], $0x1400, $0x38;
	[tilespmem:$0x19200] =	vst v63  }
0x5e: {  	_ =	swait.ge [sflag:s8], $0x1400  }
0x5f: {  	[sflag:s8] =	ssyncset.done $0x0  }
0x60: {  	s29 =	rddreg [dreg:$0x11];
	[sflag:s8] =	ssyncadd.s32 $0xFFFFEC00  }
0x61: {  	[spmem:s29] =	stream.linear.scatter [tilespmem:s2], [sflag:$0x9], $0x1400, $0x38;
	[tilespmem:$0x19200] =	vst v63  }
0x62: {  	_ =	swait.ge [sflag:s8], $0x1400  }
0x63: {  	[sflag:s8] =	ssyncset.done $0x0  }
0x64: {  	s30 =	rddreg [dreg:$0x12];
	[sflag:s8] =	ssyncadd.s32 $0xFFFFEC00  }
0x65: {  	[spmem:s30] =	stream.linear.scatter [tilespmem:s2], [sflag:$0x9], $0x1400, $0x38;
	[tilespmem:$0x19200] =	vst v63  }
0x66: {  	_ =	swait.ge [sflag:s8], $0x1400  }
0x67: {  	[sflag:s8] =	ssyncset.done $0x0  }
0x68: {  	s31 =	rddreg [dreg:$0x13];
	[sflag:s8] =	ssyncadd.s32 $0xFFFFEC00  }
0x69: {  	[spmem:s31] =	stream.linear.scatter [tilespmem:s2], [sflag:$0x9], $0x1400, $0x38;
	[tilespmem:$0x19200] =	vst v63  }
0x6a: {  	_ =	swait.ge [sflag:s8], $0x1400  }
0x6b: {  	[sflag:s8] =	ssyncset.done $0x0  }
0x6c: {  	s29 =	rddreg [dreg:$0x14];
	[sflag:s8] =	ssyncadd.s32 $0xFFFFEC00  }
0x6d: {  	[spmem:s29] =	stream.linear.scatter [tilespmem:s2], [sflag:$0x9], $0x1400, $0x38;
	[tilespmem:$0x19200] =	vst v63  }
0x6e: {  	_ =	swait.ge [sflag:s8], $0x1400  }
0x6f: {  	[sflag:s8] =	ssyncset.done $0x0  }
0x70: {  	s30 =	rddreg [dreg:$0x15];
	[sflag:s8] =	ssyncadd.s32 $0xFFFFEC00  }
0x71: {  	[spmem:s30] =	stream.linear.scatter [tilespmem:s2], [sflag:$0x9], $0x1400, $0x38;
	[tilespmem:$0x19200] =	vst v63  }
0x72: {  	_ =	swait.ge [sflag:s8], $0x1400  }
0x73: {  	[sflag:s8] =	ssyncset.done $0x0  }
0x74: {  	s31 =	rddreg [dreg:$0x16];
	[sflag:s8] =	ssyncadd.s32 $0xFFFFEC00  }
0x75: {  	[spmem:s31] =	stream.linear.scatter [tilespmem:s2], [sflag:$0x9], $0x1400, $0x38;
	[tilespmem:$0x19200] =	vst v63  }
0x76: {  	_ =	swait.ge [sflag:s8], $0x1400  }
0x77: {  	[sflag:s8] =	ssyncset.done $0x0  }
0x78: {  	s29 =	rddreg [dreg:$0x17];
	[sflag:s8] =	ssyncadd.s32 $0xFFFFEC00  }
0x79: {  	[spmem:s29] =	stream.linear.scatter [tilespmem:s2], [sflag:$0x9], $0x1400, $0x38;
	[tilespmem:$0x19200] =	vst v63  }
0x7a: {  	_ =	swait.ge [sflag:s8], $0x1400  }
0x7b: {  	[sflag:s8] =	ssyncset.done $0x0  }
0x7c: {  	[sflag:s8] =	ssyncadd.s32 $0xFFFFEC00  }
0x7d: {  	[bflag:$0x0] =	sbarrier.arrive $0xFFFF  }
0x7e: {  	s28 =	simm.s32 $0x0;
	s30 =	rddreg [dreg:$0x3]  }
0x7f: {  	[tilespmem:s28], [sflag:$0x1] =	stream.linear.gather [hbm4b:s30+s28], $0x28, $0x38;
	[tilespmem:$0x19200] =	vst v63  }
0x80: {  	s31 =	rddreg [dreg:$0x4]  }
0x81: {  	[tilespmem:s9], [sflag:$0x2] =	stream.linear.gather [hbm4b:s31+s28], $0x28, $0x38;
	[tilespmem:$0x19200] =	vst v63  }
0x82: {  	_ =	swait.ge [sflag:s10], $0x28  }
0x83: {  	[sflag:s10] =	ssyncset.done $0x0  }
0x84: {  	[sflag:s10] =	ssyncadd.s32 $0xFFFFFFD8  }
0x85: {  	_ =	swait.ge [sflag:s11], $0x28  }
0x86: {  	[sflag:s11] =	ssyncset.done $0x0  }
0x87: {  	[sflag:s11] =	ssyncadd.s32 $0xFFFFFFD8  }
0x88: {  	[tilespmem:s2], [sflag:$0x5] =	stream.indirect.gather [hbm4b:s4+s14], $0x80, s9, s14, $0xb8;
	[tilespmem:$0x19200] =	vst v63  }
0x89: {  	s29 =	simm.s32 $0x1600  }
0x8a: {  	[tilespmem:s29], [sflag:$0x6] =	stream.indirect.gather [hbm4b:s5+s14], $0x80, s28, s14, $0xb8;
	[tilespmem:$0x19200] =	vst v63  }
0x8b: {  	s30 =	rddreg [dreg:$0x5]  }
0x8c: {  	[tilespmem:s16], [sflag:$0x3] =	stream.linear.gather [hbm4b:s30+s28], $0x28, $0x38;
	[tilespmem:$0x19200] =	vst v63  }
0x8d: {  	s31 =	rddreg [dreg:$0x6]  }
0x8e: {  	[tilespmem:s17], [sflag:$0x4] =	stream.linear.gather [hbm4b:s31+s28], $0x28, $0x38;
	[tilespmem:$0x19200] =	vst v63  }
.LBB2_4:
0x8f: {  	_ =	swait.ge [sflag:s18], $0x28  }
0x90: {  	[sflag:s18] =	ssyncset.done $0x0  }
0x91: {  	[sflag:s18] =	ssyncadd.s32 $0xFFFFFFD8  }
0x92: {  	_ =	swait.ge [sflag:s19], $0x28  }
0x93: {  	[sflag:s19] =	ssyncset.done $0x0  }
0x94: {  	[sflag:s19] =	ssyncadd.s32 $0xFFFFFFD8  }
0x95: {  	[tilespmem:s20], [sflag:$0x7] =	stream.indirect.gather [hbm4b:s4+s14], $0x80, s17, s14, $0xb8;
	[tilespmem:$0x19200] =	vst v63  }
0x96: {  	_ = 	snop  }
0x97: {  	[tilespmem:s21], [sflag:$0x8] =	stream.indirect.gather [hbm4b:s5+s14], $0x80, s16, s14, $0xb8;
	[tilespmem:$0x19200] =	vst v63  }
0x98: {  	_ =	swait.ge [sflag:s22], $0x1400  }
0x99: {  	[sflag:s22] =	ssyncset.done $0x0  }
0x9a: {  	[sflag:s22] =	ssyncadd.s32 $0xFFFFEC00  }
0x9b: {  	_ =	swait.ge [sflag:s23], $0x1400  }
0x9c: {  	[sflag:s23] =	ssyncset.done $0x0  }
0x9d: {  	s29 =	simm.s32 $0x0;
	[sflag:s23] =	ssyncadd.s32 $0xFFFFEC00  }
0x9e: {  	v1 =	vld [tilespmem:s29+$0x270]  }
0x9f: {  	v2 =	vld [tilespmem:s29+$0x1670]  }
0xa0: {  	v3 =	vld [tilespmem:s29+$0x200]  }
0xa1: {  	v4 =	vld [tilespmem:s29+$0x1600]  }
0xa2: {  	v5 =	vld [tilespmem:s29+$0x210]  }
0xa3: {  	v6 =	vld [tilespmem:s29+$0x1610]  }
0xa4: {  	v7 =	vld [tilespmem:s29+$0x220]  }
0xa5: {  	v8 =	vld [tilespmem:s29+$0x230];
	v1 =	vadd.f32 v2, v1  }
0xa6: {  	v2 =	vld [tilespmem:s29+$0x1620];
	v3 =	vadd.f32 v4, v3  }
0xa7: {  	v4 =	vld [tilespmem:s29+$0x1630];
	v1 =	vmax.f32 v1, $0.0e+00  }
0xa8: {  	v9 =	vld [tilespmem:s29+$0x240];
	[tilespmem:s29+$0x270] =	vst v1;
	v1 =	vmax.f32 v3, $0.0e+00;
	v3 =	vadd.f32 v6, v5  }
0xa9: {  	v5 =	vld [tilespmem:s29+$0x1640]  }
0xaa: {  	[tilespmem:s29+$0x200] =	vst v1;
	v1 =	vld [tilespmem:s29+$0x250];
	v3 =	vmax.f32 v3, $0.0e+00  }
0xab: {  	v2 =	vadd.f32 v2, v7;
	[tilespmem:s29+$0x210] =	vst v3;
	v3 =	vld [tilespmem:s29+$0x1650]  }
0xac: {  	v8 =	vadd.f32 v4, v8;
	v4 =	vld [tilespmem:s29+$0x1660]  }
0xad: {  	s30 =	simm.s32 $0x80;
	v6 =	vmax.f32 v2, $0.0e+00;
	v2 =	vld [tilespmem:s29+$0x260]  }
0xae: {  	s31 =	simm.s32 $0x400;
	v7 =	vld [tilespmem:s30+$0x270];
	[tilespmem:s29+$0x220] =	vst v6;
	v6 =	vmax.f32 v8, $0.0e+00;
	v5 =	vadd.f32 v5, v9  }
.LBB2_5:
0xaf: {  	p0 =	sne.s32 s31, $0x4E00;
	v8 =	vld [tilespmem:s30+$0x1670];
	[tilespmem:s29+$0x230] =	vst v6  }
0xb0: {  	v6 =	vld [tilespmem:s30+$0x200];
	v5 =	vmax.f32 v5, $0.0e+00;
	v1 =	vadd.f32 v3, v1  }
0xb1: {  	v3 =	vld [tilespmem:s30+$0x1600];
	[tilespmem:s29+$0x240] =	vst v5  }
0xb2: {  	v5 =	vld [tilespmem:s30+$0x210];
	v1 =	vmax.f32 v1, $0.0e+00;
	v2 =	vadd.f32 v4, v2  }
0xb3: {  	v4 =	vld [tilespmem:s30+$0x1610];
	[tilespmem:s29+$0x250] =	vst v1  }
0xb4: {  	v1 =	vld [tilespmem:s30+$0x220];
	v7 =	vadd.f32 v8, v7;
	v2 =	vmax.f32 v2, $0.0e+00  }
0xb5: {  	v8 =	vld [tilespmem:s30+$0x1620];
	[tilespmem:s29+$0x260] =	vst v2;
	s29 =	smov.u32 s30  }
0xb6: {  	v2 =	vadd.f32 v3, v6;
	v6 =	vld [tilespmem:s29+$0x230];
	v3 =	vmax.f32 v7, $0.0e+00  }
0xb7: {  	v7 =	vld [tilespmem:s29+$0x1630];
	[tilespmem:s29+$0x270] =	vst v3  }
0xb8: {  	v2 =	vmax.f32 v2, $0.0e+00;
	v3 =	vadd.f32 v4, v5;
	v5 =	vld [tilespmem:s29+$0x240]  }
0xb9: {  	[tilespmem:s29+$0x200] =	vst v2;
	v9 =	vld [tilespmem:s29+$0x1640]  }
.Ltmp3:
0xba: {  	v2 =	vmax.f32 v3, $0.0e+00;
	v4 =	vadd.f32 v8, v1;
	v1 =	vld [tilespmem:s29+$0x250];
	(pc) =	sbr.rel @p0 .LBB2_5-.Ltmp3, $4  }
0xbb: {  	[tilespmem:s29+$0x210] =	vst v2;
	v3 =	vld [tilespmem:s29+$0x1650]  }
0xbc: {  	v4 =	vmax.f32 v4, $0.0e+00;
	v6 =	vadd.f32 v7, v6;
	v2 =	vld [tilespmem:s29+$0x260]  }
0xbd: {  	s30 =	sshra.s32 s31, $0x2;
	[tilespmem:s29+$0x220] =	vst v4;
	v4 =	vld [tilespmem:s29+$0x1660]  }
0xbe: {  	s31 =	sadd.s32 $0x200, s31;
	v7 =	vld [tilespmem:s30+$0x270];
	v6 =	vmax.f32 v6, $0.0e+00;
	v5 =	vadd.f32 v9, v5  }
0xbf: {  	v8 =	vld [tilespmem:s30+$0x1670]  }
0xc0: {  	v9 =	vld [tilespmem:s30+$0x200]  }
0xc1: {  	v10 =	vld [tilespmem:s30+$0x1600]  }
0xc2: {  	v11 =	vld [tilespmem:s30+$0x210]  }
0xc3: {  	v12 =	vld [tilespmem:s30+$0x1610]  }
0xc4: {  	v13 =	vld [tilespmem:s30+$0x220]  }
0xc5: {  	v14 =	vld [tilespmem:s30+$0x230]  }
0xc6: {  	v58 =	vld [tilespmem:s30+$0x1630]  }
0xc7: {  	v59 =	vld [tilespmem:s30+$0x240];
	v7 =	vadd.f32 v8, v7  }
0xc8: {  	v60 =	vld [tilespmem:s30+$0x250];
	v9 =	vadd.f32 v10, v9  }
0xc9: {  	v61 =	vld [tilespmem:s30+$0x1650];
	v7 =	vmax.f32 v7, $0.0e+00  }
0xca: {  	v8 =	vld [tilespmem:s30+$0x1620];
	[tilespmem:s30+$0x270] =	vst v7;
	v7 =	vmax.f32 v9, $0.0e+00  }
0xcb: {  	v1 =	vadd.f32 v3, v1;
	[tilespmem:s30+$0x200] =	vst v7;
	v7 =	vld [tilespmem:s30+$0x1640]  }
0xcc: {  	v62 =	vld [tilespmem:s30+$0x260];
	[tilespmem:s29+$0x230] =	vst v6;
	v2 =	vadd.f32 v4, v2;
	v4 =	vmax.f32 v5, $0.0e+00  }
0xcd: {  	v3 =	vld [tilespmem:s30+$0x1660];
	v1 =	vmax.f32 v1, $0.0e+00;
	[tilespmem:s29+$0x240] =	vst v4;
	v11 =	vadd.f32 v12, v11  }
0xce: {  	[tilespmem:s29+$0x250] =	vst v1;
	v4 =	vadd.f32 v58, v14;
	v1 =	vmax.f32 v2, $0.0e+00  }
0xcf: {  	[tilespmem:s29+$0x260] =	vst v1;
	v11 =	vmax.f32 v11, $0.0e+00;
	v8 =	vadd.f32 v8, v13  }
0xd0: {  	v1 =	vmax.f32 v4, $0.0e+00;
	[tilespmem:s30+$0x210] =	vst v11;
	v2 =	vadd.f32 v7, v59  }
0xd1: {  	v4 =	vadd.f32 v61, v60;
	[tilespmem:s30+$0x230] =	vst v1;
	v8 =	vmax.f32 v8, $0.0e+00  }
0xd2: {  	[tilespmem:s30+$0x220] =	vst v8;
	v1 =	vmax.f32 v2, $0.0e+00;
	v2 =	vadd.f32 v3, v62  }
0xd3: {  	[tilespmem:s30+$0x240] =	vst v1;
	v1 =	vmax.f32 v4, $0.0e+00  }
0xd4: {  	p0 =	seq.s32 s28, $0x7C;
	[tilespmem:s30+$0x250] =	vst v1;
	v1 =	vmax.f32 v2, $0.0e+00  }
0xd5: {  	s29 =	smul.u32 @!p0 $0x50, s28;
	[tilespmem:s30+$0x260] =	vst v1  }
0xd6: {  	[spmem:s1] =	stream.indirect.scatter.add.f32 [tilespmem:s2], [sflag:$0x9], $0x80, s9, s14, $0xb8;
	[tilespmem:$0x19200] =	vst v63  }
0xd7: {  	s29 =	sadd.s32 @!p0 s29, s12;
	_ =	swait.ge [sflag:s8], $0x1400  }
0xd8: {  	s29 =	sshrl.u32 @!p0 s29, $0x3;
	[sflag:s8] =	ssyncset.done $0x0  }
0xd9: {  	s31 =	simm.s32 @!p0 $0x0;
	s30 =	sadd.s32 @!p0 s6, s29;
	[sflag:s8] =	ssyncadd.s32 $0xFFFFEC00  }
0xda: {  	[tilespmem:s31], [sflag:$0x1] =	stream.linear.gather @!p0 [hbm4b:s30+s31], $0x28, $0x38;
	[tilespmem:$0x19200] =	vst v63  }
0xdb: {  	s29 =	sadd.s32 @!p0 s7, s29;
	s30 =	simm.s32 @!p0 $0x80  }
0xdc: {  	[tilespmem:s30], [sflag:$0x2] =	stream.linear.gather @!p0 [hbm4b:s29+s31], $0x28, $0x38;
	[tilespmem:$0x19200] =	vst v63  }
0xdd: {  	s29 =	simm.s32 @!p0 $0x1  }
0xde: {  	_ =	swait.ge @!p0 [sflag:s29], $0x28  }
0xdf: {  	[sflag:s29] =	ssyncset.done @!p0 $0x0  }
0xe0: {  	[sflag:s29] =	ssyncadd.s32 @!p0 $0xFFFFFFD8;
	s29 =	simm.s32 @!p0 $0x2  }
0xe1: {  	_ =	swait.ge @!p0 [sflag:s29], $0x28  }
0xe2: {  	[sflag:s29] =	ssyncset.done @!p0 $0x0  }
0xe3: {  	s0 =	simm.s32 @!p0 $0x200;
	[sflag:s29] =	ssyncadd.s32 @!p0 $0xFFFFFFD8;
	s29 =	simm.s32 @!p0 $0x28  }
0xe4: {  	[tilespmem:s0], [sflag:$0x5] =	stream.indirect.gather @!p0 [hbm4b:s4+s29], $0x80, s30, s29, $0xb8;
	[tilespmem:$0x19200] =	vst v63  }
0xe5: {  	s0 =	simm.s32 @!p0 $0x1600  }
0xe6: {  	[tilespmem:s0], [sflag:$0x6] =	stream.indirect.gather @!p0 [hbm4b:s5+s29], $0x80, s31, s29, $0xb8;
	[tilespmem:$0x19200] =	vst v63  }
0xe7: {  	_ =	swait.ge [sflag:s24], $0x1400  }
0xe8: {  	[sflag:s24] =	ssyncset.done $0x0  }
0xe9: {  	[sflag:s24] =	ssyncadd.s32 $0xFFFFEC00  }
0xea: {  	_ =	swait.ge [sflag:s25], $0x1400  }
0xeb: {  	[sflag:s25] =	ssyncset.done $0x0  }
0xec: {  	s29 =	simm.s32 $0x0;
	[sflag:s25] =	ssyncadd.s32 $0xFFFFEC00  }
0xed: {  	v1 =	vld [tilespmem:s29+$0x2A70]  }
0xee: {  	v2 =	vld [tilespmem:s29+$0x3E70]  }
0xef: {  	v3 =	vld [tilespmem:s29+$0x2A00]  }
0xf0: {  	v4 =	vld [tilespmem:s29+$0x3E00]  }
0xf1: {  	v5 =	vld [tilespmem:s29+$0x2A10]  }
0xf2: {  	v6 =	vld [tilespmem:s29+$0x3E10]  }
0xf3: {  	v7 =	vld [tilespmem:s29+$0x2A20]  }
0xf4: {  	v8 =	vld [tilespmem:s29+$0x2A30];
	v1 =	vadd.f32 v2, v1  }
0xf5: {  	v2 =	vld [tilespmem:s29+$0x3E20];
	v3 =	vadd.f32 v4, v3  }
0xf6: {  	v4 =	vld [tilespmem:s29+$0x3E30];
	v1 =	vmax.f32 v1, $0.0e+00  }
0xf7: {  	v63 =	vld [tilespmem:s29+$0x2A40];
	[tilespmem:s29+$0x2A70] =	vst v1;
	v1 =	vmax.f32 v3, $0.0e+00;
	v3 =	vadd.f32 v6, v5  }
0xf8: {  	v5 =	vld [tilespmem:s29+$0x3E40]  }
0xf9: {  	[tilespmem:s29+$0x2A00] =	vst v1;
	v1 =	vld [tilespmem:s29+$0x2A50];
	v3 =	vmax.f32 v3, $0.0e+00  }
0xfa: {  	v2 =	vadd.f32 v2, v7;
	[tilespmem:s29+$0x2A10] =	vst v3;
	v3 =	vld [tilespmem:s29+$0x3E50]  }
0xfb: {  	v8 =	vadd.f32 v4, v8;
	v4 =	vld [tilespmem:s29+$0x3E60]  }
0xfc: {  	s30 =	simm.s32 $0x80;
	v6 =	vmax.f32 v2, $0.0e+00;
	v2 =	vld [tilespmem:s29+$0x2A60]  }
0xfd: {  	s31 =	simm.s32 $0x400;
	v7 =	vld [tilespmem:s30+$0x2A70];
	[tilespmem:s29+$0x2A20] =	vst v6;
	v6 =	vmax.f32 v8, $0.0e+00;
	v5 =	vadd.f32 v5, v63  }
.LBB2_7:
0xfe: {  	p1 =	sne.s32 s31, $0x4E00;
	v8 =	vld [tilespmem:s30+$0x3E70];
	[tilespmem:s29+$0x2A30] =	vst v6  }
0xff: {  	v6 =	vld [tilespmem:s30+$0x2A00];
	v5 =	vmax.f32 v5, $0.0e+00;
	v1 =	vadd.f32 v3, v1  }
0x100: {  	v3 =	vld [tilespmem:s30+$0x3E00];
	[tilespmem:s29+$0x2A40] =	vst v5  }
0x101: {  	v5 =	vld [tilespmem:s30+$0x2A10];
	v1 =	vmax.f32 v1, $0.0e+00;
	v2 =	vadd.f32 v4, v2  }
0x102: {  	v4 =	vld [tilespmem:s30+$0x3E10];
	[tilespmem:s29+$0x2A50] =	vst v1  }
0x103: {  	v1 =	vld [tilespmem:s30+$0x2A20];
	v7 =	vadd.f32 v8, v7;
	v2 =	vmax.f32 v2, $0.0e+00  }
0x104: {  	v8 =	vld [tilespmem:s30+$0x3E20];
	[tilespmem:s29+$0x2A60] =	vst v2;
	s29 =	smov.u32 s30  }
0x105: {  	v2 =	vadd.f32 v3, v6;
	v6 =	vld [tilespmem:s29+$0x2A30];
	v3 =	vmax.f32 v7, $0.0e+00  }
0x106: {  	v7 =	vld [tilespmem:s29+$0x3E30];
	[tilespmem:s29+$0x2A70] =	vst v3  }
0x107: {  	v2 =	vmax.f32 v2, $0.0e+00;
	v3 =	vadd.f32 v4, v5;
	v5 =	vld [tilespmem:s29+$0x2A40]  }
0x108: {  	[tilespmem:s29+$0x2A00] =	vst v2;
	v9 =	vld [tilespmem:s29+$0x3E40]  }
.Ltmp4:
0x109: {  	v2 =	vmax.f32 v3, $0.0e+00;
	v4 =	vadd.f32 v8, v1;
	v1 =	vld [tilespmem:s29+$0x2A50];
	(pc) =	sbr.rel @p1 .LBB2_7-.Ltmp4, $4  }
0x10a: {  	[tilespmem:s29+$0x2A10] =	vst v2;
	v3 =	vld [tilespmem:s29+$0x3E50]  }
0x10b: {  	v4 =	vmax.f32 v4, $0.0e+00;
	v6 =	vadd.f32 v7, v6;
	v2 =	vld [tilespmem:s29+$0x2A60]  }
0x10c: {  	s30 =	sshra.s32 s31, $0x2;
	[tilespmem:s29+$0x2A20] =	vst v4;
	v4 =	vld [tilespmem:s29+$0x3E60]  }
0x10d: {  	s31 =	sadd.s32 $0x200, s31;
	v7 =	vld [tilespmem:s30+$0x2A70];
	v6 =	vmax.f32 v6, $0.0e+00;
	v5 =	vadd.f32 v9, v5  }
0x10e: {  	v8 =	vld [tilespmem:s30+$0x3E70]  }
0x10f: {  	v9 =	vld [tilespmem:s30+$0x2A00]  }
0x110: {  	v10 =	vld [tilespmem:s30+$0x3E00]  }
0x111: {  	v11 =	vld [tilespmem:s30+$0x2A10]  }
0x112: {  	v12 =	vld [tilespmem:s30+$0x3E10]  }
0x113: {  	v13 =	vld [tilespmem:s30+$0x2A20]  }
0x114: {  	v53 =	vld [tilespmem:s30+$0x3E20]  }
0x115: {  	v14 =	vld [tilespmem:s30+$0x2A30]  }
0x116: {  	v54 =	vld [tilespmem:s30+$0x3E30]  }
0x117: {  	v56 =	vld [tilespmem:s30+$0x2A40]  }
0x118: {  	v57 =	vld [tilespmem:s30+$0x3E40];
	v1 =	vadd.f32 v3, v1  }
0x119: {  	v58 =	vld [tilespmem:s30+$0x2A50];
	[tilespmem:s29+$0x2A30] =	vst v6;
	v61 =	vmax.f32 v5, $0.0e+00;
	v2 =	vadd.f32 v4, v2  }
0x11a: {  	v59 =	vld [tilespmem:s30+$0x3E50];
	[tilespmem:s29+$0x2A40] =	vst v61;
	v1 =	vmax.f32 v1, $0.0e+00;
	v7 =	vadd.f32 v8, v7  }
0x11b: {  	v60 =	vld [tilespmem:s30+$0x2A60];
	[tilespmem:s29+$0x2A50] =	vst v1;
	v9 =	vadd.f32 v10, v9;
	v1 =	vmax.f32 v2, $0.0e+00  }
0x11c: {  	v3 =	vld [tilespmem:s30+$0x3E60];
	v11 =	vadd.f32 v12, v11;
	[tilespmem:s29+$0x2A60] =	vst v1;
	v7 =	vmax.f32 v7, $0.0e+00  }
0x11d: {  	v8 =	vadd.f32 v53, v13;
	v55 =	vmax.f32 v9, $0.0e+00;
	[tilespmem:s30+$0x2A70] =	vst v7  }
0x11e: {  	v62 =	vadd.f32 v54, v14;
	v11 =	vmax.f32 v11, $0.0e+00;
	[tilespmem:s30+$0x2A00] =	vst v55  }
0x11f: {  	v2 =	vadd.f32 v57, v56;
	v8 =	vmax.f32 v8, $0.0e+00;
	[tilespmem:s30+$0x2A10] =	vst v11  }
0x120: {  	v63 =	vadd.f32 v59, v58;
	v1 =	vmax.f32 v62, $0.0e+00;
	[tilespmem:s30+$0x2A20] =	vst v8  }
0x121: {  	[tilespmem:s30+$0x2A30] =	vst v1;
	v1 =	vmax.f32 v2, $0.0e+00;
	v2 =	vadd.f32 v3, v60  }
0x122: {  	[tilespmem:s30+$0x2A40] =	vst v1;
	v1 =	vmax.f32 v63, $0.0e+00  }
0x123: {  	[tilespmem:s30+$0x2A50] =	vst v1;
	v1 =	vmax.f32 v2, $0.0e+00  }
.Ltmp5:
0x124: {  	[tilespmem:s30+$0x2A60] =	vst v1;
	(pc) =	sbr.rel @p0 .LBB2_10-.Ltmp5, $4  }
0x125: {  	[spmem:s1] =	stream.indirect.scatter.add.f32 [tilespmem:s20], [sflag:$0x9], $0x80, s17, s14, $0xb8;
	[tilespmem:$0x19200] =	vst v63  }
0x126: {  	_ =	swait.ge [sflag:s8], $0x1400  }
0x127: {  	[sflag:s8] =	ssyncset.done $0x0  }
0x128: {  	[sflag:s8] =	ssyncadd.s32 $0xFFFFEC00  }
0x129: {  	s0 =	smul.u32 $0x50, s28;
	_ =	sdelay $0x1  }
0x12a: {  	s0 =	sadd.s32 s0, s13  }
.Ltmp6:
0x12b: {  	s0 =	sshrl.u32 s0, $0x3;
	(pc) =	sbr.rel .LBB2_4-.Ltmp6, $4  }
0x12c: {  	s29 =	sadd.s32 s6, s0  }
0x12d: {  	[tilespmem:s16], [sflag:$0x3] =	stream.linear.gather [hbm4b:s29+s3], $0x28, $0x38;
	[tilespmem:$0x19200] =	vst v63  }
0x12e: {  	s28 =	sadd.s32 $0x1, s28;
	s0 =	sadd.s32 s7, s0  }
0x12f: {  	[tilespmem:s17], [sflag:$0x4] =	stream.linear.gather [hbm4b:s0+s3], $0x28, $0x38;
	[tilespmem:$0x19200] =	vst v63  }
.LBB2_11:
0x130: {  	_ =	sfence.sel $0x180000  }
0x131: {  	[bflag:$0x0] =	sbarrier.arrive $0xFFFF  }
0x132: {  	_ =	strace $0x90000050  }
0x133: {  	s0 =	stileid.u32;
	[bflag:$0x2] =	sbarrier.arrive $0xFFFF  }
0x134: {  	p0 =	sne.s32 s0, $0x0;
	s0 =	rddreg [dreg:$0x2]  }
0x135: {  	s0 =	sadd.s32 @!p0 $0x100000, s0  }
0x136: {  	[sflag:s0] =	ssyncadd.tile.s32 @!p0 $0x1;
	_ =	shalt  }
.Lfunc_end2:
_tile_overlayer_lowered:
.L_overlay_start_2:
0x137: {  	(tag) =	ssettag $0x2  }
0x138: {  	s0 =	rddreg [dreg:$0x0];
	s2 =	stileid.u32  }
0x139: {  	s1 =	rddreg [dreg:$0x1];
	p0 =	sne.s32 s2, $0x0  }
0x13a: {  	s3 =	rddreg [dreg:$0x2];
	[bflag:$0x3] =	sbarrier.arrive $0xFFFF;
	s2 =	simm.s32 @!p0 $0x1C09  }
0x13b: {  	[timem:s3], [sflag:s2] =	dma.local @!p0 [hbm:s0], s1  }
0x13c: {  	s0 =	simm.s32 @!p0 $0x9  }
0x13d: {  	_ =	swait.ge @!p0 [sflag:s0], s1  }
0x13e: {  	s1 =	ssub.s32 @!p0 $0x0, s1;
	[sflag:s0] =	ssyncset.done @!p0 $0x0  }
0x13f: {  	[sflag:s0] =	ssyncadd.s32 @!p0 s1  }
0x140: {  	[bflag:$0x3] =	sbarrier.arrive $0xFFFF  }
0x141: {  	_ =	shalt  }

</sc_bundles>
